<compile_context>
chip_gen: v7x
topology: tpu7x:2x2x1
jax: 0.10.2.dev20260603
libtpu: 0.0.44.dev20260713+nightly
codegen_flags: <defaults>
</compile_context>

<pallas_src>
import functools

import jax
import jax.numpy as jnp
from jax import lax
from jax.experimental import pallas as pl
from jax.experimental.pallas import tpu as pltpu
from jax.experimental.pallas import tpu_sc as plsc

N = 10000
E = 320000
D = 128
ED = 16
H = 128
L = 3
OUT = 6
SPLIT = 3

NC = 2
NS = 16
NW = NC * NS
EPW = E // NW
CH = 128
NB = 3
NSTEP = EPW // CH
TAILE = EPW - NSTEP * CH
RSUB = 624
RTAIL = N - NS * RSUB

EB = 2000


def _edge_mlp_block(ea_ref, w_ref, b_ref, o_ref):
    a = ea_ref[...]
    e = jnp.dot(a, w_ref[...], preferred_element_type=jnp.float32)
    o_ref[...] = e + b_ref[...]


def _edge_mlp(edge_attr, We, be):
    return pl.pallas_call(
        _edge_mlp_block,
        grid=(E // EB,),
        in_specs=[
            pl.BlockSpec((EB, ED), lambda i: (i, 0)),
            pl.BlockSpec((ED, H), lambda i: (0, 0)),
            pl.BlockSpec((1, H), lambda i: (0, 0)),
        ],
        out_specs=pl.BlockSpec((EB, H), lambda i: (i, 0)),
        out_shape=jax.ShapeDtypeStruct((E, H), jnp.float32),
    )(edge_attr, We, be.reshape(1, H))


def _sc_aggregate(h, e, edge_index, zeros):
    mesh = plsc.VectorSubcoreMesh(core_axis_name="c", subcore_axis_name="s")

    @functools.partial(
        pl.kernel,
        out_type=jax.ShapeDtypeStruct((NC, N, H), jnp.float32),
        mesh=mesh,
        scratch_types=(
            [pltpu.VMEM((CH,), jnp.int32) for _ in range(NB)]
            + [pltpu.VMEM((CH,), jnp.int32) for _ in range(NB)]
            + [pltpu.VMEM((CH, H), jnp.float32) for _ in range(NB)]
            + [pltpu.VMEM((TAILE,), jnp.int32),
               pltpu.VMEM((TAILE,), jnp.int32)]
            + [pltpu.VMEM_SHARED((N, H), jnp.float32)]
            + [pltpu.SemaphoreType.DMA for _ in range(NB)]
        ),
    )
    def k(h_hbm, e_hbm, ei_hbm, z_hbm, out_hbm,
          s0, s1, s2, d0, d1, d2, e0, e1, e2, sidx_t, didx_t, aggr_sh,
          m0, m1, m2):
        src_hbm = ei_hbm.at[pl.ds(0, E)]
        dst_hbm = ei_hbm.at[pl.ds(E, E)]
        c = lax.axis_index("c")
        s = lax.axis_index("s")
        w = c * NS + s
        sidxs = (s0, s1, s2)
        didxs = (d0, d1, d2)
        ebufs = (e0, e1, e2)
        sems = (m0, m1, m2)
        pltpu.sync_copy(z_hbm.at[pl.ds(s * RSUB, RSUB)],
                        aggr_sh.at[pl.ds(s * RSUB, RSUB)])

        @pl.when(s == 0)
        def _():
            pltpu.sync_copy(z_hbm.at[pl.ds(NS * RSUB, RTAIL)],
                            aggr_sh.at[pl.ds(NS * RSUB, RTAIL)])

        plsc.subcore_barrier()

        def L(i, b, guard_scatter):
            base = w * EPW + i * CH

            def drain():
                pltpu.make_async_copy(ebufs[b], aggr_sh.at[didxs[b]],
                                      sems[b]).wait()

            if guard_scatter:
                pl.when(i >= NB)(drain)
            else:
                drain()
            pltpu.async_copy(e_hbm.at[pl.ds(base, CH)], ebufs[b], sems[b])
            pltpu.async_copy(src_hbm.at[pl.ds(base, CH)], sidxs[b], sems[b])
            pltpu.async_copy(dst_hbm.at[pl.ds(base, CH)], didxs[b], sems[b])

        def Lfirst(i, b):
            base = w * EPW + i * CH
            pltpu.async_copy(e_hbm.at[pl.ds(base, CH)], ebufs[b], sems[b])
            pltpu.async_copy(src_hbm.at[pl.ds(base, CH)], sidxs[b], sems[b])
            pltpu.async_copy(dst_hbm.at[pl.ds(base, CH)], didxs[b], sems[b])

        def G(i, b):
            base = w * EPW + i * CH
            pltpu.make_async_copy(e_hbm.at[pl.ds(base, CH)],
                                  ebufs[b], sems[b]).wait()
            pltpu.make_async_copy(src_hbm.at[pl.ds(base, CH)],
                                  sidxs[b], sems[b]).wait()
            pltpu.make_async_copy(dst_hbm.at[pl.ds(base, CH)],
                                  didxs[b], sems[b]).wait()
            pltpu.async_copy(h_hbm.at[sidxs[b]], ebufs[b], sems[b], add=True)

        def C(b):
            pltpu.make_async_copy(h_hbm.at[sidxs[b]], ebufs[b],
                                  sems[b]).wait()

            @pl.loop(0, CH)
            def _relu(r):
                for j in range(8):
                    v = ebufs[b][r, pl.ds(j * 16, 16)]
                    ebufs[b][r, pl.ds(j * 16, 16)] = jnp.maximum(v, 0.0)

            pltpu.async_copy(ebufs[b], aggr_sh.at[didxs[b]], sems[b],
                             add=True)

        Lfirst(0, 0)
        Lfirst(1, 1)
        G(0, 0)

        @pl.loop(0, NSTEP, step=NB)
        def _outer(it):
            for o in range(NB):
                i = it + o

                @pl.when(i + 2 < NSTEP)
                def _(i=i, o=o):
                    L(i + 2, (o + 2) % NB, guard_scatter=True)

                @pl.when(i + 1 < NSTEP)
                def _(i=i, o=o):
                    G(i + 1, (o + 1) % NB)

                C(o)

        for b in range(NB):
            pltpu.make_async_copy(ebufs[b], aggr_sh.at[didxs[b]],
                                  sems[b]).wait()

        tbase = w * EPW + NSTEP * CH
        pltpu.sync_copy(src_hbm.at[pl.ds(tbase, TAILE)], sidx_t)
        pltpu.sync_copy(dst_hbm.at[pl.ds(tbase, TAILE)], didx_t)
        pltpu.sync_copy(e_hbm.at[pl.ds(tbase, TAILE)],
                        ebufs[0].at[pl.ds(0, TAILE)])
        pltpu.async_copy(h_hbm.at[sidx_t], ebufs[0].at[pl.ds(0, TAILE)],
                         sems[0], add=True).wait()

        @pl.loop(0, TAILE)
        def _relu_tail(r):
            for j in range(8):
                v = ebufs[0][r, pl.ds(j * 16, 16)]
                ebufs[0][r, pl.ds(j * 16, 16)] = jnp.maximum(v, 0.0)

        pltpu.sync_copy(ebufs[0].at[pl.ds(0, TAILE)],
                        aggr_sh.at[didx_t], add=True)

        plsc.subcore_barrier()
        pltpu.sync_copy(aggr_sh.at[pl.ds(s * RSUB, RSUB)],
                        out_hbm.at[c].at[pl.ds(s * RSUB, RSUB)])

        @pl.when(s == 0)
        def _():
            pltpu.sync_copy(aggr_sh.at[pl.ds(NS * RSUB, RTAIL)],
                            out_hbm.at[c].at[pl.ds(NS * RSUB, RTAIL)])

    return k(h, e, edge_index.reshape(2 * E), zeros)


def _node_block(h_ref, a_ref, w1_ref, b1_ref, w2_ref, b2_ref,
                gnw_ref, gnb_ref, gnms_ref, o_ref):
    h = h_ref[...]
    z0 = h + a_ref[0] + a_ref[1]
    t = jnp.maximum(
        jnp.dot(z0, w1_ref[...], preferred_element_type=jnp.float32)
        + b1_ref[...], 0.0)
    t = jnp.dot(t, w2_ref[...], preferred_element_type=jnp.float32) + b2_ref[...]
    mean = jnp.mean(t, axis=0, keepdims=True)
    cen = t - gnms_ref[...] * mean
    var = jnp.mean(cen * cen, axis=0, keepdims=True)
    zn = gnw_ref[...] * cen * lax.rsqrt(var + 1e-5) + gnb_ref[...]
    o_ref[...] = jnp.maximum(zn, 0.0) + h


def _node_update(h, aggr2, lp):
    return pl.pallas_call(
        _node_block,
        out_shape=jax.ShapeDtypeStruct((N, H), jnp.float32),
    )(h, aggr2,
      lp["W1"], lp["b1"].reshape(1, H), lp["W2"], lp["b2"].reshape(1, H),
      lp["gn_w"].reshape(1, H), lp["gn_b"].reshape(1, H),
      lp["gn_ms"].reshape(1, H))


def _head_block(z1_ref, z2_ref, z3_ref, wh1_ref, bh1_ref, wh2_ref, bh2_ref,
                oa_ref, ob_ref):
    w = wh1_ref[...]
    t = (jnp.dot(z1_ref[...], w[0:H], preferred_element_type=jnp.float32)
         + jnp.dot(z2_ref[...], w[H:2 * H], preferred_element_type=jnp.float32)
         + jnp.dot(z3_ref[...], w[2 * H:3 * H],
                   preferred_element_type=jnp.float32))
    t = jnp.maximum(t + bh1_ref[...], 0.0)
    o = (jnp.dot(t, wh2_ref[...], preferred_element_type=jnp.float32)
         + bh2_ref[...])
    oa_ref[...] = o[:, :SPLIT]
    ob_ref[...] = o[:, SPLIT:OUT]


def _head(z1, z2, z3, Wh1, bh1, Wh2, bh2):
    wh2p = jnp.zeros((H, 8), jnp.float32).at[:, :OUT].set(Wh2)
    bh2p = jnp.zeros((1, 8), jnp.float32).at[0, :OUT].set(bh2)
    return pl.pallas_call(
        _head_block,
        out_shape=(jax.ShapeDtypeStruct((N, SPLIT), jnp.float32),
                   jax.ShapeDtypeStruct((N, OUT - SPLIT), jnp.float32)),
    )(z1, z2, z3, Wh1, bh1.reshape(1, H), wh2p, bh2p)


def kernel(x, edge_index, edge_attr, params):
    zeros = jnp.zeros((N, H), jnp.float32)

    es = [_edge_mlp(edge_attr, lp["We"], lp["be"]) for lp in params["layers"]]

    h = x
    outs = []
    for l, lp in enumerate(params["layers"]):
        aggr2 = _sc_aggregate(h, es[l], edge_index, zeros)
        h = _node_update(h, aggr2, lp)
        outs.append(h)

    return _head(outs[0], outs[1], outs[2],
                 params["Wh1"], params["bh1"], params["Wh2"], params["bh2"])

# --- scband reference (transcript-rebuilt; emitter-appended) ---
"""Pipeline reference for scband-gingnn-41704132444700 (READ-ONLY COPY).

The authoritative reference and input builder live on the scoring server;
editing this copy changes nothing except your own understanding.
"""

import jax, jax.numpy as jnp
import numpy as np

N = 10000
E = 320000
D = 128
ED = 16
H = 128
L = 3
OUT = 6
SPLIT = 3


def _lin(key, fin, fout):
    return (jax.random.normal(key, (fin, fout), dtype=jnp.float32) / np.sqrt(fin)).astype(jnp.float32)


def setup_inputs(seed: int = 0) -> dict:
    key = jax.random.key(seed)
    ks = jax.random.split(key, 64)
    x = jax.random.normal(ks[0], (N, D), dtype=jnp.float32)
    edge_index = jax.random.randint(ks[1], (2, E), 0, N, dtype=jnp.int32)
    edge_attr = jax.random.normal(ks[2], (E, ED), dtype=jnp.float32)
    layers = []
    kidx = 3
    in_dim = D
    for l in range(L):
        lp = {
            "We": _lin(ks[kidx + 0], ED, in_dim),
            "be": jnp.zeros((in_dim,), jnp.float32),
            "W1": _lin(ks[kidx + 1], in_dim, H),
            "b1": jnp.zeros((H,), jnp.float32),
            "W2": _lin(ks[kidx + 2], H, H),
            "b2": jnp.zeros((H,), jnp.float32),
            "gn_w": jnp.ones((H,), jnp.float32),
            "gn_b": jnp.zeros((H,), jnp.float32),
            "gn_ms": jnp.ones((H,), jnp.float32),
        }
        layers.append(lp)
        kidx += 3
        in_dim = H
    params = {
        "layers": layers,
        "Wh1": _lin(ks[kidx + 0], H * L, H),
        "bh1": jnp.zeros((H,), jnp.float32),
        "Wh2": _lin(ks[kidx + 1], H, OUT),
        "bh2": jnp.zeros((OUT,), jnp.float32),
    }
    return {"x": x, "edge_index": edge_index, "edge_attr": edge_attr, "params": params}


def _forward(x, edge_attr, params, edge_index):
    src = edge_index[0]
    dst = edge_index[1]
    h = x
    outs = []
    for lp in params["layers"]:
        # GINEConv: message = relu(x_j + lin(edge_attr)); aggr = scatter_add over dst
        e = edge_attr @ lp["We"] + lp["be"]
        msg = jax.nn.relu(h[src] + e)
        aggr = jnp.zeros_like(h).at[dst].add(msg)
        z = h + aggr  # (1 + eps) * x + aggr, eps = 0
        # nn MLP: Linear -> ReLU -> Dropout(eval: identity) -> Linear
        z = jax.nn.relu(z @ lp["W1"] + lp["b1"]) @ lp["W2"] + lp["b2"]
        # GraphNorm over the single graph (all nodes in one batch)
        mean = jnp.mean(z, axis=0, keepdims=True)
        cen = z - lp["gn_ms"] * mean
        var = jnp.mean(cen * cen, axis=0, keepdims=True)
        z = lp["gn_w"] * cen / jnp.sqrt(var + 1e-5) + lp["gn_b"]
        z = jax.nn.relu(z)
        z = z + h  # residual (shapes match: hidden == in_channels)
        outs.append(z)
        h = z
    h_jk = jnp.concatenate(outs, axis=-1)
    head = jax.nn.relu(h_jk @ params["Wh1"] + params["bh1"]) @ params["Wh2"] + params["bh2"]
    return head


def reference(x, edge_index, edge_attr, params):
    head = _forward(x, edge_attr, params, edge_index)
    return head[:, :SPLIT], head[:, SPLIT:]

if __name__ == "__main__":
    import jax
    _d = setup_inputs()
    print(jax.jit(kernel)(*tuple(_d.values())))

</pallas_src>

<mosaic_0001>
#map = affine_map<(d0, d1) -> (0, 0)>
#map1 = affine_map<(d0, d1) -> (0)>
#map2 = affine_map<(d0, d1) -> (0, 0, 0)>
module attributes {stable_mosaic.version = 14 : i64} {
  func.func @k(%arg0: i32, %arg1: i32, %arg2: memref<10000x128xf32, #tpu.memory_space<hbm>>, %arg3: memref<320000x128xf32, #tpu.memory_space<hbm>>, %arg4: memref<640000xi32, #tpu.memory_space<hbm>>, %arg5: memref<10000x128xf32, #tpu.memory_space<hbm>>, %arg6: memref<2x10000x128xf32, #tpu.memory_space<hbm>>, %arg7: memref<128xi32, #tpu.memory_space<vmem>>, %arg8: memref<128xi32, #tpu.memory_space<vmem>>, %arg9: memref<128xi32, #tpu.memory_space<vmem>>, %arg10: memref<128xi32, #tpu.memory_space<vmem>>, %arg11: memref<128xi32, #tpu.memory_space<vmem>>, %arg12: memref<128xi32, #tpu.memory_space<vmem>>, %arg13: memref<128x128xf32, #tpu.memory_space<vmem>>, %arg14: memref<128x128xf32, #tpu.memory_space<vmem>>, %arg15: memref<128x128xf32, #tpu.memory_space<vmem>>, %arg16: memref<16xi32, #tpu.memory_space<vmem>>, %arg17: memref<16xi32, #tpu.memory_space<vmem>>, %arg18: memref<10000x128xf32, #tpu.memory_space<vmem_shared>>, %arg19: memref<!tpu.dma_semaphore, #tpu.memory_space<semaphore_mem>>, %arg20: memref<!tpu.dma_semaphore, #tpu.memory_space<semaphore_mem>>, %arg21: memref<!tpu.dma_semaphore, #tpu.memory_space<semaphore_mem>>) attributes {dimension_semantics = [#tpu.dimension_semantics<core_parallel>, #tpu.dimension_semantics<subcore_parallel>], iteration_bounds = array<i64: 2, 16>, scalar_prefetch = 0 : i64, scratch_operands = 15 : i64, tpu.core_type = #tpu.core_type<sc_vector_subcore>, window_params = [{transform_indices = #map}, {transform_indices = #map}, {transform_indices = #map1}, {transform_indices = #map}, {transform_indices = #map2}]} {
    %mul3A = arith.constant 16 : i32
    %mul3A_0 = arith.muli %arg0, %mul3A : i32
    %add3A = arith.addi %mul3A_0, %arg1 : i32
    %mul3A_1 = arith.constant 624 : i32
    %mul3A_2 = arith.muli %arg1, %mul3A_1 : i32
    %mul3A_3 = arith.constant 624 : i32
    %mul3A_4 = arith.muli %arg1, %mul3A_3 : i32
    "tpu.region"() ({
      %run_scoped3A = tpu.sem_alloc : memref<!tpu.dma_semaphore, #tpu.memory_space<semaphore_mem>>
      %dma_start3A_112 = arith.constant 0 : i32
      %dma_start3A_113 = tpu.memref_slice %arg18[%mul3A_4, %dma_start3A_112] : memref<10000x128xf32, #tpu.memory_space<vmem_shared>> -> memref<624x128xf32, #tpu.memory_space<vmem_shared>>
      %dma_start3A_114 = arith.constant 0 : i32
      %dma_start3A_115 = tpu.memref_slice %arg5[%mul3A_2, %dma_start3A_114] : memref<10000x128xf32, #tpu.memory_space<hbm>> -> memref<624x128xf32, #tpu.memory_space<hbm>>
      tpu.enqueue_dma source(%dma_start3A_115 : memref<624x128xf32, #tpu.memory_space<hbm>>) target(%dma_start3A_113 : memref<624x128xf32, #tpu.memory_space<vmem_shared>>) target_semaphore(%run_scoped3A : memref<!tpu.dma_semaphore, #tpu.memory_space<semaphore_mem>>)
      %dma_wait3A_116 = arith.constant 0 : i32
      %dma_wait3A_117 = tpu.memref_slice %arg18[%mul3A_4, %dma_wait3A_116] : memref<10000x128xf32, #tpu.memory_space<vmem_shared>> -> memref<624x128xf32, #tpu.memory_space<vmem_shared>>
      %dma_wait3A_118 = arith.constant 0 : i32
      %dma_wait3A_119 = tpu.memref_slice %arg5[%mul3A_2, %dma_wait3A_118] : memref<10000x128xf32, #tpu.memory_space<hbm>> -> memref<624x128xf32, #tpu.memory_space<hbm>>
      tpu.wait_dma2 semaphore(%run_scoped3A : memref<!tpu.dma_semaphore, #tpu.memory_space<semaphore_mem>>) src(%dma_wait3A_119 : memref<624x128xf32, #tpu.memory_space<hbm>>) dst(%dma_wait3A_117 : memref<624x128xf32, #tpu.memory_space<vmem_shared>>)
      tpu.yield
    }) : () -> ()
    %eq3A = arith.constant 0 : i32
    %eq3A_5 = arith.cmpi eq, %arg1, %eq3A : i32
    %convert_element_type3A = arith.extui %eq3A_5 : i1 to i32
    %cond3A = arith.constant 0 : i32
    %cond3A_6 = arith.cmpi ne, %convert_element_type3A, %cond3A : i32
    scf.if %cond3A_6 {
      "tpu.region"() ({
        %run_scoped3A = tpu.sem_alloc : memref<!tpu.dma_semaphore, #tpu.memory_space<semaphore_mem>>
        %dma_start3A_112 = arith.constant 9984 : i32
        %dma_start3A_113 = arith.constant 0 : i32
        %dma_start3A_114 = tpu.memref_slice %arg18[%dma_start3A_112, %dma_start3A_113] : memref<10000x128xf32, #tpu.memory_space<vmem_shared>> -> memref<16x128xf32, #tpu.memory_space<vmem_shared>>
        %dma_start3A_115 = arith.constant 9984 : i32
        %dma_start3A_116 = arith.constant 0 : i32
        %dma_start3A_117 = tpu.memref_slice %arg5[%dma_start3A_115, %dma_start3A_116] : memref<10000x128xf32, #tpu.memory_space<hbm>> -> memref<16x128xf32, #tpu.memory_space<hbm>>
        tpu.enqueue_dma source(%dma_start3A_117 : memref<16x128xf32, #tpu.memory_space<hbm>>) target(%dma_start3A_114 : memref<16x128xf32, #tpu.memory_space<vmem_shared>>) target_semaphore(%run_scoped3A : memref<!tpu.dma_semaphore, #tpu.memory_space<semaphore_mem>>)
        %dma_wait3A_118 = arith.constant 9984 : i32
        %dma_wait3A_119 = arith.constant 0 : i32
        %dma_wait3A_120 = tpu.memref_slice %arg18[%dma_wait3A_118, %dma_wait3A_119] : memref<10000x128xf32, #tpu.memory_space<vmem_shared>> -> memref<16x128xf32, #tpu.memory_space<vmem_shared>>
        %dma_wait3A_121 = arith.constant 9984 : i32
        %dma_wait3A_122 = arith.constant 0 : i32
        %dma_wait3A_123 = tpu.memref_slice %arg5[%dma_wait3A_121, %dma_wait3A_122] : memref<10000x128xf32, #tpu.memory_space<hbm>> -> memref<16x128xf32, #tpu.memory_space<hbm>>
        tpu.wait_dma2 semaphore(%run_scoped3A : memref<!tpu.dma_semaphore, #tpu.memory_space<semaphore_mem>>) src(%dma_wait3A_123 : memref<16x128xf32, #tpu.memory_space<hbm>>) dst(%dma_wait3A_120 : memref<16x128xf32, #tpu.memory_space<vmem_shared>>)
        tpu.yield
      }) : () -> ()
    } else {
    }
    %barrier3A = arith.constant 0 : index
    tpu.barrier barrier_id(%barrier3A)
    %mul3A_7 = arith.constant 10000 : i32
    %mul3A_8 = arith.muli %add3A, %mul3A_7 : i32
    %add3A_9 = arith.constant 0 : i32
    %add3A_10 = arith.addi %mul3A_8, %add3A_9 : i32
    %dma_start3A = arith.constant 0 : i32
    %dma_start3A_11 = tpu.memref_slice %arg3[%add3A_10, %dma_start3A] : memref<320000x128xf32, #tpu.memory_space<hbm>> -> memref<128x128xf32, #tpu.memory_space<hbm>>
    %dma_start3A_12 = arith.constant 0 : i32
    %dma_start3A_13 = tpu.memref_slice %arg3[%add3A_10, %dma_start3A_12] : memref<320000x128xf32, #tpu.memory_space<hbm>> -> memref<128x128xf32, #tpu.memory_space<hbm>>
    tpu.enqueue_dma source(%dma_start3A_13 : memref<128x128xf32, #tpu.memory_space<hbm>>) target(%arg13 : memref<128x128xf32, #tpu.memory_space<vmem>>) target_semaphore(%arg19 : memref<!tpu.dma_semaphore, #tpu.memory_space<semaphore_mem>>)
    %dma_start3A_14 = arith.constant 0 : i32
    %dma_start3A_15 = tpu.memref_slice %arg4[%dma_start3A_14] : memref<640000xi32, #tpu.memory_space<hbm>> -> memref<320000xi32, #tpu.memory_space<hbm>>
    %dma_start3A_16 = tpu.memref_slice %dma_start3A_15[%add3A_10] : memref<320000xi32, #tpu.memory_space<hbm>> -> memref<128xi32, #tpu.memory_space<hbm>>
    %dma_start3A_17 = arith.constant 0 : i32
    %dma_start3A_18 = tpu.memref_slice %arg4[%dma_start3A_17] : memref<640000xi32, #tpu.memory_space<hbm>> -> memref<320000xi32, #tpu.memory_space<hbm>>
    %dma_start3A_19 = tpu.memref_slice %dma_start3A_18[%add3A_10] : memref<320000xi32, #tpu.memory_space<hbm>> -> memref<128xi32, #tpu.memory_space<hbm>>
    tpu.enqueue_dma source(%dma_start3A_19 : memref<128xi32, #tpu.memory_space<hbm>>) target(%arg7 : memref<128xi32, #tpu.memory_space<vmem>>) target_semaphore(%arg19 : memref<!tpu.dma_semaphore, #tpu.memory_space<semaphore_mem>>)
    %dma_start3A_20 = arith.constant 320000 : i32
    %dma_start3A_21 = tpu.memref_slice %arg4[%dma_start3A_20] : memref<640000xi32, #tpu.memory_space<hbm>> -> memref<320000xi32, #tpu.memory_space<hbm>>
    %dma_start3A_22 = tpu.memref_slice %dma_start3A_21[%add3A_10] : memref<320000xi32, #tpu.memory_space<hbm>> -> memref<128xi32, #tpu.memory_space<hbm>>
    %dma_start3A_23 = arith.constant 320000 : i32
    %dma_start3A_24 = tpu.memref_slice %arg4[%dma_start3A_23] : memref<640000xi32, #tpu.memory_space<hbm>> -> memref<320000xi32, #tpu.memory_space<hbm>>
    %dma_start3A_25 = tpu.memref_slice %dma_start3A_24[%add3A_10] : memref<320000xi32, #tpu.memory_space<hbm>> -> memref<128xi32, #tpu.memory_space<hbm>>
    tpu.enqueue_dma source(%dma_start3A_25 : memref<128xi32, #tpu.memory_space<hbm>>) target(%arg10 : memref<128xi32, #tpu.memory_space<vmem>>) target_semaphore(%arg19 : memref<!tpu.dma_semaphore, #tpu.memory_space<semaphore_mem>>)
    %mul3A_26 = arith.constant 10000 : i32
    %mul3A_27 = arith.muli %add3A, %mul3A_26 : i32
    %add3A_28 = arith.constant 128 : i32
    %add3A_29 = arith.addi %mul3A_27, %add3A_28 : i32
    %dma_start3A_30 = arith.constant 0 : i32
    %dma_start3A_31 = tpu.memref_slice %arg3[%add3A_29, %dma_start3A_30] : memref<320000x128xf32, #tpu.memory_space<hbm>> -> memref<128x128xf32, #tpu.memory_space<hbm>>
    %dma_start3A_32 = arith.constant 0 : i32
    %dma_start3A_33 = tpu.memref_slice %arg3[%add3A_29, %dma_start3A_32] : memref<320000x128xf32, #tpu.memory_space<hbm>> -> memref<128x128xf32, #tpu.memory_space<hbm>>
    tpu.enqueue_dma source(%dma_start3A_33 : memref<128x128xf32, #tpu.memory_space<hbm>>) target(%arg14 : memref<128x128xf32, #tpu.memory_space<vmem>>) target_semaphore(%arg20 : memref<!tpu.dma_semaphore, #tpu.memory_space<semaphore_mem>>)
    %dma_start3A_34 = arith.constant 0 : i32
    %dma_start3A_35 = tpu.memref_slice %arg4[%dma_start3A_34] : memref<640000xi32, #tpu.memory_space<hbm>> -> memref<320000xi32, #tpu.memory_space<hbm>>
    %dma_start3A_36 = tpu.memref_slice %dma_start3A_35[%add3A_29] : memref<320000xi32, #tpu.memory_space<hbm>> -> memref<128xi32, #tpu.memory_space<hbm>>
    %dma_start3A_37 = arith.constant 0 : i32
    %dma_start3A_38 = tpu.memref_slice %arg4[%dma_start3A_37] : memref<640000xi32, #tpu.memory_space<hbm>> -> memref<320000xi32, #tpu.memory_space<hbm>>
    %dma_start3A_39 = tpu.memref_slice %dma_start3A_38[%add3A_29] : memref<320000xi32, #tpu.memory_space<hbm>> -> memref<128xi32, #tpu.memory_space<hbm>>
    tpu.enqueue_dma source(%dma_start3A_39 : memref<128xi32, #tpu.memory_space<hbm>>) target(%arg8 : memref<128xi32, #tpu.memory_space<vmem>>) target_semaphore(%arg20 : memref<!tpu.dma_semaphore, #tpu.memory_space<semaphore_mem>>)
    %dma_start3A_40 = arith.constant 320000 : i32
    %dma_start3A_41 = tpu.memref_slice %arg4[%dma_start3A_40] : memref<640000xi32, #tpu.memory_space<hbm>> -> memref<320000xi32, #tpu.memory_space<hbm>>
    %dma_start3A_42 = tpu.memref_slice %dma_start3A_41[%add3A_29] : memref<320000xi32, #tpu.memory_space<hbm>> -> memref<128xi32, #tpu.memory_space<hbm>>
    %dma_start3A_43 = arith.constant 320000 : i32
    %dma_start3A_44 = tpu.memref_slice %arg4[%dma_start3A_43] : memref<640000xi32, #tpu.memory_space<hbm>> -> memref<320000xi32, #tpu.memory_space<hbm>>
    %dma_start3A_45 = tpu.memref_slice %dma_start3A_44[%add3A_29] : memref<320000xi32, #tpu.memory_space<hbm>> -> memref<128xi32, #tpu.memory_space<hbm>>
    tpu.enqueue_dma source(%dma_start3A_45 : memref<128xi32, #tpu.memory_space<hbm>>) target(%arg11 : memref<128xi32, #tpu.memory_space<vmem>>) target_semaphore(%arg20 : memref<!tpu.dma_semaphore, #tpu.memory_space<semaphore_mem>>)
    %mul3A_46 = arith.constant 10000 : i32
    %mul3A_47 = arith.muli %add3A, %mul3A_46 : i32
    %add3A_48 = arith.constant 0 : i32
    %add3A_49 = arith.addi %mul3A_47, %add3A_48 : i32
    %dma_wait3A = arith.constant 0 : i32
    %dma_wait3A_50 = tpu.memref_slice %arg3[%add3A_49, %dma_wait3A] : memref<320000x128xf32, #tpu.memory_space<hbm>> -> memref<128x128xf32, #tpu.memory_space<hbm>>
    %dma_wait3A_51 = arith.constant 0 : i32
    %dma_wait3A_52 = tpu.memref_slice %arg3[%add3A_49, %dma_wait3A_51] : memref<320000x128xf32, #tpu.memory_space<hbm>> -> memref<128x128xf32, #tpu.memory_space<hbm>>
    tpu.wait_dma2 semaphore(%arg19 : memref<!tpu.dma_semaphore, #tpu.memory_space<semaphore_mem>>) src(%dma_wait3A_52 : memref<128x128xf32, #tpu.memory_space<hbm>>) dst(%arg13 : memref<128x128xf32, #tpu.memory_space<vmem>>)
    %dma_wait3A_53 = arith.constant 0 : i32
    %dma_wait3A_54 = tpu.memref_slice %arg4[%dma_wait3A_53] : memref<640000xi32, #tpu.memory_space<hbm>> -> memref<320000xi32, #tpu.memory_space<hbm>>
    %dma_wait3A_55 = tpu.memref_slice %dma_wait3A_54[%add3A_49] : memref<320000xi32, #tpu.memory_space<hbm>> -> memref<128xi32, #tpu.memory_space<hbm>>
    %dma_wait3A_56 = arith.constant 0 : i32
    %dma_wait3A_57 = tpu.memref_slice %arg4[%dma_wait3A_56] : memref<640000xi32, #tpu.memory_space<hbm>> -> memref<320000xi32, #tpu.memory_space<hbm>>
    %dma_wait3A_58 = tpu.memref_slice %dma_wait3A_57[%add3A_49] : memref<320000xi32, #tpu.memory_space<hbm>> -> memref<128xi32, #tpu.memory_space<hbm>>
    tpu.wait_dma2 semaphore(%arg19 : memref<!tpu.dma_semaphore, #tpu.memory_space<semaphore_mem>>) src(%dma_wait3A_58 : memref<128xi32, #tpu.memory_space<hbm>>) dst(%arg7 : memref<128xi32, #tpu.memory_space<vmem>>)
    %dma_wait3A_59 = arith.constant 320000 : i32
    %dma_wait3A_60 = tpu.memref_slice %arg4[%dma_wait3A_59] : memref<640000xi32, #tpu.memory_space<hbm>> -> memref<320000xi32, #tpu.memory_space<hbm>>
    %dma_wait3A_61 = tpu.memref_slice %dma_wait3A_60[%add3A_49] : memref<320000xi32, #tpu.memory_space<hbm>> -> memref<128xi32, #tpu.memory_space<hbm>>
    %dma_wait3A_62 = arith.constant 320000 : i32
    %dma_wait3A_63 = tpu.memref_slice %arg4[%dma_wait3A_62] : memref<640000xi32, #tpu.memory_space<hbm>> -> memref<320000xi32, #tpu.memory_space<hbm>>
    %dma_wait3A_64 = tpu.memref_slice %dma_wait3A_63[%add3A_49] : memref<320000xi32, #tpu.memory_space<hbm>> -> memref<128xi32, #tpu.memory_space<hbm>>
    tpu.wait_dma2 semaphore(%arg19 : memref<!tpu.dma_semaphore, #tpu.memory_space<semaphore_mem>>) src(%dma_wait3A_64 : memref<128xi32, #tpu.memory_space<hbm>>) dst(%arg10 : memref<128xi32, #tpu.memory_space<vmem>>)
    %dma_start3A_65 = arith.constant 0 : i32
    %dma_start3A_66 = arith.constant 0 : i32
    %dma_start3A_67 = tpu.memref_slice %arg2[%dma_start3A_65, %dma_start3A_66] : memref<10000x128xf32, #tpu.memory_space<hbm>> -> memref<10000x128xf32, #tpu.memory_space<hbm>>
    tpu.enqueue_indirect_dma source(%dma_start3A_67 : memref<10000x128xf32, #tpu.memory_space<hbm>>) target(%arg13 : memref<128x128xf32, #tpu.memory_space<vmem>>) offsets(%arg7 : memref<128xi32, #tpu.memory_space<vmem>>) semaphore(%arg19 : memref<!tpu.dma_semaphore, #tpu.memory_space<semaphore_mem>>) {add = true}
    %scan3A = arith.constant 0 : i32
    %scan3A_68 = arith.constant 26 : i32
    %scan3A_69 = arith.addi %scan3A, %scan3A_68 : i32
    %scan3A_70 = arith.constant 1 : i32
    scf.for %scan3A_112 = %scan3A to %scan3A_69 step %scan3A_70  : i32 {
      %mul3A_113 = arith.constant 3 : i32
      %mul3A_114 = arith.muli %scan3A_112, %mul3A_113 : i32
      %add3A_115 = arith.constant 0 : i32
      %add3A_116 = arith.addi %add3A_115, %mul3A_114 : i32
      %add3A_117 = arith.constant 0 : i32
      %add3A_118 = arith.addi %add3A_116, %add3A_117 : i32
      %add3A_119 = arith.constant 2 : i32
      %add3A_120 = arith.addi %add3A_118, %add3A_119 : i32
      %lt3A = arith.constant 78 : i32
      %lt3A_121 = arith.cmpi slt, %add3A_120, %lt3A : i32
      %convert_element_type3A_122 = arith.extui %lt3A_121 : i1 to i32
      %cond3A_123 = arith.constant 0 : i32
      %cond3A_124 = arith.cmpi ne, %convert_element_type3A_122, %cond3A_123 : i32
      scf.if %cond3A_124 {
        %add3A_197 = arith.constant 2 : i32
        %add3A_198 = arith.addi %add3A_118, %add3A_197 : i32
        %mul3A_199 = arith.constant 10000 : i32
        %mul3A_200 = arith.muli %add3A, %mul3A_199 : i32
        %mul3A_201 = arith.constant 128 : i32
        %mul3A_202 = arith.muli %add3A_198, %mul3A_201 : i32
        %add3A_203 = arith.addi %mul3A_200, %mul3A_202 : i32
        %ge3A = arith.constant 3 : i32
        %ge3A_204 = arith.cmpi sge, %add3A_198, %ge3A : i32
        %convert_element_type3A_205 = arith.extui %ge3A_204 : i1 to i32
        %cond3A_206 = arith.constant 0 : i32
        %cond3A_207 = arith.cmpi ne, %convert_element_type3A_205, %cond3A_206 : i32
        scf.if %cond3A_207 {
          %dma_wait3A_224 = arith.constant 0 : i32
          %dma_wait3A_225 = arith.constant 0 : i32
          %dma_wait3A_226 = tpu.memref_slice %arg18[%dma_wait3A_224, %dma_wait3A_225] : memref<10000x128xf32, #tpu.memory_space<vmem_shared>> -> memref<10000x128xf32, #tpu.memory_space<vmem_shared>>
          tpu.wait_indirect_dma semaphore(%arg21 : memref<!tpu.dma_semaphore, #tpu.memory_space<semaphore_mem>>) src(%arg15 : memref<128x128xf32, #tpu.memory_space<vmem>>) dst(%dma_wait3A_226 : memref<10000x128xf32, #tpu.memory_space<vmem_shared>>)
        } else {
        }
        %dma_start3A_208 = arith.constant 0 : i32
        %dma_start3A_209 = tpu.memref_slice %arg3[%add3A_203, %dma_start3A_208] : memref<320000x128xf32, #tpu.memory_space<hbm>> -> memref<128x128xf32, #tpu.memory_space<hbm>>
        %dma_start3A_210 = arith.constant 0 : i32
        %dma_start3A_211 = tpu.memref_slice %arg3[%add3A_203, %dma_start3A_210] : memref<320000x128xf32, #tpu.memory_space<hbm>> -> memref<128x128xf32, #tpu.memory_space<hbm>>
        tpu.enqueue_dma source(%dma_start3A_211 : memref<128x128xf32, #tpu.memory_space<hbm>>) target(%arg15 : memref<128x128xf32, #tpu.memory_space<vmem>>) target_semaphore(%arg21 : memref<!tpu.dma_semaphore, #tpu.memory_space<semaphore_mem>>)
        %dma_start3A_212 = arith.constant 0 : i32
        %dma_start3A_213 = tpu.memref_slice %arg4[%dma_start3A_212] : memref<640000xi32, #tpu.memory_space<hbm>> -> memref<320000xi32, #tpu.memory_space<hbm>>
        %dma_start3A_214 = tpu.memref_slice %dma_start3A_213[%add3A_203] : memref<320000xi32, #tpu.memory_space<hbm>> -> memref<128xi32, #tpu.memory_space<hbm>>
        %dma_start3A_215 = arith.constant 0 : i32
        %dma_start3A_216 = tpu.memref_slice %arg4[%dma_start3A_215] : memref<640000xi32, #tpu.memory_space<hbm>> -> memref<320000xi32, #tpu.memory_space<hbm>>
        %dma_start3A_217 = tpu.memref_slice %dma_start3A_216[%add3A_203] : memref<320000xi32, #tpu.memory_space<hbm>> -> memref<128xi32, #tpu.memory_space<hbm>>
        tpu.enqueue_dma source(%dma_start3A_217 : memref<128xi32, #tpu.memory_space<hbm>>) target(%arg9 : memref<128xi32, #tpu.memory_space<vmem>>) target_semaphore(%arg21 : memref<!tpu.dma_semaphore, #tpu.memory_space<semaphore_mem>>)
        %dma_start3A_218 = arith.constant 320000 : i32
        %dma_start3A_219 = tpu.memref_slice %arg4[%dma_start3A_218] : memref<640000xi32, #tpu.memory_space<hbm>> -> memref<320000xi32, #tpu.memory_space<hbm>>
        %dma_start3A_220 = tpu.memref_slice %dma_start3A_219[%add3A_203] : memref<320000xi32, #tpu.memory_space<hbm>> -> memref<128xi32, #tpu.memory_space<hbm>>
        %dma_start3A_221 = arith.constant 320000 : i32
        %dma_start3A_222 = tpu.memref_slice %arg4[%dma_start3A_221] : memref<640000xi32, #tpu.memory_space<hbm>> -> memref<320000xi32, #tpu.memory_space<hbm>>
        %dma_start3A_223 = tpu.memref_slice %dma_start3A_222[%add3A_203] : memref<320000xi32, #tpu.memory_space<hbm>> -> memref<128xi32, #tpu.memory_space<hbm>>
        tpu.enqueue_dma source(%dma_start3A_223 : memref<128xi32, #tpu.memory_space<hbm>>) target(%arg12 : memref<128xi32, #tpu.memory_space<vmem>>) target_semaphore(%arg21 : memref<!tpu.dma_semaphore, #tpu.memory_space<semaphore_mem>>)
      } else {
      }
      %add3A_125 = arith.constant 1 : i32
      %add3A_126 = arith.addi %add3A_118, %add3A_125 : i32
      %lt3A_127 = arith.constant 78 : i32
      %lt3A_128 = arith.cmpi slt, %add3A_126, %lt3A_127 : i32
      %convert_element_type3A_129 = arith.extui %lt3A_128 : i1 to i32
      %cond3A_130 = arith.constant 0 : i32
      %cond3A_131 = arith.cmpi ne, %convert_element_type3A_129, %cond3A_130 : i32
      scf.if %cond3A_131 {
        %add3A_197 = arith.constant 1 : i32
        %add3A_198 = arith.addi %add3A_118, %add3A_197 : i32
        %mul3A_199 = arith.constant 10000 : i32
        %mul3A_200 = arith.muli %add3A, %mul3A_199 : i32
        %mul3A_201 = arith.constant 128 : i32
        %mul3A_202 = arith.muli %add3A_198, %mul3A_201 : i32
        %add3A_203 = arith.addi %mul3A_200, %mul3A_202 : i32
        %dma_wait3A_204 = arith.constant 0 : i32
        %dma_wait3A_205 = tpu.memref_slice %arg3[%add3A_203, %dma_wait3A_204] : memref<320000x128xf32, #tpu.memory_space<hbm>> -> memref<128x128xf32, #tpu.memory_space<hbm>>
        %dma_wait3A_206 = arith.constant 0 : i32
        %dma_wait3A_207 = tpu.memref_slice %arg3[%add3A_203, %dma_wait3A_206] : memref<320000x128xf32, #tpu.memory_space<hbm>> -> memref<128x128xf32, #tpu.memory_space<hbm>>
        tpu.wait_dma2 semaphore(%arg20 : memref<!tpu.dma_semaphore, #tpu.memory_space<semaphore_mem>>) src(%dma_wait3A_207 : memref<128x128xf32, #tpu.memory_space<hbm>>) dst(%arg14 : memref<128x128xf32, #tpu.memory_space<vmem>>)
        %dma_wait3A_208 = arith.constant 0 : i32
        %dma_wait3A_209 = tpu.memref_slice %arg4[%dma_wait3A_208] : memref<640000xi32, #tpu.memory_space<hbm>> -> memref<320000xi32, #tpu.memory_space<hbm>>
        %dma_wait3A_210 = tpu.memref_slice %dma_wait3A_209[%add3A_203] : memref<320000xi32, #tpu.memory_space<hbm>> -> memref<128xi32, #tpu.memory_space<hbm>>
        %dma_wait3A_211 = arith.constant 0 : i32
        %dma_wait3A_212 = tpu.memref_slice %arg4[%dma_wait3A_211] : memref<640000xi32, #tpu.memory_space<hbm>> -> memref<320000xi32, #tpu.memory_space<hbm>>
        %dma_wait3A_213 = tpu.memref_slice %dma_wait3A_212[%add3A_203] : memref<320000xi32, #tpu.memory_space<hbm>> -> memref<128xi32, #tpu.memory_space<hbm>>
        tpu.wait_dma2 semaphore(%arg20 : memref<!tpu.dma_semaphore, #tpu.memory_space<semaphore_mem>>) src(%dma_wait3A_213 : memref<128xi32, #tpu.memory_space<hbm>>) dst(%arg8 : memref<128xi32, #tpu.memory_space<vmem>>)
        %dma_wait3A_214 = arith.constant 320000 : i32
        %dma_wait3A_215 = tpu.memref_slice %arg4[%dma_wait3A_214] : memref<640000xi32, #tpu.memory_space<hbm>> -> memref<320000xi32, #tpu.memory_space<hbm>>
        %dma_wait3A_216 = tpu.memref_slice %dma_wait3A_215[%add3A_203] : memref<320000xi32, #tpu.memory_space<hbm>> -> memref<128xi32, #tpu.memory_space<hbm>>
        %dma_wait3A_217 = arith.constant 320000 : i32
        %dma_wait3A_218 = tpu.memref_slice %arg4[%dma_wait3A_217] : memref<640000xi32, #tpu.memory_space<hbm>> -> memref<320000xi32, #tpu.memory_space<hbm>>
        %dma_wait3A_219 = tpu.memref_slice %dma_wait3A_218[%add3A_203] : memref<320000xi32, #tpu.memory_space<hbm>> -> memref<128xi32, #tpu.memory_space<hbm>>
        tpu.wait_dma2 semaphore(%arg20 : memref<!tpu.dma_semaphore, #tpu.memory_space<semaphore_mem>>) src(%dma_wait3A_219 : memref<128xi32, #tpu.memory_space<hbm>>) dst(%arg11 : memref<128xi32, #tpu.memory_space<vmem>>)
        %dma_start3A_220 = arith.constant 0 : i32
        %dma_start3A_221 = arith.constant 0 : i32
        %dma_start3A_222 = tpu.memref_slice %arg2[%dma_start3A_220, %dma_start3A_221] : memref<10000x128xf32, #tpu.memory_space<hbm>> -> memref<10000x128xf32, #tpu.memory_space<hbm>>
        tpu.enqueue_indirect_dma source(%dma_start3A_222 : memref<10000x128xf32, #tpu.memory_space<hbm>>) target(%arg14 : memref<128x128xf32, #tpu.memory_space<vmem>>) offsets(%arg8 : memref<128xi32, #tpu.memory_space<vmem>>) semaphore(%arg20 : memref<!tpu.dma_semaphore, #tpu.memory_space<semaphore_mem>>) {add = true}
      } else {
      }
      %dma_wait3A_132 = arith.constant 0 : i32
      %dma_wait3A_133 = arith.constant 0 : i32
      %dma_wait3A_134 = tpu.memref_slice %arg2[%dma_wait3A_132, %dma_wait3A_133] : memref<10000x128xf32, #tpu.memory_space<hbm>> -> memref<10000x128xf32, #tpu.memory_space<hbm>>
      tpu.wait_indirect_dma semaphore(%arg19 : memref<!tpu.dma_semaphore, #tpu.memory_space<semaphore_mem>>) src(%dma_wait3A_134 : memref<10000x128xf32, #tpu.memory_space<hbm>>) dst(%arg13 : memref<128x128xf32, #tpu.memory_space<vmem>>)
      %scan3A_135 = arith.constant 0 : i32
      %scan3A_136 = arith.constant 128 : i32
      %scan3A_137 = arith.addi %scan3A_135, %scan3A_136 : i32
      %scan3A_138 = arith.constant 1 : i32
      scf.for %scan3A_197 = %scan3A_135 to %scan3A_137 step %scan3A_138  : i32 {
        %mul3A_198 = arith.constant 1 : i32
        %mul3A_199 = arith.muli %scan3A_197, %mul3A_198 : i32
        %add3A_200 = arith.constant 0 : i32
        %add3A_201 = arith.addi %add3A_200, %mul3A_199 : i32
        %get3A = arith.index_cast %add3A_201 : i32 to index
        %get3A_202 = arith.constant 0 : index
        %get3A_203 = tpu.vector_load %arg13[%get3A, %get3A_202] {strides = array<i32>} : memref<128x128xf32, #tpu.memory_space<vmem>>, vector<1x16xf32>,
        %get3A_204 = vector.shape_cast %get3A_203 : vector<1x16xf32> to vector<16xf32>
        %max3A = arith.constant 0.000000e+00 : f32
        %max3A_205 = vector.broadcast %max3A : f32 to vector<16xf32>
        %max3A_206 = arith.maximumf %get3A_204, %max3A_205 : vector<16xf32>
        %swap3A = arith.index_cast %add3A_201 : i32 to index
        %swap3A_207 = arith.constant 0 : index
        %swap3A_208 = tpu.vector_load %arg13[%swap3A, %swap3A_207] {strides = array<i32>} : memref<128x128xf32, #tpu.memory_space<vmem>>, vector<1x16xf32>,
        %swap3A_209 = vector.shape_cast %swap3A_208 : vector<1x16xf32> to vector<16xf32>
        %swap3A_210 = vector.shape_cast %max3A_206 : vector<16xf32> to vector<1x16xf32>
        tpu.vector_store %arg13[%swap3A, %swap3A_207], %swap3A_210 {strides = array<i32>} : memref<128x128xf32, #tpu.memory_space<vmem>>, vector<1x16xf32>,
        %get3A_211 = arith.index_cast %add3A_201 : i32 to index
        %get3A_212 = arith.constant 16 : index
        %get3A_213 = tpu.vector_load %arg13[%get3A_211, %get3A_212] {strides = array<i32>} : memref<128x128xf32, #tpu.memory_space<vmem>>, vector<1x16xf32>,
        %get3A_214 = vector.shape_cast %get3A_213 : vector<1x16xf32> to vector<16xf32>
        %max3A_215 = arith.constant 0.000000e+00 : f32
        %max3A_216 = vector.broadcast %max3A_215 : f32 to vector<16xf32>
        %max3A_217 = arith.maximumf %get3A_214, %max3A_216 : vector<16xf32>
        %swap3A_218 = arith.index_cast %add3A_201 : i32 to index
        %swap3A_219 = arith.constant 16 : index
        %swap3A_220 = tpu.vector_load %arg13[%swap3A_218, %swap3A_219] {strides = array<i32>} : memref<128x128xf32, #tpu.memory_space<vmem>>, vector<1x16xf32>,
        %swap3A_221 = vector.shape_cast %swap3A_220 : vector<1x16xf32> to vector<16xf32>
        %swap3A_222 = vector.shape_cast %max3A_217 : vector<16xf32> to vector<1x16xf32>
        tpu.vector_store %arg13[%swap3A_218, %swap3A_219], %swap3A_222 {strides = array<i32>} : memref<128x128xf32, #tpu.memory_space<vmem>>, vector<1x16xf32>,
        %get3A_223 = arith.index_cast %add3A_201 : i32 to index
        %get3A_224 = arith.constant 32 : index
        %get3A_225 = tpu.vector_load %arg13[%get3A_223, %get3A_224] {strides = array<i32>} : memref<128x128xf32, #tpu.memory_space<vmem>>, vector<1x16xf32>,
        %get3A_226 = vector.shape_cast %get3A_225 : vector<1x16xf32> to vector<16xf32>
        %max3A_227 = arith.constant 0.000000e+00 : f32
        %max3A_228 = vector.broadcast %max3A_227 : f32 to vector<16xf32>
        %max3A_229 = arith.maximumf %get3A_226, %max3A_228 : vector<16xf32>
        %swap3A_230 = arith.index_cast %add3A_201 : i32 to index
        %swap3A_231 = arith.constant 32 : index
        %swap3A_232 = tpu.vector_load %arg13[%swap3A_230, %swap3A_231] {strides = array<i32>} : memref<128x128xf32, #tpu.memory_space<vmem>>, vector<1x16xf32>,
        %swap3A_233 = vector.shape_cast %swap3A_232 : vector<1x16xf32> to vector<16xf32>
        %swap3A_234 = vector.shape_cast %max3A_229 : vector<16xf32> to vector<1x16xf32>
        tpu.vector_store %arg13[%swap3A_230, %swap3A_231], %swap3A_234 {strides = array<i32>} : memref<128x128xf32, #tpu.memory_space<vmem>>, vector<1x16xf32>,
        %get3A_235 = arith.index_cast %add3A_201 : i32 to index
        %get3A_236 = arith.constant 48 : index
        %get3A_237 = tpu.vector_load %arg13[%get3A_235, %get3A_236] {strides = array<i32>} : memref<128x128xf32, #tpu.memory_space<vmem>>, vector<1x16xf32>,
        %get3A_238 = vector.shape_cast %get3A_237 : vector<1x16xf32> to vector<16xf32>
        %max3A_239 = arith.constant 0.000000e+00 : f32
        %max3A_240 = vector.broadcast %max3A_239 : f32 to vector<16xf32>
        %max3A_241 = arith.maximumf %get3A_238, %max3A_240 : vector<16xf32>
        %swap3A_242 = arith.index_cast %add3A_201 : i32 to index
        %swap3A_243 = arith.constant 48 : index
        %swap3A_244 = tpu.vector_load %arg13[%swap3A_242, %swap3A_243] {strides = array<i32>} : memref<128x128xf32, #tpu.memory_space<vmem>>, vector<1x16xf32>,
        %swap3A_245 = vector.shape_cast %swap3A_244 : vector<1x16xf32> to vector<16xf32>
        %swap3A_246 = vector.shape_cast %max3A_241 : vector<16xf32> to vector<1x16xf32>
        tpu.vector_store %arg13[%swap3A_242, %swap3A_243], %swap3A_246 {strides = array<i32>} : memref<128x128xf32, #tpu.memory_space<vmem>>, vector<1x16xf32>,
        %get3A_247 = arith.index_cast %add3A_201 : i32 to index
        %get3A_248 = arith.constant 64 : index
        %get3A_249 = tpu.vector_load %arg13[%get3A_247, %get3A_248] {strides = array<i32>} : memref<128x128xf32, #tpu.memory_space<vmem>>, vector<1x16xf32>,
        %get3A_250 = vector.shape_cast %get3A_249 : vector<1x16xf32> to vector<16xf32>
        %max3A_251 = arith.constant 0.000000e+00 : f32
        %max3A_252 = vector.broadcast %max3A_251 : f32 to vector<16xf32>
        %max3A_253 = arith.maximumf %get3A_250, %max3A_252 : vector<16xf32>
        %swap3A_254 = arith.index_cast %add3A_201 : i32 to index
        %swap3A_255 = arith.constant 64 : index
        %swap3A_256 = tpu.vector_load %arg13[%swap3A_254, %swap3A_255] {strides = array<i32>} : memref<128x128xf32, #tpu.memory_space<vmem>>, vector<1x16xf32>,
        %swap3A_257 = vector.shape_cast %swap3A_256 : vector<1x16xf32> to vector<16xf32>
        %swap3A_258 = vector.shape_cast %max3A_253 : vector<16xf32> to vector<1x16xf32>
        tpu.vector_store %arg13[%swap3A_254, %swap3A_255], %swap3A_258 {strides = array<i32>} : memref<128x128xf32, #tpu.memory_space<vmem>>, vector<1x16xf32>,
        %get3A_259 = arith.index_cast %add3A_201 : i32 to index
        %get3A_260 = arith.constant 80 : index
        %get3A_261 = tpu.vector_load %arg13[%get3A_259, %get3A_260] {strides = array<i32>} : memref<128x128xf32, #tpu.memory_space<vmem>>, vector<1x16xf32>,
        %get3A_262 = vector.shape_cast %get3A_261 : vector<1x16xf32> to vector<16xf32>
        %max3A_263 = arith.constant 0.000000e+00 : f32
        %max3A_264 = vector.broadcast %max3A_263 : f32 to vector<16xf32>
        %max3A_265 = arith.maximumf %get3A_262, %max3A_264 : vector<16xf32>
        %swap3A_266 = arith.index_cast %add3A_201 : i32 to index
        %swap3A_267 = arith.constant 80 : index
        %swap3A_268 = tpu.vector_load %arg13[%swap3A_266, %swap3A_267] {strides = array<i32>} : memref<128x128xf32, #tpu.memory_space<vmem>>, vector<1x16xf32>,
        %swap3A_269 = vector.shape_cast %swap3A_268 : vector<1x16xf32> to vector<16xf32>
        %swap3A_270 = vector.shape_cast %max3A_265 : vector<16xf32> to vector<1x16xf32>
        tpu.vector_store %arg13[%swap3A_266, %swap3A_267], %swap3A_270 {strides = array<i32>} : memref<128x128xf32, #tpu.memory_space<vmem>>, vector<1x16xf32>,
        %get3A_271 = arith.index_cast %add3A_201 : i32 to index
        %get3A_272 = arith.constant 96 : index
        %get3A_273 = tpu.vector_load %arg13[%get3A_271, %get3A_272] {strides = array<i32>} : memref<128x128xf32, #tpu.memory_space<vmem>>, vector<1x16xf32>,
        %get3A_274 = vector.shape_cast %get3A_273 : vector<1x16xf32> to vector<16xf32>
        %max3A_275 = arith.constant 0.000000e+00 : f32
        %max3A_276 = vector.broadcast %max3A_275 : f32 to vector<16xf32>
        %max3A_277 = arith.maximumf %get3A_274, %max3A_276 : vector<16xf32>
        %swap3A_278 = arith.index_cast %add3A_201 : i32 to index
        %swap3A_279 = arith.constant 96 : index
        %swap3A_280 = tpu.vector_load %arg13[%swap3A_278, %swap3A_279] {strides = array<i32>} : memref<128x128xf32, #tpu.memory_space<vmem>>, vector<1x16xf32>,
        %swap3A_281 = vector.shape_cast %swap3A_280 : vector<1x16xf32> to vector<16xf32>
        %swap3A_282 = vector.shape_cast %max3A_277 : vector<16xf32> to vector<1x16xf32>
        tpu.vector_store %arg13[%swap3A_278, %swap3A_279], %swap3A_282 {strides = array<i32>} : memref<128x128xf32, #tpu.memory_space<vmem>>, vector<1x16xf32>,
        %get3A_283 = arith.index_cast %add3A_201 : i32 to index
        %get3A_284 = arith.constant 112 : index
        %get3A_285 = tpu.vector_load %arg13[%get3A_283, %get3A_284] {strides = array<i32>} : memref<128x128xf32, #tpu.memory_space<vmem>>, vector<1x16xf32>,
        %get3A_286 = vector.shape_cast %get3A_285 : vector<1x16xf32> to vector<16xf32>
        %max3A_287 = arith.constant 0.000000e+00 : f32
        %max3A_288 = vector.broadcast %max3A_287 : f32 to vector<16xf32>
        %max3A_289 = arith.maximumf %get3A_286, %max3A_288 : vector<16xf32>
        %swap3A_290 = arith.index_cast %add3A_201 : i32 to index
        %swap3A_291 = arith.constant 112 : index
        %swap3A_292 = tpu.vector_load %arg13[%swap3A_290, %swap3A_291] {strides = array<i32>} : memref<128x128xf32, #tpu.memory_space<vmem>>, vector<1x16xf32>,
        %swap3A_293 = vector.shape_cast %swap3A_292 : vector<1x16xf32> to vector<16xf32>
        %swap3A_294 = vector.shape_cast %max3A_289 : vector<16xf32> to vector<1x16xf32>
        tpu.vector_store %arg13[%swap3A_290, %swap3A_291], %swap3A_294 {strides = array<i32>} : memref<128x128xf32, #tpu.memory_space<vmem>>, vector<1x16xf32>,
      }
      %scan3A_139 = arith.constant 128 : i32
      %dma_start3A_140 = arith.constant 0 : i32
      %dma_start3A_141 = arith.constant 0 : i32
      %dma_start3A_142 = tpu.memref_slice %arg18[%dma_start3A_140, %dma_start3A_141] : memref<10000x128xf32, #tpu.memory_space<vmem_shared>> -> memref<10000x128xf32, #tpu.memory_space<vmem_shared>>
      tpu.enqueue_indirect_dma source(%arg13 : memref<128x128xf32, #tpu.memory_space<vmem>>) target(%dma_start3A_142 : memref<10000x128xf32, #tpu.memory_space<vmem_shared>>) offsets(%arg10 : memref<128xi32, #tpu.memory_space<vmem>>) semaphore(%arg19 : memref<!tpu.dma_semaphore, #tpu.memory_space<semaphore_mem>>) {add = true}
      %add3A_143 = arith.constant 1 : i32
      %add3A_144 = arith.addi %add3A_116, %add3A_143 : i32
      %add3A_145 = arith.constant 2 : i32
      %add3A_146 = arith.addi %add3A_144, %add3A_145 : i32
      %lt3A_147 = arith.constant 78 : i32
      %lt3A_148 = arith.cmpi slt, %add3A_146, %lt3A_147 : i32
      %convert_element_type3A_149 = arith.extui %lt3A_148 : i1 to i32
      %cond3A_150 = arith.constant 0 : i32
      %cond3A_151 = arith.cmpi ne, %convert_element_type3A_149, %cond3A_150 : i32
      scf.if %cond3A_151 {
        %add3A_197 = arith.constant 2 : i32
        %add3A_198 = arith.addi %add3A_144, %add3A_197 : i32
        %mul3A_199 = arith.constant 10000 : i32
        %mul3A_200 = arith.muli %add3A, %mul3A_199 : i32
        %mul3A_201 = arith.constant 128 : i32
        %mul3A_202 = arith.muli %add3A_198, %mul3A_201 : i32
        %add3A_203 = arith.addi %mul3A_200, %mul3A_202 : i32
        %ge3A = arith.constant 3 : i32
        %ge3A_204 = arith.cmpi sge, %add3A_198, %ge3A : i32
        %convert_element_type3A_205 = arith.extui %ge3A_204 : i1 to i32
        %cond3A_206 = arith.constant 0 : i32
        %cond3A_207 = arith.cmpi ne, %convert_element_type3A_205, %cond3A_206 : i32
        scf.if %cond3A_207 {
          %dma_wait3A_224 = arith.constant 0 : i32
          %dma_wait3A_225 = arith.constant 0 : i32
          %dma_wait3A_226 = tpu.memref_slice %arg18[%dma_wait3A_224, %dma_wait3A_225] : memref<10000x128xf32, #tpu.memory_space<vmem_shared>> -> memref<10000x128xf32, #tpu.memory_space<vmem_shared>>
          tpu.wait_indirect_dma semaphore(%arg19 : memref<!tpu.dma_semaphore, #tpu.memory_space<semaphore_mem>>) src(%arg13 : memref<128x128xf32, #tpu.memory_space<vmem>>) dst(%dma_wait3A_226 : memref<10000x128xf32, #tpu.memory_space<vmem_shared>>)
        } else {
        }
        %dma_start3A_208 = arith.constant 0 : i32
        %dma_start3A_209 = tpu.memref_slice %arg3[%add3A_203, %dma_start3A_208] : memref<320000x128xf32, #tpu.memory_space<hbm>> -> memref<128x128xf32, #tpu.memory_space<hbm>>
        %dma_start3A_210 = arith.constant 0 : i32
        %dma_start3A_211 = tpu.memref_slice %arg3[%add3A_203, %dma_start3A_210] : memref<320000x128xf32, #tpu.memory_space<hbm>> -> memref<128x128xf32, #tpu.memory_space<hbm>>
        tpu.enqueue_dma source(%dma_start3A_211 : memref<128x128xf32, #tpu.memory_space<hbm>>) target(%arg13 : memref<128x128xf32, #tpu.memory_space<vmem>>) target_semaphore(%arg19 : memref<!tpu.dma_semaphore, #tpu.memory_space<semaphore_mem>>)
        %dma_start3A_212 = arith.constant 0 : i32
        %dma_start3A_213 = tpu.memref_slice %arg4[%dma_start3A_212] : memref<640000xi32, #tpu.memory_space<hbm>> -> memref<320000xi32, #tpu.memory_space<hbm>>
        %dma_start3A_214 = tpu.memref_slice %dma_start3A_213[%add3A_203] : memref<320000xi32, #tpu.memory_space<hbm>> -> memref<128xi32, #tpu.memory_space<hbm>>
        %dma_start3A_215 = arith.constant 0 : i32
        %dma_start3A_216 = tpu.memref_slice %arg4[%dma_start3A_215] : memref<640000xi32, #tpu.memory_space<hbm>> -> memref<320000xi32, #tpu.memory_space<hbm>>
        %dma_start3A_217 = tpu.memref_slice %dma_start3A_216[%add3A_203] : memref<320000xi32, #tpu.memory_space<hbm>> -> memref<128xi32, #tpu.memory_space<hbm>>
        tpu.enqueue_dma source(%dma_start3A_217 : memref<128xi32, #tpu.memory_space<hbm>>) target(%arg7 : memref<128xi32, #tpu.memory_space<vmem>>) target_semaphore(%arg19 : memref<!tpu.dma_semaphore, #tpu.memory_space<semaphore_mem>>)
        %dma_start3A_218 = arith.constant 320000 : i32
        %dma_start3A_219 = tpu.memref_slice %arg4[%dma_start3A_218] : memref<640000xi32, #tpu.memory_space<hbm>> -> memref<320000xi32, #tpu.memory_space<hbm>>
        %dma_start3A_220 = tpu.memref_slice %dma_start3A_219[%add3A_203] : memref<320000xi32, #tpu.memory_space<hbm>> -> memref<128xi32, #tpu.memory_space<hbm>>
        %dma_start3A_221 = arith.constant 320000 : i32
        %dma_start3A_222 = tpu.memref_slice %arg4[%dma_start3A_221] : memref<640000xi32, #tpu.memory_space<hbm>> -> memref<320000xi32, #tpu.memory_space<hbm>>
        %dma_start3A_223 = tpu.memref_slice %dma_start3A_222[%add3A_203] : memref<320000xi32, #tpu.memory_space<hbm>> -> memref<128xi32, #tpu.memory_space<hbm>>
        tpu.enqueue_dma source(%dma_start3A_223 : memref<128xi32, #tpu.memory_space<hbm>>) target(%arg10 : memref<128xi32, #tpu.memory_space<vmem>>) target_semaphore(%arg19 : memref<!tpu.dma_semaphore, #tpu.memory_space<semaphore_mem>>)
      } else {
      }
      %add3A_152 = arith.constant 1 : i32
      %add3A_153 = arith.addi %add3A_144, %add3A_152 : i32
      %lt3A_154 = arith.constant 78 : i32
      %lt3A_155 = arith.cmpi slt, %add3A_153, %lt3A_154 : i32
      %convert_element_type3A_156 = arith.extui %lt3A_155 : i1 to i32
      %cond3A_157 = arith.constant 0 : i32
      %cond3A_158 = arith.cmpi ne, %convert_element_type3A_156, %cond3A_157 : i32
      scf.if %cond3A_158 {
        %add3A_197 = arith.constant 1 : i32
        %add3A_198 = arith.addi %add3A_144, %add3A_197 : i32
        %mul3A_199 = arith.constant 10000 : i32
        %mul3A_200 = arith.muli %add3A, %mul3A_199 : i32
        %mul3A_201 = arith.constant 128 : i32
        %mul3A_202 = arith.muli %add3A_198, %mul3A_201 : i32
        %add3A_203 = arith.addi %mul3A_200, %mul3A_202 : i32
        %dma_wait3A_204 = arith.constant 0 : i32
        %dma_wait3A_205 = tpu.memref_slice %arg3[%add3A_203, %dma_wait3A_204] : memref<320000x128xf32, #tpu.memory_space<hbm>> -> memref<128x128xf32, #tpu.memory_space<hbm>>
        %dma_wait3A_206 = arith.constant 0 : i32
        %dma_wait3A_207 = tpu.memref_slice %arg3[%add3A_203, %dma_wait3A_206] : memref<320000x128xf32, #tpu.memory_space<hbm>> -> memref<128x128xf32, #tpu.memory_space<hbm>>
        tpu.wait_dma2 semaphore(%arg21 : memref<!tpu.dma_semaphore, #tpu.memory_space<semaphore_mem>>) src(%dma_wait3A_207 : memref<128x128xf32, #tpu.memory_space<hbm>>) dst(%arg15 : memref<128x128xf32, #tpu.memory_space<vmem>>)
        %dma_wait3A_208 = arith.constant 0 : i32
        %dma_wait3A_209 = tpu.memref_slice %arg4[%dma_wait3A_208] : memref<640000xi32, #tpu.memory_space<hbm>> -> memref<320000xi32, #tpu.memory_space<hbm>>
        %dma_wait3A_210 = tpu.memref_slice %dma_wait3A_209[%add3A_203] : memref<320000xi32, #tpu.memory_space<hbm>> -> memref<128xi32, #tpu.memory_space<hbm>>
        %dma_wait3A_211 = arith.constant 0 : i32
        %dma_wait3A_212 = tpu.memref_slice %arg4[%dma_wait3A_211] : memref<640000xi32, #tpu.memory_space<hbm>> -> memref<320000xi32, #tpu.memory_space<hbm>>
        %dma_wait3A_213 = tpu.memref_slice %dma_wait3A_212[%add3A_203] : memref<320000xi32, #tpu.memory_space<hbm>> -> memref<128xi32, #tpu.memory_space<hbm>>
        tpu.wait_dma2 semaphore(%arg21 : memref<!tpu.dma_semaphore, #tpu.memory_space<semaphore_mem>>) src(%dma_wait3A_213 : memref<128xi32, #tpu.memory_space<hbm>>) dst(%arg9 : memref<128xi32, #tpu.memory_space<vmem>>)
        %dma_wait3A_214 = arith.constant 320000 : i32
        %dma_wait3A_215 = tpu.memref_slice %arg4[%dma_wait3A_214] : memref<640000xi32, #tpu.memory_space<hbm>> -> memref<320000xi32, #tpu.memory_space<hbm>>
        %dma_wait3A_216 = tpu.memref_slice %dma_wait3A_215[%add3A_203] : memref<320000xi32, #tpu.memory_space<hbm>> -> memref<128xi32, #tpu.memory_space<hbm>>
        %dma_wait3A_217 = arith.constant 320000 : i32
        %dma_wait3A_218 = tpu.memref_slice %arg4[%dma_wait3A_217] : memref<640000xi32, #tpu.memory_space<hbm>> -> memref<320000xi32, #tpu.memory_space<hbm>>
        %dma_wait3A_219 = tpu.memref_slice %dma_wait3A_218[%add3A_203] : memref<320000xi32, #tpu.memory_space<hbm>> -> memref<128xi32, #tpu.memory_space<hbm>>
        tpu.wait_dma2 semaphore(%arg21 : memref<!tpu.dma_semaphore, #tpu.memory_space<semaphore_mem>>) src(%dma_wait3A_219 : memref<128xi32, #tpu.memory_space<hbm>>) dst(%arg12 : memref<128xi32, #tpu.memory_space<vmem>>)
        %dma_start3A_220 = arith.constant 0 : i32
        %dma_start3A_221 = arith.constant 0 : i32
        %dma_start3A_222 = tpu.memref_slice %arg2[%dma_start3A_220, %dma_start3A_221] : memref<10000x128xf32, #tpu.memory_space<hbm>> -> memref<10000x128xf32, #tpu.memory_space<hbm>>
        tpu.enqueue_indirect_dma source(%dma_start3A_222 : memref<10000x128xf32, #tpu.memory_space<hbm>>) target(%arg15 : memref<128x128xf32, #tpu.memory_space<vmem>>) offsets(%arg9 : memref<128xi32, #tpu.memory_space<vmem>>) semaphore(%arg21 : memref<!tpu.dma_semaphore, #tpu.memory_space<semaphore_mem>>) {add = true}
      } else {
      }
      %dma_wait3A_159 = arith.constant 0 : i32
      %dma_wait3A_160 = arith.constant 0 : i32
      %dma_wait3A_161 = tpu.memref_slice %arg2[%dma_wait3A_159, %dma_wait3A_160] : memref<10000x128xf32, #tpu.memory_space<hbm>> -> memref<10000x128xf32, #tpu.memory_space<hbm>>
      tpu.wait_indirect_dma semaphore(%arg20 : memref<!tpu.dma_semaphore, #tpu.memory_space<semaphore_mem>>) src(%dma_wait3A_161 : memref<10000x128xf32, #tpu.memory_space<hbm>>) dst(%arg14 : memref<128x128xf32, #tpu.memory_space<vmem>>)
      %scan3A_162 = arith.constant 0 : i32
      %scan3A_163 = arith.constant 128 : i32
      %scan3A_164 = arith.addi %scan3A_162, %scan3A_163 : i32
      %scan3A_165 = arith.constant 1 : i32
      scf.for %scan3A_197 = %scan3A_162 to %scan3A_164 step %scan3A_165  : i32 {
        %mul3A_198 = arith.constant 1 : i32
        %mul3A_199 = arith.muli %scan3A_197, %mul3A_198 : i32
        %add3A_200 = arith.constant 0 : i32
        %add3A_201 = arith.addi %add3A_200, %mul3A_199 : i32
        %get3A = arith.index_cast %add3A_201 : i32 to index
        %get3A_202 = arith.constant 0 : index
        %get3A_203 = tpu.vector_load %arg14[%get3A, %get3A_202] {strides = array<i32>} : memref<128x128xf32, #tpu.memory_space<vmem>>, vector<1x16xf32>,
        %get3A_204 = vector.shape_cast %get3A_203 : vector<1x16xf32> to vector<16xf32>
        %max3A = arith.constant 0.000000e+00 : f32
        %max3A_205 = vector.broadcast %max3A : f32 to vector<16xf32>
        %max3A_206 = arith.maximumf %get3A_204, %max3A_205 : vector<16xf32>
        %swap3A = arith.index_cast %add3A_201 : i32 to index
        %swap3A_207 = arith.constant 0 : index
        %swap3A_208 = tpu.vector_load %arg14[%swap3A, %swap3A_207] {strides = array<i32>} : memref<128x128xf32, #tpu.memory_space<vmem>>, vector<1x16xf32>,
        %swap3A_209 = vector.shape_cast %swap3A_208 : vector<1x16xf32> to vector<16xf32>
        %swap3A_210 = vector.shape_cast %max3A_206 : vector<16xf32> to vector<1x16xf32>
        tpu.vector_store %arg14[%swap3A, %swap3A_207], %swap3A_210 {strides = array<i32>} : memref<128x128xf32, #tpu.memory_space<vmem>>, vector<1x16xf32>,
        %get3A_211 = arith.index_cast %add3A_201 : i32 to index
        %get3A_212 = arith.constant 16 : index
        %get3A_213 = tpu.vector_load %arg14[%get3A_211, %get3A_212] {strides = array<i32>} : memref<128x128xf32, #tpu.memory_space<vmem>>, vector<1x16xf32>,
        %get3A_214 = vector.shape_cast %get3A_213 : vector<1x16xf32> to vector<16xf32>
        %max3A_215 = arith.constant 0.000000e+00 : f32
        %max3A_216 = vector.broadcast %max3A_215 : f32 to vector<16xf32>
        %max3A_217 = arith.maximumf %get3A_214, %max3A_216 : vector<16xf32>
        %swap3A_218 = arith.index_cast %add3A_201 : i32 to index
        %swap3A_219 = arith.constant 16 : index
        %swap3A_220 = tpu.vector_load %arg14[%swap3A_218, %swap3A_219] {strides = array<i32>} : memref<128x128xf32, #tpu.memory_space<vmem>>, vector<1x16xf32>,
        %swap3A_221 = vector.shape_cast %swap3A_220 : vector<1x16xf32> to vector<16xf32>
        %swap3A_222 = vector.shape_cast %max3A_217 : vector<16xf32> to vector<1x16xf32>
        tpu.vector_store %arg14[%swap3A_218, %swap3A_219], %swap3A_222 {strides = array<i32>} : memref<128x128xf32, #tpu.memory_space<vmem>>, vector<1x16xf32>,
        %get3A_223 = arith.index_cast %add3A_201 : i32 to index
        %get3A_224 = arith.constant 32 : index
        %get3A_225 = tpu.vector_load %arg14[%get3A_223, %get3A_224] {strides = array<i32>} : memref<128x128xf32, #tpu.memory_space<vmem>>, vector<1x16xf32>,
        %get3A_226 = vector.shape_cast %get3A_225 : vector<1x16xf32> to vector<16xf32>
        %max3A_227 = arith.constant 0.000000e+00 : f32
        %max3A_228 = vector.broadcast %max3A_227 : f32 to vector<16xf32>
        %max3A_229 = arith.maximumf %get3A_226, %max3A_228 : vector<16xf32>
        %swap3A_230 = arith.index_cast %add3A_201 : i32 to index
        %swap3A_231 = arith.constant 32 : index
        %swap3A_232 = tpu.vector_load %arg14[%swap3A_230, %swap3A_231] {strides = array<i32>} : memref<128x128xf32, #tpu.memory_space<vmem>>, vector<1x16xf32>,
        %swap3A_233 = vector.shape_cast %swap3A_232 : vector<1x16xf32> to vector<16xf32>
        %swap3A_234 = vector.shape_cast %max3A_229 : vector<16xf32> to vector<1x16xf32>
        tpu.vector_store %arg14[%swap3A_230, %swap3A_231], %swap3A_234 {strides = array<i32>} : memref<128x128xf32, #tpu.memory_space<vmem>>, vector<1x16xf32>,
        %get3A_235 = arith.index_cast %add3A_201 : i32 to index
        %get3A_236 = arith.constant 48 : index
        %get3A_237 = tpu.vector_load %arg14[%get3A_235, %get3A_236] {strides = array<i32>} : memref<128x128xf32, #tpu.memory_space<vmem>>, vector<1x16xf32>,
        %get3A_238 = vector.shape_cast %get3A_237 : vector<1x16xf32> to vector<16xf32>
        %max3A_239 = arith.constant 0.000000e+00 : f32
        %max3A_240 = vector.broadcast %max3A_239 : f32 to vector<16xf32>
        %max3A_241 = arith.maximumf %get3A_238, %max3A_240 : vector<16xf32>
        %swap3A_242 = arith.index_cast %add3A_201 : i32 to index
        %swap3A_243 = arith.constant 48 : index
        %swap3A_244 = tpu.vector_load %arg14[%swap3A_242, %swap3A_243] {strides = array<i32>} : memref<128x128xf32, #tpu.memory_space<vmem>>, vector<1x16xf32>,
        %swap3A_245 = vector.shape_cast %swap3A_244 : vector<1x16xf32> to vector<16xf32>
        %swap3A_246 = vector.shape_cast %max3A_241 : vector<16xf32> to vector<1x16xf32>
        tpu.vector_store %arg14[%swap3A_242, %swap3A_243], %swap3A_246 {strides = array<i32>} : memref<128x128xf32, #tpu.memory_space<vmem>>, vector<1x16xf32>,
        %get3A_247 = arith.index_cast %add3A_201 : i32 to index
        %get3A_248 = arith.constant 64 : index
        %get3A_249 = tpu.vector_load %arg14[%get3A_247, %get3A_248] {strides = array<i32>} : memref<128x128xf32, #tpu.memory_space<vmem>>, vector<1x16xf32>,
        %get3A_250 = vector.shape_cast %get3A_249 : vector<1x16xf32> to vector<16xf32>
        %max3A_251 = arith.constant 0.000000e+00 : f32
        %max3A_252 = vector.broadcast %max3A_251 : f32 to vector<16xf32>
        %max3A_253 = arith.maximumf %get3A_250, %max3A_252 : vector<16xf32>
        %swap3A_254 = arith.index_cast %add3A_201 : i32 to index
        %swap3A_255 = arith.constant 64 : index
        %swap3A_256 = tpu.vector_load %arg14[%swap3A_254, %swap3A_255] {strides = array<i32>} : memref<128x128xf32, #tpu.memory_space<vmem>>, vector<1x16xf32>,
        %swap3A_257 = vector.shape_cast %swap3A_256 : vector<1x16xf32> to vector<16xf32>
        %swap3A_258 = vector.shape_cast %max3A_253 : vector<16xf32> to vector<1x16xf32>
        tpu.vector_store %arg14[%swap3A_254, %swap3A_255], %swap3A_258 {strides = array<i32>} : memref<128x128xf32, #tpu.memory_space<vmem>>, vector<1x16xf32>,
        %get3A_259 = arith.index_cast %add3A_201 : i32 to index
        %get3A_260 = arith.constant 80 : index
        %get3A_261 = tpu.vector_load %arg14[%get3A_259, %get3A_260] {strides = array<i32>} : memref<128x128xf32, #tpu.memory_space<vmem>>, vector<1x16xf32>,
        %get3A_262 = vector.shape_cast %get3A_261 : vector<1x16xf32> to vector<16xf32>
        %max3A_263 = arith.constant 0.000000e+00 : f32
        %max3A_264 = vector.broadcast %max3A_263 : f32 to vector<16xf32>
        %max3A_265 = arith.maximumf %get3A_262, %max3A_264 : vector<16xf32>
        %swap3A_266 = arith.index_cast %add3A_201 : i32 to index
        %swap3A_267 = arith.constant 80 : index
        %swap3A_268 = tpu.vector_load %arg14[%swap3A_266, %swap3A_267] {strides = array<i32>} : memref<128x128xf32, #tpu.memory_space<vmem>>, vector<1x16xf32>,
        %swap3A_269 = vector.shape_cast %swap3A_268 : vector<1x16xf32> to vector<16xf32>
        %swap3A_270 = vector.shape_cast %max3A_265 : vector<16xf32> to vector<1x16xf32>
        tpu.vector_store %arg14[%swap3A_266, %swap3A_267], %swap3A_270 {strides = array<i32>} : memref<128x128xf32, #tpu.memory_space<vmem>>, vector<1x16xf32>,
        %get3A_271 = arith.index_cast %add3A_201 : i32 to index
        %get3A_272 = arith.constant 96 : index
        %get3A_273 = tpu.vector_load %arg14[%get3A_271, %get3A_272] {strides = array<i32>} : memref<128x128xf32, #tpu.memory_space<vmem>>, vector<1x16xf32>,
        %get3A_274 = vector.shape_cast %get3A_273 : vector<1x16xf32> to vector<16xf32>
        %max3A_275 = arith.constant 0.000000e+00 : f32
        %max3A_276 = vector.broadcast %max3A_275 : f32 to vector<16xf32>
        %max3A_277 = arith.maximumf %get3A_274, %max3A_276 : vector<16xf32>
        %swap3A_278 = arith.index_cast %add3A_201 : i32 to index
        %swap3A_279 = arith.constant 96 : index
        %swap3A_280 = tpu.vector_load %arg14[%swap3A_278, %swap3A_279] {strides = array<i32>} : memref<128x128xf32, #tpu.memory_space<vmem>>, vector<1x16xf32>,
        %swap3A_281 = vector.shape_cast %swap3A_280 : vector<1x16xf32> to vector<16xf32>
        %swap3A_282 = vector.shape_cast %max3A_277 : vector<16xf32> to vector<1x16xf32>
        tpu.vector_store %arg14[%swap3A_278, %swap3A_279], %swap3A_282 {strides = array<i32>} : memref<128x128xf32, #tpu.memory_space<vmem>>, vector<1x16xf32>,
        %get3A_283 = arith.index_cast %add3A_201 : i32 to index
        %get3A_284 = arith.constant 112 : index
        %get3A_285 = tpu.vector_load %arg14[%get3A_283, %get3A_284] {strides = array<i32>} : memref<128x128xf32, #tpu.memory_space<vmem>>, vector<1x16xf32>,
        %get3A_286 = vector.shape_cast %get3A_285 : vector<1x16xf32> to vector<16xf32>
        %max3A_287 = arith.constant 0.000000e+00 : f32
        %max3A_288 = vector.broadcast %max3A_287 : f32 to vector<16xf32>
        %max3A_289 = arith.maximumf %get3A_286, %max3A_288 : vector<16xf32>
        %swap3A_290 = arith.index_cast %add3A_201 : i32 to index
        %swap3A_291 = arith.constant 112 : index
        %swap3A_292 = tpu.vector_load %arg14[%swap3A_290, %swap3A_291] {strides = array<i32>} : memref<128x128xf32, #tpu.memory_space<vmem>>, vector<1x16xf32>,
        %swap3A_293 = vector.shape_cast %swap3A_292 : vector<1x16xf32> to vector<16xf32>
        %swap3A_294 = vector.shape_cast %max3A_289 : vector<16xf32> to vector<1x16xf32>
        tpu.vector_store %arg14[%swap3A_290, %swap3A_291], %swap3A_294 {strides = array<i32>} : memref<128x128xf32, #tpu.memory_space<vmem>>, vector<1x16xf32>,
      }
      %scan3A_166 = arith.constant 128 : i32
      %dma_start3A_167 = arith.constant 0 : i32
      %dma_start3A_168 = arith.constant 0 : i32
      %dma_start3A_169 = tpu.memref_slice %arg18[%dma_start3A_167, %dma_start3A_168] : memref<10000x128xf32, #tpu.memory_space<vmem_shared>> -> memref<10000x128xf32, #tpu.memory_space<vmem_shared>>
      tpu.enqueue_indirect_dma source(%arg14 : memref<128x128xf32, #tpu.memory_space<vmem>>) target(%dma_start3A_169 : memref<10000x128xf32, #tpu.memory_space<vmem_shared>>) offsets(%arg11 : memref<128xi32, #tpu.memory_space<vmem>>) semaphore(%arg20 : memref<!tpu.dma_semaphore, #tpu.memory_space<semaphore_mem>>) {add = true}
      %add3A_170 = arith.constant 2 : i32
      %add3A_171 = arith.addi %add3A_116, %add3A_170 : i32
      %add3A_172 = arith.constant 2 : i32
      %add3A_173 = arith.addi %add3A_171, %add3A_172 : i32
      %lt3A_174 = arith.constant 78 : i32
      %lt3A_175 = arith.cmpi slt, %add3A_173, %lt3A_174 : i32
      %convert_element_type3A_176 = arith.extui %lt3A_175 : i1 to i32
      %cond3A_177 = arith.constant 0 : i32
      %cond3A_178 = arith.cmpi ne, %convert_element_type3A_176, %cond3A_177 : i32
      scf.if %cond3A_178 {
        %add3A_197 = arith.constant 2 : i32
        %add3A_198 = arith.addi %add3A_171, %add3A_197 : i32
        %mul3A_199 = arith.constant 10000 : i32
        %mul3A_200 = arith.muli %add3A, %mul3A_199 : i32
        %mul3A_201 = arith.constant 128 : i32
        %mul3A_202 = arith.muli %add3A_198, %mul3A_201 : i32
        %add3A_203 = arith.addi %mul3A_200, %mul3A_202 : i32
        %ge3A = arith.constant 3 : i32
        %ge3A_204 = arith.cmpi sge, %add3A_198, %ge3A : i32
        %convert_element_type3A_205 = arith.extui %ge3A_204 : i1 to i32
        %cond3A_206 = arith.constant 0 : i32
        %cond3A_207 = arith.cmpi ne, %convert_element_type3A_205, %cond3A_206 : i32
        scf.if %cond3A_207 {
          %dma_wait3A_224 = arith.constant 0 : i32
          %dma_wait3A_225 = arith.constant 0 : i32
          %dma_wait3A_226 = tpu.memref_slice %arg18[%dma_wait3A_224, %dma_wait3A_225] : memref<10000x128xf32, #tpu.memory_space<vmem_shared>> -> memref<10000x128xf32, #tpu.memory_space<vmem_shared>>
          tpu.wait_indirect_dma semaphore(%arg20 : memref<!tpu.dma_semaphore, #tpu.memory_space<semaphore_mem>>) src(%arg14 : memref<128x128xf32, #tpu.memory_space<vmem>>) dst(%dma_wait3A_226 : memref<10000x128xf32, #tpu.memory_space<vmem_shared>>)
        } else {
        }
        %dma_start3A_208 = arith.constant 0 : i32
        %dma_start3A_209 = tpu.memref_slice %arg3[%add3A_203, %dma_start3A_208] : memref<320000x128xf32, #tpu.memory_space<hbm>> -> memref<128x128xf32, #tpu.memory_space<hbm>>
        %dma_start3A_210 = arith.constant 0 : i32
        %dma_start3A_211 = tpu.memref_slice %arg3[%add3A_203, %dma_start3A_210] : memref<320000x128xf32, #tpu.memory_space<hbm>> -> memref<128x128xf32, #tpu.memory_space<hbm>>
        tpu.enqueue_dma source(%dma_start3A_211 : memref<128x128xf32, #tpu.memory_space<hbm>>) target(%arg14 : memref<128x128xf32, #tpu.memory_space<vmem>>) target_semaphore(%arg20 : memref<!tpu.dma_semaphore, #tpu.memory_space<semaphore_mem>>)
        %dma_start3A_212 = arith.constant 0 : i32
        %dma_start3A_213 = tpu.memref_slice %arg4[%dma_start3A_212] : memref<640000xi32, #tpu.memory_space<hbm>> -> memref<320000xi32, #tpu.memory_space<hbm>>
        %dma_start3A_214 = tpu.memref_slice %dma_start3A_213[%add3A_203] : memref<320000xi32, #tpu.memory_space<hbm>> -> memref<128xi32, #tpu.memory_space<hbm>>
        %dma_start3A_215 = arith.constant 0 : i32
        %dma_start3A_216 = tpu.memref_slice %arg4[%dma_start3A_215] : memref<640000xi32, #tpu.memory_space<hbm>> -> memref<320000xi32, #tpu.memory_space<hbm>>
        %dma_start3A_217 = tpu.memref_slice %dma_start3A_216[%add3A_203] : memref<320000xi32, #tpu.memory_space<hbm>> -> memref<128xi32, #tpu.memory_space<hbm>>
        tpu.enqueue_dma source(%dma_start3A_217 : memref<128xi32, #tpu.memory_space<hbm>>) target(%arg8 : memref<128xi32, #tpu.memory_space<vmem>>) target_semaphore(%arg20 : memref<!tpu.dma_semaphore, #tpu.memory_space<semaphore_mem>>)
        %dma_start3A_218 = arith.constant 320000 : i32
        %dma_start3A_219 = tpu.memref_slice %arg4[%dma_start3A_218] : memref<640000xi32, #tpu.memory_space<hbm>> -> memref<320000xi32, #tpu.memory_space<hbm>>
        %dma_start3A_220 = tpu.memref_slice %dma_start3A_219[%add3A_203] : memref<320000xi32, #tpu.memory_space<hbm>> -> memref<128xi32, #tpu.memory_space<hbm>>
        %dma_start3A_221 = arith.constant 320000 : i32
        %dma_start3A_222 = tpu.memref_slice %arg4[%dma_start3A_221] : memref<640000xi32, #tpu.memory_space<hbm>> -> memref<320000xi32, #tpu.memory_space<hbm>>
        %dma_start3A_223 = tpu.memref_slice %dma_start3A_222[%add3A_203] : memref<320000xi32, #tpu.memory_space<hbm>> -> memref<128xi32, #tpu.memory_space<hbm>>
        tpu.enqueue_dma source(%dma_start3A_223 : memref<128xi32, #tpu.memory_space<hbm>>) target(%arg11 : memref<128xi32, #tpu.memory_space<vmem>>) target_semaphore(%arg20 : memref<!tpu.dma_semaphore, #tpu.memory_space<semaphore_mem>>)
      } else {
      }
      %add3A_179 = arith.constant 1 : i32
      %add3A_180 = arith.addi %add3A_171, %add3A_179 : i32
      %lt3A_181 = arith.constant 78 : i32
      %lt3A_182 = arith.cmpi slt, %add3A_180, %lt3A_181 : i32
      %convert_element_type3A_183 = arith.extui %lt3A_182 : i1 to i32
      %cond3A_184 = arith.constant 0 : i32
      %cond3A_185 = arith.cmpi ne, %convert_element_type3A_183, %cond3A_184 : i32
      scf.if %cond3A_185 {
        %add3A_197 = arith.constant 1 : i32
        %add3A_198 = arith.addi %add3A_171, %add3A_197 : i32
        %mul3A_199 = arith.constant 10000 : i32
        %mul3A_200 = arith.muli %add3A, %mul3A_199 : i32
        %mul3A_201 = arith.constant 128 : i32
        %mul3A_202 = arith.muli %add3A_198, %mul3A_201 : i32
        %add3A_203 = arith.addi %mul3A_200, %mul3A_202 : i32
        %dma_wait3A_204 = arith.constant 0 : i32
        %dma_wait3A_205 = tpu.memref_slice %arg3[%add3A_203, %dma_wait3A_204] : memref<320000x128xf32, #tpu.memory_space<hbm>> -> memref<128x128xf32, #tpu.memory_space<hbm>>
        %dma_wait3A_206 = arith.constant 0 : i32
        %dma_wait3A_207 = tpu.memref_slice %arg3[%add3A_203, %dma_wait3A_206] : memref<320000x128xf32, #tpu.memory_space<hbm>> -> memref<128x128xf32, #tpu.memory_space<hbm>>
        tpu.wait_dma2 semaphore(%arg19 : memref<!tpu.dma_semaphore, #tpu.memory_space<semaphore_mem>>) src(%dma_wait3A_207 : memref<128x128xf32, #tpu.memory_space<hbm>>) dst(%arg13 : memref<128x128xf32, #tpu.memory_space<vmem>>)
        %dma_wait3A_208 = arith.constant 0 : i32
        %dma_wait3A_209 = tpu.memref_slice %arg4[%dma_wait3A_208] : memref<640000xi32, #tpu.memory_space<hbm>> -> memref<320000xi32, #tpu.memory_space<hbm>>
        %dma_wait3A_210 = tpu.memref_slice %dma_wait3A_209[%add3A_203] : memref<320000xi32, #tpu.memory_space<hbm>> -> memref<128xi32, #tpu.memory_space<hbm>>
        %dma_wait3A_211 = arith.constant 0 : i32
        %dma_wait3A_212 = tpu.memref_slice %arg4[%dma_wait3A_211] : memref<640000xi32, #tpu.memory_space<hbm>> -> memref<320000xi32, #tpu.memory_space<hbm>>
        %dma_wait3A_213 = tpu.memref_slice %dma_wait3A_212[%add3A_203] : memref<320000xi32, #tpu.memory_space<hbm>> -> memref<128xi32, #tpu.memory_space<hbm>>
        tpu.wait_dma2 semaphore(%arg19 : memref<!tpu.dma_semaphore, #tpu.memory_space<semaphore_mem>>) src(%dma_wait3A_213 : memref<128xi32, #tpu.memory_space<hbm>>) dst(%arg7 : memref<128xi32, #tpu.memory_space<vmem>>)
        %dma_wait3A_214 = arith.constant 320000 : i32
        %dma_wait3A_215 = tpu.memref_slice %arg4[%dma_wait3A_214] : memref<640000xi32, #tpu.memory_space<hbm>> -> memref<320000xi32, #tpu.memory_space<hbm>>
        %dma_wait3A_216 = tpu.memref_slice %dma_wait3A_215[%add3A_203] : memref<320000xi32, #tpu.memory_space<hbm>> -> memref<128xi32, #tpu.memory_space<hbm>>
        %dma_wait3A_217 = arith.constant 320000 : i32
        %dma_wait3A_218 = tpu.memref_slice %arg4[%dma_wait3A_217] : memref<640000xi32, #tpu.memory_space<hbm>> -> memref<320000xi32, #tpu.memory_space<hbm>>
        %dma_wait3A_219 = tpu.memref_slice %dma_wait3A_218[%add3A_203] : memref<320000xi32, #tpu.memory_space<hbm>> -> memref<128xi32, #tpu.memory_space<hbm>>
        tpu.wait_dma2 semaphore(%arg19 : memref<!tpu.dma_semaphore, #tpu.memory_space<semaphore_mem>>) src(%dma_wait3A_219 : memref<128xi32, #tpu.memory_space<hbm>>) dst(%arg10 : memref<128xi32, #tpu.memory_space<vmem>>)
        %dma_start3A_220 = arith.constant 0 : i32
        %dma_start3A_221 = arith.constant 0 : i32
        %dma_start3A_222 = tpu.memref_slice %arg2[%dma_start3A_220, %dma_start3A_221] : memref<10000x128xf32, #tpu.memory_space<hbm>> -> memref<10000x128xf32, #tpu.memory_space<hbm>>
        tpu.enqueue_indirect_dma source(%dma_start3A_222 : memref<10000x128xf32, #tpu.memory_space<hbm>>) target(%arg13 : memref<128x128xf32, #tpu.memory_space<vmem>>) offsets(%arg7 : memref<128xi32, #tpu.memory_space<vmem>>) semaphore(%arg19 : memref<!tpu.dma_semaphore, #tpu.memory_space<semaphore_mem>>) {add = true}
      } else {
      }
      %dma_wait3A_186 = arith.constant 0 : i32
      %dma_wait3A_187 = arith.constant 0 : i32
      %dma_wait3A_188 = tpu.memref_slice %arg2[%dma_wait3A_186, %dma_wait3A_187] : memref<10000x128xf32, #tpu.memory_space<hbm>> -> memref<10000x128xf32, #tpu.memory_space<hbm>>
      tpu.wait_indirect_dma semaphore(%arg21 : memref<!tpu.dma_semaphore, #tpu.memory_space<semaphore_mem>>) src(%dma_wait3A_188 : memref<10000x128xf32, #tpu.memory_space<hbm>>) dst(%arg15 : memref<128x128xf32, #tpu.memory_space<vmem>>)
      %scan3A_189 = arith.constant 0 : i32
      %scan3A_190 = arith.constant 128 : i32
      %scan3A_191 = arith.addi %scan3A_189, %scan3A_190 : i32
      %scan3A_192 = arith.constant 1 : i32
      scf.for %scan3A_197 = %scan3A_189 to %scan3A_191 step %scan3A_192  : i32 {
        %mul3A_198 = arith.constant 1 : i32
        %mul3A_199 = arith.muli %scan3A_197, %mul3A_198 : i32
        %add3A_200 = arith.constant 0 : i32
        %add3A_201 = arith.addi %add3A_200, %mul3A_199 : i32
        %get3A = arith.index_cast %add3A_201 : i32 to index
        %get3A_202 = arith.constant 0 : index
        %get3A_203 = tpu.vector_load %arg15[%get3A, %get3A_202] {strides = array<i32>} : memref<128x128xf32, #tpu.memory_space<vmem>>, vector<1x16xf32>,
        %get3A_204 = vector.shape_cast %get3A_203 : vector<1x16xf32> to vector<16xf32>
        %max3A = arith.constant 0.000000e+00 : f32
        %max3A_205 = vector.broadcast %max3A : f32 to vector<16xf32>
        %max3A_206 = arith.maximumf %get3A_204, %max3A_205 : vector<16xf32>
        %swap3A = arith.index_cast %add3A_201 : i32 to index
        %swap3A_207 = arith.constant 0 : index
        %swap3A_208 = tpu.vector_load %arg15[%swap3A, %swap3A_207] {strides = array<i32>} : memref<128x128xf32, #tpu.memory_space<vmem>>, vector<1x16xf32>,
        %swap3A_209 = vector.shape_cast %swap3A_208 : vector<1x16xf32> to vector<16xf32>
        %swap3A_210 = vector.shape_cast %max3A_206 : vector<16xf32> to vector<1x16xf32>
        tpu.vector_store %arg15[%swap3A, %swap3A_207], %swap3A_210 {strides = array<i32>} : memref<128x128xf32, #tpu.memory_space<vmem>>, vector<1x16xf32>,
        %get3A_211 = arith.index_cast %add3A_201 : i32 to index
        %get3A_212 = arith.constant 16 : index
        %get3A_213 = tpu.vector_load %arg15[%get3A_211, %get3A_212] {strides = array<i32>} : memref<128x128xf32, #tpu.memory_space<vmem>>, vector<1x16xf32>,
        %get3A_214 = vector.shape_cast %get3A_213 : vector<1x16xf32> to vector<16xf32>
        %max3A_215 = arith.constant 0.000000e+00 : f32
        %max3A_216 = vector.broadcast %max3A_215 : f32 to vector<16xf32>
        %max3A_217 = arith.maximumf %get3A_214, %max3A_216 : vector<16xf32>
        %swap3A_218 = arith.index_cast %add3A_201 : i32 to index
        %swap3A_219 = arith.constant 16 : index
        %swap3A_220 = tpu.vector_load %arg15[%swap3A_218, %swap3A_219] {strides = array<i32>} : memref<128x128xf32, #tpu.memory_space<vmem>>, vector<1x16xf32>,
        %swap3A_221 = vector.shape_cast %swap3A_220 : vector<1x16xf32> to vector<16xf32>
        %swap3A_222 = vector.shape_cast %max3A_217 : vector<16xf32> to vector<1x16xf32>
        tpu.vector_store %arg15[%swap3A_218, %swap3A_219], %swap3A_222 {strides = array<i32>} : memref<128x128xf32, #tpu.memory_space<vmem>>, vector<1x16xf32>,
        %get3A_223 = arith.index_cast %add3A_201 : i32 to index
        %get3A_224 = arith.constant 32 : index
        %get3A_225 = tpu.vector_load %arg15[%get3A_223, %get3A_224] {strides = array<i32>} : memref<128x128xf32, #tpu.memory_space<vmem>>, vector<1x16xf32>,
        %get3A_226 = vector.shape_cast %get3A_225 : vector<1x16xf32> to vector<16xf32>
        %max3A_227 = arith.constant 0.000000e+00 : f32
        %max3A_228 = vector.broadcast %max3A_227 : f32 to vector<16xf32>
        %max3A_229 = arith.maximumf %get3A_226, %max3A_228 : vector<16xf32>
        %swap3A_230 = arith.index_cast %add3A_201 : i32 to index
        %swap3A_231 = arith.constant 32 : index
        %swap3A_232 = tpu.vector_load %arg15[%swap3A_230, %swap3A_231] {strides = array<i32>} : memref<128x128xf32, #tpu.memory_space<vmem>>, vector<1x16xf32>,
        %swap3A_233 = vector.shape_cast %swap3A_232 : vector<1x16xf32> to vector<16xf32>
        %swap3A_234 = vector.shape_cast %max3A_229 : vector<16xf32> to vector<1x16xf32>
        tpu.vector_store %arg15[%swap3A_230, %swap3A_231], %swap3A_234 {strides = array<i32>} : memref<128x128xf32, #tpu.memory_space<vmem>>, vector<1x16xf32>,
        %get3A_235 = arith.index_cast %add3A_201 : i32 to index
        %get3A_236 = arith.constant 48 : index
        %get3A_237 = tpu.vector_load %arg15[%get3A_235, %get3A_236] {strides = array<i32>} : memref<128x128xf32, #tpu.memory_space<vmem>>, vector<1x16xf32>,
        %get3A_238 = vector.shape_cast %get3A_237 : vector<1x16xf32> to vector<16xf32>
        %max3A_239 = arith.constant 0.000000e+00 : f32
        %max3A_240 = vector.broadcast %max3A_239 : f32 to vector<16xf32>
        %max3A_241 = arith.maximumf %get3A_238, %max3A_240 : vector<16xf32>
        %swap3A_242 = arith.index_cast %add3A_201 : i32 to index
        %swap3A_243 = arith.constant 48 : index
        %swap3A_244 = tpu.vector_load %arg15[%swap3A_242, %swap3A_243] {strides = array<i32>} : memref<128x128xf32, #tpu.memory_space<vmem>>, vector<1x16xf32>,
        %swap3A_245 = vector.shape_cast %swap3A_244 : vector<1x16xf32> to vector<16xf32>
        %swap3A_246 = vector.shape_cast %max3A_241 : vector<16xf32> to vector<1x16xf32>
        tpu.vector_store %arg15[%swap3A_242, %swap3A_243], %swap3A_246 {strides = array<i32>} : memref<128x128xf32, #tpu.memory_space<vmem>>, vector<1x16xf32>,
        %get3A_247 = arith.index_cast %add3A_201 : i32 to index
        %get3A_248 = arith.constant 64 : index
        %get3A_249 = tpu.vector_load %arg15[%get3A_247, %get3A_248] {strides = array<i32>} : memref<128x128xf32, #tpu.memory_space<vmem>>, vector<1x16xf32>,
        %get3A_250 = vector.shape_cast %get3A_249 : vector<1x16xf32> to vector<16xf32>
        %max3A_251 = arith.constant 0.000000e+00 : f32
        %max3A_252 = vector.broadcast %max3A_251 : f32 to vector<16xf32>
        %max3A_253 = arith.maximumf %get3A_250, %max3A_252 : vector<16xf32>
        %swap3A_254 = arith.index_cast %add3A_201 : i32 to index
        %swap3A_255 = arith.constant 64 : index
        %swap3A_256 = tpu.vector_load %arg15[%swap3A_254, %swap3A_255] {strides = array<i32>} : memref<128x128xf32, #tpu.memory_space<vmem>>, vector<1x16xf32>,
        %swap3A_257 = vector.shape_cast %swap3A_256 : vector<1x16xf32> to vector<16xf32>
        %swap3A_258 = vector.shape_cast %max3A_253 : vector<16xf32> to vector<1x16xf32>
        tpu.vector_store %arg15[%swap3A_254, %swap3A_255], %swap3A_258 {strides = array<i32>} : memref<128x128xf32, #tpu.memory_space<vmem>>, vector<1x16xf32>,
        %get3A_259 = arith.index_cast %add3A_201 : i32 to index
        %get3A_260 = arith.constant 80 : index
        %get3A_261 = tpu.vector_load %arg15[%get3A_259, %get3A_260] {strides = array<i32>} : memref<128x128xf32, #tpu.memory_space<vmem>>, vector<1x16xf32>,
        %get3A_262 = vector.shape_cast %get3A_261 : vector<1x16xf32> to vector<16xf32>
        %max3A_263 = arith.constant 0.000000e+00 : f32
        %max3A_264 = vector.broadcast %max3A_263 : f32 to vector<16xf32>
        %max3A_265 = arith.maximumf %get3A_262, %max3A_264 : vector<16xf32>
        %swap3A_266 = arith.index_cast %add3A_201 : i32 to index
        %swap3A_267 = arith.constant 80 : index
        %swap3A_268 = tpu.vector_load %arg15[%swap3A_266, %swap3A_267] {strides = array<i32>} : memref<128x128xf32, #tpu.memory_space<vmem>>, vector<1x16xf32>,
        %swap3A_269 = vector.shape_cast %swap3A_268 : vector<1x16xf32> to vector<16xf32>
        %swap3A_270 = vector.shape_cast %max3A_265 : vector<16xf32> to vector<1x16xf32>
        tpu.vector_store %arg15[%swap3A_266, %swap3A_267], %swap3A_270 {strides = array<i32>} : memref<128x128xf32, #tpu.memory_space<vmem>>, vector<1x16xf32>,
        %get3A_271 = arith.index_cast %add3A_201 : i32 to index
        %get3A_272 = arith.constant 96 : index
        %get3A_273 = tpu.vector_load %arg15[%get3A_271, %get3A_272] {strides = array<i32>} : memref<128x128xf32, #tpu.memory_space<vmem>>, vector<1x16xf32>,
        %get3A_274 = vector.shape_cast %get3A_273 : vector<1x16xf32> to vector<16xf32>
        %max3A_275 = arith.constant 0.000000e+00 : f32
        %max3A_276 = vector.broadcast %max3A_275 : f32 to vector<16xf32>
        %max3A_277 = arith.maximumf %get3A_274, %max3A_276 : vector<16xf32>
        %swap3A_278 = arith.index_cast %add3A_201 : i32 to index
        %swap3A_279 = arith.constant 96 : index
        %swap3A_280 = tpu.vector_load %arg15[%swap3A_278, %swap3A_279] {strides = array<i32>} : memref<128x128xf32, #tpu.memory_space<vmem>>, vector<1x16xf32>,
        %swap3A_281 = vector.shape_cast %swap3A_280 : vector<1x16xf32> to vector<16xf32>
        %swap3A_282 = vector.shape_cast %max3A_277 : vector<16xf32> to vector<1x16xf32>
        tpu.vector_store %arg15[%swap3A_278, %swap3A_279], %swap3A_282 {strides = array<i32>} : memref<128x128xf32, #tpu.memory_space<vmem>>, vector<1x16xf32>,
        %get3A_283 = arith.index_cast %add3A_201 : i32 to index
        %get3A_284 = arith.constant 112 : index
        %get3A_285 = tpu.vector_load %arg15[%get3A_283, %get3A_284] {strides = array<i32>} : memref<128x128xf32, #tpu.memory_space<vmem>>, vector<1x16xf32>,
        %get3A_286 = vector.shape_cast %get3A_285 : vector<1x16xf32> to vector<16xf32>
        %max3A_287 = arith.constant 0.000000e+00 : f32
        %max3A_288 = vector.broadcast %max3A_287 : f32 to vector<16xf32>
        %max3A_289 = arith.maximumf %get3A_286, %max3A_288 : vector<16xf32>
        %swap3A_290 = arith.index_cast %add3A_201 : i32 to index
        %swap3A_291 = arith.constant 112 : index
        %swap3A_292 = tpu.vector_load %arg15[%swap3A_290, %swap3A_291] {strides = array<i32>} : memref<128x128xf32, #tpu.memory_space<vmem>>, vector<1x16xf32>,
        %swap3A_293 = vector.shape_cast %swap3A_292 : vector<1x16xf32> to vector<16xf32>
        %swap3A_294 = vector.shape_cast %max3A_289 : vector<16xf32> to vector<1x16xf32>
        tpu.vector_store %arg15[%swap3A_290, %swap3A_291], %swap3A_294 {strides = array<i32>} : memref<128x128xf32, #tpu.memory_space<vmem>>, vector<1x16xf32>,
      }
      %scan3A_193 = arith.constant 128 : i32
      %dma_start3A_194 = arith.constant 0 : i32
      %dma_start3A_195 = arith.constant 0 : i32
      %dma_start3A_196 = tpu.memref_slice %arg18[%dma_start3A_194, %dma_start3A_195] : memref<10000x128xf32, #tpu.memory_space<vmem_shared>> -> memref<10000x128xf32, #tpu.memory_space<vmem_shared>>
      tpu.enqueue_indirect_dma source(%arg15 : memref<128x128xf32, #tpu.memory_space<vmem>>) target(%dma_start3A_196 : memref<10000x128xf32, #tpu.memory_space<vmem_shared>>) offsets(%arg12 : memref<128xi32, #tpu.memory_space<vmem>>) semaphore(%arg21 : memref<!tpu.dma_semaphore, #tpu.memory_space<semaphore_mem>>) {add = true}
    }
    %scan3A_71 = arith.constant 26 : i32
    %dma_wait3A_72 = arith.constant 0 : i32
    %dma_wait3A_73 = arith.constant 0 : i32
    %dma_wait3A_74 = tpu.memref_slice %arg18[%dma_wait3A_72, %dma_wait3A_73] : memref<10000x128xf32, #tpu.memory_space<vmem_shared>> -> memref<10000x128xf32, #tpu.memory_space<vmem_shared>>
    tpu.wait_indirect_dma semaphore(%arg19 : memref<!tpu.dma_semaphore, #tpu.memory_space<semaphore_mem>>) src(%arg13 : memref<128x128xf32, #tpu.memory_space<vmem>>) dst(%dma_wait3A_74 : memref<10000x128xf32, #tpu.memory_space<vmem_shared>>)
    %dma_wait3A_75 = arith.constant 0 : i32
    %dma_wait3A_76 = arith.constant 0 : i32
    %dma_wait3A_77 = tpu.memref_slice %arg18[%dma_wait3A_75, %dma_wait3A_76] : memref<10000x128xf32, #tpu.memory_space<vmem_shared>> -> memref<10000x128xf32, #tpu.memory_space<vmem_shared>>
    tpu.wait_indirect_dma semaphore(%arg20 : memref<!tpu.dma_semaphore, #tpu.memory_space<semaphore_mem>>) src(%arg14 : memref<128x128xf32, #tpu.memory_space<vmem>>) dst(%dma_wait3A_77 : memref<10000x128xf32, #tpu.memory_space<vmem_shared>>)
    %dma_wait3A_78 = arith.constant 0 : i32
    %dma_wait3A_79 = arith.constant 0 : i32
    %dma_wait3A_80 = tpu.memref_slice %arg18[%dma_wait3A_78, %dma_wait3A_79] : memref<10000x128xf32, #tpu.memory_space<vmem_shared>> -> memref<10000x128xf32, #tpu.memory_space<vmem_shared>>
    tpu.wait_indirect_dma semaphore(%arg21 : memref<!tpu.dma_semaphore, #tpu.memory_space<semaphore_mem>>) src(%arg15 : memref<128x128xf32, #tpu.memory_space<vmem>>) dst(%dma_wait3A_80 : memref<10000x128xf32, #tpu.memory_space<vmem_shared>>)
    %mul3A_81 = arith.constant 10000 : i32
    %mul3A_82 = arith.muli %add3A, %mul3A_81 : i32
    %add3A_83 = arith.constant 9984 : i32
    %add3A_84 = arith.addi %mul3A_82, %add3A_83 : i32
    "tpu.region"() ({
      %run_scoped3A = tpu.sem_alloc : memref<!tpu.dma_semaphore, #tpu.memory_space<semaphore_mem>>
      %dma_start3A_112 = arith.constant 0 : i32
      %dma_start3A_113 = tpu.memref_slice %arg4[%dma_start3A_112] : memref<640000xi32, #tpu.memory_space<hbm>> -> memref<320000xi32, #tpu.memory_space<hbm>>
      %dma_start3A_114 = tpu.memref_slice %dma_start3A_113[%add3A_84] : memref<320000xi32, #tpu.memory_space<hbm>> -> memref<16xi32, #tpu.memory_space<hbm>>
      %dma_start3A_115 = arith.constant 0 : i32
      %dma_start3A_116 = tpu.memref_slice %arg4[%dma_start3A_115] : memref<640000xi32, #tpu.memory_space<hbm>> -> memref<320000xi32, #tpu.memory_space<hbm>>
      %dma_start3A_117 = tpu.memref_slice %dma_start3A_116[%add3A_84] : memref<320000xi32, #tpu.memory_space<hbm>> -> memref<16xi32, #tpu.memory_space<hbm>>
      tpu.enqueue_dma source(%dma_start3A_117 : memref<16xi32, #tpu.memory_space<hbm>>) target(%arg16 : memref<16xi32, #tpu.memory_space<vmem>>) target_semaphore(%run_scoped3A : memref<!tpu.dma_semaphore, #tpu.memory_space<semaphore_mem>>)
      %dma_wait3A_118 = arith.constant 0 : i32
      %dma_wait3A_119 = tpu.memref_slice %arg4[%dma_wait3A_118] : memref<640000xi32, #tpu.memory_space<hbm>> -> memref<320000xi32, #tpu.memory_space<hbm>>
      %dma_wait3A_120 = tpu.memref_slice %dma_wait3A_119[%add3A_84] : memref<320000xi32, #tpu.memory_space<hbm>> -> memref<16xi32, #tpu.memory_space<hbm>>
      %dma_wait3A_121 = arith.constant 0 : i32
      %dma_wait3A_122 = tpu.memref_slice %arg4[%dma_wait3A_121] : memref<640000xi32, #tpu.memory_space<hbm>> -> memref<320000xi32, #tpu.memory_space<hbm>>
      %dma_wait3A_123 = tpu.memref_slice %dma_wait3A_122[%add3A_84] : memref<320000xi32, #tpu.memory_space<hbm>> -> memref<16xi32, #tpu.memory_space<hbm>>
      tpu.wait_dma2 semaphore(%run_scoped3A : memref<!tpu.dma_semaphore, #tpu.memory_space<semaphore_mem>>) src(%dma_wait3A_123 : memref<16xi32, #tpu.memory_space<hbm>>) dst(%arg16 : memref<16xi32, #tpu.memory_space<vmem>>)
      tpu.yield
    }) : () -> ()
    "tpu.region"() ({
      %run_scoped3A = tpu.sem_alloc : memref<!tpu.dma_semaphore, #tpu.memory_space<semaphore_mem>>
      %dma_start3A_112 = arith.constant 320000 : i32
      %dma_start3A_113 = tpu.memref_slice %arg4[%dma_start3A_112] : memref<640000xi32, #tpu.memory_space<hbm>> -> memref<320000xi32, #tpu.memory_space<hbm>>
      %dma_start3A_114 = tpu.memref_slice %dma_start3A_113[%add3A_84] : memref<320000xi32, #tpu.memory_space<hbm>> -> memref<16xi32, #tpu.memory_space<hbm>>
      %dma_start3A_115 = arith.constant 320000 : i32
      %dma_start3A_116 = tpu.memref_slice %arg4[%dma_start3A_115] : memref<640000xi32, #tpu.memory_space<hbm>> -> memref<320000xi32, #tpu.memory_space<hbm>>
      %dma_start3A_117 = tpu.memref_slice %dma_start3A_116[%add3A_84] : memref<320000xi32, #tpu.memory_space<hbm>> -> memref<16xi32, #tpu.memory_space<hbm>>
      tpu.enqueue_dma source(%dma_start3A_117 : memref<16xi32, #tpu.memory_space<hbm>>) target(%arg17 : memref<16xi32, #tpu.memory_space<vmem>>) target_semaphore(%run_scoped3A : memref<!tpu.dma_semaphore, #tpu.memory_space<semaphore_mem>>)
      %dma_wait3A_118 = arith.constant 320000 : i32
      %dma_wait3A_119 = tpu.memref_slice %arg4[%dma_wait3A_118] : memref<640000xi32, #tpu.memory_space<hbm>> -> memref<320000xi32, #tpu.memory_space<hbm>>
      %dma_wait3A_120 = tpu.memref_slice %dma_wait3A_119[%add3A_84] : memref<320000xi32, #tpu.memory_space<hbm>> -> memref<16xi32, #tpu.memory_space<hbm>>
      %dma_wait3A_121 = arith.constant 320000 : i32
      %dma_wait3A_122 = tpu.memref_slice %arg4[%dma_wait3A_121] : memref<640000xi32, #tpu.memory_space<hbm>> -> memref<320000xi32, #tpu.memory_space<hbm>>
      %dma_wait3A_123 = tpu.memref_slice %dma_wait3A_122[%add3A_84] : memref<320000xi32, #tpu.memory_space<hbm>> -> memref<16xi32, #tpu.memory_space<hbm>>
      tpu.wait_dma2 semaphore(%run_scoped3A : memref<!tpu.dma_semaphore, #tpu.memory_space<semaphore_mem>>) src(%dma_wait3A_123 : memref<16xi32, #tpu.memory_space<hbm>>) dst(%arg17 : memref<16xi32, #tpu.memory_space<vmem>>)
      tpu.yield
    }) : () -> ()
    "tpu.region"() ({
      %run_scoped3A = tpu.sem_alloc : memref<!tpu.dma_semaphore, #tpu.memory_space<semaphore_mem>>
      %dma_start3A_112 = arith.constant 0 : i32
      %dma_start3A_113 = arith.constant 0 : i32
      %dma_start3A_114 = tpu.memref_slice %arg13[%dma_start3A_112, %dma_start3A_113] : memref<128x128xf32, #tpu.memory_space<vmem>> -> memref<16x128xf32, #tpu.memory_space<vmem>>
      %dma_start3A_115 = arith.constant 0 : i32
      %dma_start3A_116 = tpu.memref_slice %arg3[%add3A_84, %dma_start3A_115] : memref<320000x128xf32, #tpu.memory_space<hbm>> -> memref<16x128xf32, #tpu.memory_space<hbm>>
      %dma_start3A_117 = arith.constant 0 : i32
      %dma_start3A_118 = arith.constant 0 : i32
      %dma_start3A_119 = tpu.memref_slice %arg13[%dma_start3A_117, %dma_start3A_118] : memref<128x128xf32, #tpu.memory_space<vmem>> -> memref<16x128xf32, #tpu.memory_space<vmem>>
      %dma_start3A_120 = arith.constant 0 : i32
      %dma_start3A_121 = tpu.memref_slice %arg3[%add3A_84, %dma_start3A_120] : memref<320000x128xf32, #tpu.memory_space<hbm>> -> memref<16x128xf32, #tpu.memory_space<hbm>>
      tpu.enqueue_dma source(%dma_start3A_121 : memref<16x128xf32, #tpu.memory_space<hbm>>) target(%dma_start3A_119 : memref<16x128xf32, #tpu.memory_space<vmem>>) target_semaphore(%run_scoped3A : memref<!tpu.dma_semaphore, #tpu.memory_space<semaphore_mem>>)
      %dma_wait3A_122 = arith.constant 0 : i32
      %dma_wait3A_123 = arith.constant 0 : i32
      %dma_wait3A_124 = tpu.memref_slice %arg13[%dma_wait3A_122, %dma_wait3A_123] : memref<128x128xf32, #tpu.memory_space<vmem>> -> memref<16x128xf32, #tpu.memory_space<vmem>>
      %dma_wait3A_125 = arith.constant 0 : i32
      %dma_wait3A_126 = tpu.memref_slice %arg3[%add3A_84, %dma_wait3A_125] : memref<320000x128xf32, #tpu.memory_space<hbm>> -> memref<16x128xf32, #tpu.memory_space<hbm>>
      %dma_wait3A_127 = arith.constant 0 : i32
      %dma_wait3A_128 = arith.constant 0 : i32
      %dma_wait3A_129 = tpu.memref_slice %arg13[%dma_wait3A_127, %dma_wait3A_128] : memref<128x128xf32, #tpu.memory_space<vmem>> -> memref<16x128xf32, #tpu.memory_space<vmem>>
      %dma_wait3A_130 = arith.constant 0 : i32
      %dma_wait3A_131 = tpu.memref_slice %arg3[%add3A_84, %dma_wait3A_130] : memref<320000x128xf32, #tpu.memory_space<hbm>> -> memref<16x128xf32, #tpu.memory_space<hbm>>
      tpu.wait_dma2 semaphore(%run_scoped3A : memref<!tpu.dma_semaphore, #tpu.memory_space<semaphore_mem>>) src(%dma_wait3A_131 : memref<16x128xf32, #tpu.memory_space<hbm>>) dst(%dma_wait3A_129 : memref<16x128xf32, #tpu.memory_space<vmem>>)
      tpu.yield
    }) : () -> ()
    %dma_start3A_85 = arith.constant 0 : i32
    %dma_start3A_86 = arith.constant 0 : i32
    %dma_start3A_87 = tpu.memref_slice %arg13[%dma_start3A_85, %dma_start3A_86] : memref<128x128xf32, #tpu.memory_space<vmem>> -> memref<16x128xf32, #tpu.memory_space<vmem>>
    %dma_start3A_88 = arith.constant 0 : i32
    %dma_start3A_89 = arith.constant 0 : i32
    %dma_start3A_90 = tpu.memref_slice %arg2[%dma_start3A_88, %dma_start3A_89] : memref<10000x128xf32, #tpu.memory_space<hbm>> -> memref<10000x128xf32, #tpu.memory_space<hbm>>
    tpu.enqueue_indirect_dma source(%dma_start3A_90 : memref<10000x128xf32, #tpu.memory_space<hbm>>) target(%dma_start3A_87 : memref<16x128xf32, #tpu.memory_space<vmem>>) offsets(%arg16 : memref<16xi32, #tpu.memory_space<vmem>>) semaphore(%arg19 : memref<!tpu.dma_semaphore, #tpu.memory_space<semaphore_mem>>) {add = true}
    %dma_wait3A_91 = arith.constant 0 : i32
    %dma_wait3A_92 = arith.constant 0 : i32
    %dma_wait3A_93 = tpu.memref_slice %arg13[%dma_wait3A_91, %dma_wait3A_92] : memref<128x128xf32, #tpu.memory_space<vmem>> -> memref<16x128xf32, #tpu.memory_space<vmem>>
    %dma_wait3A_94 = arith.constant 0 : i32
    %dma_wait3A_95 = arith.constant 0 : i32
    %dma_wait3A_96 = tpu.memref_slice %arg2[%dma_wait3A_94, %dma_wait3A_95] : memref<10000x128xf32, #tpu.memory_space<hbm>> -> memref<10000x128xf32, #tpu.memory_space<hbm>>
    tpu.wait_indirect_dma semaphore(%arg19 : memref<!tpu.dma_semaphore, #tpu.memory_space<semaphore_mem>>) src(%dma_wait3A_96 : memref<10000x128xf32, #tpu.memory_space<hbm>>) dst(%dma_wait3A_93 : memref<16x128xf32, #tpu.memory_space<vmem>>)
    %scan3A_97 = arith.constant 0 : i32
    %scan3A_98 = arith.constant 16 : i32
    %scan3A_99 = arith.addi %scan3A_97, %scan3A_98 : i32
    %scan3A_100 = arith.constant 1 : i32
    scf.for %scan3A_112 = %scan3A_97 to %scan3A_99 step %scan3A_100  : i32 {
      %mul3A_113 = arith.constant 1 : i32
      %mul3A_114 = arith.muli %scan3A_112, %mul3A_113 : i32
      %add3A_115 = arith.constant 0 : i32
      %add3A_116 = arith.addi %add3A_115, %mul3A_114 : i32
      %get3A = arith.index_cast %add3A_116 : i32 to index
      %get3A_117 = arith.constant 0 : index
      %get3A_118 = tpu.vector_load %arg13[%get3A, %get3A_117] {strides = array<i32>} : memref<128x128xf32, #tpu.memory_space<vmem>>, vector<1x16xf32>,
      %get3A_119 = vector.shape_cast %get3A_118 : vector<1x16xf32> to vector<16xf32>
      %max3A = arith.constant 0.000000e+00 : f32
      %max3A_120 = vector.broadcast %max3A : f32 to vector<16xf32>
      %max3A_121 = arith.maximumf %get3A_119, %max3A_120 : vector<16xf32>
      %swap3A = arith.index_cast %add3A_116 : i32 to index
      %swap3A_122 = arith.constant 0 : index
      %swap3A_123 = tpu.vector_load %arg13[%swap3A, %swap3A_122] {strides = array<i32>} : memref<128x128xf32, #tpu.memory_space<vmem>>, vector<1x16xf32>,
      %swap3A_124 = vector.shape_cast %swap3A_123 : vector<1x16xf32> to vector<16xf32>
      %swap3A_125 = vector.shape_cast %max3A_121 : vector<16xf32> to vector<1x16xf32>
      tpu.vector_store %arg13[%swap3A, %swap3A_122], %swap3A_125 {strides = array<i32>} : memref<128x128xf32, #tpu.memory_space<vmem>>, vector<1x16xf32>,
      %get3A_126 = arith.index_cast %add3A_116 : i32 to index
      %get3A_127 = arith.constant 16 : index
      %get3A_128 = tpu.vector_load %arg13[%get3A_126, %get3A_127] {strides = array<i32>} : memref<128x128xf32, #tpu.memory_space<vmem>>, vector<1x16xf32>,
      %get3A_129 = vector.shape_cast %get3A_128 : vector<1x16xf32> to vector<16xf32>
      %max3A_130 = arith.constant 0.000000e+00 : f32
      %max3A_131 = vector.broadcast %max3A_130 : f32 to vector<16xf32>
      %max3A_132 = arith.maximumf %get3A_129, %max3A_131 : vector<16xf32>
      %swap3A_133 = arith.index_cast %add3A_116 : i32 to index
      %swap3A_134 = arith.constant 16 : index
      %swap3A_135 = tpu.vector_load %arg13[%swap3A_133, %swap3A_134] {strides = array<i32>} : memref<128x128xf32, #tpu.memory_space<vmem>>, vector<1x16xf32>,
      %swap3A_136 = vector.shape_cast %swap3A_135 : vector<1x16xf32> to vector<16xf32>
      %swap3A_137 = vector.shape_cast %max3A_132 : vector<16xf32> to vector<1x16xf32>
      tpu.vector_store %arg13[%swap3A_133, %swap3A_134], %swap3A_137 {strides = array<i32>} : memref<128x128xf32, #tpu.memory_space<vmem>>, vector<1x16xf32>,
      %get3A_138 = arith.index_cast %add3A_116 : i32 to index
      %get3A_139 = arith.constant 32 : index
      %get3A_140 = tpu.vector_load %arg13[%get3A_138, %get3A_139] {strides = array<i32>} : memref<128x128xf32, #tpu.memory_space<vmem>>, vector<1x16xf32>,
      %get3A_141 = vector.shape_cast %get3A_140 : vector<1x16xf32> to vector<16xf32>
      %max3A_142 = arith.constant 0.000000e+00 : f32
      %max3A_143 = vector.broadcast %max3A_142 : f32 to vector<16xf32>
      %max3A_144 = arith.maximumf %get3A_141, %max3A_143 : vector<16xf32>
      %swap3A_145 = arith.index_cast %add3A_116 : i32 to index
      %swap3A_146 = arith.constant 32 : index
      %swap3A_147 = tpu.vector_load %arg13[%swap3A_145, %swap3A_146] {strides = array<i32>} : memref<128x128xf32, #tpu.memory_space<vmem>>, vector<1x16xf32>,
      %swap3A_148 = vector.shape_cast %swap3A_147 : vector<1x16xf32> to vector<16xf32>
      %swap3A_149 = vector.shape_cast %max3A_144 : vector<16xf32> to vector<1x16xf32>
      tpu.vector_store %arg13[%swap3A_145, %swap3A_146], %swap3A_149 {strides = array<i32>} : memref<128x128xf32, #tpu.memory_space<vmem>>, vector<1x16xf32>,
      %get3A_150 = arith.index_cast %add3A_116 : i32 to index
      %get3A_151 = arith.constant 48 : index
      %get3A_152 = tpu.vector_load %arg13[%get3A_150, %get3A_151] {strides = array<i32>} : memref<128x128xf32, #tpu.memory_space<vmem>>, vector<1x16xf32>,
      %get3A_153 = vector.shape_cast %get3A_152 : vector<1x16xf32> to vector<16xf32>
      %max3A_154 = arith.constant 0.000000e+00 : f32
      %max3A_155 = vector.broadcast %max3A_154 : f32 to vector<16xf32>
      %max3A_156 = arith.maximumf %get3A_153, %max3A_155 : vector<16xf32>
      %swap3A_157 = arith.index_cast %add3A_116 : i32 to index
      %swap3A_158 = arith.constant 48 : index
      %swap3A_159 = tpu.vector_load %arg13[%swap3A_157, %swap3A_158] {strides = array<i32>} : memref<128x128xf32, #tpu.memory_space<vmem>>, vector<1x16xf32>,
      %swap3A_160 = vector.shape_cast %swap3A_159 : vector<1x16xf32> to vector<16xf32>
      %swap3A_161 = vector.shape_cast %max3A_156 : vector<16xf32> to vector<1x16xf32>
      tpu.vector_store %arg13[%swap3A_157, %swap3A_158], %swap3A_161 {strides = array<i32>} : memref<128x128xf32, #tpu.memory_space<vmem>>, vector<1x16xf32>,
      %get3A_162 = arith.index_cast %add3A_116 : i32 to index
      %get3A_163 = arith.constant 64 : index
      %get3A_164 = tpu.vector_load %arg13[%get3A_162, %get3A_163] {strides = array<i32>} : memref<128x128xf32, #tpu.memory_space<vmem>>, vector<1x16xf32>,
      %get3A_165 = vector.shape_cast %get3A_164 : vector<1x16xf32> to vector<16xf32>
      %max3A_166 = arith.constant 0.000000e+00 : f32
      %max3A_167 = vector.broadcast %max3A_166 : f32 to vector<16xf32>
      %max3A_168 = arith.maximumf %get3A_165, %max3A_167 : vector<16xf32>
      %swap3A_169 = arith.index_cast %add3A_116 : i32 to index
      %swap3A_170 = arith.constant 64 : index
      %swap3A_171 = tpu.vector_load %arg13[%swap3A_169, %swap3A_170] {strides = array<i32>} : memref<128x128xf32, #tpu.memory_space<vmem>>, vector<1x16xf32>,
      %swap3A_172 = vector.shape_cast %swap3A_171 : vector<1x16xf32> to vector<16xf32>
      %swap3A_173 = vector.shape_cast %max3A_168 : vector<16xf32> to vector<1x16xf32>
      tpu.vector_store %arg13[%swap3A_169, %swap3A_170], %swap3A_173 {strides = array<i32>} : memref<128x128xf32, #tpu.memory_space<vmem>>, vector<1x16xf32>,
      %get3A_174 = arith.index_cast %add3A_116 : i32 to index
      %get3A_175 = arith.constant 80 : index
      %get3A_176 = tpu.vector_load %arg13[%get3A_174, %get3A_175] {strides = array<i32>} : memref<128x128xf32, #tpu.memory_space<vmem>>, vector<1x16xf32>,
      %get3A_177 = vector.shape_cast %get3A_176 : vector<1x16xf32> to vector<16xf32>
      %max3A_178 = arith.constant 0.000000e+00 : f32
      %max3A_179 = vector.broadcast %max3A_178 : f32 to vector<16xf32>
      %max3A_180 = arith.maximumf %get3A_177, %max3A_179 : vector<16xf32>
      %swap3A_181 = arith.index_cast %add3A_116 : i32 to index
      %swap3A_182 = arith.constant 80 : index
      %swap3A_183 = tpu.vector_load %arg13[%swap3A_181, %swap3A_182] {strides = array<i32>} : memref<128x128xf32, #tpu.memory_space<vmem>>, vector<1x16xf32>,
      %swap3A_184 = vector.shape_cast %swap3A_183 : vector<1x16xf32> to vector<16xf32>
      %swap3A_185 = vector.shape_cast %max3A_180 : vector<16xf32> to vector<1x16xf32>
      tpu.vector_store %arg13[%swap3A_181, %swap3A_182], %swap3A_185 {strides = array<i32>} : memref<128x128xf32, #tpu.memory_space<vmem>>, vector<1x16xf32>,
      %get3A_186 = arith.index_cast %add3A_116 : i32 to index
      %get3A_187 = arith.constant 96 : index
      %get3A_188 = tpu.vector_load %arg13[%get3A_186, %get3A_187] {strides = array<i32>} : memref<128x128xf32, #tpu.memory_space<vmem>>, vector<1x16xf32>,
      %get3A_189 = vector.shape_cast %get3A_188 : vector<1x16xf32> to vector<16xf32>
      %max3A_190 = arith.constant 0.000000e+00 : f32
      %max3A_191 = vector.broadcast %max3A_190 : f32 to vector<16xf32>
      %max3A_192 = arith.maximumf %get3A_189, %max3A_191 : vector<16xf32>
      %swap3A_193 = arith.index_cast %add3A_116 : i32 to index
      %swap3A_194 = arith.constant 96 : index
      %swap3A_195 = tpu.vector_load %arg13[%swap3A_193, %swap3A_194] {strides = array<i32>} : memref<128x128xf32, #tpu.memory_space<vmem>>, vector<1x16xf32>,
      %swap3A_196 = vector.shape_cast %swap3A_195 : vector<1x16xf32> to vector<16xf32>
      %swap3A_197 = vector.shape_cast %max3A_192 : vector<16xf32> to vector<1x16xf32>
      tpu.vector_store %arg13[%swap3A_193, %swap3A_194], %swap3A_197 {strides = array<i32>} : memref<128x128xf32, #tpu.memory_space<vmem>>, vector<1x16xf32>,
      %get3A_198 = arith.index_cast %add3A_116 : i32 to index
      %get3A_199 = arith.constant 112 : index
      %get3A_200 = tpu.vector_load %arg13[%get3A_198, %get3A_199] {strides = array<i32>} : memref<128x128xf32, #tpu.memory_space<vmem>>, vector<1x16xf32>,
      %get3A_201 = vector.shape_cast %get3A_200 : vector<1x16xf32> to vector<16xf32>
      %max3A_202 = arith.constant 0.000000e+00 : f32
      %max3A_203 = vector.broadcast %max3A_202 : f32 to vector<16xf32>
      %max3A_204 = arith.maximumf %get3A_201, %max3A_203 : vector<16xf32>
      %swap3A_205 = arith.index_cast %add3A_116 : i32 to index
      %swap3A_206 = arith.constant 112 : index
      %swap3A_207 = tpu.vector_load %arg13[%swap3A_205, %swap3A_206] {strides = array<i32>} : memref<128x128xf32, #tpu.memory_space<vmem>>, vector<1x16xf32>,
      %swap3A_208 = vector.shape_cast %swap3A_207 : vector<1x16xf32> to vector<16xf32>
      %swap3A_209 = vector.shape_cast %max3A_204 : vector<16xf32> to vector<1x16xf32>
      tpu.vector_store %arg13[%swap3A_205, %swap3A_206], %swap3A_209 {strides = array<i32>} : memref<128x128xf32, #tpu.memory_space<vmem>>, vector<1x16xf32>,
    }
    %scan3A_101 = arith.constant 16 : i32
    "tpu.region"() ({
      %run_scoped3A = tpu.sem_alloc : memref<!tpu.dma_semaphore, #tpu.memory_space<semaphore_mem>>
      %dma_start3A_112 = arith.constant 0 : i32
      %dma_start3A_113 = arith.constant 0 : i32
      %dma_start3A_114 = tpu.memref_slice %arg13[%dma_start3A_112, %dma_start3A_113] : memref<128x128xf32, #tpu.memory_space<vmem>> -> memref<16x128xf32, #tpu.memory_space<vmem>>
      %dma_start3A_115 = arith.constant 0 : i32
      %dma_start3A_116 = arith.constant 0 : i32
      %dma_start3A_117 = tpu.memref_slice %arg18[%dma_start3A_115, %dma_start3A_116] : memref<10000x128xf32, #tpu.memory_space<vmem_shared>> -> memref<10000x128xf32, #tpu.memory_space<vmem_shared>>
      tpu.enqueue_indirect_dma source(%dma_start3A_114 : memref<16x128xf32, #tpu.memory_space<vmem>>) target(%dma_start3A_117 : memref<10000x128xf32, #tpu.memory_space<vmem_shared>>) offsets(%arg17 : memref<16xi32, #tpu.memory_space<vmem>>) semaphore(%run_scoped3A : memref<!tpu.dma_semaphore, #tpu.memory_space<semaphore_mem>>) {add = true}
      %dma_wait3A_118 = arith.constant 0 : i32
      %dma_wait3A_119 = arith.constant 0 : i32
      %dma_wait3A_120 = tpu.memref_slice %arg13[%dma_wait3A_118, %dma_wait3A_119] : memref<128x128xf32, #tpu.memory_space<vmem>> -> memref<16x128xf32, #tpu.memory_space<vmem>>
      %dma_wait3A_121 = arith.constant 0 : i32
      %dma_wait3A_122 = arith.constant 0 : i32
      %dma_wait3A_123 = tpu.memref_slice %arg18[%dma_wait3A_121, %dma_wait3A_122] : memref<10000x128xf32, #tpu.memory_space<vmem_shared>> -> memref<10000x128xf32, #tpu.memory_space<vmem_shared>>
      tpu.wait_indirect_dma semaphore(%run_scoped3A : memref<!tpu.dma_semaphore, #tpu.memory_space<semaphore_mem>>) src(%dma_wait3A_120 : memref<16x128xf32, #tpu.memory_space<vmem>>) dst(%dma_wait3A_123 : memref<10000x128xf32, #tpu.memory_space<vmem_shared>>)
      tpu.yield
    }) : () -> ()
    %barrier3A_102 = arith.constant 0 : index
    tpu.barrier barrier_id(%barrier3A_102)
    %mul3A_103 = arith.constant 624 : i32
    %mul3A_104 = arith.muli %arg1, %mul3A_103 : i32
    %mul3A_105 = arith.constant 624 : i32
    %mul3A_106 = arith.muli %arg1, %mul3A_105 : i32
    "tpu.region"() ({
      %run_scoped3A = tpu.sem_alloc : memref<!tpu.dma_semaphore, #tpu.memory_space<semaphore_mem>>
      %dma_start3A_112 = arith.constant 0 : i32
      %dma_start3A_113 = arith.constant 0 : i32
      %dma_start3A_114 = tpu.memref_slice %arg6[%arg0, %dma_start3A_112, %dma_start3A_113] : memref<2x10000x128xf32, #tpu.memory_space<hbm>> -> memref<1x10000x128xf32, #tpu.memory_space<hbm>>
      %dma_start3A_115 = tpu.memref_squeeze %dma_start3A_114 : memref<1x10000x128xf32, #tpu.memory_space<hbm>> -> memref<10000x128xf32, #tpu.memory_space<hbm>>
      %dma_start3A_116 = arith.constant 0 : i32
      %dma_start3A_117 = tpu.memref_slice %dma_start3A_115[%mul3A_106, %dma_start3A_116] : memref<10000x128xf32, #tpu.memory_space<hbm>> -> memref<624x128xf32, #tpu.memory_space<hbm>>
      %dma_start3A_118 = arith.constant 0 : i32
      %dma_start3A_119 = tpu.memref_slice %arg18[%mul3A_104, %dma_start3A_118] : memref<10000x128xf32, #tpu.memory_space<vmem_shared>> -> memref<624x128xf32, #tpu.memory_space<vmem_shared>>
      tpu.enqueue_dma source(%dma_start3A_119 : memref<624x128xf32, #tpu.memory_space<vmem_shared>>) target(%dma_start3A_117 : memref<624x128xf32, #tpu.memory_space<hbm>>) target_semaphore(%run_scoped3A : memref<!tpu.dma_semaphore, #tpu.memory_space<semaphore_mem>>)
      %dma_wait3A_120 = arith.constant 0 : i32
      %dma_wait3A_121 = arith.constant 0 : i32
      %dma_wait3A_122 = tpu.memref_slice %arg6[%arg0, %dma_wait3A_120, %dma_wait3A_121] : memref<2x10000x128xf32, #tpu.memory_space<hbm>> -> memref<1x10000x128xf32, #tpu.memory_space<hbm>>
      %dma_wait3A_123 = tpu.memref_squeeze %dma_wait3A_122 : memref<1x10000x128xf32, #tpu.memory_space<hbm>> -> memref<10000x128xf32, #tpu.memory_space<hbm>>
      %dma_wait3A_124 = arith.constant 0 : i32
      %dma_wait3A_125 = tpu.memref_slice %dma_wait3A_123[%mul3A_106, %dma_wait3A_124] : memref<10000x128xf32, #tpu.memory_space<hbm>> -> memref<624x128xf32, #tpu.memory_space<hbm>>
      %dma_wait3A_126 = arith.constant 0 : i32
      %dma_wait3A_127 = tpu.memref_slice %arg18[%mul3A_104, %dma_wait3A_126] : memref<10000x128xf32, #tpu.memory_space<vmem_shared>> -> memref<624x128xf32, #tpu.memory_space<vmem_shared>>
      tpu.wait_dma2 semaphore(%run_scoped3A : memref<!tpu.dma_semaphore, #tpu.memory_space<semaphore_mem>>) src(%dma_wait3A_127 : memref<624x128xf32, #tpu.memory_space<vmem_shared>>) dst(%dma_wait3A_125 : memref<624x128xf32, #tpu.memory_space<hbm>>)
      tpu.yield
    }) : () -> ()
    %eq3A_107 = arith.constant 0 : i32
    %eq3A_108 = arith.cmpi eq, %arg1, %eq3A_107 : i32
    %convert_element_type3A_109 = arith.extui %eq3A_108 : i1 to i32
    %cond3A_110 = arith.constant 0 : i32
    %cond3A_111 = arith.cmpi ne, %convert_element_type3A_109, %cond3A_110 : i32
    scf.if %cond3A_111 {
      "tpu.region"() ({
        %run_scoped3A = tpu.sem_alloc : memref<!tpu.dma_semaphore, #tpu.memory_space<semaphore_mem>>
        %dma_start3A_112 = arith.constant 0 : i32
        %dma_start3A_113 = arith.constant 0 : i32
        %dma_start3A_114 = tpu.memref_slice %arg6[%arg0, %dma_start3A_112, %dma_start3A_113] : memref<2x10000x128xf32, #tpu.memory_space<hbm>> -> memref<1x10000x128xf32, #tpu.memory_space<hbm>>
        %dma_start3A_115 = tpu.memref_squeeze %dma_start3A_114 : memref<1x10000x128xf32, #tpu.memory_space<hbm>> -> memref<10000x128xf32, #tpu.memory_space<hbm>>
        %dma_start3A_116 = arith.constant 9984 : i32
        %dma_start3A_117 = arith.constant 0 : i32
        %dma_start3A_118 = tpu.memref_slice %dma_start3A_115[%dma_start3A_116, %dma_start3A_117] : memref<10000x128xf32, #tpu.memory_space<hbm>> -> memref<16x128xf32, #tpu.memory_space<hbm>>
        %dma_start3A_119 = arith.constant 9984 : i32
        %dma_start3A_120 = arith.constant 0 : i32
        %dma_start3A_121 = tpu.memref_slice %arg18[%dma_start3A_119, %dma_start3A_120] : memref<10000x128xf32, #tpu.memory_space<vmem_shared>> -> memref<16x128xf32, #tpu.memory_space<vmem_shared>>
        tpu.enqueue_dma source(%dma_start3A_121 : memref<16x128xf32, #tpu.memory_space<vmem_shared>>) target(%dma_start3A_118 : memref<16x128xf32, #tpu.memory_space<hbm>>) target_semaphore(%run_scoped3A : memref<!tpu.dma_semaphore, #tpu.memory_space<semaphore_mem>>)
        %dma_wait3A_122 = arith.constant 0 : i32
        %dma_wait3A_123 = arith.constant 0 : i32
        %dma_wait3A_124 = tpu.memref_slice %arg6[%arg0, %dma_wait3A_122, %dma_wait3A_123] : memref<2x10000x128xf32, #tpu.memory_space<hbm>> -> memref<1x10000x128xf32, #tpu.memory_space<hbm>>
        %dma_wait3A_125 = tpu.memref_squeeze %dma_wait3A_124 : memref<1x10000x128xf32, #tpu.memory_space<hbm>> -> memref<10000x128xf32, #tpu.memory_space<hbm>>
        %dma_wait3A_126 = arith.constant 9984 : i32
        %dma_wait3A_127 = arith.constant 0 : i32
        %dma_wait3A_128 = tpu.memref_slice %dma_wait3A_125[%dma_wait3A_126, %dma_wait3A_127] : memref<10000x128xf32, #tpu.memory_space<hbm>> -> memref<16x128xf32, #tpu.memory_space<hbm>>
        %dma_wait3A_129 = arith.constant 9984 : i32
        %dma_wait3A_130 = arith.constant 0 : i32
        %dma_wait3A_131 = tpu.memref_slice %arg18[%dma_wait3A_129, %dma_wait3A_130] : memref<10000x128xf32, #tpu.memory_space<vmem_shared>> -> memref<16x128xf32, #tpu.memory_space<vmem_shared>>
        tpu.wait_dma2 semaphore(%run_scoped3A : memref<!tpu.dma_semaphore, #tpu.memory_space<semaphore_mem>>) src(%dma_wait3A_131 : memref<16x128xf32, #tpu.memory_space<vmem_shared>>) dst(%dma_wait3A_128 : memref<16x128xf32, #tpu.memory_space<hbm>>)
        tpu.yield
      }) : () -> ()
    } else {
    }
    return
  }
}

#map = affine_map<(d0, d1) -> (0, 0)>
#map1 = affine_map<(d0, d1) -> (0)>
#map2 = affine_map<(d0, d1) -> (0, 0, 0)>
module attributes {stable_mosaic.version = 14 : i64} {
  func.func @k(%arg0: i32, %arg1: i32, %arg2: memref<10000x128xf32, #tpu.memory_space<hbm>>, %arg3: memref<320000x128xf32, #tpu.memory_space<hbm>>, %arg4: memref<640000xi32, #tpu.memory_space<hbm>>, %arg5: memref<10000x128xf32, #tpu.memory_space<hbm>>, %arg6: memref<2x10000x128xf32, #tpu.memory_space<hbm>>, %arg7: memref<128xi32, #tpu.memory_space<vmem>>, %arg8: memref<128xi32, #tpu.memory_space<vmem>>, %arg9: memref<128xi32, #tpu.memory_space<vmem>>, %arg10: memref<128xi32, #tpu.memory_space<vmem>>, %arg11: memref<128xi32, #tpu.memory_space<vmem>>, %arg12: memref<128xi32, #tpu.memory_space<vmem>>, %arg13: memref<128x128xf32, #tpu.memory_space<vmem>>, %arg14: memref<128x128xf32, #tpu.memory_space<vmem>>, %arg15: memref<128x128xf32, #tpu.memory_space<vmem>>, %arg16: memref<16xi32, #tpu.memory_space<vmem>>, %arg17: memref<16xi32, #tpu.memory_space<vmem>>, %arg18: memref<10000x128xf32, #tpu.memory_space<vmem_shared>>, %arg19: memref<!tpu.dma_semaphore, #tpu.memory_space<semaphore_mem>>, %arg20: memref<!tpu.dma_semaphore, #tpu.memory_space<semaphore_mem>>, %arg21: memref<!tpu.dma_semaphore, #tpu.memory_space<semaphore_mem>>) attributes {dimension_semantics = [#tpu.dimension_semantics<core_parallel>, #tpu.dimension_semantics<subcore_parallel>], iteration_bounds = array<i64: 2, 16>, scalar_prefetch = 0 : i64, scratch_operands = 15 : i64, tpu.core_type = #tpu.core_type<sc_vector_subcore>, window_params = [{transform_indices = #map}, {transform_indices = #map}, {transform_indices = #map1}, {transform_indices = #map}, {transform_indices = #map2}]} {
    %mul3A = arith.constant 16 : i32
    %mul3A_0 = arith.muli %arg0, %mul3A : i32
    %add3A = arith.addi %mul3A_0, %arg1 : i32
    %mul3A_1 = arith.constant 624 : i32
    %mul3A_2 = arith.muli %arg1, %mul3A_1 : i32
    %mul3A_3 = arith.constant 624 : i32
    %mul3A_4 = arith.muli %arg1, %mul3A_3 : i32
    "tpu.region"() ({
      %run_scoped3A = tpu.sem_alloc : memref<!tpu.dma_semaphore, #tpu.memory_space<semaphore_mem>>
      %dma_start3A_112 = arith.constant 0 : i32
      %dma_start3A_113 = tpu.memref_slice %arg18[%mul3A_4, %dma_start3A_112] : memref<10000x128xf32, #tpu.memory_space<vmem_shared>> -> memref<624x128xf32, #tpu.memory_space<vmem_shared>>
      %dma_start3A_114 = arith.constant 0 : i32
      %dma_start3A_115 = tpu.memref_slice %arg5[%mul3A_2, %dma_start3A_114] : memref<10000x128xf32, #tpu.memory_space<hbm>> -> memref<624x128xf32, #tpu.memory_space<hbm>>
      tpu.enqueue_dma source(%dma_start3A_115 : memref<624x128xf32, #tpu.memory_space<hbm>>) target(%dma_start3A_113 : memref<624x128xf32, #tpu.memory_space<vmem_shared>>) target_semaphore(%run_scoped3A : memref<!tpu.dma_semaphore, #tpu.memory_space<semaphore_mem>>)
      %dma_wait3A_116 = arith.constant 0 : i32
      %dma_wait3A_117 = tpu.memref_slice %arg18[%mul3A_4, %dma_wait3A_116] : memref<10000x128xf32, #tpu.memory_space<vmem_shared>> -> memref<624x128xf32, #tpu.memory_space<vmem_shared>>
      %dma_wait3A_118 = arith.constant 0 : i32
      %dma_wait3A_119 = tpu.memref_slice %arg5[%mul3A_2, %dma_wait3A_118] : memref<10000x128xf32, #tpu.memory_space<hbm>> -> memref<624x128xf32, #tpu.memory_space<hbm>>
      tpu.wait_dma2 semaphore(%run_scoped3A : memref<!tpu.dma_semaphore, #tpu.memory_space<semaphore_mem>>) src(%dma_wait3A_119 : memref<624x128xf32, #tpu.memory_space<hbm>>) dst(%dma_wait3A_117 : memref<624x128xf32, #tpu.memory_space<vmem_shared>>)
      tpu.yield
    }) : () -> ()
    %eq3A = arith.constant 0 : i32
    %eq3A_5 = arith.cmpi eq, %arg1, %eq3A : i32
    %convert_element_type3A = arith.extui %eq3A_5 : i1 to i32
    %cond3A = arith.constant 0 : i32
    %cond3A_6 = arith.cmpi ne, %convert_element_type3A, %cond3A : i32
    scf.if %cond3A_6 {
      "tpu.region"() ({
        %run_scoped3A = tpu.sem_alloc : memref<!tpu.dma_semaphore, #tpu.memory_space<semaphore_mem>>
        %dma_start3A_112 = arith.constant 9984 : i32
        %dma_start3A_113 = arith.constant 0 : i32
        %dma_start3A_114 = tpu.memref_slice %arg18[%dma_start3A_112, %dma_start3A_113] : memref<10000x128xf32, #tpu.memory_space<vmem_shared>> -> memref<16x128xf32, #tpu.memory_space<vmem_shared>>
        %dma_start3A_115 = arith.constant 9984 : i32
        %dma_start3A_116 = arith.constant 0 : i32
        %dma_start3A_117 = tpu.memref_slice %arg5[%dma_start3A_115, %dma_start3A_116] : memref<10000x128xf32, #tpu.memory_space<hbm>> -> memref<16x128xf32, #tpu.memory_space<hbm>>
        tpu.enqueue_dma source(%dma_start3A_117 : memref<16x128xf32, #tpu.memory_space<hbm>>) target(%dma_start3A_114 : memref<16x128xf32, #tpu.memory_space<vmem_shared>>) target_semaphore(%run_scoped3A : memref<!tpu.dma_semaphore, #tpu.memory_space<semaphore_mem>>)
        %dma_wait3A_118 = arith.constant 9984 : i32
        %dma_wait3A_119 = arith.constant 0 : i32
        %dma_wait3A_120 = tpu.memref_slice %arg18[%dma_wait3A_118, %dma_wait3A_119] : memref<10000x128xf32, #tpu.memory_space<vmem_shared>> -> memref<16x128xf32, #tpu.memory_space<vmem_shared>>
        %dma_wait3A_121 = arith.constant 9984 : i32
        %dma_wait3A_122 = arith.constant 0 : i32
        %dma_wait3A_123 = tpu.memref_slice %arg5[%dma_wait3A_121, %dma_wait3A_122] : memref<10000x128xf32, #tpu.memory_space<hbm>> -> memref<16x128xf32, #tpu.memory_space<hbm>>
        tpu.wait_dma2 semaphore(%run_scoped3A : memref<!tpu.dma_semaphore, #tpu.memory_space<semaphore_mem>>) src(%dma_wait3A_123 : memref<16x128xf32, #tpu.memory_space<hbm>>) dst(%dma_wait3A_120 : memref<16x128xf32, #tpu.memory_space<vmem_shared>>)
        tpu.yield
      }) : () -> ()
    } else {
    }
    %barrier3A = arith.constant 0 : index
    tpu.barrier barrier_id(%barrier3A)
    %mul3A_7 = arith.constant 10000 : i32
    %mul3A_8 = arith.muli %add3A, %mul3A_7 : i32
    %add3A_9 = arith.constant 0 : i32
    %add3A_10 = arith.addi %mul3A_8, %add3A_9 : i32
    %dma_start3A = arith.constant 0 : i32
    %dma_start3A_11 = tpu.memref_slice %arg3[%add3A_10, %dma_start3A] : memref<320000x128xf32, #tpu.memory_space<hbm>> -> memref<128x128xf32, #tpu.memory_space<hbm>>
    %dma_start3A_12 = arith.constant 0 : i32
    %dma_start3A_13 = tpu.memref_slice %arg3[%add3A_10, %dma_start3A_12] : memref<320000x128xf32, #tpu.memory_space<hbm>> -> memref<128x128xf32, #tpu.memory_space<hbm>>
    tpu.enqueue_dma source(%dma_start3A_13 : memref<128x128xf32, #tpu.memory_space<hbm>>) target(%arg13 : memref<128x128xf32, #tpu.memory_space<vmem>>) target_semaphore(%arg19 : memref<!tpu.dma_semaphore, #tpu.memory_space<semaphore_mem>>)
    %dma_start3A_14 = arith.constant 0 : i32
    %dma_start3A_15 = tpu.memref_slice %arg4[%dma_start3A_14] : memref<640000xi32, #tpu.memory_space<hbm>> -> memref<320000xi32, #tpu.memory_space<hbm>>
    %dma_start3A_16 = tpu.memref_slice %dma_start3A_15[%add3A_10] : memref<320000xi32, #tpu.memory_space<hbm>> -> memref<128xi32, #tpu.memory_space<hbm>>
    %dma_start3A_17 = arith.constant 0 : i32
    %dma_start3A_18 = tpu.memref_slice %arg4[%dma_start3A_17] : memref<640000xi32, #tpu.memory_space<hbm>> -> memref<320000xi32, #tpu.memory_space<hbm>>
    %dma_start3A_19 = tpu.memref_slice %dma_start3A_18[%add3A_10] : memref<320000xi32, #tpu.memory_space<hbm>> -> memref<128xi32, #tpu.memory_space<hbm>>
    tpu.enqueue_dma source(%dma_start3A_19 : memref<128xi32, #tpu.memory_space<hbm>>) target(%arg7 : memref<128xi32, #tpu.memory_space<vmem>>) target_semaphore(%arg19 : memref<!tpu.dma_semaphore, #tpu.memory_space<semaphore_mem>>)
    %dma_start3A_20 = arith.constant 320000 : i32
    %dma_start3A_21 = tpu.memref_slice %arg4[%dma_start3A_20] : memref<640000xi32, #tpu.memory_space<hbm>> -> memref<320000xi32, #tpu.memory_space<hbm>>
    %dma_start3A_22 = tpu.memref_slice %dma_start3A_21[%add3A_10] : memref<320000xi32, #tpu.memory_space<hbm>> -> memref<128xi32, #tpu.memory_space<hbm>>
    %dma_start3A_23 = arith.constant 320000 : i32
    %dma_start3A_24 = tpu.memref_slice %arg4[%dma_start3A_23] : memref<640000xi32, #tpu.memory_space<hbm>> -> memref<320000xi32, #tpu.memory_space<hbm>>
    %dma_start3A_25 = tpu.memref_slice %dma_start3A_24[%add3A_10] : memref<320000xi32, #tpu.memory_space<hbm>> -> memref<128xi32, #tpu.memory_space<hbm>>
    tpu.enqueue_dma source(%dma_start3A_25 : memref<128xi32, #tpu.memory_space<hbm>>) target(%arg10 : memref<128xi32, #tpu.memory_space<vmem>>) target_semaphore(%arg19 : memref<!tpu.dma_semaphore, #tpu.memory_space<semaphore_mem>>)
    %mul3A_26 = arith.constant 10000 : i32
    %mul3A_27 = arith.muli %add3A, %mul3A_26 : i32
    %add3A_28 = arith.constant 128 : i32
    %add3A_29 = arith.addi %mul3A_27, %add3A_28 : i32
    %dma_start3A_30 = arith.constant 0 : i32
    %dma_start3A_31 = tpu.memref_slice %arg3[%add3A_29, %dma_start3A_30] : memref<320000x128xf32, #tpu.memory_space<hbm>> -> memref<128x128xf32, #tpu.memory_space<hbm>>
    %dma_start3A_32 = arith.constant 0 : i32
    %dma_start3A_33 = tpu.memref_slice %arg3[%add3A_29, %dma_start3A_32] : memref<320000x128xf32, #tpu.memory_space<hbm>> -> memref<128x128xf32, #tpu.memory_space<hbm>>
    tpu.enqueue_dma source(%dma_start3A_33 : memref<128x128xf32, #tpu.memory_space<hbm>>) target(%arg14 : memref<128x128xf32, #tpu.memory_space<vmem>>) target_semaphore(%arg20 : memref<!tpu.dma_semaphore, #tpu.memory_space<semaphore_mem>>)
    %dma_start3A_34 = arith.constant 0 : i32
    %dma_start3A_35 = tpu.memref_slice %arg4[%dma_start3A_34] : memref<640000xi32, #tpu.memory_space<hbm>> -> memref<320000xi32, #tpu.memory_space<hbm>>
    %dma_start3A_36 = tpu.memref_slice %dma_start3A_35[%add3A_29] : memref<320000xi32, #tpu.memory_space<hbm>> -> memref<128xi32, #tpu.memory_space<hbm>>
    %dma_start3A_37 = arith.constant 0 : i32
    %dma_start3A_38 = tpu.memref_slice %arg4[%dma_start3A_37] : memref<640000xi32, #tpu.memory_space<hbm>> -> memref<320000xi32, #tpu.memory_space<hbm>>
    %dma_start3A_39 = tpu.memref_slice %dma_start3A_38[%add3A_29] : memref<320000xi32, #tpu.memory_space<hbm>> -> memref<128xi32, #tpu.memory_space<hbm>>
    tpu.enqueue_dma source(%dma_start3A_39 : memref<128xi32, #tpu.memory_space<hbm>>) target(%arg8 : memref<128xi32, #tpu.memory_space<vmem>>) target_semaphore(%arg20 : memref<!tpu.dma_semaphore, #tpu.memory_space<semaphore_mem>>)
    %dma_start3A_40 = arith.constant 320000 : i32
    %dma_start3A_41 = tpu.memref_slice %arg4[%dma_start3A_40] : memref<640000xi32, #tpu.memory_space<hbm>> -> memref<320000xi32, #tpu.memory_space<hbm>>
    %dma_start3A_42 = tpu.memref_slice %dma_start3A_41[%add3A_29] : memref<320000xi32, #tpu.memory_space<hbm>> -> memref<128xi32, #tpu.memory_space<hbm>>
    %dma_start3A_43 = arith.constant 320000 : i32
    %dma_start3A_44 = tpu.memref_slice %arg4[%dma_start3A_43] : memref<640000xi32, #tpu.memory_space<hbm>> -> memref<320000xi32, #tpu.memory_space<hbm>>
    %dma_start3A_45 = tpu.memref_slice %dma_start3A_44[%add3A_29] : memref<320000xi32, #tpu.memory_space<hbm>> -> memref<128xi32, #tpu.memory_space<hbm>>
    tpu.enqueue_dma source(%dma_start3A_45 : memref<128xi32, #tpu.memory_space<hbm>>) target(%arg11 : memref<128xi32, #tpu.memory_space<vmem>>) target_semaphore(%arg20 : memref<!tpu.dma_semaphore, #tpu.memory_space<semaphore_mem>>)
    %mul3A_46 = arith.constant 10000 : i32
    %mul3A_47 = arith.muli %add3A, %mul3A_46 : i32
    %add3A_48 = arith.constant 0 : i32
    %add3A_49 = arith.addi %mul3A_47, %add3A_48 : i32
    %dma_wait3A = arith.constant 0 : i32
    %dma_wait3A_50 = tpu.memref_slice %arg3[%add3A_49, %dma_wait3A] : memref<320000x128xf32, #tpu.memory_space<hbm>> -> memref<128x128xf32, #tpu.memory_space<hbm>>
    %dma_wait3A_51 = arith.constant 0 : i32
    %dma_wait3A_52 = tpu.memref_slice %arg3[%add3A_49, %dma_wait3A_51] : memref<320000x128xf32, #tpu.memory_space<hbm>> -> memref<128x128xf32, #tpu.memory_space<hbm>>
    tpu.wait_dma2 semaphore(%arg19 : memref<!tpu.dma_semaphore, #tpu.memory_space<semaphore_mem>>) src(%dma_wait3A_52 : memref<128x128xf32, #tpu.memory_space<hbm>>) dst(%arg13 : memref<128x128xf32, #tpu.memory_space<vmem>>)
    %dma_wait3A_53 = arith.constant 0 : i32
    %dma_wait3A_54 = tpu.memref_slice %arg4[%dma_wait3A_53] : memref<640000xi32, #tpu.memory_space<hbm>> -> memref<320000xi32, #tpu.memory_space<hbm>>
    %dma_wait3A_55 = tpu.memref_slice %dma_wait3A_54[%add3A_49] : memref<320000xi32, #tpu.memory_space<hbm>> -> memref<128xi32, #tpu.memory_space<hbm>>
    %dma_wait3A_56 = arith.constant 0 : i32
    %dma_wait3A_57 = tpu.memref_slice %arg4[%dma_wait3A_56] : memref<640000xi32, #tpu.memory_space<hbm>> -> memref<320000xi32, #tpu.memory_space<hbm>>
    %dma_wait3A_58 = tpu.memref_slice %dma_wait3A_57[%add3A_49] : memref<320000xi32, #tpu.memory_space<hbm>> -> memref<128xi32, #tpu.memory_space<hbm>>
    tpu.wait_dma2 semaphore(%arg19 : memref<!tpu.dma_semaphore, #tpu.memory_space<semaphore_mem>>) src(%dma_wait3A_58 : memref<128xi32, #tpu.memory_space<hbm>>) dst(%arg7 : memref<128xi32, #tpu.memory_space<vmem>>)
    %dma_wait3A_59 = arith.constant 320000 : i32
    %dma_wait3A_60 = tpu.memref_slice %arg4[%dma_wait3A_59] : memref<640000xi32, #tpu.memory_space<hbm>> -> memref<320000xi32, #tpu.memory_space<hbm>>
    %dma_wait3A_61 = tpu.memref_slice %dma_wait3A_60[%add3A_49] : memref<320000xi32, #tpu.memory_space<hbm>> -> memref<128xi32, #tpu.memory_space<hbm>>
    %dma_wait3A_62 = arith.constant 320000 : i32
    %dma_wait3A_63 = tpu.memref_slice %arg4[%dma_wait3A_62] : memref<640000xi32, #tpu.memory_space<hbm>> -> memref<320000xi32, #tpu.memory_space<hbm>>
    %dma_wait3A_64 = tpu.memref_slice %dma_wait3A_63[%add3A_49] : memref<320000xi32, #tpu.memory_space<hbm>> -> memref<128xi32, #tpu.memory_space<hbm>>
    tpu.wait_dma2 semaphore(%arg19 : memref<!tpu.dma_semaphore, #tpu.memory_space<semaphore_mem>>) src(%dma_wait3A_64 : memref<128xi32, #tpu.memory_space<hbm>>) dst(%arg10 : memref<128xi32, #tpu.memory_space<vmem>>)
    %dma_start3A_65 = arith.constant 0 : i32
    %dma_start3A_66 = arith.constant 0 : i32
    %dma_start3A_67 = tpu.memref_slice %arg2[%dma_start3A_65, %dma_start3A_66] : memref<10000x128xf32, #tpu.memory_space<hbm>> -> memref<10000x128xf32, #tpu.memory_space<hbm>>
    tpu.enqueue_indirect_dma source(%dma_start3A_67 : memref<10000x128xf32, #tpu.memory_space<hbm>>) target(%arg13 : memref<128x128xf32, #tpu.memory_space<vmem>>) offsets(%arg7 : memref<128xi32, #tpu.memory_space<vmem>>) semaphore(%arg19 : memref<!tpu.dma_semaphore, #tpu.memory_space<semaphore_mem>>) {add = true}
    %scan3A = arith.constant 0 : i32
    %scan3A_68 = arith.constant 26 : i32
    %scan3A_69 = arith.addi %scan3A, %scan3A_68 : i32
    %scan3A_70 = arith.constant 1 : i32
    scf.for %scan3A_112 = %scan3A to %scan3A_69 step %scan3A_70  : i32 {
      %mul3A_113 = arith.constant 3 : i32
      %mul3A_114 = arith.muli %scan3A_112, %mul3A_113 : i32
      %add3A_115 = arith.constant 0 : i32
      %add3A_116 = arith.addi %add3A_115, %mul3A_114 : i32
      %add3A_117 = arith.constant 0 : i32
      %add3A_118 = arith.addi %add3A_116, %add3A_117 : i32
      %add3A_119 = arith.constant 2 : i32
      %add3A_120 = arith.addi %add3A_118, %add3A_119 : i32
      %lt3A = arith.constant 78 : i32
      %lt3A_121 = arith.cmpi slt, %add3A_120, %lt3A : i32
      %convert_element_type3A_122 = arith.extui %lt3A_121 : i1 to i32
      %cond3A_123 = arith.constant 0 : i32
      %cond3A_124 = arith.cmpi ne, %convert_element_type3A_122, %cond3A_123 : i32
      scf.if %cond3A_124 {
        %add3A_197 = arith.constant 2 : i32
        %add3A_198 = arith.addi %add3A_118, %add3A_197 : i32
        %mul3A_199 = arith.constant 10000 : i32
        %mul3A_200 = arith.muli %add3A, %mul3A_199 : i32
        %mul3A_201 = arith.constant 128 : i32
        %mul3A_202 = arith.muli %add3A_198, %mul3A_201 : i32
        %add3A_203 = arith.addi %mul3A_200, %mul3A_202 : i32
        %ge3A = arith.constant 3 : i32
        %ge3A_204 = arith.cmpi sge, %add3A_198, %ge3A : i32
        %convert_element_type3A_205 = arith.extui %ge3A_204 : i1 to i32
        %cond3A_206 = arith.constant 0 : i32
        %cond3A_207 = arith.cmpi ne, %convert_element_type3A_205, %cond3A_206 : i32
        scf.if %cond3A_207 {
          %dma_wait3A_224 = arith.constant 0 : i32
          %dma_wait3A_225 = arith.constant 0 : i32
          %dma_wait3A_226 = tpu.memref_slice %arg18[%dma_wait3A_224, %dma_wait3A_225] : memref<10000x128xf32, #tpu.memory_space<vmem_shared>> -> memref<10000x128xf32, #tpu.memory_space<vmem_shared>>
          tpu.wait_indirect_dma semaphore(%arg21 : memref<!tpu.dma_semaphore, #tpu.memory_space<semaphore_mem>>) src(%arg15 : memref<128x128xf32, #tpu.memory_space<vmem>>) dst(%dma_wait3A_226 : memref<10000x128xf32, #tpu.memory_space<vmem_shared>>)
        } else {
        }
        %dma_start3A_208 = arith.constant 0 : i32
        %dma_start3A_209 = tpu.memref_slice %arg3[%add3A_203, %dma_start3A_208] : memref<320000x128xf32, #tpu.memory_space<hbm>> -> memref<128x128xf32, #tpu.memory_space<hbm>>
        %dma_start3A_210 = arith.constant 0 : i32
        %dma_start3A_211 = tpu.memref_slice %arg3[%add3A_203, %dma_start3A_210] : memref<320000x128xf32, #tpu.memory_space<hbm>> -> memref<128x128xf32, #tpu.memory_space<hbm>>
        tpu.enqueue_dma source(%dma_start3A_211 : memref<128x128xf32, #tpu.memory_space<hbm>>) target(%arg15 : memref<128x128xf32, #tpu.memory_space<vmem>>) target_semaphore(%arg21 : memref<!tpu.dma_semaphore, #tpu.memory_space<semaphore_mem>>)
        %dma_start3A_212 = arith.constant 0 : i32
        %dma_start3A_213 = tpu.memref_slice %arg4[%dma_start3A_212] : memref<640000xi32, #tpu.memory_space<hbm>> -> memref<320000xi32, #tpu.memory_space<hbm>>
        %dma_start3A_214 = tpu.memref_slice %dma_start3A_213[%add3A_203] : memref<320000xi32, #tpu.memory_space<hbm>> -> memref<128xi32, #tpu.memory_space<hbm>>
        %dma_start3A_215 = arith.constant 0 : i32
        %dma_start3A_216 = tpu.memref_slice %arg4[%dma_start3A_215] : memref<640000xi32, #tpu.memory_space<hbm>> -> memref<320000xi32, #tpu.memory_space<hbm>>
        %dma_start3A_217 = tpu.memref_slice %dma_start3A_216[%add3A_203] : memref<320000xi32, #tpu.memory_space<hbm>> -> memref<128xi32, #tpu.memory_space<hbm>>
        tpu.enqueue_dma source(%dma_start3A_217 : memref<128xi32, #tpu.memory_space<hbm>>) target(%arg9 : memref<128xi32, #tpu.memory_space<vmem>>) target_semaphore(%arg21 : memref<!tpu.dma_semaphore, #tpu.memory_space<semaphore_mem>>)
        %dma_start3A_218 = arith.constant 320000 : i32
        %dma_start3A_219 = tpu.memref_slice %arg4[%dma_start3A_218] : memref<640000xi32, #tpu.memory_space<hbm>> -> memref<320000xi32, #tpu.memory_space<hbm>>
        %dma_start3A_220 = tpu.memref_slice %dma_start3A_219[%add3A_203] : memref<320000xi32, #tpu.memory_space<hbm>> -> memref<128xi32, #tpu.memory_space<hbm>>
        %dma_start3A_221 = arith.constant 320000 : i32
        %dma_start3A_222 = tpu.memref_slice %arg4[%dma_start3A_221] : memref<640000xi32, #tpu.memory_space<hbm>> -> memref<320000xi32, #tpu.memory_space<hbm>>
        %dma_start3A_223 = tpu.memref_slice %dma_start3A_222[%add3A_203] : memref<320000xi32, #tpu.memory_space<hbm>> -> memref<128xi32, #tpu.memory_space<hbm>>
        tpu.enqueue_dma source(%dma_start3A_223 : memref<128xi32, #tpu.memory_space<hbm>>) target(%arg12 : memref<128xi32, #tpu.memory_space<vmem>>) target_semaphore(%arg21 : memref<!tpu.dma_semaphore, #tpu.memory_space<semaphore_mem>>)
      } else {
      }
      %add3A_125 = arith.constant 1 : i32
      %add3A_126 = arith.addi %add3A_118, %add3A_125 : i32
      %lt3A_127 = arith.constant 78 : i32
      %lt3A_128 = arith.cmpi slt, %add3A_126, %lt3A_127 : i32
      %convert_element_type3A_129 = arith.extui %lt3A_128 : i1 to i32
      %cond3A_130 = arith.constant 0 : i32
      %cond3A_131 = arith.cmpi ne, %convert_element_type3A_129, %cond3A_130 : i32
      scf.if %cond3A_131 {
        %add3A_197 = arith.constant 1 : i32
        %add3A_198 = arith.addi %add3A_118, %add3A_197 : i32
        %mul3A_199 = arith.constant 10000 : i32
        %mul3A_200 = arith.muli %add3A, %mul3A_199 : i32
        %mul3A_201 = arith.constant 128 : i32
        %mul3A_202 = arith.muli %add3A_198, %mul3A_201 : i32
        %add3A_203 = arith.addi %mul3A_200, %mul3A_202 : i32
        %dma_wait3A_204 = arith.constant 0 : i32
        %dma_wait3A_205 = tpu.memref_slice %arg3[%add3A_203, %dma_wait3A_204] : memref<320000x128xf32, #tpu.memory_space<hbm>> -> memref<128x128xf32, #tpu.memory_space<hbm>>
        %dma_wait3A_206 = arith.constant 0 : i32
        %dma_wait3A_207 = tpu.memref_slice %arg3[%add3A_203, %dma_wait3A_206] : memref<320000x128xf32, #tpu.memory_space<hbm>> -> memref<128x128xf32, #tpu.memory_space<hbm>>
        tpu.wait_dma2 semaphore(%arg20 : memref<!tpu.dma_semaphore, #tpu.memory_space<semaphore_mem>>) src(%dma_wait3A_207 : memref<128x128xf32, #tpu.memory_space<hbm>>) dst(%arg14 : memref<128x128xf32, #tpu.memory_space<vmem>>)
        %dma_wait3A_208 = arith.constant 0 : i32
        %dma_wait3A_209 = tpu.memref_slice %arg4[%dma_wait3A_208] : memref<640000xi32, #tpu.memory_space<hbm>> -> memref<320000xi32, #tpu.memory_space<hbm>>
        %dma_wait3A_210 = tpu.memref_slice %dma_wait3A_209[%add3A_203] : memref<320000xi32, #tpu.memory_space<hbm>> -> memref<128xi32, #tpu.memory_space<hbm>>
        %dma_wait3A_211 = arith.constant 0 : i32
        %dma_wait3A_212 = tpu.memref_slice %arg4[%dma_wait3A_211] : memref<640000xi32, #tpu.memory_space<hbm>> -> memref<320000xi32, #tpu.memory_space<hbm>>
        %dma_wait3A_213 = tpu.memref_slice %dma_wait3A_212[%add3A_203] : memref<320000xi32, #tpu.memory_space<hbm>> -> memref<128xi32, #tpu.memory_space<hbm>>
        tpu.wait_dma2 semaphore(%arg20 : memref<!tpu.dma_semaphore, #tpu.memory_space<semaphore_mem>>) src(%dma_wait3A_213 : memref<128xi32, #tpu.memory_space<hbm>>) dst(%arg8 : memref<128xi32, #tpu.memory_space<vmem>>)
        %dma_wait3A_214 = arith.constant 320000 : i32
        %dma_wait3A_215 = tpu.memref_slice %arg4[%dma_wait3A_214] : memref<640000xi32, #tpu.memory_space<hbm>> -> memref<320000xi32, #tpu.memory_space<hbm>>
        %dma_wait3A_216 = tpu.memref_slice %dma_wait3A_215[%add3A_203] : memref<320000xi32, #tpu.memory_space<hbm>> -> memref<128xi32, #tpu.memory_space<hbm>>
        %dma_wait3A_217 = arith.constant 320000 : i32
        %dma_wait3A_218 = tpu.memref_slice %arg4[%dma_wait3A_217] : memref<640000xi32, #tpu.memory_space<hbm>> -> memref<320000xi32, #tpu.memory_space<hbm>>
        %dma_wait3A_219 = tpu.memref_slice %dma_wait3A_218[%add3A_203] : memref<320000xi32, #tpu.memory_space<hbm>> -> memref<128xi32, #tpu.memory_space<hbm>>
        tpu.wait_dma2 semaphore(%arg20 : memref<!tpu.dma_semaphore, #tpu.memory_space<semaphore_mem>>) src(%dma_wait3A_219 : memref<128xi32, #tpu.memory_space<hbm>>) dst(%arg11 : memref<128xi32, #tpu.memory_space<vmem>>)
        %dma_start3A_220 = arith.constant 0 : i32
        %dma_start3A_221 = arith.constant 0 : i32
        %dma_start3A_222 = tpu.memref_slice %arg2[%dma_start3A_220, %dma_start3A_221] : memref<10000x128xf32, #tpu.memory_space<hbm>> -> memref<10000x128xf32, #tpu.memory_space<hbm>>
        tpu.enqueue_indirect_dma source(%dma_start3A_222 : memref<10000x128xf32, #tpu.memory_space<hbm>>) target(%arg14 : memref<128x128xf32, #tpu.memory_space<vmem>>) offsets(%arg8 : memref<128xi32, #tpu.memory_space<vmem>>) semaphore(%arg20 : memref<!tpu.dma_semaphore, #tpu.memory_space<semaphore_mem>>) {add = true}
      } else {
      }
      %dma_wait3A_132 = arith.constant 0 : i32
      %dma_wait3A_133 = arith.constant 0 : i32
      %dma_wait3A_134 = tpu.memref_slice %arg2[%dma_wait3A_132, %dma_wait3A_133] : memref<10000x128xf32, #tpu.memory_space<hbm>> -> memref<10000x128xf32, #tpu.memory_space<hbm>>
      tpu.wait_indirect_dma semaphore(%arg19 : memref<!tpu.dma_semaphore, #tpu.memory_space<semaphore_mem>>) src(%dma_wait3A_134 : memref<10000x128xf32, #tpu.memory_space<hbm>>) dst(%arg13 : memref<128x128xf32, #tpu.memory_space<vmem>>)
      %scan3A_135 = arith.constant 0 : i32
      %scan3A_136 = arith.constant 128 : i32
      %scan3A_137 = arith.addi %scan3A_135, %scan3A_136 : i32
      %scan3A_138 = arith.constant 1 : i32
      scf.for %scan3A_197 = %scan3A_135 to %scan3A_137 step %scan3A_138  : i32 {
        %mul3A_198 = arith.constant 1 : i32
        %mul3A_199 = arith.muli %scan3A_197, %mul3A_198 : i32
        %add3A_200 = arith.constant 0 : i32
        %add3A_201 = arith.addi %add3A_200, %mul3A_199 : i32
        %get3A = arith.index_cast %add3A_201 : i32 to index
        %get3A_202 = arith.constant 0 : index
        %get3A_203 = tpu.vector_load %arg13[%get3A, %get3A_202] {strides = array<i32>} : memref<128x128xf32, #tpu.memory_space<vmem>>, vector<1x16xf32>,
        %get3A_204 = vector.shape_cast %get3A_203 : vector<1x16xf32> to vector<16xf32>
        %max3A = arith.constant 0.000000e+00 : f32
        %max3A_205 = vector.broadcast %max3A : f32 to vector<16xf32>
        %max3A_206 = arith.maximumf %get3A_204, %max3A_205 : vector<16xf32>
        %swap3A = arith.index_cast %add3A_201 : i32 to index
        %swap3A_207 = arith.constant 0 : index
        %swap3A_208 = tpu.vector_load %arg13[%swap3A, %swap3A_207] {strides = array<i32>} : memref<128x128xf32, #tpu.memory_space<vmem>>, vector<1x16xf32>,
        %swap3A_209 = vector.shape_cast %swap3A_208 : vector<1x16xf32> to vector<16xf32>
        %swap3A_210 = vector.shape_cast %max3A_206 : vector<16xf32> to vector<1x16xf32>
        tpu.vector_store %arg13[%swap3A, %swap3A_207], %swap3A_210 {strides = array<i32>} : memref<128x128xf32, #tpu.memory_space<vmem>>, vector<1x16xf32>,
        %get3A_211 = arith.index_cast %add3A_201 : i32 to index
        %get3A_212 = arith.constant 16 : index
        %get3A_213 = tpu.vector_load %arg13[%get3A_211, %get3A_212] {strides = array<i32>} : memref<128x128xf32, #tpu.memory_space<vmem>>, vector<1x16xf32>,
        %get3A_214 = vector.shape_cast %get3A_213 : vector<1x16xf32> to vector<16xf32>
        %max3A_215 = arith.constant 0.000000e+00 : f32
        %max3A_216 = vector.broadcast %max3A_215 : f32 to vector<16xf32>
        %max3A_217 = arith.maximumf %get3A_214, %max3A_216 : vector<16xf32>
        %swap3A_218 = arith.index_cast %add3A_201 : i32 to index
        %swap3A_219 = arith.constant 16 : index
        %swap3A_220 = tpu.vector_load %arg13[%swap3A_218, %swap3A_219] {strides = array<i32>} : memref<128x128xf32, #tpu.memory_space<vmem>>, vector<1x16xf32>,
        %swap3A_221 = vector.shape_cast %swap3A_220 : vector<1x16xf32> to vector<16xf32>
        %swap3A_222 = vector.shape_cast %max3A_217 : vector<16xf32> to vector<1x16xf32>
        tpu.vector_store %arg13[%swap3A_218, %swap3A_219], %swap3A_222 {strides = array<i32>} : memref<128x128xf32, #tpu.memory_space<vmem>>, vector<1x16xf32>,
        %get3A_223 = arith.index_cast %add3A_201 : i32 to index
        %get3A_224 = arith.constant 32 : index
        %get3A_225 = tpu.vector_load %arg13[%get3A_223, %get3A_224] {strides = array<i32>} : memref<128x128xf32, #tpu.memory_space<vmem>>, vector<1x16xf32>,
        %get3A_226 = vector.shape_cast %get3A_225 : vector<1x16xf32> to vector<16xf32>
        %max3A_227 = arith.constant 0.000000e+00 : f32
        %max3A_228 = vector.broadcast %max3A_227 : f32 to vector<16xf32>
        %max3A_229 = arith.maximumf %get3A_226, %max3A_228 : vector<16xf32>
        %swap3A_230 = arith.index_cast %add3A_201 : i32 to index
        %swap3A_231 = arith.constant 32 : index
        %swap3A_232 = tpu.vector_load %arg13[%swap3A_230, %swap3A_231] {strides = array<i32>} : memref<128x128xf32, #tpu.memory_space<vmem>>, vector<1x16xf32>,
        %swap3A_233 = vector.shape_cast %swap3A_232 : vector<1x16xf32> to vector<16xf32>
        %swap3A_234 = vector.shape_cast %max3A_229 : vector<16xf32> to vector<1x16xf32>
        tpu.vector_store %arg13[%swap3A_230, %swap3A_231], %swap3A_234 {strides = array<i32>} : memref<128x128xf32, #tpu.memory_space<vmem>>, vector<1x16xf32>,
        %get3A_235 = arith.index_cast %add3A_201 : i32 to index
        %get3A_236 = arith.constant 48 : index
        %get3A_237 = tpu.vector_load %arg13[%get3A_235, %get3A_236] {strides = array<i32>} : memref<128x128xf32, #tpu.memory_space<vmem>>, vector<1x16xf32>,
        %get3A_238 = vector.shape_cast %get3A_237 : vector<1x16xf32> to vector<16xf32>
        %max3A_239 = arith.constant 0.000000e+00 : f32
        %max3A_240 = vector.broadcast %max3A_239 : f32 to vector<16xf32>
        %max3A_241 = arith.maximumf %get3A_238, %max3A_240 : vector<16xf32>
        %swap3A_242 = arith.index_cast %add3A_201 : i32 to index
        %swap3A_243 = arith.constant 48 : index
        %swap3A_244 = tpu.vector_load %arg13[%swap3A_242, %swap3A_243] {strides = array<i32>} : memref<128x128xf32, #tpu.memory_space<vmem>>, vector<1x16xf32>,
        %swap3A_245 = vector.shape_cast %swap3A_244 : vector<1x16xf32> to vector<16xf32>
        %swap3A_246 = vector.shape_cast %max3A_241 : vector<16xf32> to vector<1x16xf32>
        tpu.vector_store %arg13[%swap3A_242, %swap3A_243], %swap3A_246 {strides = array<i32>} : memref<128x128xf32, #tpu.memory_space<vmem>>, vector<1x16xf32>,
        %get3A_247 = arith.index_cast %add3A_201 : i32 to index
        %get3A_248 = arith.constant 64 : index
        %get3A_249 = tpu.vector_load %arg13[%get3A_247, %get3A_248] {strides = array<i32>} : memref<128x128xf32, #tpu.memory_space<vmem>>, vector<1x16xf32>,
        %get3A_250 = vector.shape_cast %get3A_249 : vector<1x16xf32> to vector<16xf32>
        %max3A_251 = arith.constant 0.000000e+00 : f32
        %max3A_252 = vector.broadcast %max3A_251 : f32 to vector<16xf32>
        %max3A_253 = arith.maximumf %get3A_250, %max3A_252 : vector<16xf32>
        %swap3A_254 = arith.index_cast %add3A_201 : i32 to index
        %swap3A_255 = arith.constant 64 : index
        %swap3A_256 = tpu.vector_load %arg13[%swap3A_254, %swap3A_255] {strides = array<i32>} : memref<128x128xf32, #tpu.memory_space<vmem>>, vector<1x16xf32>,
        %swap3A_257 = vector.shape_cast %swap3A_256 : vector<1x16xf32> to vector<16xf32>
        %swap3A_258 = vector.shape_cast %max3A_253 : vector<16xf32> to vector<1x16xf32>
        tpu.vector_store %arg13[%swap3A_254, %swap3A_255], %swap3A_258 {strides = array<i32>} : memref<128x128xf32, #tpu.memory_space<vmem>>, vector<1x16xf32>,
        %get3A_259 = arith.index_cast %add3A_201 : i32 to index
        %get3A_260 = arith.constant 80 : index
        %get3A_261 = tpu.vector_load %arg13[%get3A_259, %get3A_260] {strides = array<i32>} : memref<128x128xf32, #tpu.memory_space<vmem>>, vector<1x16xf32>,
        %get3A_262 = vector.shape_cast %get3A_261 : vector<1x16xf32> to vector<16xf32>
        %max3A_263 = arith.constant 0.000000e+00 : f32
        %max3A_264 = vector.broadcast %max3A_263 : f32 to vector<16xf32>
        %max3A_265 = arith.maximumf %get3A_262, %max3A_264 : vector<16xf32>
        %swap3A_266 = arith.index_cast %add3A_201 : i32 to index
        %swap3A_267 = arith.constant 80 : index
        %swap3A_268 = tpu.vector_load %arg13[%swap3A_266, %swap3A_267] {strides = array<i32>} : memref<128x128xf32, #tpu.memory_space<vmem>>, vector<1x16xf32>,
        %swap3A_269 = vector.shape_cast %swap3A_268 : vector<1x16xf32> to vector<16xf32>
        %swap3A_270 = vector.shape_cast %max3A_265 : vector<16xf32> to vector<1x16xf32>
        tpu.vector_store %arg13[%swap3A_266, %swap3A_267], %swap3A_270 {strides = array<i32>} : memref<128x128xf32, #tpu.memory_space<vmem>>, vector<1x16xf32>,
        %get3A_271 = arith.index_cast %add3A_201 : i32 to index
        %get3A_272 = arith.constant 96 : index
        %get3A_273 = tpu.vector_load %arg13[%get3A_271, %get3A_272] {strides = array<i32>} : memref<128x128xf32, #tpu.memory_space<vmem>>, vector<1x16xf32>,
        %get3A_274 = vector.shape_cast %get3A_273 : vector<1x16xf32> to vector<16xf32>
        %max3A_275 = arith.constant 0.000000e+00 : f32
        %max3A_276 = vector.broadcast %max3A_275 : f32 to vector<16xf32>
        %max3A_277 = arith.maximumf %get3A_274, %max3A_276 : vector<16xf32>
        %swap3A_278 = arith.index_cast %add3A_201 : i32 to index
        %swap3A_279 = arith.constant 96 : index
        %swap3A_280 = tpu.vector_load %arg13[%swap3A_278, %swap3A_279] {strides = array<i32>} : memref<128x128xf32, #tpu.memory_space<vmem>>, vector<1x16xf32>,
        %swap3A_281 = vector.shape_cast %swap3A_280 : vector<1x16xf32> to vector<16xf32>
        %swap3A_282 = vector.shape_cast %max3A_277 : vector<16xf32> to vector<1x16xf32>
        tpu.vector_store %arg13[%swap3A_278, %swap3A_279], %swap3A_282 {strides = array<i32>} : memref<128x128xf32, #tpu.memory_space<vmem>>, vector<1x16xf32>,
        %get3A_283 = arith.index_cast %add3A_201 : i32 to index
        %get3A_284 = arith.constant 112 : index
        %get3A_285 = tpu.vector_load %arg13[%get3A_283, %get3A_284] {strides = array<i32>} : memref<128x128xf32, #tpu.memory_space<vmem>>, vector<1x16xf32>,
        %get3A_286 = vector.shape_cast %get3A_285 : vector<1x16xf32> to vector<16xf32>
        %max3A_287 = arith.constant 0.000000e+00 : f32
        %max3A_288 = vector.broadcast %max3A_287 : f32 to vector<16xf32>
        %max3A_289 = arith.maximumf %get3A_286, %max3A_288 : vector<16xf32>
        %swap3A_290 = arith.index_cast %add3A_201 : i32 to index
        %swap3A_291 = arith.constant 112 : index
        %swap3A_292 = tpu.vector_load %arg13[%swap3A_290, %swap3A_291] {strides = array<i32>} : memref<128x128xf32, #tpu.memory_space<vmem>>, vector<1x16xf32>,
        %swap3A_293 = vector.shape_cast %swap3A_292 : vector<1x16xf32> to vector<16xf32>
        %swap3A_294 = vector.shape_cast %max3A_289 : vector<16xf32> to vector<1x16xf32>
        tpu.vector_store %arg13[%swap3A_290, %swap3A_291], %swap3A_294 {strides = array<i32>} : memref<128x128xf32, #tpu.memory_space<vmem>>, vector<1x16xf32>,
      }
      %scan3A_139 = arith.constant 128 : i32
      %dma_start3A_140 = arith.constant 0 : i32
      %dma_start3A_141 = arith.constant 0 : i32
      %dma_start3A_142 = tpu.memref_slice %arg18[%dma_start3A_140, %dma_start3A_141] : memref<10000x128xf32, #tpu.memory_space<vmem_shared>> -> memref<10000x128xf32, #tpu.memory_space<vmem_shared>>
      tpu.enqueue_indirect_dma source(%arg13 : memref<128x128xf32, #tpu.memory_space<vmem>>) target(%dma_start3A_142 : memref<10000x128xf32, #tpu.memory_space<vmem_shared>>) offsets(%arg10 : memref<128xi32, #tpu.memory_space<vmem>>) semaphore(%arg19 : memref<!tpu.dma_semaphore, #tpu.memory_space<semaphore_mem>>) {add = true}
      %add3A_143 = arith.constant 1 : i32
      %add3A_144 = arith.addi %add3A_116, %add3A_143 : i32
      %add3A_145 = arith.constant 2 : i32
      %add3A_146 = arith.addi %add3A_144, %add3A_145 : i32
      %lt3A_147 = arith.constant 78 : i32
      %lt3A_148 = arith.cmpi slt, %add3A_146, %lt3A_147 : i32
      %convert_element_type3A_149 = arith.extui %lt3A_148 : i1 to i32
      %cond3A_150 = arith.constant 0 : i32
      %cond3A_151 = arith.cmpi ne, %convert_element_type3A_149, %cond3A_150 : i32
      scf.if %cond3A_151 {
        %add3A_197 = arith.constant 2 : i32
        %add3A_198 = arith.addi %add3A_144, %add3A_197 : i32
        %mul3A_199 = arith.constant 10000 : i32
        %mul3A_200 = arith.muli %add3A, %mul3A_199 : i32
        %mul3A_201 = arith.constant 128 : i32
        %mul3A_202 = arith.muli %add3A_198, %mul3A_201 : i32
        %add3A_203 = arith.addi %mul3A_200, %mul3A_202 : i32
        %ge3A = arith.constant 3 : i32
        %ge3A_204 = arith.cmpi sge, %add3A_198, %ge3A : i32
        %convert_element_type3A_205 = arith.extui %ge3A_204 : i1 to i32
        %cond3A_206 = arith.constant 0 : i32
        %cond3A_207 = arith.cmpi ne, %convert_element_type3A_205, %cond3A_206 : i32
        scf.if %cond3A_207 {
          %dma_wait3A_224 = arith.constant 0 : i32
          %dma_wait3A_225 = arith.constant 0 : i32
          %dma_wait3A_226 = tpu.memref_slice %arg18[%dma_wait3A_224, %dma_wait3A_225] : memref<10000x128xf32, #tpu.memory_space<vmem_shared>> -> memref<10000x128xf32, #tpu.memory_space<vmem_shared>>
          tpu.wait_indirect_dma semaphore(%arg19 : memref<!tpu.dma_semaphore, #tpu.memory_space<semaphore_mem>>) src(%arg13 : memref<128x128xf32, #tpu.memory_space<vmem>>) dst(%dma_wait3A_226 : memref<10000x128xf32, #tpu.memory_space<vmem_shared>>)
        } else {
        }
        %dma_start3A_208 = arith.constant 0 : i32
        %dma_start3A_209 = tpu.memref_slice %arg3[%add3A_203, %dma_start3A_208] : memref<320000x128xf32, #tpu.memory_space<hbm>> -> memref<128x128xf32, #tpu.memory_space<hbm>>
        %dma_start3A_210 = arith.constant 0 : i32
        %dma_start3A_211 = tpu.memref_slice %arg3[%add3A_203, %dma_start3A_210] : memref<320000x128xf32, #tpu.memory_space<hbm>> -> memref<128x128xf32, #tpu.memory_space<hbm>>
        tpu.enqueue_dma source(%dma_start3A_211 : memref<128x128xf32, #tpu.memory_space<hbm>>) target(%arg13 : memref<128x128xf32, #tpu.memory_space<vmem>>) target_semaphore(%arg19 : memref<!tpu.dma_semaphore, #tpu.memory_space<semaphore_mem>>)
        %dma_start3A_212 = arith.constant 0 : i32
        %dma_start3A_213 = tpu.memref_slice %arg4[%dma_start3A_212] : memref<640000xi32, #tpu.memory_space<hbm>> -> memref<320000xi32, #tpu.memory_space<hbm>>
        %dma_start3A_214 = tpu.memref_slice %dma_start3A_213[%add3A_203] : memref<320000xi32, #tpu.memory_space<hbm>> -> memref<128xi32, #tpu.memory_space<hbm>>
        %dma_start3A_215 = arith.constant 0 : i32
        %dma_start3A_216 = tpu.memref_slice %arg4[%dma_start3A_215] : memref<640000xi32, #tpu.memory_space<hbm>> -> memref<320000xi32, #tpu.memory_space<hbm>>
        %dma_start3A_217 = tpu.memref_slice %dma_start3A_216[%add3A_203] : memref<320000xi32, #tpu.memory_space<hbm>> -> memref<128xi32, #tpu.memory_space<hbm>>
        tpu.enqueue_dma source(%dma_start3A_217 : memref<128xi32, #tpu.memory_space<hbm>>) target(%arg7 : memref<128xi32, #tpu.memory_space<vmem>>) target_semaphore(%arg19 : memref<!tpu.dma_semaphore, #tpu.memory_space<semaphore_mem>>)
        %dma_start3A_218 = arith.constant 320000 : i32
        %dma_start3A_219 = tpu.memref_slice %arg4[%dma_start3A_218] : memref<640000xi32, #tpu.memory_space<hbm>> -> memref<320000xi32, #tpu.memory_space<hbm>>
        %dma_start3A_220 = tpu.memref_slice %dma_start3A_219[%add3A_203] : memref<320000xi32, #tpu.memory_space<hbm>> -> memref<128xi32, #tpu.memory_space<hbm>>
        %dma_start3A_221 = arith.constant 320000 : i32
        %dma_start3A_222 = tpu.memref_slice %arg4[%dma_start3A_221] : memref<640000xi32, #tpu.memory_space<hbm>> -> memref<320000xi32, #tpu.memory_space<hbm>>
        %dma_start3A_223 = tpu.memref_slice %dma_start3A_222[%add3A_203] : memref<320000xi32, #tpu.memory_space<hbm>> -> memref<128xi32, #tpu.memory_space<hbm>>
        tpu.enqueue_dma source(%dma_start3A_223 : memref<128xi32, #tpu.memory_space<hbm>>) target(%arg10 : memref<128xi32, #tpu.memory_space<vmem>>) target_semaphore(%arg19 : memref<!tpu.dma_semaphore, #tpu.memory_space<semaphore_mem>>)
      } else {
      }
      %add3A_152 = arith.constant 1 : i32
      %add3A_153 = arith.addi %add3A_144, %add3A_152 : i32
      %lt3A_154 = arith.constant 78 : i32
      %lt3A_155 = arith.cmpi slt, %add3A_153, %lt3A_154 : i32
      %convert_element_type3A_156 = arith.extui %lt3A_155 : i1 to i32
      %cond3A_157 = arith.constant 0 : i32
      %cond3A_158 = arith.cmpi ne, %convert_element_type3A_156, %cond3A_157 : i32
      scf.if %cond3A_158 {
        %add3A_197 = arith.constant 1 : i32
        %add3A_198 = arith.addi %add3A_144, %add3A_197 : i32
        %mul3A_199 = arith.constant 10000 : i32
        %mul3A_200 = arith.muli %add3A, %mul3A_199 : i32
        %mul3A_201 = arith.constant 128 : i32
        %mul3A_202 = arith.muli %add3A_198, %mul3A_201 : i32
        %add3A_203 = arith.addi %mul3A_200, %mul3A_202 : i32
        %dma_wait3A_204 = arith.constant 0 : i32
        %dma_wait3A_205 = tpu.memref_slice %arg3[%add3A_203, %dma_wait3A_204] : memref<320000x128xf32, #tpu.memory_space<hbm>> -> memref<128x128xf32, #tpu.memory_space<hbm>>
        %dma_wait3A_206 = arith.constant 0 : i32
        %dma_wait3A_207 = tpu.memref_slice %arg3[%add3A_203, %dma_wait3A_206] : memref<320000x128xf32, #tpu.memory_space<hbm>> -> memref<128x128xf32, #tpu.memory_space<hbm>>
        tpu.wait_dma2 semaphore(%arg21 : memref<!tpu.dma_semaphore, #tpu.memory_space<semaphore_mem>>) src(%dma_wait3A_207 : memref<128x128xf32, #tpu.memory_space<hbm>>) dst(%arg15 : memref<128x128xf32, #tpu.memory_space<vmem>>)
        %dma_wait3A_208 = arith.constant 0 : i32
        %dma_wait3A_209 = tpu.memref_slice %arg4[%dma_wait3A_208] : memref<640000xi32, #tpu.memory_space<hbm>> -> memref<320000xi32, #tpu.memory_space<hbm>>
        %dma_wait3A_210 = tpu.memref_slice %dma_wait3A_209[%add3A_203] : memref<320000xi32, #tpu.memory_space<hbm>> -> memref<128xi32, #tpu.memory_space<hbm>>
        %dma_wait3A_211 = arith.constant 0 : i32
        %dma_wait3A_212 = tpu.memref_slice %arg4[%dma_wait3A_211] : memref<640000xi32, #tpu.memory_space<hbm>> -> memref<320000xi32, #tpu.memory_space<hbm>>
        %dma_wait3A_213 = tpu.memref_slice %dma_wait3A_212[%add3A_203] : memref<320000xi32, #tpu.memory_space<hbm>> -> memref<128xi32, #tpu.memory_space<hbm>>
        tpu.wait_dma2 semaphore(%arg21 : memref<!tpu.dma_semaphore, #tpu.memory_space<semaphore_mem>>) src(%dma_wait3A_213 : memref<128xi32, #tpu.memory_space<hbm>>) dst(%arg9 : memref<128xi32, #tpu.memory_space<vmem>>)
        %dma_wait3A_214 = arith.constant 320000 : i32
        %dma_wait3A_215 = tpu.memref_slice %arg4[%dma_wait3A_214] : memref<640000xi32, #tpu.memory_space<hbm>> -> memref<320000xi32, #tpu.memory_space<hbm>>
        %dma_wait3A_216 = tpu.memref_slice %dma_wait3A_215[%add3A_203] : memref<320000xi32, #tpu.memory_space<hbm>> -> memref<128xi32, #tpu.memory_space<hbm>>
        %dma_wait3A_217 = arith.constant 320000 : i32
        %dma_wait3A_218 = tpu.memref_slice %arg4[%dma_wait3A_217] : memref<640000xi32, #tpu.memory_space<hbm>> -> memref<320000xi32, #tpu.memory_space<hbm>>
        %dma_wait3A_219 = tpu.memref_slice %dma_wait3A_218[%add3A_203] : memref<320000xi32, #tpu.memory_space<hbm>> -> memref<128xi32, #tpu.memory_space<hbm>>
        tpu.wait_dma2 semaphore(%arg21 : memref<!tpu.dma_semaphore, #tpu.memory_space<semaphore_mem>>) src(%dma_wait3A_219 : memref<128xi32, #tpu.memory_space<hbm>>) dst(%arg12 : memref<128xi32, #tpu.memory_space<vmem>>)
        %dma_start3A_220 = arith.constant 0 : i32
        %dma_start3A_221 = arith.constant 0 : i32
        %dma_start3A_222 = tpu.memref_slice %arg2[%dma_start3A_220, %dma_start3A_221] : memref<10000x128xf32, #tpu.memory_space<hbm>> -> memref<10000x128xf32, #tpu.memory_space<hbm>>
        tpu.enqueue_indirect_dma source(%dma_start3A_222 : memref<10000x128xf32, #tpu.memory_space<hbm>>) target(%arg15 : memref<128x128xf32, #tpu.memory_space<vmem>>) offsets(%arg9 : memref<128xi32, #tpu.memory_space<vmem>>) semaphore(%arg21 : memref<!tpu.dma_semaphore, #tpu.memory_space<semaphore_mem>>) {add = true}
      } else {
      }
      %dma_wait3A_159 = arith.constant 0 : i32
      %dma_wait3A_160 = arith.constant 0 : i32
      %dma_wait3A_161 = tpu.memref_slice %arg2[%dma_wait3A_159, %dma_wait3A_160] : memref<10000x128xf32, #tpu.memory_space<hbm>> -> memref<10000x128xf32, #tpu.memory_space<hbm>>
      tpu.wait_indirect_dma semaphore(%arg20 : memref<!tpu.dma_semaphore, #tpu.memory_space<semaphore_mem>>) src(%dma_wait3A_161 : memref<10000x128xf32, #tpu.memory_space<hbm>>) dst(%arg14 : memref<128x128xf32, #tpu.memory_space<vmem>>)
      %scan3A_162 = arith.constant 0 : i32
      %scan3A_163 = arith.constant 128 : i32
      %scan3A_164 = arith.addi %scan3A_162, %scan3A_163 : i32
      %scan3A_165 = arith.constant 1 : i32
      scf.for %scan3A_197 = %scan3A_162 to %scan3A_164 step %scan3A_165  : i32 {
        %mul3A_198 = arith.constant 1 : i32
        %mul3A_199 = arith.muli %scan3A_197, %mul3A_198 : i32
        %add3A_200 = arith.constant 0 : i32
        %add3A_201 = arith.addi %add3A_200, %mul3A_199 : i32
        %get3A = arith.index_cast %add3A_201 : i32 to index
        %get3A_202 = arith.constant 0 : index
        %get3A_203 = tpu.vector_load %arg14[%get3A, %get3A_202] {strides = array<i32>} : memref<128x128xf32, #tpu.memory_space<vmem>>, vector<1x16xf32>,
        %get3A_204 = vector.shape_cast %get3A_203 : vector<1x16xf32> to vector<16xf32>
        %max3A = arith.constant 0.000000e+00 : f32
        %max3A_205 = vector.broadcast %max3A : f32 to vector<16xf32>
        %max3A_206 = arith.maximumf %get3A_204, %max3A_205 : vector<16xf32>
        %swap3A = arith.index_cast %add3A_201 : i32 to index
        %swap3A_207 = arith.constant 0 : index
        %swap3A_208 = tpu.vector_load %arg14[%swap3A, %swap3A_207] {strides = array<i32>} : memref<128x128xf32, #tpu.memory_space<vmem>>, vector<1x16xf32>,
        %swap3A_209 = vector.shape_cast %swap3A_208 : vector<1x16xf32> to vector<16xf32>
        %swap3A_210 = vector.shape_cast %max3A_206 : vector<16xf32> to vector<1x16xf32>
        tpu.vector_store %arg14[%swap3A, %swap3A_207], %swap3A_210 {strides = array<i32>} : memref<128x128xf32, #tpu.memory_space<vmem>>, vector<1x16xf32>,
        %get3A_211 = arith.index_cast %add3A_201 : i32 to index
        %get3A_212 = arith.constant 16 : index
        %get3A_213 = tpu.vector_load %arg14[%get3A_211, %get3A_212] {strides = array<i32>} : memref<128x128xf32, #tpu.memory_space<vmem>>, vector<1x16xf32>,
        %get3A_214 = vector.shape_cast %get3A_213 : vector<1x16xf32> to vector<16xf32>
        %max3A_215 = arith.constant 0.000000e+00 : f32
        %max3A_216 = vector.broadcast %max3A_215 : f32 to vector<16xf32>
        %max3A_217 = arith.maximumf %get3A_214, %max3A_216 : vector<16xf32>
        %swap3A_218 = arith.index_cast %add3A_201 : i32 to index
        %swap3A_219 = arith.constant 16 : index
        %swap3A_220 = tpu.vector_load %arg14[%swap3A_218, %swap3A_219] {strides = array<i32>} : memref<128x128xf32, #tpu.memory_space<vmem>>, vector<1x16xf32>,
        %swap3A_221 = vector.shape_cast %swap3A_220 : vector<1x16xf32> to vector<16xf32>
        %swap3A_222 = vector.shape_cast %max3A_217 : vector<16xf32> to vector<1x16xf32>
        tpu.vector_store %arg14[%swap3A_218, %swap3A_219], %swap3A_222 {strides = array<i32>} : memref<128x128xf32, #tpu.memory_space<vmem>>, vector<1x16xf32>,
        %get3A_223 = arith.index_cast %add3A_201 : i32 to index
        %get3A_224 = arith.constant 32 : index
        %get3A_225 = tpu.vector_load %arg14[%get3A_223, %get3A_224] {strides = array<i32>} : memref<128x128xf32, #tpu.memory_space<vmem>>, vector<1x16xf32>,
        %get3A_226 = vector.shape_cast %get3A_225 : vector<1x16xf32> to vector<16xf32>
        %max3A_227 = arith.constant 0.000000e+00 : f32
        %max3A_228 = vector.broadcast %max3A_227 : f32 to vector<16xf32>
        %max3A_229 = arith.maximumf %get3A_226, %max3A_228 : vector<16xf32>
        %swap3A_230 = arith.index_cast %add3A_201 : i32 to index
        %swap3A_231 = arith.constant 32 : index
        %swap3A_232 = tpu.vector_load %arg14[%swap3A_230, %swap3A_231] {strides = array<i32>} : memref<128x128xf32, #tpu.memory_space<vmem>>, vector<1x16xf32>,
        %swap3A_233 = vector.shape_cast %swap3A_232 : vector<1x16xf32> to vector<16xf32>
        %swap3A_234 = vector.shape_cast %max3A_229 : vector<16xf32> to vector<1x16xf32>
        tpu.vector_store %arg14[%swap3A_230, %swap3A_231], %swap3A_234 {strides = array<i32>} : memref<128x128xf32, #tpu.memory_space<vmem>>, vector<1x16xf32>,
        %get3A_235 = arith.index_cast %add3A_201 : i32 to index
        %get3A_236 = arith.constant 48 : index
        %get3A_237 = tpu.vector_load %arg14[%get3A_235, %get3A_236] {strides = array<i32>} : memref<128x128xf32, #tpu.memory_space<vmem>>, vector<1x16xf32>,
        %get3A_238 = vector.shape_cast %get3A_237 : vector<1x16xf32> to vector<16xf32>
        %max3A_239 = arith.constant 0.000000e+00 : f32
        %max3A_240 = vector.broadcast %max3A_239 : f32 to vector<16xf32>
        %max3A_241 = arith.maximumf %get3A_238, %max3A_240 : vector<16xf32>
        %swap3A_242 = arith.index_cast %add3A_201 : i32 to index
        %swap3A_243 = arith.constant 48 : index
        %swap3A_244 = tpu.vector_load %arg14[%swap3A_242, %swap3A_243] {strides = array<i32>} : memref<128x128xf32, #tpu.memory_space<vmem>>, vector<1x16xf32>,
        %swap3A_245 = vector.shape_cast %swap3A_244 : vector<1x16xf32> to vector<16xf32>
        %swap3A_246 = vector.shape_cast %max3A_241 : vector<16xf32> to vector<1x16xf32>
        tpu.vector_store %arg14[%swap3A_242, %swap3A_243], %swap3A_246 {strides = array<i32>} : memref<128x128xf32, #tpu.memory_space<vmem>>, vector<1x16xf32>,
        %get3A_247 = arith.index_cast %add3A_201 : i32 to index
        %get3A_248 = arith.constant 64 : index
        %get3A_249 = tpu.vector_load %arg14[%get3A_247, %get3A_248] {strides = array<i32>} : memref<128x128xf32, #tpu.memory_space<vmem>>, vector<1x16xf32>,
        %get3A_250 = vector.shape_cast %get3A_249 : vector<1x16xf32> to vector<16xf32>
        %max3A_251 = arith.constant 0.000000e+00 : f32
        %max3A_252 = vector.broadcast %max3A_251 : f32 to vector<16xf32>
        %max3A_253 = arith.maximumf %get3A_250, %max3A_252 : vector<16xf32>
        %swap3A_254 = arith.index_cast %add3A_201 : i32 to index
        %swap3A_255 = arith.constant 64 : index
        %swap3A_256 = tpu.vector_load %arg14[%swap3A_254, %swap3A_255] {strides = array<i32>} : memref<128x128xf32, #tpu.memory_space<vmem>>, vector<1x16xf32>,
        %swap3A_257 = vector.shape_cast %swap3A_256 : vector<1x16xf32> to vector<16xf32>
        %swap3A_258 = vector.shape_cast %max3A_253 : vector<16xf32> to vector<1x16xf32>
        tpu.vector_store %arg14[%swap3A_254, %swap3A_255], %swap3A_258 {strides = array<i32>} : memref<128x128xf32, #tpu.memory_space<vmem>>, vector<1x16xf32>,
        %get3A_259 = arith.index_cast %add3A_201 : i32 to index
        %get3A_260 = arith.constant 80 : index
        %get3A_261 = tpu.vector_load %arg14[%get3A_259, %get3A_260] {strides = array<i32>} : memref<128x128xf32, #tpu.memory_space<vmem>>, vector<1x16xf32>,
        %get3A_262 = vector.shape_cast %get3A_261 : vector<1x16xf32> to vector<16xf32>
        %max3A_263 = arith.constant 0.000000e+00 : f32
        %max3A_264 = vector.broadcast %max3A_263 : f32 to vector<16xf32>
        %max3A_265 = arith.maximumf %get3A_262, %max3A_264 : vector<16xf32>
        %swap3A_266 = arith.index_cast %add3A_201 : i32 to index
        %swap3A_267 = arith.constant 80 : index
        %swap3A_268 = tpu.vector_load %arg14[%swap3A_266, %swap3A_267] {strides = array<i32>} : memref<128x128xf32, #tpu.memory_space<vmem>>, vector<1x16xf32>,
        %swap3A_269 = vector.shape_cast %swap3A_268 : vector<1x16xf32> to vector<16xf32>
        %swap3A_270 = vector.shape_cast %max3A_265 : vector<16xf32> to vector<1x16xf32>
        tpu.vector_store %arg14[%swap3A_266, %swap3A_267], %swap3A_270 {strides = array<i32>} : memref<128x128xf32, #tpu.memory_space<vmem>>, vector<1x16xf32>,
        %get3A_271 = arith.index_cast %add3A_201 : i32 to index
        %get3A_272 = arith.constant 96 : index
        %get3A_273 = tpu.vector_load %arg14[%get3A_271, %get3A_272] {strides = array<i32>} : memref<128x128xf32, #tpu.memory_space<vmem>>, vector<1x16xf32>,
        %get3A_274 = vector.shape_cast %get3A_273 : vector<1x16xf32> to vector<16xf32>
        %max3A_275 = arith.constant 0.000000e+00 : f32
        %max3A_276 = vector.broadcast %max3A_275 : f32 to vector<16xf32>
        %max3A_277 = arith.maximumf %get3A_274, %max3A_276 : vector<16xf32>
        %swap3A_278 = arith.index_cast %add3A_201 : i32 to index
        %swap3A_279 = arith.constant 96 : index
        %swap3A_280 = tpu.vector_load %arg14[%swap3A_278, %swap3A_279] {strides = array<i32>} : memref<128x128xf32, #tpu.memory_space<vmem>>, vector<1x16xf32>,
        %swap3A_281 = vector.shape_cast %swap3A_280 : vector<1x16xf32> to vector<16xf32>
        %swap3A_282 = vector.shape_cast %max3A_277 : vector<16xf32> to vector<1x16xf32>
        tpu.vector_store %arg14[%swap3A_278, %swap3A_279], %swap3A_282 {strides = array<i32>} : memref<128x128xf32, #tpu.memory_space<vmem>>, vector<1x16xf32>,
        %get3A_283 = arith.index_cast %add3A_201 : i32 to index
        %get3A_284 = arith.constant 112 : index
        %get3A_285 = tpu.vector_load %arg14[%get3A_283, %get3A_284] {strides = array<i32>} : memref<128x128xf32, #tpu.memory_space<vmem>>, vector<1x16xf32>,
        %get3A_286 = vector.shape_cast %get3A_285 : vector<1x16xf32> to vector<16xf32>
        %max3A_287 = arith.constant 0.000000e+00 : f32
        %max3A_288 = vector.broadcast %max3A_287 : f32 to vector<16xf32>
        %max3A_289 = arith.maximumf %get3A_286, %max3A_288 : vector<16xf32>
        %swap3A_290 = arith.index_cast %add3A_201 : i32 to index
        %swap3A_291 = arith.constant 112 : index
        %swap3A_292 = tpu.vector_load %arg14[%swap3A_290, %swap3A_291] {strides = array<i32>} : memref<128x128xf32, #tpu.memory_space<vmem>>, vector<1x16xf32>,
        %swap3A_293 = vector.shape_cast %swap3A_292 : vector<1x16xf32> to vector<16xf32>
        %swap3A_294 = vector.shape_cast %max3A_289 : vector<16xf32> to vector<1x16xf32>
        tpu.vector_store %arg14[%swap3A_290, %swap3A_291], %swap3A_294 {strides = array<i32>} : memref<128x128xf32, #tpu.memory_space<vmem>>, vector<1x16xf32>,
      }
      %scan3A_166 = arith.constant 128 : i32
      %dma_start3A_167 = arith.constant 0 : i32
      %dma_start3A_168 = arith.constant 0 : i32
      %dma_start3A_169 = tpu.memref_slice %arg18[%dma_start3A_167, %dma_start3A_168] : memref<10000x128xf32, #tpu.memory_space<vmem_shared>> -> memref<10000x128xf32, #tpu.memory_space<vmem_shared>>
      tpu.enqueue_indirect_dma source(%arg14 : memref<128x128xf32, #tpu.memory_space<vmem>>) target(%dma_start3A_169 : memref<10000x128xf32, #tpu.memory_space<vmem_shared>>) offsets(%arg11 : memref<128xi32, #tpu.memory_space<vmem>>) semaphore(%arg20 : memref<!tpu.dma_semaphore, #tpu.memory_space<semaphore_mem>>) {add = true}
      %add3A_170 = arith.constant 2 : i32
      %add3A_171 = arith.addi %add3A_116, %add3A_170 : i32
      %add3A_172 = arith.constant 2 : i32
      %add3A_173 = arith.addi %add3A_171, %add3A_172 : i32
      %lt3A_174 = arith.constant 78 : i32
      %lt3A_175 = arith.cmpi slt, %add3A_173, %lt3A_174 : i32
      %convert_element_type3A_176 = arith.extui %lt3A_175 : i1 to i32
      %cond3A_177 = arith.constant 0 : i32
      %cond3A_178 = arith.cmpi ne, %convert_element_type3A_176, %cond3A_177 : i32
      scf.if %cond3A_178 {
        %add3A_197 = arith.constant 2 : i32
        %add3A_198 = arith.addi %add3A_171, %add3A_197 : i32
        %mul3A_199 = arith.constant 10000 : i32
        %mul3A_200 = arith.muli %add3A, %mul3A_199 : i32
        %mul3A_201 = arith.constant 128 : i32
        %mul3A_202 = arith.muli %add3A_198, %mul3A_201 : i32
        %add3A_203 = arith.addi %mul3A_200, %mul3A_202 : i32
        %ge3A = arith.constant 3 : i32
        %ge3A_204 = arith.cmpi sge, %add3A_198, %ge3A : i32
        %convert_element_type3A_205 = arith.extui %ge3A_204 : i1 to i32
        %cond3A_206 = arith.constant 0 : i32
        %cond3A_207 = arith.cmpi ne, %convert_element_type3A_205, %cond3A_206 : i32
        scf.if %cond3A_207 {
          %dma_wait3A_224 = arith.constant 0 : i32
          %dma_wait3A_225 = arith.constant 0 : i32
          %dma_wait3A_226 = tpu.memref_slice %arg18[%dma_wait3A_224, %dma_wait3A_225] : memref<10000x128xf32, #tpu.memory_space<vmem_shared>> -> memref<10000x128xf32, #tpu.memory_space<vmem_shared>>
          tpu.wait_indirect_dma semaphore(%arg20 : memref<!tpu.dma_semaphore, #tpu.memory_space<semaphore_mem>>) src(%arg14 : memref<128x128xf32, #tpu.memory_space<vmem>>) dst(%dma_wait3A_226 : memref<10000x128xf32, #tpu.memory_space<vmem_shared>>)
        } else {
        }
        %dma_start3A_208 = arith.constant 0 : i32
        %dma_start3A_209 = tpu.memref_slice %arg3[%add3A_203, %dma_start3A_208] : memref<320000x128xf32, #tpu.memory_space<hbm>> -> memref<128x128xf32, #tpu.memory_space<hbm>>
        %dma_start3A_210 = arith.constant 0 : i32
        %dma_start3A_211 = tpu.memref_slice %arg3[%add3A_203, %dma_start3A_210] : memref<320000x128xf32, #tpu.memory_space<hbm>> -> memref<128x128xf32, #tpu.memory_space<hbm>>
        tpu.enqueue_dma source(%dma_start3A_211 : memref<128x128xf32, #tpu.memory_space<hbm>>) target(%arg14 : memref<128x128xf32, #tpu.memory_space<vmem>>) target_semaphore(%arg20 : memref<!tpu.dma_semaphore, #tpu.memory_space<semaphore_mem>>)
        %dma_start3A_212 = arith.constant 0 : i32
        %dma_start3A_213 = tpu.memref_slice %arg4[%dma_start3A_212] : memref<640000xi32, #tpu.memory_space<hbm>> -> memref<320000xi32, #tpu.memory_space<hbm>>
        %dma_start3A_214 = tpu.memref_slice %dma_start3A_213[%add3A_203] : memref<320000xi32, #tpu.memory_space<hbm>> -> memref<128xi32, #tpu.memory_space<hbm>>
        %dma_start3A_215 = arith.constant 0 : i32
        %dma_start3A_216 = tpu.memref_slice %arg4[%dma_start3A_215] : memref<640000xi32, #tpu.memory_space<hbm>> -> memref<320000xi32, #tpu.memory_space<hbm>>
        %dma_start3A_217 = tpu.memref_slice %dma_start3A_216[%add3A_203] : memref<320000xi32, #tpu.memory_space<hbm>> -> memref<128xi32, #tpu.memory_space<hbm>>
        tpu.enqueue_dma source(%dma_start3A_217 : memref<128xi32, #tpu.memory_space<hbm>>) target(%arg8 : memref<128xi32, #tpu.memory_space<vmem>>) target_semaphore(%arg20 : memref<!tpu.dma_semaphore, #tpu.memory_space<semaphore_mem>>)
        %dma_start3A_218 = arith.constant 320000 : i32
        %dma_start3A_219 = tpu.memref_slice %arg4[%dma_start3A_218] : memref<640000xi32, #tpu.memory_space<hbm>> -> memref<320000xi32, #tpu.memory_space<hbm>>
        %dma_start3A_220 = tpu.memref_slice %dma_start3A_219[%add3A_203] : memref<320000xi32, #tpu.memory_space<hbm>> -> memref<128xi32, #tpu.memory_space<hbm>>
        %dma_start3A_221 = arith.constant 320000 : i32
        %dma_start3A_222 = tpu.memref_slice %arg4[%dma_start3A_221] : memref<640000xi32, #tpu.memory_space<hbm>> -> memref<320000xi32, #tpu.memory_space<hbm>>
        %dma_start3A_223 = tpu.memref_slice %dma_start3A_222[%add3A_203] : memref<320000xi32, #tpu.memory_space<hbm>> -> memref<128xi32, #tpu.memory_space<hbm>>
        tpu.enqueue_dma source(%dma_start3A_223 : memref<128xi32, #tpu.memory_space<hbm>>) target(%arg11 : memref<128xi32, #tpu.memory_space<vmem>>) target_semaphore(%arg20 : memref<!tpu.dma_semaphore, #tpu.memory_space<semaphore_mem>>)
      } else {
      }
      %add3A_179 = arith.constant 1 : i32
      %add3A_180 = arith.addi %add3A_171, %add3A_179 : i32
      %lt3A_181 = arith.constant 78 : i32
      %lt3A_182 = arith.cmpi slt, %add3A_180, %lt3A_181 : i32
      %convert_element_type3A_183 = arith.extui %lt3A_182 : i1 to i32
      %cond3A_184 = arith.constant 0 : i32
      %cond3A_185 = arith.cmpi ne, %convert_element_type3A_183, %cond3A_184 : i32
      scf.if %cond3A_185 {
        %add3A_197 = arith.constant 1 : i32
        %add3A_198 = arith.addi %add3A_171, %add3A_197 : i32
        %mul3A_199 = arith.constant 10000 : i32
        %mul3A_200 = arith.muli %add3A, %mul3A_199 : i32
        %mul3A_201 = arith.constant 128 : i32
        %mul3A_202 = arith.muli %add3A_198, %mul3A_201 : i32
        %add3A_203 = arith.addi %mul3A_200, %mul3A_202 : i32
        %dma_wait3A_204 = arith.constant 0 : i32
        %dma_wait3A_205 = tpu.memref_slice %arg3[%add3A_203, %dma_wait3A_204] : memref<320000x128xf32, #tpu.memory_space<hbm>> -> memref<128x128xf32, #tpu.memory_space<hbm>>
        %dma_wait3A_206 = arith.constant 0 : i32
        %dma_wait3A_207 = tpu.memref_slice %arg3[%add3A_203, %dma_wait3A_206] : memref<320000x128xf32, #tpu.memory_space<hbm>> -> memref<128x128xf32, #tpu.memory_space<hbm>>
        tpu.wait_dma2 semaphore(%arg19 : memref<!tpu.dma_semaphore, #tpu.memory_space<semaphore_mem>>) src(%dma_wait3A_207 : memref<128x128xf32, #tpu.memory_space<hbm>>) dst(%arg13 : memref<128x128xf32, #tpu.memory_space<vmem>>)
        %dma_wait3A_208 = arith.constant 0 : i32
        %dma_wait3A_209 = tpu.memref_slice %arg4[%dma_wait3A_208] : memref<640000xi32, #tpu.memory_space<hbm>> -> memref<320000xi32, #tpu.memory_space<hbm>>
        %dma_wait3A_210 = tpu.memref_slice %dma_wait3A_209[%add3A_203] : memref<320000xi32, #tpu.memory_space<hbm>> -> memref<128xi32, #tpu.memory_space<hbm>>
        %dma_wait3A_211 = arith.constant 0 : i32
        %dma_wait3A_212 = tpu.memref_slice %arg4[%dma_wait3A_211] : memref<640000xi32, #tpu.memory_space<hbm>> -> memref<320000xi32, #tpu.memory_space<hbm>>
        %dma_wait3A_213 = tpu.memref_slice %dma_wait3A_212[%add3A_203] : memref<320000xi32, #tpu.memory_space<hbm>> -> memref<128xi32, #tpu.memory_space<hbm>>
        tpu.wait_dma2 semaphore(%arg19 : memref<!tpu.dma_semaphore, #tpu.memory_space<semaphore_mem>>) src(%dma_wait3A_213 : memref<128xi32, #tpu.memory_space<hbm>>) dst(%arg7 : memref<128xi32, #tpu.memory_space<vmem>>)
        %dma_wait3A_214 = arith.constant 320000 : i32
        %dma_wait3A_215 = tpu.memref_slice %arg4[%dma_wait3A_214] : memref<640000xi32, #tpu.memory_space<hbm>> -> memref<320000xi32, #tpu.memory_space<hbm>>
        %dma_wait3A_216 = tpu.memref_slice %dma_wait3A_215[%add3A_203] : memref<320000xi32, #tpu.memory_space<hbm>> -> memref<128xi32, #tpu.memory_space<hbm>>
        %dma_wait3A_217 = arith.constant 320000 : i32
        %dma_wait3A_218 = tpu.memref_slice %arg4[%dma_wait3A_217] : memref<640000xi32, #tpu.memory_space<hbm>> -> memref<320000xi32, #tpu.memory_space<hbm>>
        %dma_wait3A_219 = tpu.memref_slice %dma_wait3A_218[%add3A_203] : memref<320000xi32, #tpu.memory_space<hbm>> -> memref<128xi32, #tpu.memory_space<hbm>>
        tpu.wait_dma2 semaphore(%arg19 : memref<!tpu.dma_semaphore, #tpu.memory_space<semaphore_mem>>) src(%dma_wait3A_219 : memref<128xi32, #tpu.memory_space<hbm>>) dst(%arg10 : memref<128xi32, #tpu.memory_space<vmem>>)
        %dma_start3A_220 = arith.constant 0 : i32
        %dma_start3A_221 = arith.constant 0 : i32
        %dma_start3A_222 = tpu.memref_slice %arg2[%dma_start3A_220, %dma_start3A_221] : memref<10000x128xf32, #tpu.memory_space<hbm>> -> memref<10000x128xf32, #tpu.memory_space<hbm>>
        tpu.enqueue_indirect_dma source(%dma_start3A_222 : memref<10000x128xf32, #tpu.memory_space<hbm>>) target(%arg13 : memref<128x128xf32, #tpu.memory_space<vmem>>) offsets(%arg7 : memref<128xi32, #tpu.memory_space<vmem>>) semaphore(%arg19 : memref<!tpu.dma_semaphore, #tpu.memory_space<semaphore_mem>>) {add = true}
      } else {
      }
      %dma_wait3A_186 = arith.constant 0 : i32
      %dma_wait3A_187 = arith.constant 0 : i32
      %dma_wait3A_188 = tpu.memref_slice %arg2[%dma_wait3A_186, %dma_wait3A_187] : memref<10000x128xf32, #tpu.memory_space<hbm>> -> memref<10000x128xf32, #tpu.memory_space<hbm>>
      tpu.wait_indirect_dma semaphore(%arg21 : memref<!tpu.dma_semaphore, #tpu.memory_space<semaphore_mem>>) src(%dma_wait3A_188 : memref<10000x128xf32, #tpu.memory_space<hbm>>) dst(%arg15 : memref<128x128xf32, #tpu.memory_space<vmem>>)
      %scan3A_189 = arith.constant 0 : i32
      %scan3A_190 = arith.constant 128 : i32
      %scan3A_191 = arith.addi %scan3A_189, %scan3A_190 : i32
      %scan3A_192 = arith.constant 1 : i32
      scf.for %scan3A_197 = %scan3A_189 to %scan3A_191 step %scan3A_192  : i32 {
        %mul3A_198 = arith.constant 1 : i32
        %mul3A_199 = arith.muli %scan3A_197, %mul3A_198 : i32
        %add3A_200 = arith.constant 0 : i32
        %add3A_201 = arith.addi %add3A_200, %mul3A_199 : i32
        %get3A = arith.index_cast %add3A_201 : i32 to index
        %get3A_202 = arith.constant 0 : index
        %get3A_203 = tpu.vector_load %arg15[%get3A, %get3A_202] {strides = array<i32>} : memref<128x128xf32, #tpu.memory_space<vmem>>, vector<1x16xf32>,
        %get3A_204 = vector.shape_cast %get3A_203 : vector<1x16xf32> to vector<16xf32>
        %max3A = arith.constant 0.000000e+00 : f32
        %max3A_205 = vector.broadcast %max3A : f32 to vector<16xf32>
        %max3A_206 = arith.maximumf %get3A_204, %max3A_205 : vector<16xf32>
        %swap3A = arith.index_cast %add3A_201 : i32 to index
        %swap3A_207 = arith.constant 0 : index
        %swap3A_208 = tpu.vector_load %arg15[%swap3A, %swap3A_207] {strides = array<i32>} : memref<128x128xf32, #tpu.memory_space<vmem>>, vector<1x16xf32>,
        %swap3A_209 = vector.shape_cast %swap3A_208 : vector<1x16xf32> to vector<16xf32>
        %swap3A_210 = vector.shape_cast %max3A_206 : vector<16xf32> to vector<1x16xf32>
        tpu.vector_store %arg15[%swap3A, %swap3A_207], %swap3A_210 {strides = array<i32>} : memref<128x128xf32, #tpu.memory_space<vmem>>, vector<1x16xf32>,
        %get3A_211 = arith.index_cast %add3A_201 : i32 to index
        %get3A_212 = arith.constant 16 : index
        %get3A_213 = tpu.vector_load %arg15[%get3A_211, %get3A_212] {strides = array<i32>} : memref<128x128xf32, #tpu.memory_space<vmem>>, vector<1x16xf32>,
        %get3A_214 = vector.shape_cast %get3A_213 : vector<1x16xf32> to vector<16xf32>
        %max3A_215 = arith.constant 0.000000e+00 : f32
        %max3A_216 = vector.broadcast %max3A_215 : f32 to vector<16xf32>
        %max3A_217 = arith.maximumf %get3A_214, %max3A_216 : vector<16xf32>
        %swap3A_218 = arith.index_cast %add3A_201 : i32 to index
        %swap3A_219 = arith.constant 16 : index
        %swap3A_220 = tpu.vector_load %arg15[%swap3A_218, %swap3A_219] {strides = array<i32>} : memref<128x128xf32, #tpu.memory_space<vmem>>, vector<1x16xf32>,
        %swap3A_221 = vector.shape_cast %swap3A_220 : vector<1x16xf32> to vector<16xf32>
        %swap3A_222 = vector.shape_cast %max3A_217 : vector<16xf32> to vector<1x16xf32>
        tpu.vector_store %arg15[%swap3A_218, %swap3A_219], %swap3A_222 {strides = array<i32>} : memref<128x128xf32, #tpu.memory_space<vmem>>, vector<1x16xf32>,
        %get3A_223 = arith.index_cast %add3A_201 : i32 to index
        %get3A_224 = arith.constant 32 : index
        %get3A_225 = tpu.vector_load %arg15[%get3A_223, %get3A_224] {strides = array<i32>} : memref<128x128xf32, #tpu.memory_space<vmem>>, vector<1x16xf32>,
        %get3A_226 = vector.shape_cast %get3A_225 : vector<1x16xf32> to vector<16xf32>
        %max3A_227 = arith.constant 0.000000e+00 : f32
        %max3A_228 = vector.broadcast %max3A_227 : f32 to vector<16xf32>
        %max3A_229 = arith.maximumf %get3A_226, %max3A_228 : vector<16xf32>
        %swap3A_230 = arith.index_cast %add3A_201 : i32 to index
        %swap3A_231 = arith.constant 32 : index
        %swap3A_232 = tpu.vector_load %arg15[%swap3A_230, %swap3A_231] {strides = array<i32>} : memref<128x128xf32, #tpu.memory_space<vmem>>, vector<1x16xf32>,
        %swap3A_233 = vector.shape_cast %swap3A_232 : vector<1x16xf32> to vector<16xf32>
        %swap3A_234 = vector.shape_cast %max3A_229 : vector<16xf32> to vector<1x16xf32>
        tpu.vector_store %arg15[%swap3A_230, %swap3A_231], %swap3A_234 {strides = array<i32>} : memref<128x128xf32, #tpu.memory_space<vmem>>, vector<1x16xf32>,
        %get3A_235 = arith.index_cast %add3A_201 : i32 to index
        %get3A_236 = arith.constant 48 : index
        %get3A_237 = tpu.vector_load %arg15[%get3A_235, %get3A_236] {strides = array<i32>} : memref<128x128xf32, #tpu.memory_space<vmem>>, vector<1x16xf32>,
        %get3A_238 = vector.shape_cast %get3A_237 : vector<1x16xf32> to vector<16xf32>
        %max3A_239 = arith.constant 0.000000e+00 : f32
        %max3A_240 = vector.broadcast %max3A_239 : f32 to vector<16xf32>
        %max3A_241 = arith.maximumf %get3A_238, %max3A_240 : vector<16xf32>
        %swap3A_242 = arith.index_cast %add3A_201 : i32 to index
        %swap3A_243 = arith.constant 48 : index
        %swap3A_244 = tpu.vector_load %arg15[%swap3A_242, %swap3A_243] {strides = array<i32>} : memref<128x128xf32, #tpu.memory_space<vmem>>, vector<1x16xf32>,
        %swap3A_245 = vector.shape_cast %swap3A_244 : vector<1x16xf32> to vector<16xf32>
        %swap3A_246 = vector.shape_cast %max3A_241 : vector<16xf32> to vector<1x16xf32>
        tpu.vector_store %arg15[%swap3A_242, %swap3A_243], %swap3A_246 {strides = array<i32>} : memref<128x128xf32, #tpu.memory_space<vmem>>, vector<1x16xf32>,
        %get3A_247 = arith.index_cast %add3A_201 : i32 to index
        %get3A_248 = arith.constant 64 : index
        %get3A_249 = tpu.vector_load %arg15[%get3A_247, %get3A_248] {strides = array<i32>} : memref<128x128xf32, #tpu.memory_space<vmem>>, vector<1x16xf32>,
        %get3A_250 = vector.shape_cast %get3A_249 : vector<1x16xf32> to vector<16xf32>
        %max3A_251 = arith.constant 0.000000e+00 : f32
        %max3A_252 = vector.broadcast %max3A_251 : f32 to vector<16xf32>
        %max3A_253 = arith.maximumf %get3A_250, %max3A_252 : vector<16xf32>
        %swap3A_254 = arith.index_cast %add3A_201 : i32 to index
        %swap3A_255 = arith.constant 64 : index
        %swap3A_256 = tpu.vector_load %arg15[%swap3A_254, %swap3A_255] {strides = array<i32>} : memref<128x128xf32, #tpu.memory_space<vmem>>, vector<1x16xf32>,
        %swap3A_257 = vector.shape_cast %swap3A_256 : vector<1x16xf32> to vector<16xf32>
        %swap3A_258 = vector.shape_cast %max3A_253 : vector<16xf32> to vector<1x16xf32>
        tpu.vector_store %arg15[%swap3A_254, %swap3A_255], %swap3A_258 {strides = array<i32>} : memref<128x128xf32, #tpu.memory_space<vmem>>, vector<1x16xf32>,
        %get3A_259 = arith.index_cast %add3A_201 : i32 to index
        %get3A_260 = arith.constant 80 : index
        %get3A_261 = tpu.vector_load %arg15[%get3A_259, %get3A_260] {strides = array<i32>} : memref<128x128xf32, #tpu.memory_space<vmem>>, vector<1x16xf32>,
        %get3A_262 = vector.shape_cast %get3A_261 : vector<1x16xf32> to vector<16xf32>
        %max3A_263 = arith.constant 0.000000e+00 : f32
        %max3A_264 = vector.broadcast %max3A_263 : f32 to vector<16xf32>
        %max3A_265 = arith.maximumf %get3A_262, %max3A_264 : vector<16xf32>
        %swap3A_266 = arith.index_cast %add3A_201 : i32 to index
        %swap3A_267 = arith.constant 80 : index
        %swap3A_268 = tpu.vector_load %arg15[%swap3A_266, %swap3A_267] {strides = array<i32>} : memref<128x128xf32, #tpu.memory_space<vmem>>, vector<1x16xf32>,
        %swap3A_269 = vector.shape_cast %swap3A_268 : vector<1x16xf32> to vector<16xf32>
        %swap3A_270 = vector.shape_cast %max3A_265 : vector<16xf32> to vector<1x16xf32>
        tpu.vector_store %arg15[%swap3A_266, %swap3A_267], %swap3A_270 {strides = array<i32>} : memref<128x128xf32, #tpu.memory_space<vmem>>, vector<1x16xf32>,
        %get3A_271 = arith.index_cast %add3A_201 : i32 to index
        %get3A_272 = arith.constant 96 : index
        %get3A_273 = tpu.vector_load %arg15[%get3A_271, %get3A_272] {strides = array<i32>} : memref<128x128xf32, #tpu.memory_space<vmem>>, vector<1x16xf32>,
        %get3A_274 = vector.shape_cast %get3A_273 : vector<1x16xf32> to vector<16xf32>
        %max3A_275 = arith.constant 0.000000e+00 : f32
        %max3A_276 = vector.broadcast %max3A_275 : f32 to vector<16xf32>
        %max3A_277 = arith.maximumf %get3A_274, %max3A_276 : vector<16xf32>
        %swap3A_278 = arith.index_cast %add3A_201 : i32 to index
        %swap3A_279 = arith.constant 96 : index
        %swap3A_280 = tpu.vector_load %arg15[%swap3A_278, %swap3A_279] {strides = array<i32>} : memref<128x128xf32, #tpu.memory_space<vmem>>, vector<1x16xf32>,
        %swap3A_281 = vector.shape_cast %swap3A_280 : vector<1x16xf32> to vector<16xf32>
        %swap3A_282 = vector.shape_cast %max3A_277 : vector<16xf32> to vector<1x16xf32>
        tpu.vector_store %arg15[%swap3A_278, %swap3A_279], %swap3A_282 {strides = array<i32>} : memref<128x128xf32, #tpu.memory_space<vmem>>, vector<1x16xf32>,
        %get3A_283 = arith.index_cast %add3A_201 : i32 to index
        %get3A_284 = arith.constant 112 : index
        %get3A_285 = tpu.vector_load %arg15[%get3A_283, %get3A_284] {strides = array<i32>} : memref<128x128xf32, #tpu.memory_space<vmem>>, vector<1x16xf32>,
        %get3A_286 = vector.shape_cast %get3A_285 : vector<1x16xf32> to vector<16xf32>
        %max3A_287 = arith.constant 0.000000e+00 : f32
        %max3A_288 = vector.broadcast %max3A_287 : f32 to vector<16xf32>
        %max3A_289 = arith.maximumf %get3A_286, %max3A_288 : vector<16xf32>
        %swap3A_290 = arith.index_cast %add3A_201 : i32 to index
        %swap3A_291 = arith.constant 112 : index
        %swap3A_292 = tpu.vector_load %arg15[%swap3A_290, %swap3A_291] {strides = array<i32>} : memref<128x128xf32, #tpu.memory_space<vmem>>, vector<1x16xf32>,
        %swap3A_293 = vector.shape_cast %swap3A_292 : vector<1x16xf32> to vector<16xf32>
        %swap3A_294 = vector.shape_cast %max3A_289 : vector<16xf32> to vector<1x16xf32>
        tpu.vector_store %arg15[%swap3A_290, %swap3A_291], %swap3A_294 {strides = array<i32>} : memref<128x128xf32, #tpu.memory_space<vmem>>, vector<1x16xf32>,
      }
      %scan3A_193 = arith.constant 128 : i32
      %dma_start3A_194 = arith.constant 0 : i32
      %dma_start3A_195 = arith.constant 0 : i32
      %dma_start3A_196 = tpu.memref_slice %arg18[%dma_start3A_194, %dma_start3A_195] : memref<10000x128xf32, #tpu.memory_space<vmem_shared>> -> memref<10000x128xf32, #tpu.memory_space<vmem_shared>>
      tpu.enqueue_indirect_dma source(%arg15 : memref<128x128xf32, #tpu.memory_space<vmem>>) target(%dma_start3A_196 : memref<10000x128xf32, #tpu.memory_space<vmem_shared>>) offsets(%arg12 : memref<128xi32, #tpu.memory_space<vmem>>) semaphore(%arg21 : memref<!tpu.dma_semaphore, #tpu.memory_space<semaphore_mem>>) {add = true}
    }
    %scan3A_71 = arith.constant 26 : i32
    %dma_wait3A_72 = arith.constant 0 : i32
    %dma_wait3A_73 = arith.constant 0 : i32
    %dma_wait3A_74 = tpu.memref_slice %arg18[%dma_wait3A_72, %dma_wait3A_73] : memref<10000x128xf32, #tpu.memory_space<vmem_shared>> -> memref<10000x128xf32, #tpu.memory_space<vmem_shared>>
    tpu.wait_indirect_dma semaphore(%arg19 : memref<!tpu.dma_semaphore, #tpu.memory_space<semaphore_mem>>) src(%arg13 : memref<128x128xf32, #tpu.memory_space<vmem>>) dst(%dma_wait3A_74 : memref<10000x128xf32, #tpu.memory_space<vmem_shared>>)
    %dma_wait3A_75 = arith.constant 0 : i32
    %dma_wait3A_76 = arith.constant 0 : i32
    %dma_wait3A_77 = tpu.memref_slice %arg18[%dma_wait3A_75, %dma_wait3A_76] : memref<10000x128xf32, #tpu.memory_space<vmem_shared>> -> memref<10000x128xf32, #tpu.memory_space<vmem_shared>>
    tpu.wait_indirect_dma semaphore(%arg20 : memref<!tpu.dma_semaphore, #tpu.memory_space<semaphore_mem>>) src(%arg14 : memref<128x128xf32, #tpu.memory_space<vmem>>) dst(%dma_wait3A_77 : memref<10000x128xf32, #tpu.memory_space<vmem_shared>>)
    %dma_wait3A_78 = arith.constant 0 : i32
    %dma_wait3A_79 = arith.constant 0 : i32
    %dma_wait3A_80 = tpu.memref_slice %arg18[%dma_wait3A_78, %dma_wait3A_79] : memref<10000x128xf32, #tpu.memory_space<vmem_shared>> -> memref<10000x128xf32, #tpu.memory_space<vmem_shared>>
    tpu.wait_indirect_dma semaphore(%arg21 : memref<!tpu.dma_semaphore, #tpu.memory_space<semaphore_mem>>) src(%arg15 : memref<128x128xf32, #tpu.memory_space<vmem>>) dst(%dma_wait3A_80 : memref<10000x128xf32, #tpu.memory_space<vmem_shared>>)
    %mul3A_81 = arith.constant 10000 : i32
    %mul3A_82 = arith.muli %add3A, %mul3A_81 : i32
    %add3A_83 = arith.constant 9984 : i32
    %add3A_84 = arith.addi %mul3A_82, %add3A_83 : i32
    "tpu.region"() ({
      %run_scoped3A = tpu.sem_alloc : memref<!tpu.dma_semaphore, #tpu.memory_space<semaphore_mem>>
      %dma_start3A_112 = arith.constant 0 : i32
      %dma_start3A_113 = tpu.memref_slice %arg4[%dma_start3A_112] : memref<640000xi32, #tpu.memory_space<hbm>> -> memref<320000xi32, #tpu.memory_space<hbm>>
      %dma_start3A_114 = tpu.memref_slice %dma_start3A_113[%add3A_84] : memref<320000xi32, #tpu.memory_space<hbm>> -> memref<16xi32, #tpu.memory_space<hbm>>
      %dma_start3A_115 = arith.constant 0 : i32
      %dma_start3A_116 = tpu.memref_slice %arg4[%dma_start3A_115] : memref<640000xi32, #tpu.memory_space<hbm>> -> memref<320000xi32, #tpu.memory_space<hbm>>
      %dma_start3A_117 = tpu.memref_slice %dma_start3A_116[%add3A_84] : memref<320000xi32, #tpu.memory_space<hbm>> -> memref<16xi32, #tpu.memory_space<hbm>>
      tpu.enqueue_dma source(%dma_start3A_117 : memref<16xi32, #tpu.memory_space<hbm>>) target(%arg16 : memref<16xi32, #tpu.memory_space<vmem>>) target_semaphore(%run_scoped3A : memref<!tpu.dma_semaphore, #tpu.memory_space<semaphore_mem>>)
      %dma_wait3A_118 = arith.constant 0 : i32
      %dma_wait3A_119 = tpu.memref_slice %arg4[%dma_wait3A_118] : memref<640000xi32, #tpu.memory_space<hbm>> -> memref<320000xi32, #tpu.memory_space<hbm>>
      %dma_wait3A_120 = tpu.memref_slice %dma_wait3A_119[%add3A_84] : memref<320000xi32, #tpu.memory_space<hbm>> -> memref<16xi32, #tpu.memory_space<hbm>>
      %dma_wait3A_121 = arith.constant 0 : i32
      %dma_wait3A_122 = tpu.memref_slice %arg4[%dma_wait3A_121] : memref<640000xi32, #tpu.memory_space<hbm>> -> memref<320000xi32, #tpu.memory_space<hbm>>
      %dma_wait3A_123 = tpu.memref_slice %dma_wait3A_122[%add3A_84] : memref<320000xi32, #tpu.memory_space<hbm>> -> memref<16xi32, #tpu.memory_space<hbm>>
      tpu.wait_dma2 semaphore(%run_scoped3A : memref<!tpu.dma_semaphore, #tpu.memory_space<semaphore_mem>>) src(%dma_wait3A_123 : memref<16xi32, #tpu.memory_space<hbm>>) dst(%arg16 : memref<16xi32, #tpu.memory_space<vmem>>)
      tpu.yield
    }) : () -> ()
    "tpu.region"() ({
      %run_scoped3A = tpu.sem_alloc : memref<!tpu.dma_semaphore, #tpu.memory_space<semaphore_mem>>
      %dma_start3A_112 = arith.constant 320000 : i32
      %dma_start3A_113 = tpu.memref_slice %arg4[%dma_start3A_112] : memref<640000xi32, #tpu.memory_space<hbm>> -> memref<320000xi32, #tpu.memory_space<hbm>>
      %dma_start3A_114 = tpu.memref_slice %dma_start3A_113[%add3A_84] : memref<320000xi32, #tpu.memory_space<hbm>> -> memref<16xi32, #tpu.memory_space<hbm>>
      %dma_start3A_115 = arith.constant 320000 : i32
      %dma_start3A_116 = tpu.memref_slice %arg4[%dma_start3A_115] : memref<640000xi32, #tpu.memory_space<hbm>> -> memref<320000xi32, #tpu.memory_space<hbm>>
      %dma_start3A_117 = tpu.memref_slice %dma_start3A_116[%add3A_84] : memref<320000xi32, #tpu.memory_space<hbm>> -> memref<16xi32, #tpu.memory_space<hbm>>
      tpu.enqueue_dma source(%dma_start3A_117 : memref<16xi32, #tpu.memory_space<hbm>>) target(%arg17 : memref<16xi32, #tpu.memory_space<vmem>>) target_semaphore(%run_scoped3A : memref<!tpu.dma_semaphore, #tpu.memory_space<semaphore_mem>>)
      %dma_wait3A_118 = arith.constant 320000 : i32
      %dma_wait3A_119 = tpu.memref_slice %arg4[%dma_wait3A_118] : memref<640000xi32, #tpu.memory_space<hbm>> -> memref<320000xi32, #tpu.memory_space<hbm>>
      %dma_wait3A_120 = tpu.memref_slice %dma_wait3A_119[%add3A_84] : memref<320000xi32, #tpu.memory_space<hbm>> -> memref<16xi32, #tpu.memory_space<hbm>>
      %dma_wait3A_121 = arith.constant 320000 : i32
      %dma_wait3A_122 = tpu.memref_slice %arg4[%dma_wait3A_121] : memref<640000xi32, #tpu.memory_space<hbm>> -> memref<320000xi32, #tpu.memory_space<hbm>>
      %dma_wait3A_123 = tpu.memref_slice %dma_wait3A_122[%add3A_84] : memref<320000xi32, #tpu.memory_space<hbm>> -> memref<16xi32, #tpu.memory_space<hbm>>
      tpu.wait_dma2 semaphore(%run_scoped3A : memref<!tpu.dma_semaphore, #tpu.memory_space<semaphore_mem>>) src(%dma_wait3A_123 : memref<16xi32, #tpu.memory_space<hbm>>) dst(%arg17 : memref<16xi32, #tpu.memory_space<vmem>>)
      tpu.yield
    }) : () -> ()
    "tpu.region"() ({
      %run_scoped3A = tpu.sem_alloc : memref<!tpu.dma_semaphore, #tpu.memory_space<semaphore_mem>>
      %dma_start3A_112 = arith.constant 0 : i32
      %dma_start3A_113 = arith.constant 0 : i32
      %dma_start3A_114 = tpu.memref_slice %arg13[%dma_start3A_112, %dma_start3A_113] : memref<128x128xf32, #tpu.memory_space<vmem>> -> memref<16x128xf32, #tpu.memory_space<vmem>>
      %dma_start3A_115 = arith.constant 0 : i32
      %dma_start3A_116 = tpu.memref_slice %arg3[%add3A_84, %dma_start3A_115] : memref<320000x128xf32, #tpu.memory_space<hbm>> -> memref<16x128xf32, #tpu.memory_space<hbm>>
      %dma_start3A_117 = arith.constant 0 : i32
      %dma_start3A_118 = arith.constant 0 : i32
      %dma_start3A_119 = tpu.memref_slice %arg13[%dma_start3A_117, %dma_start3A_118] : memref<128x128xf32, #tpu.memory_space<vmem>> -> memref<16x128xf32, #tpu.memory_space<vmem>>
      %dma_start3A_120 = arith.constant 0 : i32
      %dma_start3A_121 = tpu.memref_slice %arg3[%add3A_84, %dma_start3A_120] : memref<320000x128xf32, #tpu.memory_space<hbm>> -> memref<16x128xf32, #tpu.memory_space<hbm>>
      tpu.enqueue_dma source(%dma_start3A_121 : memref<16x128xf32, #tpu.memory_space<hbm>>) target(%dma_start3A_119 : memref<16x128xf32, #tpu.memory_space<vmem>>) target_semaphore(%run_scoped3A : memref<!tpu.dma_semaphore, #tpu.memory_space<semaphore_mem>>)
      %dma_wait3A_122 = arith.constant 0 : i32
      %dma_wait3A_123 = arith.constant 0 : i32
      %dma_wait3A_124 = tpu.memref_slice %arg13[%dma_wait3A_122, %dma_wait3A_123] : memref<128x128xf32, #tpu.memory_space<vmem>> -> memref<16x128xf32, #tpu.memory_space<vmem>>
      %dma_wait3A_125 = arith.constant 0 : i32
      %dma_wait3A_126 = tpu.memref_slice %arg3[%add3A_84, %dma_wait3A_125] : memref<320000x128xf32, #tpu.memory_space<hbm>> -> memref<16x128xf32, #tpu.memory_space<hbm>>
      %dma_wait3A_127 = arith.constant 0 : i32
      %dma_wait3A_128 = arith.constant 0 : i32
      %dma_wait3A_129 = tpu.memref_slice %arg13[%dma_wait3A_127, %dma_wait3A_128] : memref<128x128xf32, #tpu.memory_space<vmem>> -> memref<16x128xf32, #tpu.memory_space<vmem>>
      %dma_wait3A_130 = arith.constant 0 : i32
      %dma_wait3A_131 = tpu.memref_slice %arg3[%add3A_84, %dma_wait3A_130] : memref<320000x128xf32, #tpu.memory_space<hbm>> -> memref<16x128xf32, #tpu.memory_space<hbm>>
      tpu.wait_dma2 semaphore(%run_scoped3A : memref<!tpu.dma_semaphore, #tpu.memory_space<semaphore_mem>>) src(%dma_wait3A_131 : memref<16x128xf32, #tpu.memory_space<hbm>>) dst(%dma_wait3A_129 : memref<16x128xf32, #tpu.memory_space<vmem>>)
      tpu.yield
    }) : () -> ()
    %dma_start3A_85 = arith.constant 0 : i32
    %dma_start3A_86 = arith.constant 0 : i32
    %dma_start3A_87 = tpu.memref_slice %arg13[%dma_start3A_85, %dma_start3A_86] : memref<128x128xf32, #tpu.memory_space<vmem>> -> memref<16x128xf32, #tpu.memory_space<vmem>>
    %dma_start3A_88 = arith.constant 0 : i32
    %dma_start3A_89 = arith.constant 0 : i32
    %dma_start3A_90 = tpu.memref_slice %arg2[%dma_start3A_88, %dma_start3A_89] : memref<10000x128xf32, #tpu.memory_space<hbm>> -> memref<10000x128xf32, #tpu.memory_space<hbm>>
    tpu.enqueue_indirect_dma source(%dma_start3A_90 : memref<10000x128xf32, #tpu.memory_space<hbm>>) target(%dma_start3A_87 : memref<16x128xf32, #tpu.memory_space<vmem>>) offsets(%arg16 : memref<16xi32, #tpu.memory_space<vmem>>) semaphore(%arg19 : memref<!tpu.dma_semaphore, #tpu.memory_space<semaphore_mem>>) {add = true}
    %dma_wait3A_91 = arith.constant 0 : i32
    %dma_wait3A_92 = arith.constant 0 : i32
    %dma_wait3A_93 = tpu.memref_slice %arg13[%dma_wait3A_91, %dma_wait3A_92] : memref<128x128xf32, #tpu.memory_space<vmem>> -> memref<16x128xf32, #tpu.memory_space<vmem>>
    %dma_wait3A_94 = arith.constant 0 : i32
    %dma_wait3A_95 = arith.constant 0 : i32
    %dma_wait3A_96 = tpu.memref_slice %arg2[%dma_wait3A_94, %dma_wait3A_95] : memref<10000x128xf32, #tpu.memory_space<hbm>> -> memref<10000x128xf32, #tpu.memory_space<hbm>>
    tpu.wait_indirect_dma semaphore(%arg19 : memref<!tpu.dma_semaphore, #tpu.memory_space<semaphore_mem>>) src(%dma_wait3A_96 : memref<10000x128xf32, #tpu.memory_space<hbm>>) dst(%dma_wait3A_93 : memref<16x128xf32, #tpu.memory_space<vmem>>)
    %scan3A_97 = arith.constant 0 : i32
    %scan3A_98 = arith.constant 16 : i32
    %scan3A_99 = arith.addi %scan3A_97, %scan3A_98 : i32
    %scan3A_100 = arith.constant 1 : i32
    scf.for %scan3A_112 = %scan3A_97 to %scan3A_99 step %scan3A_100  : i32 {
      %mul3A_113 = arith.constant 1 : i32
      %mul3A_114 = arith.muli %scan3A_112, %mul3A_113 : i32
      %add3A_115 = arith.constant 0 : i32
      %add3A_116 = arith.addi %add3A_115, %mul3A_114 : i32
      %get3A = arith.index_cast %add3A_116 : i32 to index
      %get3A_117 = arith.constant 0 : index
      %get3A_118 = tpu.vector_load %arg13[%get3A, %get3A_117] {strides = array<i32>} : memref<128x128xf32, #tpu.memory_space<vmem>>, vector<1x16xf32>,
      %get3A_119 = vector.shape_cast %get3A_118 : vector<1x16xf32> to vector<16xf32>
      %max3A = arith.constant 0.000000e+00 : f32
      %max3A_120 = vector.broadcast %max3A : f32 to vector<16xf32>
      %max3A_121 = arith.maximumf %get3A_119, %max3A_120 : vector<16xf32>
      %swap3A = arith.index_cast %add3A_116 : i32 to index
      %swap3A_122 = arith.constant 0 : index
      %swap3A_123 = tpu.vector_load %arg13[%swap3A, %swap3A_122] {strides = array<i32>} : memref<128x128xf32, #tpu.memory_space<vmem>>, vector<1x16xf32>,
      %swap3A_124 = vector.shape_cast %swap3A_123 : vector<1x16xf32> to vector<16xf32>
      %swap3A_125 = vector.shape_cast %max3A_121 : vector<16xf32> to vector<1x16xf32>
      tpu.vector_store %arg13[%swap3A, %swap3A_122], %swap3A_125 {strides = array<i32>} : memref<128x128xf32, #tpu.memory_space<vmem>>, vector<1x16xf32>,
      %get3A_126 = arith.index_cast %add3A_116 : i32 to index
      %get3A_127 = arith.constant 16 : index
      %get3A_128 = tpu.vector_load %arg13[%get3A_126, %get3A_127] {strides = array<i32>} : memref<128x128xf32, #tpu.memory_space<vmem>>, vector<1x16xf32>,
      %get3A_129 = vector.shape_cast %get3A_128 : vector<1x16xf32> to vector<16xf32>
      %max3A_130 = arith.constant 0.000000e+00 : f32
      %max3A_131 = vector.broadcast %max3A_130 : f32 to vector<16xf32>
      %max3A_132 = arith.maximumf %get3A_129, %max3A_131 : vector<16xf32>
      %swap3A_133 = arith.index_cast %add3A_116 : i32 to index
      %swap3A_134 = arith.constant 16 : index
      %swap3A_135 = tpu.vector_load %arg13[%swap3A_133, %swap3A_134] {strides = array<i32>} : memref<128x128xf32, #tpu.memory_space<vmem>>, vector<1x16xf32>,
      %swap3A_136 = vector.shape_cast %swap3A_135 : vector<1x16xf32> to vector<16xf32>
      %swap3A_137 = vector.shape_cast %max3A_132 : vector<16xf32> to vector<1x16xf32>
      tpu.vector_store %arg13[%swap3A_133, %swap3A_134], %swap3A_137 {strides = array<i32>} : memref<128x128xf32, #tpu.memory_space<vmem>>, vector<1x16xf32>,
      %get3A_138 = arith.index_cast %add3A_116 : i32 to index
      %get3A_139 = arith.constant 32 : index
      %get3A_140 = tpu.vector_load %arg13[%get3A_138, %get3A_139] {strides = array<i32>} : memref<128x128xf32, #tpu.memory_space<vmem>>, vector<1x16xf32>,
      %get3A_141 = vector.shape_cast %get3A_140 : vector<1x16xf32> to vector<16xf32>
      %max3A_142 = arith.constant 0.000000e+00 : f32
      %max3A_143 = vector.broadcast %max3A_142 : f32 to vector<16xf32>
      %max3A_144 = arith.maximumf %get3A_141, %max3A_143 : vector<16xf32>
      %swap3A_145 = arith.index_cast %add3A_116 : i32 to index
      %swap3A_146 = arith.constant 32 : index
      %swap3A_147 = tpu.vector_load %arg13[%swap3A_145, %swap3A_146] {strides = array<i32>} : memref<128x128xf32, #tpu.memory_space<vmem>>, vector<1x16xf32>,
      %swap3A_148 = vector.shape_cast %swap3A_147 : vector<1x16xf32> to vector<16xf32>
      %swap3A_149 = vector.shape_cast %max3A_144 : vector<16xf32> to vector<1x16xf32>
      tpu.vector_store %arg13[%swap3A_145, %swap3A_146], %swap3A_149 {strides = array<i32>} : memref<128x128xf32, #tpu.memory_space<vmem>>, vector<1x16xf32>,
      %get3A_150 = arith.index_cast %add3A_116 : i32 to index
      %get3A_151 = arith.constant 48 : index
      %get3A_152 = tpu.vector_load %arg13[%get3A_150, %get3A_151] {strides = array<i32>} : memref<128x128xf32, #tpu.memory_space<vmem>>, vector<1x16xf32>,
      %get3A_153 = vector.shape_cast %get3A_152 : vector<1x16xf32> to vector<16xf32>
      %max3A_154 = arith.constant 0.000000e+00 : f32
      %max3A_155 = vector.broadcast %max3A_154 : f32 to vector<16xf32>
      %max3A_156 = arith.maximumf %get3A_153, %max3A_155 : vector<16xf32>
      %swap3A_157 = arith.index_cast %add3A_116 : i32 to index
      %swap3A_158 = arith.constant 48 : index
      %swap3A_159 = tpu.vector_load %arg13[%swap3A_157, %swap3A_158] {strides = array<i32>} : memref<128x128xf32, #tpu.memory_space<vmem>>, vector<1x16xf32>,
      %swap3A_160 = vector.shape_cast %swap3A_159 : vector<1x16xf32> to vector<16xf32>
      %swap3A_161 = vector.shape_cast %max3A_156 : vector<16xf32> to vector<1x16xf32>
      tpu.vector_store %arg13[%swap3A_157, %swap3A_158], %swap3A_161 {strides = array<i32>} : memref<128x128xf32, #tpu.memory_space<vmem>>, vector<1x16xf32>,
      %get3A_162 = arith.index_cast %add3A_116 : i32 to index
      %get3A_163 = arith.constant 64 : index
      %get3A_164 = tpu.vector_load %arg13[%get3A_162, %get3A_163] {strides = array<i32>} : memref<128x128xf32, #tpu.memory_space<vmem>>, vector<1x16xf32>,
      %get3A_165 = vector.shape_cast %get3A_164 : vector<1x16xf32> to vector<16xf32>
      %max3A_166 = arith.constant 0.000000e+00 : f32
      %max3A_167 = vector.broadcast %max3A_166 : f32 to vector<16xf32>
      %max3A_168 = arith.maximumf %get3A_165, %max3A_167 : vector<16xf32>
      %swap3A_169 = arith.index_cast %add3A_116 : i32 to index
      %swap3A_170 = arith.constant 64 : index
      %swap3A_171 = tpu.vector_load %arg13[%swap3A_169, %swap3A_170] {strides = array<i32>} : memref<128x128xf32, #tpu.memory_space<vmem>>, vector<1x16xf32>,
      %swap3A_172 = vector.shape_cast %swap3A_171 : vector<1x16xf32> to vector<16xf32>
      %swap3A_173 = vector.shape_cast %max3A_168 : vector<16xf32> to vector<1x16xf32>
      tpu.vector_store %arg13[%swap3A_169, %swap3A_170], %swap3A_173 {strides = array<i32>} : memref<128x128xf32, #tpu.memory_space<vmem>>, vector<1x16xf32>,
      %get3A_174 = arith.index_cast %add3A_116 : i32 to index
      %get3A_175 = arith.constant 80 : index
      %get3A_176 = tpu.vector_load %arg13[%get3A_174, %get3A_175] {strides = array<i32>} : memref<128x128xf32, #tpu.memory_space<vmem>>, vector<1x16xf32>,
      %get3A_177 = vector.shape_cast %get3A_176 : vector<1x16xf32> to vector<16xf32>
      %max3A_178 = arith.constant 0.000000e+00 : f32
      %max3A_179 = vector.broadcast %max3A_178 : f32 to vector<16xf32>
      %max3A_180 = arith.maximumf %get3A_177, %max3A_179 : vector<16xf32>
      %swap3A_181 = arith.index_cast %add3A_116 : i32 to index
      %swap3A_182 = arith.constant 80 : index
      %swap3A_183 = tpu.vector_load %arg13[%swap3A_181, %swap3A_182] {strides = array<i32>} : memref<128x128xf32, #tpu.memory_space<vmem>>, vector<1x16xf32>,
      %swap3A_184 = vector.shape_cast %swap3A_183 : vector<1x16xf32> to vector<16xf32>
      %swap3A_185 = vector.shape_cast %max3A_180 : vector<16xf32> to vector<1x16xf32>
      tpu.vector_store %arg13[%swap3A_181, %swap3A_182], %swap3A_185 {strides = array<i32>} : memref<128x128xf32, #tpu.memory_space<vmem>>, vector<1x16xf32>,
      %get3A_186 = arith.index_cast %add3A_116 : i32 to index
      %get3A_187 = arith.constant 96 : index
      %get3A_188 = tpu.vector_load %arg13[%get3A_186, %get3A_187] {strides = array<i32>} : memref<128x128xf32, #tpu.memory_space<vmem>>, vector<1x16xf32>,
      %get3A_189 = vector.shape_cast %get3A_188 : vector<1x16xf32> to vector<16xf32>
      %max3A_190 = arith.constant 0.000000e+00 : f32
      %max3A_191 = vector.broadcast %max3A_190 : f32 to vector<16xf32>
      %max3A_192 = arith.maximumf %get3A_189, %max3A_191 : vector<16xf32>
      %swap3A_193 = arith.index_cast %add3A_116 : i32 to index
      %swap3A_194 = arith.constant 96 : index
      %swap3A_195 = tpu.vector_load %arg13[%swap3A_193, %swap3A_194] {strides = array<i32>} : memref<128x128xf32, #tpu.memory_space<vmem>>, vector<1x16xf32>,
      %swap3A_196 = vector.shape_cast %swap3A_195 : vector<1x16xf32> to vector<16xf32>
      %swap3A_197 = vector.shape_cast %max3A_192 : vector<16xf32> to vector<1x16xf32>
      tpu.vector_store %arg13[%swap3A_193, %swap3A_194], %swap3A_197 {strides = array<i32>} : memref<128x128xf32, #tpu.memory_space<vmem>>, vector<1x16xf32>,
      %get3A_198 = arith.index_cast %add3A_116 : i32 to index
      %get3A_199 = arith.constant 112 : index
      %get3A_200 = tpu.vector_load %arg13[%get3A_198, %get3A_199] {strides = array<i32>} : memref<128x128xf32, #tpu.memory_space<vmem>>, vector<1x16xf32>,
      %get3A_201 = vector.shape_cast %get3A_200 : vector<1x16xf32> to vector<16xf32>
      %max3A_202 = arith.constant 0.000000e+00 : f32
      %max3A_203 = vector.broadcast %max3A_202 : f32 to vector<16xf32>
      %max3A_204 = arith.maximumf %get3A_201, %max3A_203 : vector<16xf32>
      %swap3A_205 = arith.index_cast %add3A_116 : i32 to index
      %swap3A_206 = arith.constant 112 : index
      %swap3A_207 = tpu.vector_load %arg13[%swap3A_205, %swap3A_206] {strides = array<i32>} : memref<128x128xf32, #tpu.memory_space<vmem>>, vector<1x16xf32>,
      %swap3A_208 = vector.shape_cast %swap3A_207 : vector<1x16xf32> to vector<16xf32>
      %swap3A_209 = vector.shape_cast %max3A_204 : vector<16xf32> to vector<1x16xf32>
      tpu.vector_store %arg13[%swap3A_205, %swap3A_206], %swap3A_209 {strides = array<i32>} : memref<128x128xf32, #tpu.memory_space<vmem>>, vector<1x16xf32>,
    }
    %scan3A_101 = arith.constant 16 : i32
    "tpu.region"() ({
      %run_scoped3A = tpu.sem_alloc : memref<!tpu.dma_semaphore, #tpu.memory_space<semaphore_mem>>
      %dma_start3A_112 = arith.constant 0 : i32
      %dma_start3A_113 = arith.constant 0 : i32
      %dma_start3A_114 = tpu.memref_slice %arg13[%dma_start3A_112, %dma_start3A_113] : memref<128x128xf32, #tpu.memory_space<vmem>> -> memref<16x128xf32, #tpu.memory_space<vmem>>
      %dma_start3A_115 = arith.constant 0 : i32
      %dma_start3A_116 = arith.constant 0 : i32
      %dma_start3A_117 = tpu.memref_slice %arg18[%dma_start3A_115, %dma_start3A_116] : memref<10000x128xf32, #tpu.memory_space<vmem_shared>> -> memref<10000x128xf32, #tpu.memory_space<vmem_shared>>
      tpu.enqueue_indirect_dma source(%dma_start3A_114 : memref<16x128xf32, #tpu.memory_space<vmem>>) target(%dma_start3A_117 : memref<10000x128xf32, #tpu.memory_space<vmem_shared>>) offsets(%arg17 : memref<16xi32, #tpu.memory_space<vmem>>) semaphore(%run_scoped3A : memref<!tpu.dma_semaphore, #tpu.memory_space<semaphore_mem>>) {add = true}
      %dma_wait3A_118 = arith.constant 0 : i32
      %dma_wait3A_119 = arith.constant 0 : i32
      %dma_wait3A_120 = tpu.memref_slice %arg13[%dma_wait3A_118, %dma_wait3A_119] : memref<128x128xf32, #tpu.memory_space<vmem>> -> memref<16x128xf32, #tpu.memory_space<vmem>>
      %dma_wait3A_121 = arith.constant 0 : i32
      %dma_wait3A_122 = arith.constant 0 : i32
      %dma_wait3A_123 = tpu.memref_slice %arg18[%dma_wait3A_121, %dma_wait3A_122] : memref<10000x128xf32, #tpu.memory_space<vmem_shared>> -> memref<10000x128xf32, #tpu.memory_space<vmem_shared>>
      tpu.wait_indirect_dma semaphore(%run_scoped3A : memref<!tpu.dma_semaphore, #tpu.memory_space<semaphore_mem>>) src(%dma_wait3A_120 : memref<16x128xf32, #tpu.memory_space<vmem>>) dst(%dma_wait3A_123 : memref<10000x128xf32, #tpu.memory_space<vmem_shared>>)
      tpu.yield
    }) : () -> ()
    %barrier3A_102 = arith.constant 0 : index
    tpu.barrier barrier_id(%barrier3A_102)
    %mul3A_103 = arith.constant 624 : i32
    %mul3A_104 = arith.muli %arg1, %mul3A_103 : i32
    %mul3A_105 = arith.constant 624 : i32
    %mul3A_106 = arith.muli %arg1, %mul3A_105 : i32
    "tpu.region"() ({
      %run_scoped3A = tpu.sem_alloc : memref<!tpu.dma_semaphore, #tpu.memory_space<semaphore_mem>>
      %dma_start3A_112 = arith.constant 0 : i32
      %dma_start3A_113 = arith.constant 0 : i32
      %dma_start3A_114 = tpu.memref_slice %arg6[%arg0, %dma_start3A_112, %dma_start3A_113] : memref<2x10000x128xf32, #tpu.memory_space<hbm>> -> memref<1x10000x128xf32, #tpu.memory_space<hbm>>
      %dma_start3A_115 = tpu.memref_squeeze %dma_start3A_114 : memref<1x10000x128xf32, #tpu.memory_space<hbm>> -> memref<10000x128xf32, #tpu.memory_space<hbm>>
      %dma_start3A_116 = arith.constant 0 : i32
      %dma_start3A_117 = tpu.memref_slice %dma_start3A_115[%mul3A_106, %dma_start3A_116] : memref<10000x128xf32, #tpu.memory_space<hbm>> -> memref<624x128xf32, #tpu.memory_space<hbm>>
      %dma_start3A_118 = arith.constant 0 : i32
      %dma_start3A_119 = tpu.memref_slice %arg18[%mul3A_104, %dma_start3A_118] : memref<10000x128xf32, #tpu.memory_space<vmem_shared>> -> memref<624x128xf32, #tpu.memory_space<vmem_shared>>
      tpu.enqueue_dma source(%dma_start3A_119 : memref<624x128xf32, #tpu.memory_space<vmem_shared>>) target(%dma_start3A_117 : memref<624x128xf32, #tpu.memory_space<hbm>>) target_semaphore(%run_scoped3A : memref<!tpu.dma_semaphore, #tpu.memory_space<semaphore_mem>>)
      %dma_wait3A_120 = arith.constant 0 : i32
      %dma_wait3A_121 = arith.constant 0 : i32
      %dma_wait3A_122 = tpu.memref_slice %arg6[%arg0, %dma_wait3A_120, %dma_wait3A_121] : memref<2x10000x128xf32, #tpu.memory_space<hbm>> -> memref<1x10000x128xf32, #tpu.memory_space<hbm>>
      %dma_wait3A_123 = tpu.memref_squeeze %dma_wait3A_122 : memref<1x10000x128xf32, #tpu.memory_space<hbm>> -> memref<10000x128xf32, #tpu.memory_space<hbm>>
      %dma_wait3A_124 = arith.constant 0 : i32
      %dma_wait3A_125 = tpu.memref_slice %dma_wait3A_123[%mul3A_106, %dma_wait3A_124] : memref<10000x128xf32, #tpu.memory_space<hbm>> -> memref<624x128xf32, #tpu.memory_space<hbm>>
      %dma_wait3A_126 = arith.constant 0 : i32
      %dma_wait3A_127 = tpu.memref_slice %arg18[%mul3A_104, %dma_wait3A_126] : memref<10000x128xf32, #tpu.memory_space<vmem_shared>> -> memref<624x128xf32, #tpu.memory_space<vmem_shared>>
      tpu.wait_dma2 semaphore(%run_scoped3A : memref<!tpu.dma_semaphore, #tpu.memory_space<semaphore_mem>>) src(%dma_wait3A_127 : memref<624x128xf32, #tpu.memory_space<vmem_shared>>) dst(%dma_wait3A_125 : memref<624x128xf32, #tpu.memory_space<hbm>>)
      tpu.yield
    }) : () -> ()
    %eq3A_107 = arith.constant 0 : i32
    %eq3A_108 = arith.cmpi eq, %arg1, %eq3A_107 : i32
    %convert_element_type3A_109 = arith.extui %eq3A_108 : i1 to i32
    %cond3A_110 = arith.constant 0 : i32
    %cond3A_111 = arith.cmpi ne, %convert_element_type3A_109, %cond3A_110 : i32
    scf.if %cond3A_111 {
      "tpu.region"() ({
        %run_scoped3A = tpu.sem_alloc : memref<!tpu.dma_semaphore, #tpu.memory_space<semaphore_mem>>
        %dma_start3A_112 = arith.constant 0 : i32
        %dma_start3A_113 = arith.constant 0 : i32
        %dma_start3A_114 = tpu.memref_slice %arg6[%arg0, %dma_start3A_112, %dma_start3A_113] : memref<2x10000x128xf32, #tpu.memory_space<hbm>> -> memref<1x10000x128xf32, #tpu.memory_space<hbm>>
        %dma_start3A_115 = tpu.memref_squeeze %dma_start3A_114 : memref<1x10000x128xf32, #tpu.memory_space<hbm>> -> memref<10000x128xf32, #tpu.memory_space<hbm>>
        %dma_start3A_116 = arith.constant 9984 : i32
        %dma_start3A_117 = arith.constant 0 : i32
        %dma_start3A_118 = tpu.memref_slice %dma_start3A_115[%dma_start3A_116, %dma_start3A_117] : memref<10000x128xf32, #tpu.memory_space<hbm>> -> memref<16x128xf32, #tpu.memory_space<hbm>>
        %dma_start3A_119 = arith.constant 9984 : i32
        %dma_start3A_120 = arith.constant 0 : i32
        %dma_start3A_121 = tpu.memref_slice %arg18[%dma_start3A_119, %dma_start3A_120] : memref<10000x128xf32, #tpu.memory_space<vmem_shared>> -> memref<16x128xf32, #tpu.memory_space<vmem_shared>>
        tpu.enqueue_dma source(%dma_start3A_121 : memref<16x128xf32, #tpu.memory_space<vmem_shared>>) target(%dma_start3A_118 : memref<16x128xf32, #tpu.memory_space<hbm>>) target_semaphore(%run_scoped3A : memref<!tpu.dma_semaphore, #tpu.memory_space<semaphore_mem>>)
        %dma_wait3A_122 = arith.constant 0 : i32
        %dma_wait3A_123 = arith.constant 0 : i32
        %dma_wait3A_124 = tpu.memref_slice %arg6[%arg0, %dma_wait3A_122, %dma_wait3A_123] : memref<2x10000x128xf32, #tpu.memory_space<hbm>> -> memref<1x10000x128xf32, #tpu.memory_space<hbm>>
        %dma_wait3A_125 = tpu.memref_squeeze %dma_wait3A_124 : memref<1x10000x128xf32, #tpu.memory_space<hbm>> -> memref<10000x128xf32, #tpu.memory_space<hbm>>
        %dma_wait3A_126 = arith.constant 9984 : i32
        %dma_wait3A_127 = arith.constant 0 : i32
        %dma_wait3A_128 = tpu.memref_slice %dma_wait3A_125[%dma_wait3A_126, %dma_wait3A_127] : memref<10000x128xf32, #tpu.memory_space<hbm>> -> memref<16x128xf32, #tpu.memory_space<hbm>>
        %dma_wait3A_129 = arith.constant 9984 : i32
        %dma_wait3A_130 = arith.constant 0 : i32
        %dma_wait3A_131 = tpu.memref_slice %arg18[%dma_wait3A_129, %dma_wait3A_130] : memref<10000x128xf32, #tpu.memory_space<vmem_shared>> -> memref<16x128xf32, #tpu.memory_space<vmem_shared>>
        tpu.wait_dma2 semaphore(%run_scoped3A : memref<!tpu.dma_semaphore, #tpu.memory_space<semaphore_mem>>) src(%dma_wait3A_131 : memref<16x128xf32, #tpu.memory_space<vmem_shared>>) dst(%dma_wait3A_128 : memref<16x128xf32, #tpu.memory_space<hbm>>)
        tpu.yield
      }) : () -> ()
    } else {
    }
    return
  }
}

#map = affine_map<(d0, d1) -> (0, 0)>
#map1 = affine_map<(d0, d1) -> (0)>
#map2 = affine_map<(d0, d1) -> (0, 0, 0)>
module attributes {stable_mosaic.version = 14 : i64} {
  func.func @k(%arg0: i32, %arg1: i32, %arg2: memref<10000x128xf32, #tpu.memory_space<hbm>>, %arg3: memref<320000x128xf32, #tpu.memory_space<hbm>>, %arg4: memref<640000xi32, #tpu.memory_space<hbm>>, %arg5: memref<10000x128xf32, #tpu.memory_space<hbm>>, %arg6: memref<2x10000x128xf32, #tpu.memory_space<hbm>>, %arg7: memref<128xi32, #tpu.memory_space<vmem>>, %arg8: memref<128xi32, #tpu.memory_space<vmem>>, %arg9: memref<128xi32, #tpu.memory_space<vmem>>, %arg10: memref<128xi32, #tpu.memory_space<vmem>>, %arg11: memref<128xi32, #tpu.memory_space<vmem>>, %arg12: memref<128xi32, #tpu.memory_space<vmem>>, %arg13: memref<128x128xf32, #tpu.memory_space<vmem>>, %arg14: memref<128x128xf32, #tpu.memory_space<vmem>>, %arg15: memref<128x128xf32, #tpu.memory_space<vmem>>, %arg16: memref<16xi32, #tpu.memory_space<vmem>>, %arg17: memref<16xi32, #tpu.memory_space<vmem>>, %arg18: memref<10000x128xf32, #tpu.memory_space<vmem_shared>>, %arg19: memref<!tpu.dma_semaphore, #tpu.memory_space<semaphore_mem>>, %arg20: memref<!tpu.dma_semaphore, #tpu.memory_space<semaphore_mem>>, %arg21: memref<!tpu.dma_semaphore, #tpu.memory_space<semaphore_mem>>) attributes {dimension_semantics = [#tpu.dimension_semantics<core_parallel>, #tpu.dimension_semantics<subcore_parallel>], iteration_bounds = array<i64: 2, 16>, scalar_prefetch = 0 : i64, scratch_operands = 15 : i64, tpu.core_type = #tpu.core_type<sc_vector_subcore>, window_params = [{transform_indices = #map}, {transform_indices = #map}, {transform_indices = #map1}, {transform_indices = #map}, {transform_indices = #map2}]} {
    %mul3A = arith.constant 16 : i32
    %mul3A_0 = arith.muli %arg0, %mul3A : i32
    %add3A = arith.addi %mul3A_0, %arg1 : i32
    %mul3A_1 = arith.constant 624 : i32
    %mul3A_2 = arith.muli %arg1, %mul3A_1 : i32
    %mul3A_3 = arith.constant 624 : i32
    %mul3A_4 = arith.muli %arg1, %mul3A_3 : i32
    "tpu.region"() ({
      %run_scoped3A = tpu.sem_alloc : memref<!tpu.dma_semaphore, #tpu.memory_space<semaphore_mem>>
      %dma_start3A_112 = arith.constant 0 : i32
      %dma_start3A_113 = tpu.memref_slice %arg18[%mul3A_4, %dma_start3A_112] : memref<10000x128xf32, #tpu.memory_space<vmem_shared>> -> memref<624x128xf32, #tpu.memory_space<vmem_shared>>
      %dma_start3A_114 = arith.constant 0 : i32
      %dma_start3A_115 = tpu.memref_slice %arg5[%mul3A_2, %dma_start3A_114] : memref<10000x128xf32, #tpu.memory_space<hbm>> -> memref<624x128xf32, #tpu.memory_space<hbm>>
      tpu.enqueue_dma source(%dma_start3A_115 : memref<624x128xf32, #tpu.memory_space<hbm>>) target(%dma_start3A_113 : memref<624x128xf32, #tpu.memory_space<vmem_shared>>) target_semaphore(%run_scoped3A : memref<!tpu.dma_semaphore, #tpu.memory_space<semaphore_mem>>)
      %dma_wait3A_116 = arith.constant 0 : i32
      %dma_wait3A_117 = tpu.memref_slice %arg18[%mul3A_4, %dma_wait3A_116] : memref<10000x128xf32, #tpu.memory_space<vmem_shared>> -> memref<624x128xf32, #tpu.memory_space<vmem_shared>>
      %dma_wait3A_118 = arith.constant 0 : i32
      %dma_wait3A_119 = tpu.memref_slice %arg5[%mul3A_2, %dma_wait3A_118] : memref<10000x128xf32, #tpu.memory_space<hbm>> -> memref<624x128xf32, #tpu.memory_space<hbm>>
      tpu.wait_dma2 semaphore(%run_scoped3A : memref<!tpu.dma_semaphore, #tpu.memory_space<semaphore_mem>>) src(%dma_wait3A_119 : memref<624x128xf32, #tpu.memory_space<hbm>>) dst(%dma_wait3A_117 : memref<624x128xf32, #tpu.memory_space<vmem_shared>>)
      tpu.yield
    }) : () -> ()
    %eq3A = arith.constant 0 : i32
    %eq3A_5 = arith.cmpi eq, %arg1, %eq3A : i32
    %convert_element_type3A = arith.extui %eq3A_5 : i1 to i32
    %cond3A = arith.constant 0 : i32
    %cond3A_6 = arith.cmpi ne, %convert_element_type3A, %cond3A : i32
    scf.if %cond3A_6 {
      "tpu.region"() ({
        %run_scoped3A = tpu.sem_alloc : memref<!tpu.dma_semaphore, #tpu.memory_space<semaphore_mem>>
        %dma_start3A_112 = arith.constant 9984 : i32
        %dma_start3A_113 = arith.constant 0 : i32
        %dma_start3A_114 = tpu.memref_slice %arg18[%dma_start3A_112, %dma_start3A_113] : memref<10000x128xf32, #tpu.memory_space<vmem_shared>> -> memref<16x128xf32, #tpu.memory_space<vmem_shared>>
        %dma_start3A_115 = arith.constant 9984 : i32
        %dma_start3A_116 = arith.constant 0 : i32
        %dma_start3A_117 = tpu.memref_slice %arg5[%dma_start3A_115, %dma_start3A_116] : memref<10000x128xf32, #tpu.memory_space<hbm>> -> memref<16x128xf32, #tpu.memory_space<hbm>>
        tpu.enqueue_dma source(%dma_start3A_117 : memref<16x128xf32, #tpu.memory_space<hbm>>) target(%dma_start3A_114 : memref<16x128xf32, #tpu.memory_space<vmem_shared>>) target_semaphore(%run_scoped3A : memref<!tpu.dma_semaphore, #tpu.memory_space<semaphore_mem>>)
        %dma_wait3A_118 = arith.constant 9984 : i32
        %dma_wait3A_119 = arith.constant 0 : i32
        %dma_wait3A_120 = tpu.memref_slice %arg18[%dma_wait3A_118, %dma_wait3A_119] : memref<10000x128xf32, #tpu.memory_space<vmem_shared>> -> memref<16x128xf32, #tpu.memory_space<vmem_shared>>
        %dma_wait3A_121 = arith.constant 9984 : i32
        %dma_wait3A_122 = arith.constant 0 : i32
        %dma_wait3A_123 = tpu.memref_slice %arg5[%dma_wait3A_121, %dma_wait3A_122] : memref<10000x128xf32, #tpu.memory_space<hbm>> -> memref<16x128xf32, #tpu.memory_space<hbm>>
        tpu.wait_dma2 semaphore(%run_scoped3A : memref<!tpu.dma_semaphore, #tpu.memory_space<semaphore_mem>>) src(%dma_wait3A_123 : memref<16x128xf32, #tpu.memory_space<hbm>>) dst(%dma_wait3A_120 : memref<16x128xf32, #tpu.memory_space<vmem_shared>>)
        tpu.yield
      }) : () -> ()
    } else {
    }
    %barrier3A = arith.constant 0 : index
    tpu.barrier barrier_id(%barrier3A)
    %mul3A_7 = arith.constant 10000 : i32
    %mul3A_8 = arith.muli %add3A, %mul3A_7 : i32
    %add3A_9 = arith.constant 0 : i32
    %add3A_10 = arith.addi %mul3A_8, %add3A_9 : i32
    %dma_start3A = arith.constant 0 : i32
    %dma_start3A_11 = tpu.memref_slice %arg3[%add3A_10, %dma_start3A] : memref<320000x128xf32, #tpu.memory_space<hbm>> -> memref<128x128xf32, #tpu.memory_space<hbm>>
    %dma_start3A_12 = arith.constant 0 : i32
    %dma_start3A_13 = tpu.memref_slice %arg3[%add3A_10, %dma_start3A_12] : memref<320000x128xf32, #tpu.memory_space<hbm>> -> memref<128x128xf32, #tpu.memory_space<hbm>>
    tpu.enqueue_dma source(%dma_start3A_13 : memref<128x128xf32, #tpu.memory_space<hbm>>) target(%arg13 : memref<128x128xf32, #tpu.memory_space<vmem>>) target_semaphore(%arg19 : memref<!tpu.dma_semaphore, #tpu.memory_space<semaphore_mem>>)
    %dma_start3A_14 = arith.constant 0 : i32
    %dma_start3A_15 = tpu.memref_slice %arg4[%dma_start3A_14] : memref<640000xi32, #tpu.memory_space<hbm>> -> memref<320000xi32, #tpu.memory_space<hbm>>
    %dma_start3A_16 = tpu.memref_slice %dma_start3A_15[%add3A_10] : memref<320000xi32, #tpu.memory_space<hbm>> -> memref<128xi32, #tpu.memory_space<hbm>>
    %dma_start3A_17 = arith.constant 0 : i32
    %dma_start3A_18 = tpu.memref_slice %arg4[%dma_start3A_17] : memref<640000xi32, #tpu.memory_space<hbm>> -> memref<320000xi32, #tpu.memory_space<hbm>>
    %dma_start3A_19 = tpu.memref_slice %dma_start3A_18[%add3A_10] : memref<320000xi32, #tpu.memory_space<hbm>> -> memref<128xi32, #tpu.memory_space<hbm>>
    tpu.enqueue_dma source(%dma_start3A_19 : memref<128xi32, #tpu.memory_space<hbm>>) target(%arg7 : memref<128xi32, #tpu.memory_space<vmem>>) target_semaphore(%arg19 : memref<!tpu.dma_semaphore, #tpu.memory_space<semaphore_mem>>)
    %dma_start3A_20 = arith.constant 320000 : i32
    %dma_start3A_21 = tpu.memref_slice %arg4[%dma_start3A_20] : memref<640000xi32, #tpu.memory_space<hbm>> -> memref<320000xi32, #tpu.memory_space<hbm>>
    %dma_start3A_22 = tpu.memref_slice %dma_start3A_21[%add3A_10] : memref<320000xi32, #tpu.memory_space<hbm>> -> memref<128xi32, #tpu.memory_space<hbm>>
    %dma_start3A_23 = arith.constant 320000 : i32
    %dma_start3A_24 = tpu.memref_slice %arg4[%dma_start3A_23] : memref<640000xi32, #tpu.memory_space<hbm>> -> memref<320000xi32, #tpu.memory_space<hbm>>
    %dma_start3A_25 = tpu.memref_slice %dma_start3A_24[%add3A_10] : memref<320000xi32, #tpu.memory_space<hbm>> -> memref<128xi32, #tpu.memory_space<hbm>>
    tpu.enqueue_dma source(%dma_start3A_25 : memref<128xi32, #tpu.memory_space<hbm>>) target(%arg10 : memref<128xi32, #tpu.memory_space<vmem>>) target_semaphore(%arg19 : memref<!tpu.dma_semaphore, #tpu.memory_space<semaphore_mem>>)
    %mul3A_26 = arith.constant 10000 : i32
    %mul3A_27 = arith.muli %add3A, %mul3A_26 : i32
    %add3A_28 = arith.constant 128 : i32
    %add3A_29 = arith.addi %mul3A_27, %add3A_28 : i32
    %dma_start3A_30 = arith.constant 0 : i32
    %dma_start3A_31 = tpu.memref_slice %arg3[%add3A_29, %dma_start3A_30] : memref<320000x128xf32, #tpu.memory_space<hbm>> -> memref<128x128xf32, #tpu.memory_space<hbm>>
    %dma_start3A_32 = arith.constant 0 : i32
    %dma_start3A_33 = tpu.memref_slice %arg3[%add3A_29, %dma_start3A_32] : memref<320000x128xf32, #tpu.memory_space<hbm>> -> memref<128x128xf32, #tpu.memory_space<hbm>>
    tpu.enqueue_dma source(%dma_start3A_33 : memref<128x128xf32, #tpu.memory_space<hbm>>) target(%arg14 : memref<128x128xf32, #tpu.memory_space<vmem>>) target_semaphore(%arg20 : memref<!tpu.dma_semaphore, #tpu.memory_space<semaphore_mem>>)
    %dma_start3A_34 = arith.constant 0 : i32
    %dma_start3A_35 = tpu.memref_slice %arg4[%dma_start3A_34] : memref<640000xi32, #tpu.memory_space<hbm>> -> memref<320000xi32, #tpu.memory_space<hbm>>
    %dma_start3A_36 = tpu.memref_slice %dma_start3A_35[%add3A_29] : memref<320000xi32, #tpu.memory_space<hbm>> -> memref<128xi32, #tpu.memory_space<hbm>>
    %dma_start3A_37 = arith.constant 0 : i32
    %dma_start3A_38 = tpu.memref_slice %arg4[%dma_start3A_37] : memref<640000xi32, #tpu.memory_space<hbm>> -> memref<320000xi32, #tpu.memory_space<hbm>>
    %dma_start3A_39 = tpu.memref_slice %dma_start3A_38[%add3A_29] : memref<320000xi32, #tpu.memory_space<hbm>> -> memref<128xi32, #tpu.memory_space<hbm>>
    tpu.enqueue_dma source(%dma_start3A_39 : memref<128xi32, #tpu.memory_space<hbm>>) target(%arg8 : memref<128xi32, #tpu.memory_space<vmem>>) target_semaphore(%arg20 : memref<!tpu.dma_semaphore, #tpu.memory_space<semaphore_mem>>)
    %dma_start3A_40 = arith.constant 320000 : i32
    %dma_start3A_41 = tpu.memref_slice %arg4[%dma_start3A_40] : memref<640000xi32, #tpu.memory_space<hbm>> -> memref<320000xi32, #tpu.memory_space<hbm>>
    %dma_start3A_42 = tpu.memref_slice %dma_start3A_41[%add3A_29] : memref<320000xi32, #tpu.memory_space<hbm>> -> memref<128xi32, #tpu.memory_space<hbm>>
    %dma_start3A_43 = arith.constant 320000 : i32
    %dma_start3A_44 = tpu.memref_slice %arg4[%dma_start3A_43] : memref<640000xi32, #tpu.memory_space<hbm>> -> memref<320000xi32, #tpu.memory_space<hbm>>
    %dma_start3A_45 = tpu.memref_slice %dma_start3A_44[%add3A_29] : memref<320000xi32, #tpu.memory_space<hbm>> -> memref<128xi32, #tpu.memory_space<hbm>>
    tpu.enqueue_dma source(%dma_start3A_45 : memref<128xi32, #tpu.memory_space<hbm>>) target(%arg11 : memref<128xi32, #tpu.memory_space<vmem>>) target_semaphore(%arg20 : memref<!tpu.dma_semaphore, #tpu.memory_space<semaphore_mem>>)
    %mul3A_46 = arith.constant 10000 : i32
    %mul3A_47 = arith.muli %add3A, %mul3A_46 : i32
    %add3A_48 = arith.constant 0 : i32
    %add3A_49 = arith.addi %mul3A_47, %add3A_48 : i32
    %dma_wait3A = arith.constant 0 : i32
    %dma_wait3A_50 = tpu.memref_slice %arg3[%add3A_49, %dma_wait3A] : memref<320000x128xf32, #tpu.memory_space<hbm>> -> memref<128x128xf32, #tpu.memory_space<hbm>>
    %dma_wait3A_51 = arith.constant 0 : i32
    %dma_wait3A_52 = tpu.memref_slice %arg3[%add3A_49, %dma_wait3A_51] : memref<320000x128xf32, #tpu.memory_space<hbm>> -> memref<128x128xf32, #tpu.memory_space<hbm>>
    tpu.wait_dma2 semaphore(%arg19 : memref<!tpu.dma_semaphore, #tpu.memory_space<semaphore_mem>>) src(%dma_wait3A_52 : memref<128x128xf32, #tpu.memory_space<hbm>>) dst(%arg13 : memref<128x128xf32, #tpu.memory_space<vmem>>)
    %dma_wait3A_53 = arith.constant 0 : i32
    %dma_wait3A_54 = tpu.memref_slice %arg4[%dma_wait3A_53] : memref<640000xi32, #tpu.memory_space<hbm>> -> memref<320000xi32, #tpu.memory_space<hbm>>
    %dma_wait3A_55 = tpu.memref_slice %dma_wait3A_54[%add3A_49] : memref<320000xi32, #tpu.memory_space<hbm>> -> memref<128xi32, #tpu.memory_space<hbm>>
    %dma_wait3A_56 = arith.constant 0 : i32
    %dma_wait3A_57 = tpu.memref_slice %arg4[%dma_wait3A_56] : memref<640000xi32, #tpu.memory_space<hbm>> -> memref<320000xi32, #tpu.memory_space<hbm>>
    %dma_wait3A_58 = tpu.memref_slice %dma_wait3A_57[%add3A_49] : memref<320000xi32, #tpu.memory_space<hbm>> -> memref<128xi32, #tpu.memory_space<hbm>>
    tpu.wait_dma2 semaphore(%arg19 : memref<!tpu.dma_semaphore, #tpu.memory_space<semaphore_mem>>) src(%dma_wait3A_58 : memref<128xi32, #tpu.memory_space<hbm>>) dst(%arg7 : memref<128xi32, #tpu.memory_space<vmem>>)
    %dma_wait3A_59 = arith.constant 320000 : i32
    %dma_wait3A_60 = tpu.memref_slice %arg4[%dma_wait3A_59] : memref<640000xi32, #tpu.memory_space<hbm>> -> memref<320000xi32, #tpu.memory_space<hbm>>
    %dma_wait3A_61 = tpu.memref_slice %dma_wait3A_60[%add3A_49] : memref<320000xi32, #tpu.memory_space<hbm>> -> memref<128xi32, #tpu.memory_space<hbm>>
    %dma_wait3A_62 = arith.constant 320000 : i32
    %dma_wait3A_63 = tpu.memref_slice %arg4[%dma_wait3A_62] : memref<640000xi32, #tpu.memory_space<hbm>> -> memref<320000xi32, #tpu.memory_space<hbm>>
    %dma_wait3A_64 = tpu.memref_slice %dma_wait3A_63[%add3A_49] : memref<320000xi32, #tpu.memory_space<hbm>> -> memref<128xi32, #tpu.memory_space<hbm>>
    tpu.wait_dma2 semaphore(%arg19 : memref<!tpu.dma_semaphore, #tpu.memory_space<semaphore_mem>>) src(%dma_wait3A_64 : memref<128xi32, #tpu.memory_space<hbm>>) dst(%arg10 : memref<128xi32, #tpu.memory_space<vmem>>)
    %dma_start3A_65 = arith.constant 0 : i32
    %dma_start3A_66 = arith.constant 0 : i32
    %dma_start3A_67 = tpu.memref_slice %arg2[%dma_start3A_65, %dma_start3A_66] : memref<10000x128xf32, #tpu.memory_space<hbm>> -> memref<10000x128xf32, #tpu.memory_space<hbm>>
    tpu.enqueue_indirect_dma source(%dma_start3A_67 : memref<10000x128xf32, #tpu.memory_space<hbm>>) target(%arg13 : memref<128x128xf32, #tpu.memory_space<vmem>>) offsets(%arg7 : memref<128xi32, #tpu.memory_space<vmem>>) semaphore(%arg19 : memref<!tpu.dma_semaphore, #tpu.memory_space<semaphore_mem>>) {add = true}
    %scan3A = arith.constant 0 : i32
    %scan3A_68 = arith.constant 26 : i32
    %scan3A_69 = arith.addi %scan3A, %scan3A_68 : i32
    %scan3A_70 = arith.constant 1 : i32
    scf.for %scan3A_112 = %scan3A to %scan3A_69 step %scan3A_70  : i32 {
      %mul3A_113 = arith.constant 3 : i32
      %mul3A_114 = arith.muli %scan3A_112, %mul3A_113 : i32
      %add3A_115 = arith.constant 0 : i32
      %add3A_116 = arith.addi %add3A_115, %mul3A_114 : i32
      %add3A_117 = arith.constant 0 : i32
      %add3A_118 = arith.addi %add3A_116, %add3A_117 : i32
      %add3A_119 = arith.constant 2 : i32
      %add3A_120 = arith.addi %add3A_118, %add3A_119 : i32
      %lt3A = arith.constant 78 : i32
      %lt3A_121 = arith.cmpi slt, %add3A_120, %lt3A : i32
      %convert_element_type3A_122 = arith.extui %lt3A_121 : i1 to i32
      %cond3A_123 = arith.constant 0 : i32
      %cond3A_124 = arith.cmpi ne, %convert_element_type3A_122, %cond3A_123 : i32
      scf.if %cond3A_124 {
        %add3A_197 = arith.constant 2 : i32
        %add3A_198 = arith.addi %add3A_118, %add3A_197 : i32
        %mul3A_199 = arith.constant 10000 : i32
        %mul3A_200 = arith.muli %add3A, %mul3A_199 : i32
        %mul3A_201 = arith.constant 128 : i32
        %mul3A_202 = arith.muli %add3A_198, %mul3A_201 : i32
        %add3A_203 = arith.addi %mul3A_200, %mul3A_202 : i32
        %ge3A = arith.constant 3 : i32
        %ge3A_204 = arith.cmpi sge, %add3A_198, %ge3A : i32
        %convert_element_type3A_205 = arith.extui %ge3A_204 : i1 to i32
        %cond3A_206 = arith.constant 0 : i32
        %cond3A_207 = arith.cmpi ne, %convert_element_type3A_205, %cond3A_206 : i32
        scf.if %cond3A_207 {
          %dma_wait3A_224 = arith.constant 0 : i32
          %dma_wait3A_225 = arith.constant 0 : i32
          %dma_wait3A_226 = tpu.memref_slice %arg18[%dma_wait3A_224, %dma_wait3A_225] : memref<10000x128xf32, #tpu.memory_space<vmem_shared>> -> memref<10000x128xf32, #tpu.memory_space<vmem_shared>>
          tpu.wait_indirect_dma semaphore(%arg21 : memref<!tpu.dma_semaphore, #tpu.memory_space<semaphore_mem>>) src(%arg15 : memref<128x128xf32, #tpu.memory_space<vmem>>) dst(%dma_wait3A_226 : memref<10000x128xf32, #tpu.memory_space<vmem_shared>>)
        } else {
        }
        %dma_start3A_208 = arith.constant 0 : i32
        %dma_start3A_209 = tpu.memref_slice %arg3[%add3A_203, %dma_start3A_208] : memref<320000x128xf32, #tpu.memory_space<hbm>> -> memref<128x128xf32, #tpu.memory_space<hbm>>
        %dma_start3A_210 = arith.constant 0 : i32
        %dma_start3A_211 = tpu.memref_slice %arg3[%add3A_203, %dma_start3A_210] : memref<320000x128xf32, #tpu.memory_space<hbm>> -> memref<128x128xf32, #tpu.memory_space<hbm>>
        tpu.enqueue_dma source(%dma_start3A_211 : memref<128x128xf32, #tpu.memory_space<hbm>>) target(%arg15 : memref<128x128xf32, #tpu.memory_space<vmem>>) target_semaphore(%arg21 : memref<!tpu.dma_semaphore, #tpu.memory_space<semaphore_mem>>)
        %dma_start3A_212 = arith.constant 0 : i32
        %dma_start3A_213 = tpu.memref_slice %arg4[%dma_start3A_212] : memref<640000xi32, #tpu.memory_space<hbm>> -> memref<320000xi32, #tpu.memory_space<hbm>>
        %dma_start3A_214 = tpu.memref_slice %dma_start3A_213[%add3A_203] : memref<320000xi32, #tpu.memory_space<hbm>> -> memref<128xi32, #tpu.memory_space<hbm>>
        %dma_start3A_215 = arith.constant 0 : i32
        %dma_start3A_216 = tpu.memref_slice %arg4[%dma_start3A_215] : memref<640000xi32, #tpu.memory_space<hbm>> -> memref<320000xi32, #tpu.memory_space<hbm>>
        %dma_start3A_217 = tpu.memref_slice %dma_start3A_216[%add3A_203] : memref<320000xi32, #tpu.memory_space<hbm>> -> memref<128xi32, #tpu.memory_space<hbm>>
        tpu.enqueue_dma source(%dma_start3A_217 : memref<128xi32, #tpu.memory_space<hbm>>) target(%arg9 : memref<128xi32, #tpu.memory_space<vmem>>) target_semaphore(%arg21 : memref<!tpu.dma_semaphore, #tpu.memory_space<semaphore_mem>>)
        %dma_start3A_218 = arith.constant 320000 : i32
        %dma_start3A_219 = tpu.memref_slice %arg4[%dma_start3A_218] : memref<640000xi32, #tpu.memory_space<hbm>> -> memref<320000xi32, #tpu.memory_space<hbm>>
        %dma_start3A_220 = tpu.memref_slice %dma_start3A_219[%add3A_203] : memref<320000xi32, #tpu.memory_space<hbm>> -> memref<128xi32, #tpu.memory_space<hbm>>
        %dma_start3A_221 = arith.constant 320000 : i32
        %dma_start3A_222 = tpu.memref_slice %arg4[%dma_start3A_221] : memref<640000xi32, #tpu.memory_space<hbm>> -> memref<320000xi32, #tpu.memory_space<hbm>>
        %dma_start3A_223 = tpu.memref_slice %dma_start3A_222[%add3A_203] : memref<320000xi32, #tpu.memory_space<hbm>> -> memref<128xi32, #tpu.memory_space<hbm>>
        tpu.enqueue_dma source(%dma_start3A_223 : memref<128xi32, #tpu.memory_space<hbm>>) target(%arg12 : memref<128xi32, #tpu.memory_space<vmem>>) target_semaphore(%arg21 : memref<!tpu.dma_semaphore, #tpu.memory_space<semaphore_mem>>)
      } else {
      }
      %add3A_125 = arith.constant 1 : i32
      %add3A_126 = arith.addi %add3A_118, %add3A_125 : i32
      %lt3A_127 = arith.constant 78 : i32
      %lt3A_128 = arith.cmpi slt, %add3A_126, %lt3A_127 : i32
      %convert_element_type3A_129 = arith.extui %lt3A_128 : i1 to i32
      %cond3A_130 = arith.constant 0 : i32
      %cond3A_131 = arith.cmpi ne, %convert_element_type3A_129, %cond3A_130 : i32
      scf.if %cond3A_131 {
        %add3A_197 = arith.constant 1 : i32
        %add3A_198 = arith.addi %add3A_118, %add3A_197 : i32
        %mul3A_199 = arith.constant 10000 : i32
        %mul3A_200 = arith.muli %add3A, %mul3A_199 : i32
        %mul3A_201 = arith.constant 128 : i32
        %mul3A_202 = arith.muli %add3A_198, %mul3A_201 : i32
        %add3A_203 = arith.addi %mul3A_200, %mul3A_202 : i32
        %dma_wait3A_204 = arith.constant 0 : i32
        %dma_wait3A_205 = tpu.memref_slice %arg3[%add3A_203, %dma_wait3A_204] : memref<320000x128xf32, #tpu.memory_space<hbm>> -> memref<128x128xf32, #tpu.memory_space<hbm>>
        %dma_wait3A_206 = arith.constant 0 : i32
        %dma_wait3A_207 = tpu.memref_slice %arg3[%add3A_203, %dma_wait3A_206] : memref<320000x128xf32, #tpu.memory_space<hbm>> -> memref<128x128xf32, #tpu.memory_space<hbm>>
        tpu.wait_dma2 semaphore(%arg20 : memref<!tpu.dma_semaphore, #tpu.memory_space<semaphore_mem>>) src(%dma_wait3A_207 : memref<128x128xf32, #tpu.memory_space<hbm>>) dst(%arg14 : memref<128x128xf32, #tpu.memory_space<vmem>>)
        %dma_wait3A_208 = arith.constant 0 : i32
        %dma_wait3A_209 = tpu.memref_slice %arg4[%dma_wait3A_208] : memref<640000xi32, #tpu.memory_space<hbm>> -> memref<320000xi32, #tpu.memory_space<hbm>>
        %dma_wait3A_210 = tpu.memref_slice %dma_wait3A_209[%add3A_203] : memref<320000xi32, #tpu.memory_space<hbm>> -> memref<128xi32, #tpu.memory_space<hbm>>
        %dma_wait3A_211 = arith.constant 0 : i32
        %dma_wait3A_212 = tpu.memref_slice %arg4[%dma_wait3A_211] : memref<640000xi32, #tpu.memory_space<hbm>> -> memref<320000xi32, #tpu.memory_space<hbm>>
        %dma_wait3A_213 = tpu.memref_slice %dma_wait3A_212[%add3A_203] : memref<320000xi32, #tpu.memory_space<hbm>> -> memref<128xi32, #tpu.memory_space<hbm>>
        tpu.wait_dma2 semaphore(%arg20 : memref<!tpu.dma_semaphore, #tpu.memory_space<semaphore_mem>>) src(%dma_wait3A_213 : memref<128xi32, #tpu.memory_space<hbm>>) dst(%arg8 : memref<128xi32, #tpu.memory_space<vmem>>)
        %dma_wait3A_214 = arith.constant 320000 : i32
        %dma_wait3A_215 = tpu.memref_slice %arg4[%dma_wait3A_214] : memref<640000xi32, #tpu.memory_space<hbm>> -> memref<320000xi32, #tpu.memory_space<hbm>>
        %dma_wait3A_216 = tpu.memref_slice %dma_wait3A_215[%add3A_203] : memref<320000xi32, #tpu.memory_space<hbm>> -> memref<128xi32, #tpu.memory_space<hbm>>
        %dma_wait3A_217 = arith.constant 320000 : i32
        %dma_wait3A_218 = tpu.memref_slice %arg4[%dma_wait3A_217] : memref<640000xi32, #tpu.memory_space<hbm>> -> memref<320000xi32, #tpu.memory_space<hbm>>
        %dma_wait3A_219 = tpu.memref_slice %dma_wait3A_218[%add3A_203] : memref<320000xi32, #tpu.memory_space<hbm>> -> memref<128xi32, #tpu.memory_space<hbm>>
        tpu.wait_dma2 semaphore(%arg20 : memref<!tpu.dma_semaphore, #tpu.memory_space<semaphore_mem>>) src(%dma_wait3A_219 : memref<128xi32, #tpu.memory_space<hbm>>) dst(%arg11 : memref<128xi32, #tpu.memory_space<vmem>>)
        %dma_start3A_220 = arith.constant 0 : i32
        %dma_start3A_221 = arith.constant 0 : i32
        %dma_start3A_222 = tpu.memref_slice %arg2[%dma_start3A_220, %dma_start3A_221] : memref<10000x128xf32, #tpu.memory_space<hbm>> -> memref<10000x128xf32, #tpu.memory_space<hbm>>
        tpu.enqueue_indirect_dma source(%dma_start3A_222 : memref<10000x128xf32, #tpu.memory_space<hbm>>) target(%arg14 : memref<128x128xf32, #tpu.memory_space<vmem>>) offsets(%arg8 : memref<128xi32, #tpu.memory_space<vmem>>) semaphore(%arg20 : memref<!tpu.dma_semaphore, #tpu.memory_space<semaphore_mem>>) {add = true}
      } else {
      }
      %dma_wait3A_132 = arith.constant 0 : i32
      %dma_wait3A_133 = arith.constant 0 : i32
      %dma_wait3A_134 = tpu.memref_slice %arg2[%dma_wait3A_132, %dma_wait3A_133] : memref<10000x128xf32, #tpu.memory_space<hbm>> -> memref<10000x128xf32, #tpu.memory_space<hbm>>
      tpu.wait_indirect_dma semaphore(%arg19 : memref<!tpu.dma_semaphore, #tpu.memory_space<semaphore_mem>>) src(%dma_wait3A_134 : memref<10000x128xf32, #tpu.memory_space<hbm>>) dst(%arg13 : memref<128x128xf32, #tpu.memory_space<vmem>>)
      %scan3A_135 = arith.constant 0 : i32
      %scan3A_136 = arith.constant 128 : i32
      %scan3A_137 = arith.addi %scan3A_135, %scan3A_136 : i32
      %scan3A_138 = arith.constant 1 : i32
      scf.for %scan3A_197 = %scan3A_135 to %scan3A_137 step %scan3A_138  : i32 {
        %mul3A_198 = arith.constant 1 : i32
        %mul3A_199 = arith.muli %scan3A_197, %mul3A_198 : i32
        %add3A_200 = arith.constant 0 : i32
        %add3A_201 = arith.addi %add3A_200, %mul3A_199 : i32
        %get3A = arith.index_cast %add3A_201 : i32 to index
        %get3A_202 = arith.constant 0 : index
        %get3A_203 = tpu.vector_load %arg13[%get3A, %get3A_202] {strides = array<i32>} : memref<128x128xf32, #tpu.memory_space<vmem>>, vector<1x16xf32>,
        %get3A_204 = vector.shape_cast %get3A_203 : vector<1x16xf32> to vector<16xf32>
        %max3A = arith.constant 0.000000e+00 : f32
        %max3A_205 = vector.broadcast %max3A : f32 to vector<16xf32>
        %max3A_206 = arith.maximumf %get3A_204, %max3A_205 : vector<16xf32>
        %swap3A = arith.index_cast %add3A_201 : i32 to index
        %swap3A_207 = arith.constant 0 : index
        %swap3A_208 = tpu.vector_load %arg13[%swap3A, %swap3A_207] {strides = array<i32>} : memref<128x128xf32, #tpu.memory_space<vmem>>, vector<1x16xf32>,
        %swap3A_209 = vector.shape_cast %swap3A_208 : vector<1x16xf32> to vector<16xf32>
        %swap3A_210 = vector.shape_cast %max3A_206 : vector<16xf32> to vector<1x16xf32>
        tpu.vector_store %arg13[%swap3A, %swap3A_207], %swap3A_210 {strides = array<i32>} : memref<128x128xf32, #tpu.memory_space<vmem>>, vector<1x16xf32>,
        %get3A_211 = arith.index_cast %add3A_201 : i32 to index
        %get3A_212 = arith.constant 16 : index
        %get3A_213 = tpu.vector_load %arg13[%get3A_211, %get3A_212] {strides = array<i32>} : memref<128x128xf32, #tpu.memory_space<vmem>>, vector<1x16xf32>,
        %get3A_214 = vector.shape_cast %get3A_213 : vector<1x16xf32> to vector<16xf32>
        %max3A_215 = arith.constant 0.000000e+00 : f32
        %max3A_216 = vector.broadcast %max3A_215 : f32 to vector<16xf32>
        %max3A_217 = arith.maximumf %get3A_214, %max3A_216 : vector<16xf32>
        %swap3A_218 = arith.index_cast %add3A_201 : i32 to index
        %swap3A_219 = arith.constant 16 : index
        %swap3A_220 = tpu.vector_load %arg13[%swap3A_218, %swap3A_219] {strides = array<i32>} : memref<128x128xf32, #tpu.memory_space<vmem>>, vector<1x16xf32>,
        %swap3A_221 = vector.shape_cast %swap3A_220 : vector<1x16xf32> to vector<16xf32>
        %swap3A_222 = vector.shape_cast %max3A_217 : vector<16xf32> to vector<1x16xf32>
        tpu.vector_store %arg13[%swap3A_218, %swap3A_219], %swap3A_222 {strides = array<i32>} : memref<128x128xf32, #tpu.memory_space<vmem>>, vector<1x16xf32>,
        %get3A_223 = arith.index_cast %add3A_201 : i32 to index
        %get3A_224 = arith.constant 32 : index
        %get3A_225 = tpu.vector_load %arg13[%get3A_223, %get3A_224] {strides = array<i32>} : memref<128x128xf32, #tpu.memory_space<vmem>>, vector<1x16xf32>,
        %get3A_226 = vector.shape_cast %get3A_225 : vector<1x16xf32> to vector<16xf32>
        %max3A_227 = arith.constant 0.000000e+00 : f32
        %max3A_228 = vector.broadcast %max3A_227 : f32 to vector<16xf32>
        %max3A_229 = arith.maximumf %get3A_226, %max3A_228 : vector<16xf32>
        %swap3A_230 = arith.index_cast %add3A_201 : i32 to index
        %swap3A_231 = arith.constant 32 : index
        %swap3A_232 = tpu.vector_load %arg13[%swap3A_230, %swap3A_231] {strides = array<i32>} : memref<128x128xf32, #tpu.memory_space<vmem>>, vector<1x16xf32>,
        %swap3A_233 = vector.shape_cast %swap3A_232 : vector<1x16xf32> to vector<16xf32>
        %swap3A_234 = vector.shape_cast %max3A_229 : vector<16xf32> to vector<1x16xf32>
        tpu.vector_store %arg13[%swap3A_230, %swap3A_231], %swap3A_234 {strides = array<i32>} : memref<128x128xf32, #tpu.memory_space<vmem>>, vector<1x16xf32>,
        %get3A_235 = arith.index_cast %add3A_201 : i32 to index
        %get3A_236 = arith.constant 48 : index
        %get3A_237 = tpu.vector_load %arg13[%get3A_235, %get3A_236] {strides = array<i32>} : memref<128x128xf32, #tpu.memory_space<vmem>>, vector<1x16xf32>,
        %get3A_238 = vector.shape_cast %get3A_237 : vector<1x16xf32> to vector<16xf32>
        %max3A_239 = arith.constant 0.000000e+00 : f32
        %max3A_240 = vector.broadcast %max3A_239 : f32 to vector<16xf32>
        %max3A_241 = arith.maximumf %get3A_238, %max3A_240 : vector<16xf32>
        %swap3A_242 = arith.index_cast %add3A_201 : i32 to index
        %swap3A_243 = arith.constant 48 : index
        %swap3A_244 = tpu.vector_load %arg13[%swap3A_242, %swap3A_243] {strides = array<i32>} : memref<128x128xf32, #tpu.memory_space<vmem>>, vector<1x16xf32>,
        %swap3A_245 = vector.shape_cast %swap3A_244 : vector<1x16xf32> to vector<16xf32>
        %swap3A_246 = vector.shape_cast %max3A_241 : vector<16xf32> to vector<1x16xf32>
        tpu.vector_store %arg13[%swap3A_242, %swap3A_243], %swap3A_246 {strides = array<i32>} : memref<128x128xf32, #tpu.memory_space<vmem>>, vector<1x16xf32>,
        %get3A_247 = arith.index_cast %add3A_201 : i32 to index
        %get3A_248 = arith.constant 64 : index
        %get3A_249 = tpu.vector_load %arg13[%get3A_247, %get3A_248] {strides = array<i32>} : memref<128x128xf32, #tpu.memory_space<vmem>>, vector<1x16xf32>,
        %get3A_250 = vector.shape_cast %get3A_249 : vector<1x16xf32> to vector<16xf32>
        %max3A_251 = arith.constant 0.000000e+00 : f32
        %max3A_252 = vector.broadcast %max3A_251 : f32 to vector<16xf32>
        %max3A_253 = arith.maximumf %get3A_250, %max3A_252 : vector<16xf32>
        %swap3A_254 = arith.index_cast %add3A_201 : i32 to index
        %swap3A_255 = arith.constant 64 : index
        %swap3A_256 = tpu.vector_load %arg13[%swap3A_254, %swap3A_255] {strides = array<i32>} : memref<128x128xf32, #tpu.memory_space<vmem>>, vector<1x16xf32>,
        %swap3A_257 = vector.shape_cast %swap3A_256 : vector<1x16xf32> to vector<16xf32>
        %swap3A_258 = vector.shape_cast %max3A_253 : vector<16xf32> to vector<1x16xf32>
        tpu.vector_store %arg13[%swap3A_254, %swap3A_255], %swap3A_258 {strides = array<i32>} : memref<128x128xf32, #tpu.memory_space<vmem>>, vector<1x16xf32>,
        %get3A_259 = arith.index_cast %add3A_201 : i32 to index
        %get3A_260 = arith.constant 80 : index
        %get3A_261 = tpu.vector_load %arg13[%get3A_259, %get3A_260] {strides = array<i32>} : memref<128x128xf32, #tpu.memory_space<vmem>>, vector<1x16xf32>,
        %get3A_262 = vector.shape_cast %get3A_261 : vector<1x16xf32> to vector<16xf32>
        %max3A_263 = arith.constant 0.000000e+00 : f32
        %max3A_264 = vector.broadcast %max3A_263 : f32 to vector<16xf32>
        %max3A_265 = arith.maximumf %get3A_262, %max3A_264 : vector<16xf32>
        %swap3A_266 = arith.index_cast %add3A_201 : i32 to index
        %swap3A_267 = arith.constant 80 : index
        %swap3A_268 = tpu.vector_load %arg13[%swap3A_266, %swap3A_267] {strides = array<i32>} : memref<128x128xf32, #tpu.memory_space<vmem>>, vector<1x16xf32>,
        %swap3A_269 = vector.shape_cast %swap3A_268 : vector<1x16xf32> to vector<16xf32>
        %swap3A_270 = vector.shape_cast %max3A_265 : vector<16xf32> to vector<1x16xf32>
        tpu.vector_store %arg13[%swap3A_266, %swap3A_267], %swap3A_270 {strides = array<i32>} : memref<128x128xf32, #tpu.memory_space<vmem>>, vector<1x16xf32>,
        %get3A_271 = arith.index_cast %add3A_201 : i32 to index
        %get3A_272 = arith.constant 96 : index
        %get3A_273 = tpu.vector_load %arg13[%get3A_271, %get3A_272] {strides = array<i32>} : memref<128x128xf32, #tpu.memory_space<vmem>>, vector<1x16xf32>,
        %get3A_274 = vector.shape_cast %get3A_273 : vector<1x16xf32> to vector<16xf32>
        %max3A_275 = arith.constant 0.000000e+00 : f32
        %max3A_276 = vector.broadcast %max3A_275 : f32 to vector<16xf32>
        %max3A_277 = arith.maximumf %get3A_274, %max3A_276 : vector<16xf32>
        %swap3A_278 = arith.index_cast %add3A_201 : i32 to index
        %swap3A_279 = arith.constant 96 : index
        %swap3A_280 = tpu.vector_load %arg13[%swap3A_278, %swap3A_279] {strides = array<i32>} : memref<128x128xf32, #tpu.memory_space<vmem>>, vector<1x16xf32>,
        %swap3A_281 = vector.shape_cast %swap3A_280 : vector<1x16xf32> to vector<16xf32>
        %swap3A_282 = vector.shape_cast %max3A_277 : vector<16xf32> to vector<1x16xf32>
        tpu.vector_store %arg13[%swap3A_278, %swap3A_279], %swap3A_282 {strides = array<i32>} : memref<128x128xf32, #tpu.memory_space<vmem>>, vector<1x16xf32>,
        %get3A_283 = arith.index_cast %add3A_201 : i32 to index
        %get3A_284 = arith.constant 112 : index
        %get3A_285 = tpu.vector_load %arg13[%get3A_283, %get3A_284] {strides = array<i32>} : memref<128x128xf32, #tpu.memory_space<vmem>>, vector<1x16xf32>,
        %get3A_286 = vector.shape_cast %get3A_285 : vector<1x16xf32> to vector<16xf32>
        %max3A_287 = arith.constant 0.000000e+00 : f32
        %max3A_288 = vector.broadcast %max3A_287 : f32 to vector<16xf32>
        %max3A_289 = arith.maximumf %get3A_286, %max3A_288 : vector<16xf32>
        %swap3A_290 = arith.index_cast %add3A_201 : i32 to index
        %swap3A_291 = arith.constant 112 : index
        %swap3A_292 = tpu.vector_load %arg13[%swap3A_290, %swap3A_291] {strides = array<i32>} : memref<128x128xf32, #tpu.memory_space<vmem>>, vector<1x16xf32>,
        %swap3A_293 = vector.shape_cast %swap3A_292 : vector<1x16xf32> to vector<16xf32>
        %swap3A_294 = vector.shape_cast %max3A_289 : vector<16xf32> to vector<1x16xf32>
        tpu.vector_store %arg13[%swap3A_290, %swap3A_291], %swap3A_294 {strides = array<i32>} : memref<128x128xf32, #tpu.memory_space<vmem>>, vector<1x16xf32>,
      }
      %scan3A_139 = arith.constant 128 : i32
      %dma_start3A_140 = arith.constant 0 : i32
      %dma_start3A_141 = arith.constant 0 : i32
      %dma_start3A_142 = tpu.memref_slice %arg18[%dma_start3A_140, %dma_start3A_141] : memref<10000x128xf32, #tpu.memory_space<vmem_shared>> -> memref<10000x128xf32, #tpu.memory_space<vmem_shared>>
      tpu.enqueue_indirect_dma source(%arg13 : memref<128x128xf32, #tpu.memory_space<vmem>>) target(%dma_start3A_142 : memref<10000x128xf32, #tpu.memory_space<vmem_shared>>) offsets(%arg10 : memref<128xi32, #tpu.memory_space<vmem>>) semaphore(%arg19 : memref<!tpu.dma_semaphore, #tpu.memory_space<semaphore_mem>>) {add = true}
      %add3A_143 = arith.constant 1 : i32
      %add3A_144 = arith.addi %add3A_116, %add3A_143 : i32
      %add3A_145 = arith.constant 2 : i32
      %add3A_146 = arith.addi %add3A_144, %add3A_145 : i32
      %lt3A_147 = arith.constant 78 : i32
      %lt3A_148 = arith.cmpi slt, %add3A_146, %lt3A_147 : i32
      %convert_element_type3A_149 = arith.extui %lt3A_148 : i1 to i32
      %cond3A_150 = arith.constant 0 : i32
      %cond3A_151 = arith.cmpi ne, %convert_element_type3A_149, %cond3A_150 : i32
      scf.if %cond3A_151 {
        %add3A_197 = arith.constant 2 : i32
        %add3A_198 = arith.addi %add3A_144, %add3A_197 : i32
        %mul3A_199 = arith.constant 10000 : i32
        %mul3A_200 = arith.muli %add3A, %mul3A_199 : i32
        %mul3A_201 = arith.constant 128 : i32
        %mul3A_202 = arith.muli %add3A_198, %mul3A_201 : i32
        %add3A_203 = arith.addi %mul3A_200, %mul3A_202 : i32
        %ge3A = arith.constant 3 : i32
        %ge3A_204 = arith.cmpi sge, %add3A_198, %ge3A : i32
        %convert_element_type3A_205 = arith.extui %ge3A_204 : i1 to i32
        %cond3A_206 = arith.constant 0 : i32
        %cond3A_207 = arith.cmpi ne, %convert_element_type3A_205, %cond3A_206 : i32
        scf.if %cond3A_207 {
          %dma_wait3A_224 = arith.constant 0 : i32
          %dma_wait3A_225 = arith.constant 0 : i32
          %dma_wait3A_226 = tpu.memref_slice %arg18[%dma_wait3A_224, %dma_wait3A_225] : memref<10000x128xf32, #tpu.memory_space<vmem_shared>> -> memref<10000x128xf32, #tpu.memory_space<vmem_shared>>
          tpu.wait_indirect_dma semaphore(%arg19 : memref<!tpu.dma_semaphore, #tpu.memory_space<semaphore_mem>>) src(%arg13 : memref<128x128xf32, #tpu.memory_space<vmem>>) dst(%dma_wait3A_226 : memref<10000x128xf32, #tpu.memory_space<vmem_shared>>)
        } else {
        }
        %dma_start3A_208 = arith.constant 0 : i32
        %dma_start3A_209 = tpu.memref_slice %arg3[%add3A_203, %dma_start3A_208] : memref<320000x128xf32, #tpu.memory_space<hbm>> -> memref<128x128xf32, #tpu.memory_space<hbm>>
        %dma_start3A_210 = arith.constant 0 : i32
        %dma_start3A_211 = tpu.memref_slice %arg3[%add3A_203, %dma_start3A_210] : memref<320000x128xf32, #tpu.memory_space<hbm>> -> memref<128x128xf32, #tpu.memory_space<hbm>>
        tpu.enqueue_dma source(%dma_start3A_211 : memref<128x128xf32, #tpu.memory_space<hbm>>) target(%arg13 : memref<128x128xf32, #tpu.memory_space<vmem>>) target_semaphore(%arg19 : memref<!tpu.dma_semaphore, #tpu.memory_space<semaphore_mem>>)
        %dma_start3A_212 = arith.constant 0 : i32
        %dma_start3A_213 = tpu.memref_slice %arg4[%dma_start3A_212] : memref<640000xi32, #tpu.memory_space<hbm>> -> memref<320000xi32, #tpu.memory_space<hbm>>
        %dma_start3A_214 = tpu.memref_slice %dma_start3A_213[%add3A_203] : memref<320000xi32, #tpu.memory_space<hbm>> -> memref<128xi32, #tpu.memory_space<hbm>>
        %dma_start3A_215 = arith.constant 0 : i32
        %dma_start3A_216 = tpu.memref_slice %arg4[%dma_start3A_215] : memref<640000xi32, #tpu.memory_space<hbm>> -> memref<320000xi32, #tpu.memory_space<hbm>>
        %dma_start3A_217 = tpu.memref_slice %dma_start3A_216[%add3A_203] : memref<320000xi32, #tpu.memory_space<hbm>> -> memref<128xi32, #tpu.memory_space<hbm>>
        tpu.enqueue_dma source(%dma_start3A_217 : memref<128xi32, #tpu.memory_space<hbm>>) target(%arg7 : memref<128xi32, #tpu.memory_space<vmem>>) target_semaphore(%arg19 : memref<!tpu.dma_semaphore, #tpu.memory_space<semaphore_mem>>)
        %dma_start3A_218 = arith.constant 320000 : i32
        %dma_start3A_219 = tpu.memref_slice %arg4[%dma_start3A_218] : memref<640000xi32, #tpu.memory_space<hbm>> -> memref<320000xi32, #tpu.memory_space<hbm>>
        %dma_start3A_220 = tpu.memref_slice %dma_start3A_219[%add3A_203] : memref<320000xi32, #tpu.memory_space<hbm>> -> memref<128xi32, #tpu.memory_space<hbm>>
        %dma_start3A_221 = arith.constant 320000 : i32
        %dma_start3A_222 = tpu.memref_slice %arg4[%dma_start3A_221] : memref<640000xi32, #tpu.memory_space<hbm>> -> memref<320000xi32, #tpu.memory_space<hbm>>
        %dma_start3A_223 = tpu.memref_slice %dma_start3A_222[%add3A_203] : memref<320000xi32, #tpu.memory_space<hbm>> -> memref<128xi32, #tpu.memory_space<hbm>>
        tpu.enqueue_dma source(%dma_start3A_223 : memref<128xi32, #tpu.memory_space<hbm>>) target(%arg10 : memref<128xi32, #tpu.memory_space<vmem>>) target_semaphore(%arg19 : memref<!tpu.dma_semaphore, #tpu.memory_space<semaphore_mem>>)
      } else {
      }
      %add3A_152 = arith.constant 1 : i32
      %add3A_153 = arith.addi %add3A_144, %add3A_152 : i32
      %lt3A_154 = arith.constant 78 : i32
      %lt3A_155 = arith.cmpi slt, %add3A_153, %lt3A_154 : i32
      %convert_element_type3A_156 = arith.extui %lt3A_155 : i1 to i32
      %cond3A_157 = arith.constant 0 : i32
      %cond3A_158 = arith.cmpi ne, %convert_element_type3A_156, %cond3A_157 : i32
      scf.if %cond3A_158 {
        %add3A_197 = arith.constant 1 : i32
        %add3A_198 = arith.addi %add3A_144, %add3A_197 : i32
        %mul3A_199 = arith.constant 10000 : i32
        %mul3A_200 = arith.muli %add3A, %mul3A_199 : i32
        %mul3A_201 = arith.constant 128 : i32
        %mul3A_202 = arith.muli %add3A_198, %mul3A_201 : i32
        %add3A_203 = arith.addi %mul3A_200, %mul3A_202 : i32
        %dma_wait3A_204 = arith.constant 0 : i32
        %dma_wait3A_205 = tpu.memref_slice %arg3[%add3A_203, %dma_wait3A_204] : memref<320000x128xf32, #tpu.memory_space<hbm>> -> memref<128x128xf32, #tpu.memory_space<hbm>>
        %dma_wait3A_206 = arith.constant 0 : i32
        %dma_wait3A_207 = tpu.memref_slice %arg3[%add3A_203, %dma_wait3A_206] : memref<320000x128xf32, #tpu.memory_space<hbm>> -> memref<128x128xf32, #tpu.memory_space<hbm>>
        tpu.wait_dma2 semaphore(%arg21 : memref<!tpu.dma_semaphore, #tpu.memory_space<semaphore_mem>>) src(%dma_wait3A_207 : memref<128x128xf32, #tpu.memory_space<hbm>>) dst(%arg15 : memref<128x128xf32, #tpu.memory_space<vmem>>)
        %dma_wait3A_208 = arith.constant 0 : i32
        %dma_wait3A_209 = tpu.memref_slice %arg4[%dma_wait3A_208] : memref<640000xi32, #tpu.memory_space<hbm>> -> memref<320000xi32, #tpu.memory_space<hbm>>
        %dma_wait3A_210 = tpu.memref_slice %dma_wait3A_209[%add3A_203] : memref<320000xi32, #tpu.memory_space<hbm>> -> memref<128xi32, #tpu.memory_space<hbm>>
        %dma_wait3A_211 = arith.constant 0 : i32
        %dma_wait3A_212 = tpu.memref_slice %arg4[%dma_wait3A_211] : memref<640000xi32, #tpu.memory_space<hbm>> -> memref<320000xi32, #tpu.memory_space<hbm>>
        %dma_wait3A_213 = tpu.memref_slice %dma_wait3A_212[%add3A_203] : memref<320000xi32, #tpu.memory_space<hbm>> -> memref<128xi32, #tpu.memory_space<hbm>>
        tpu.wait_dma2 semaphore(%arg21 : memref<!tpu.dma_semaphore, #tpu.memory_space<semaphore_mem>>) src(%dma_wait3A_213 : memref<128xi32, #tpu.memory_space<hbm>>) dst(%arg9 : memref<128xi32, #tpu.memory_space<vmem>>)
        %dma_wait3A_214 = arith.constant 320000 : i32
        %dma_wait3A_215 = tpu.memref_slice %arg4[%dma_wait3A_214] : memref<640000xi32, #tpu.memory_space<hbm>> -> memref<320000xi32, #tpu.memory_space<hbm>>
        %dma_wait3A_216 = tpu.memref_slice %dma_wait3A_215[%add3A_203] : memref<320000xi32, #tpu.memory_space<hbm>> -> memref<128xi32, #tpu.memory_space<hbm>>
        %dma_wait3A_217 = arith.constant 320000 : i32
        %dma_wait3A_218 = tpu.memref_slice %arg4[%dma_wait3A_217] : memref<640000xi32, #tpu.memory_space<hbm>> -> memref<320000xi32, #tpu.memory_space<hbm>>
        %dma_wait3A_219 = tpu.memref_slice %dma_wait3A_218[%add3A_203] : memref<320000xi32, #tpu.memory_space<hbm>> -> memref<128xi32, #tpu.memory_space<hbm>>
        tpu.wait_dma2 semaphore(%arg21 : memref<!tpu.dma_semaphore, #tpu.memory_space<semaphore_mem>>) src(%dma_wait3A_219 : memref<128xi32, #tpu.memory_space<hbm>>) dst(%arg12 : memref<128xi32, #tpu.memory_space<vmem>>)
        %dma_start3A_220 = arith.constant 0 : i32
        %dma_start3A_221 = arith.constant 0 : i32
        %dma_start3A_222 = tpu.memref_slice %arg2[%dma_start3A_220, %dma_start3A_221] : memref<10000x128xf32, #tpu.memory_space<hbm>> -> memref<10000x128xf32, #tpu.memory_space<hbm>>
        tpu.enqueue_indirect_dma source(%dma_start3A_222 : memref<10000x128xf32, #tpu.memory_space<hbm>>) target(%arg15 : memref<128x128xf32, #tpu.memory_space<vmem>>) offsets(%arg9 : memref<128xi32, #tpu.memory_space<vmem>>) semaphore(%arg21 : memref<!tpu.dma_semaphore, #tpu.memory_space<semaphore_mem>>) {add = true}
      } else {
      }
      %dma_wait3A_159 = arith.constant 0 : i32
      %dma_wait3A_160 = arith.constant 0 : i32
      %dma_wait3A_161 = tpu.memref_slice %arg2[%dma_wait3A_159, %dma_wait3A_160] : memref<10000x128xf32, #tpu.memory_space<hbm>> -> memref<10000x128xf32, #tpu.memory_space<hbm>>
      tpu.wait_indirect_dma semaphore(%arg20 : memref<!tpu.dma_semaphore, #tpu.memory_space<semaphore_mem>>) src(%dma_wait3A_161 : memref<10000x128xf32, #tpu.memory_space<hbm>>) dst(%arg14 : memref<128x128xf32, #tpu.memory_space<vmem>>)
      %scan3A_162 = arith.constant 0 : i32
      %scan3A_163 = arith.constant 128 : i32
      %scan3A_164 = arith.addi %scan3A_162, %scan3A_163 : i32
      %scan3A_165 = arith.constant 1 : i32
      scf.for %scan3A_197 = %scan3A_162 to %scan3A_164 step %scan3A_165  : i32 {
        %mul3A_198 = arith.constant 1 : i32
        %mul3A_199 = arith.muli %scan3A_197, %mul3A_198 : i32
        %add3A_200 = arith.constant 0 : i32
        %add3A_201 = arith.addi %add3A_200, %mul3A_199 : i32
        %get3A = arith.index_cast %add3A_201 : i32 to index
        %get3A_202 = arith.constant 0 : index
        %get3A_203 = tpu.vector_load %arg14[%get3A, %get3A_202] {strides = array<i32>} : memref<128x128xf32, #tpu.memory_space<vmem>>, vector<1x16xf32>,
        %get3A_204 = vector.shape_cast %get3A_203 : vector<1x16xf32> to vector<16xf32>
        %max3A = arith.constant 0.000000e+00 : f32
        %max3A_205 = vector.broadcast %max3A : f32 to vector<16xf32>
        %max3A_206 = arith.maximumf %get3A_204, %max3A_205 : vector<16xf32>
        %swap3A = arith.index_cast %add3A_201 : i32 to index
        %swap3A_207 = arith.constant 0 : index
        %swap3A_208 = tpu.vector_load %arg14[%swap3A, %swap3A_207] {strides = array<i32>} : memref<128x128xf32, #tpu.memory_space<vmem>>, vector<1x16xf32>,
        %swap3A_209 = vector.shape_cast %swap3A_208 : vector<1x16xf32> to vector<16xf32>
        %swap3A_210 = vector.shape_cast %max3A_206 : vector<16xf32> to vector<1x16xf32>
        tpu.vector_store %arg14[%swap3A, %swap3A_207], %swap3A_210 {strides = array<i32>} : memref<128x128xf32, #tpu.memory_space<vmem>>, vector<1x16xf32>,
        %get3A_211 = arith.index_cast %add3A_201 : i32 to index
        %get3A_212 = arith.constant 16 : index
        %get3A_213 = tpu.vector_load %arg14[%get3A_211, %get3A_212] {strides = array<i32>} : memref<128x128xf32, #tpu.memory_space<vmem>>, vector<1x16xf32>,
        %get3A_214 = vector.shape_cast %get3A_213 : vector<1x16xf32> to vector<16xf32>
        %max3A_215 = arith.constant 0.000000e+00 : f32
        %max3A_216 = vector.broadcast %max3A_215 : f32 to vector<16xf32>
        %max3A_217 = arith.maximumf %get3A_214, %max3A_216 : vector<16xf32>
        %swap3A_218 = arith.index_cast %add3A_201 : i32 to index
        %swap3A_219 = arith.constant 16 : index
        %swap3A_220 = tpu.vector_load %arg14[%swap3A_218, %swap3A_219] {strides = array<i32>} : memref<128x128xf32, #tpu.memory_space<vmem>>, vector<1x16xf32>,
        %swap3A_221 = vector.shape_cast %swap3A_220 : vector<1x16xf32> to vector<16xf32>
        %swap3A_222 = vector.shape_cast %max3A_217 : vector<16xf32> to vector<1x16xf32>
        tpu.vector_store %arg14[%swap3A_218, %swap3A_219], %swap3A_222 {strides = array<i32>} : memref<128x128xf32, #tpu.memory_space<vmem>>, vector<1x16xf32>,
        %get3A_223 = arith.index_cast %add3A_201 : i32 to index
        %get3A_224 = arith.constant 32 : index
        %get3A_225 = tpu.vector_load %arg14[%get3A_223, %get3A_224] {strides = array<i32>} : memref<128x128xf32, #tpu.memory_space<vmem>>, vector<1x16xf32>,
        %get3A_226 = vector.shape_cast %get3A_225 : vector<1x16xf32> to vector<16xf32>
        %max3A_227 = arith.constant 0.000000e+00 : f32
        %max3A_228 = vector.broadcast %max3A_227 : f32 to vector<16xf32>
        %max3A_229 = arith.maximumf %get3A_226, %max3A_228 : vector<16xf32>
        %swap3A_230 = arith.index_cast %add3A_201 : i32 to index
        %swap3A_231 = arith.constant 32 : index
        %swap3A_232 = tpu.vector_load %arg14[%swap3A_230, %swap3A_231] {strides = array<i32>} : memref<128x128xf32, #tpu.memory_space<vmem>>, vector<1x16xf32>,
        %swap3A_233 = vector.shape_cast %swap3A_232 : vector<1x16xf32> to vector<16xf32>
        %swap3A_234 = vector.shape_cast %max3A_229 : vector<16xf32> to vector<1x16xf32>
        tpu.vector_store %arg14[%swap3A_230, %swap3A_231], %swap3A_234 {strides = array<i32>} : memref<128x128xf32, #tpu.memory_space<vmem>>, vector<1x16xf32>,
        %get3A_235 = arith.index_cast %add3A_201 : i32 to index
        %get3A_236 = arith.constant 48 : index
        %get3A_237 = tpu.vector_load %arg14[%get3A_235, %get3A_236] {strides = array<i32>} : memref<128x128xf32, #tpu.memory_space<vmem>>, vector<1x16xf32>,
        %get3A_238 = vector.shape_cast %get3A_237 : vector<1x16xf32> to vector<16xf32>
        %max3A_239 = arith.constant 0.000000e+00 : f32
        %max3A_240 = vector.broadcast %max3A_239 : f32 to vector<16xf32>
        %max3A_241 = arith.maximumf %get3A_238, %max3A_240 : vector<16xf32>
        %swap3A_242 = arith.index_cast %add3A_201 : i32 to index
        %swap3A_243 = arith.constant 48 : index
        %swap3A_244 = tpu.vector_load %arg14[%swap3A_242, %swap3A_243] {strides = array<i32>} : memref<128x128xf32, #tpu.memory_space<vmem>>, vector<1x16xf32>,
        %swap3A_245 = vector.shape_cast %swap3A_244 : vector<1x16xf32> to vector<16xf32>
        %swap3A_246 = vector.shape_cast %max3A_241 : vector<16xf32> to vector<1x16xf32>
        tpu.vector_store %arg14[%swap3A_242, %swap3A_243], %swap3A_246 {strides = array<i32>} : memref<128x128xf32, #tpu.memory_space<vmem>>, vector<1x16xf32>,
        %get3A_247 = arith.index_cast %add3A_201 : i32 to index
        %get3A_248 = arith.constant 64 : index
        %get3A_249 = tpu.vector_load %arg14[%get3A_247, %get3A_248] {strides = array<i32>} : memref<128x128xf32, #tpu.memory_space<vmem>>, vector<1x16xf32>,
        %get3A_250 = vector.shape_cast %get3A_249 : vector<1x16xf32> to vector<16xf32>
        %max3A_251 = arith.constant 0.000000e+00 : f32
        %max3A_252 = vector.broadcast %max3A_251 : f32 to vector<16xf32>
        %max3A_253 = arith.maximumf %get3A_250, %max3A_252 : vector<16xf32>
        %swap3A_254 = arith.index_cast %add3A_201 : i32 to index
        %swap3A_255 = arith.constant 64 : index
        %swap3A_256 = tpu.vector_load %arg14[%swap3A_254, %swap3A_255] {strides = array<i32>} : memref<128x128xf32, #tpu.memory_space<vmem>>, vector<1x16xf32>,
        %swap3A_257 = vector.shape_cast %swap3A_256 : vector<1x16xf32> to vector<16xf32>
        %swap3A_258 = vector.shape_cast %max3A_253 : vector<16xf32> to vector<1x16xf32>
        tpu.vector_store %arg14[%swap3A_254, %swap3A_255], %swap3A_258 {strides = array<i32>} : memref<128x128xf32, #tpu.memory_space<vmem>>, vector<1x16xf32>,
        %get3A_259 = arith.index_cast %add3A_201 : i32 to index
        %get3A_260 = arith.constant 80 : index
        %get3A_261 = tpu.vector_load %arg14[%get3A_259, %get3A_260] {strides = array<i32>} : memref<128x128xf32, #tpu.memory_space<vmem>>, vector<1x16xf32>,
        %get3A_262 = vector.shape_cast %get3A_261 : vector<1x16xf32> to vector<16xf32>
        %max3A_263 = arith.constant 0.000000e+00 : f32
        %max3A_264 = vector.broadcast %max3A_263 : f32 to vector<16xf32>
        %max3A_265 = arith.maximumf %get3A_262, %max3A_264 : vector<16xf32>
        %swap3A_266 = arith.index_cast %add3A_201 : i32 to index
        %swap3A_267 = arith.constant 80 : index
        %swap3A_268 = tpu.vector_load %arg14[%swap3A_266, %swap3A_267] {strides = array<i32>} : memref<128x128xf32, #tpu.memory_space<vmem>>, vector<1x16xf32>,
        %swap3A_269 = vector.shape_cast %swap3A_268 : vector<1x16xf32> to vector<16xf32>
        %swap3A_270 = vector.shape_cast %max3A_265 : vector<16xf32> to vector<1x16xf32>
        tpu.vector_store %arg14[%swap3A_266, %swap3A_267], %swap3A_270 {strides = array<i32>} : memref<128x128xf32, #tpu.memory_space<vmem>>, vector<1x16xf32>,
        %get3A_271 = arith.index_cast %add3A_201 : i32 to index
        %get3A_272 = arith.constant 96 : index
        %get3A_273 = tpu.vector_load %arg14[%get3A_271, %get3A_272] {strides = array<i32>} : memref<128x128xf32, #tpu.memory_space<vmem>>, vector<1x16xf32>,
        %get3A_274 = vector.shape_cast %get3A_273 : vector<1x16xf32> to vector<16xf32>
        %max3A_275 = arith.constant 0.000000e+00 : f32
        %max3A_276 = vector.broadcast %max3A_275 : f32 to vector<16xf32>
        %max3A_277 = arith.maximumf %get3A_274, %max3A_276 : vector<16xf32>
        %swap3A_278 = arith.index_cast %add3A_201 : i32 to index
        %swap3A_279 = arith.constant 96 : index
        %swap3A_280 = tpu.vector_load %arg14[%swap3A_278, %swap3A_279] {strides = array<i32>} : memref<128x128xf32, #tpu.memory_space<vmem>>, vector<1x16xf32>,
        %swap3A_281 = vector.shape_cast %swap3A_280 : vector<1x16xf32> to vector<16xf32>
        %swap3A_282 = vector.shape_cast %max3A_277 : vector<16xf32> to vector<1x16xf32>
        tpu.vector_store %arg14[%swap3A_278, %swap3A_279], %swap3A_282 {strides = array<i32>} : memref<128x128xf32, #tpu.memory_space<vmem>>, vector<1x16xf32>,
        %get3A_283 = arith.index_cast %add3A_201 : i32 to index
        %get3A_284 = arith.constant 112 : index
        %get3A_285 = tpu.vector_load %arg14[%get3A_283, %get3A_284] {strides = array<i32>} : memref<128x128xf32, #tpu.memory_space<vmem>>, vector<1x16xf32>,
        %get3A_286 = vector.shape_cast %get3A_285 : vector<1x16xf32> to vector<16xf32>
        %max3A_287 = arith.constant 0.000000e+00 : f32
        %max3A_288 = vector.broadcast %max3A_287 : f32 to vector<16xf32>
        %max3A_289 = arith.maximumf %get3A_286, %max3A_288 : vector<16xf32>
        %swap3A_290 = arith.index_cast %add3A_201 : i32 to index
        %swap3A_291 = arith.constant 112 : index
        %swap3A_292 = tpu.vector_load %arg14[%swap3A_290, %swap3A_291] {strides = array<i32>} : memref<128x128xf32, #tpu.memory_space<vmem>>, vector<1x16xf32>,
        %swap3A_293 = vector.shape_cast %swap3A_292 : vector<1x16xf32> to vector<16xf32>
        %swap3A_294 = vector.shape_cast %max3A_289 : vector<16xf32> to vector<1x16xf32>
        tpu.vector_store %arg14[%swap3A_290, %swap3A_291], %swap3A_294 {strides = array<i32>} : memref<128x128xf32, #tpu.memory_space<vmem>>, vector<1x16xf32>,
      }
      %scan3A_166 = arith.constant 128 : i32
      %dma_start3A_167 = arith.constant 0 : i32
      %dma_start3A_168 = arith.constant 0 : i32
      %dma_start3A_169 = tpu.memref_slice %arg18[%dma_start3A_167, %dma_start3A_168] : memref<10000x128xf32, #tpu.memory_space<vmem_shared>> -> memref<10000x128xf32, #tpu.memory_space<vmem_shared>>
      tpu.enqueue_indirect_dma source(%arg14 : memref<128x128xf32, #tpu.memory_space<vmem>>) target(%dma_start3A_169 : memref<10000x128xf32, #tpu.memory_space<vmem_shared>>) offsets(%arg11 : memref<128xi32, #tpu.memory_space<vmem>>) semaphore(%arg20 : memref<!tpu.dma_semaphore, #tpu.memory_space<semaphore_mem>>) {add = true}
      %add3A_170 = arith.constant 2 : i32
      %add3A_171 = arith.addi %add3A_116, %add3A_170 : i32
      %add3A_172 = arith.constant 2 : i32
      %add3A_173 = arith.addi %add3A_171, %add3A_172 : i32
      %lt3A_174 = arith.constant 78 : i32
      %lt3A_175 = arith.cmpi slt, %add3A_173, %lt3A_174 : i32
      %convert_element_type3A_176 = arith.extui %lt3A_175 : i1 to i32
      %cond3A_177 = arith.constant 0 : i32
      %cond3A_178 = arith.cmpi ne, %convert_element_type3A_176, %cond3A_177 : i32
      scf.if %cond3A_178 {
        %add3A_197 = arith.constant 2 : i32
        %add3A_198 = arith.addi %add3A_171, %add3A_197 : i32
        %mul3A_199 = arith.constant 10000 : i32
        %mul3A_200 = arith.muli %add3A, %mul3A_199 : i32
        %mul3A_201 = arith.constant 128 : i32
        %mul3A_202 = arith.muli %add3A_198, %mul3A_201 : i32
        %add3A_203 = arith.addi %mul3A_200, %mul3A_202 : i32
        %ge3A = arith.constant 3 : i32
        %ge3A_204 = arith.cmpi sge, %add3A_198, %ge3A : i32
        %convert_element_type3A_205 = arith.extui %ge3A_204 : i1 to i32
        %cond3A_206 = arith.constant 0 : i32
        %cond3A_207 = arith.cmpi ne, %convert_element_type3A_205, %cond3A_206 : i32
        scf.if %cond3A_207 {
          %dma_wait3A_224 = arith.constant 0 : i32
          %dma_wait3A_225 = arith.constant 0 : i32
          %dma_wait3A_226 = tpu.memref_slice %arg18[%dma_wait3A_224, %dma_wait3A_225] : memref<10000x128xf32, #tpu.memory_space<vmem_shared>> -> memref<10000x128xf32, #tpu.memory_space<vmem_shared>>
          tpu.wait_indirect_dma semaphore(%arg20 : memref<!tpu.dma_semaphore, #tpu.memory_space<semaphore_mem>>) src(%arg14 : memref<128x128xf32, #tpu.memory_space<vmem>>) dst(%dma_wait3A_226 : memref<10000x128xf32, #tpu.memory_space<vmem_shared>>)
        } else {
        }
        %dma_start3A_208 = arith.constant 0 : i32
        %dma_start3A_209 = tpu.memref_slice %arg3[%add3A_203, %dma_start3A_208] : memref<320000x128xf32, #tpu.memory_space<hbm>> -> memref<128x128xf32, #tpu.memory_space<hbm>>
        %dma_start3A_210 = arith.constant 0 : i32
        %dma_start3A_211 = tpu.memref_slice %arg3[%add3A_203, %dma_start3A_210] : memref<320000x128xf32, #tpu.memory_space<hbm>> -> memref<128x128xf32, #tpu.memory_space<hbm>>
        tpu.enqueue_dma source(%dma_start3A_211 : memref<128x128xf32, #tpu.memory_space<hbm>>) target(%arg14 : memref<128x128xf32, #tpu.memory_space<vmem>>) target_semaphore(%arg20 : memref<!tpu.dma_semaphore, #tpu.memory_space<semaphore_mem>>)
        %dma_start3A_212 = arith.constant 0 : i32
        %dma_start3A_213 = tpu.memref_slice %arg4[%dma_start3A_212] : memref<640000xi32, #tpu.memory_space<hbm>> -> memref<320000xi32, #tpu.memory_space<hbm>>
        %dma_start3A_214 = tpu.memref_slice %dma_start3A_213[%add3A_203] : memref<320000xi32, #tpu.memory_space<hbm>> -> memref<128xi32, #tpu.memory_space<hbm>>
        %dma_start3A_215 = arith.constant 0 : i32
        %dma_start3A_216 = tpu.memref_slice %arg4[%dma_start3A_215] : memref<640000xi32, #tpu.memory_space<hbm>> -> memref<320000xi32, #tpu.memory_space<hbm>>
        %dma_start3A_217 = tpu.memref_slice %dma_start3A_216[%add3A_203] : memref<320000xi32, #tpu.memory_space<hbm>> -> memref<128xi32, #tpu.memory_space<hbm>>
        tpu.enqueue_dma source(%dma_start3A_217 : memref<128xi32, #tpu.memory_space<hbm>>) target(%arg8 : memref<128xi32, #tpu.memory_space<vmem>>) target_semaphore(%arg20 : memref<!tpu.dma_semaphore, #tpu.memory_space<semaphore_mem>>)
        %dma_start3A_218 = arith.constant 320000 : i32
        %dma_start3A_219 = tpu.memref_slice %arg4[%dma_start3A_218] : memref<640000xi32, #tpu.memory_space<hbm>> -> memref<320000xi32, #tpu.memory_space<hbm>>
        %dma_start3A_220 = tpu.memref_slice %dma_start3A_219[%add3A_203] : memref<320000xi32, #tpu.memory_space<hbm>> -> memref<128xi32, #tpu.memory_space<hbm>>
        %dma_start3A_221 = arith.constant 320000 : i32
        %dma_start3A_222 = tpu.memref_slice %arg4[%dma_start3A_221] : memref<640000xi32, #tpu.memory_space<hbm>> -> memref<320000xi32, #tpu.memory_space<hbm>>
        %dma_start3A_223 = tpu.memref_slice %dma_start3A_222[%add3A_203] : memref<320000xi32, #tpu.memory_space<hbm>> -> memref<128xi32, #tpu.memory_space<hbm>>
        tpu.enqueue_dma source(%dma_start3A_223 : memref<128xi32, #tpu.memory_space<hbm>>) target(%arg11 : memref<128xi32, #tpu.memory_space<vmem>>) target_semaphore(%arg20 : memref<!tpu.dma_semaphore, #tpu.memory_space<semaphore_mem>>)
      } else {
      }
      %add3A_179 = arith.constant 1 : i32
      %add3A_180 = arith.addi %add3A_171, %add3A_179 : i32
      %lt3A_181 = arith.constant 78 : i32
      %lt3A_182 = arith.cmpi slt, %add3A_180, %lt3A_181 : i32
      %convert_element_type3A_183 = arith.extui %lt3A_182 : i1 to i32
      %cond3A_184 = arith.constant 0 : i32
      %cond3A_185 = arith.cmpi ne, %convert_element_type3A_183, %cond3A_184 : i32
      scf.if %cond3A_185 {
        %add3A_197 = arith.constant 1 : i32
        %add3A_198 = arith.addi %add3A_171, %add3A_197 : i32
        %mul3A_199 = arith.constant 10000 : i32
        %mul3A_200 = arith.muli %add3A, %mul3A_199 : i32
        %mul3A_201 = arith.constant 128 : i32
        %mul3A_202 = arith.muli %add3A_198, %mul3A_201 : i32
        %add3A_203 = arith.addi %mul3A_200, %mul3A_202 : i32
        %dma_wait3A_204 = arith.constant 0 : i32
        %dma_wait3A_205 = tpu.memref_slice %arg3[%add3A_203, %dma_wait3A_204] : memref<320000x128xf32, #tpu.memory_space<hbm>> -> memref<128x128xf32, #tpu.memory_space<hbm>>
        %dma_wait3A_206 = arith.constant 0 : i32
        %dma_wait3A_207 = tpu.memref_slice %arg3[%add3A_203, %dma_wait3A_206] : memref<320000x128xf32, #tpu.memory_space<hbm>> -> memref<128x128xf32, #tpu.memory_space<hbm>>
        tpu.wait_dma2 semaphore(%arg19 : memref<!tpu.dma_semaphore, #tpu.memory_space<semaphore_mem>>) src(%dma_wait3A_207 : memref<128x128xf32, #tpu.memory_space<hbm>>) dst(%arg13 : memref<128x128xf32, #tpu.memory_space<vmem>>)
        %dma_wait3A_208 = arith.constant 0 : i32
        %dma_wait3A_209 = tpu.memref_slice %arg4[%dma_wait3A_208] : memref<640000xi32, #tpu.memory_space<hbm>> -> memref<320000xi32, #tpu.memory_space<hbm>>
        %dma_wait3A_210 = tpu.memref_slice %dma_wait3A_209[%add3A_203] : memref<320000xi32, #tpu.memory_space<hbm>> -> memref<128xi32, #tpu.memory_space<hbm>>
        %dma_wait3A_211 = arith.constant 0 : i32
        %dma_wait3A_212 = tpu.memref_slice %arg4[%dma_wait3A_211] : memref<640000xi32, #tpu.memory_space<hbm>> -> memref<320000xi32, #tpu.memory_space<hbm>>
        %dma_wait3A_213 = tpu.memref_slice %dma_wait3A_212[%add3A_203] : memref<320000xi32, #tpu.memory_space<hbm>> -> memref<128xi32, #tpu.memory_space<hbm>>
        tpu.wait_dma2 semaphore(%arg19 : memref<!tpu.dma_semaphore, #tpu.memory_space<semaphore_mem>>) src(%dma_wait3A_213 : memref<128xi32, #tpu.memory_space<hbm>>) dst(%arg7 : memref<128xi32, #tpu.memory_space<vmem>>)
        %dma_wait3A_214 = arith.constant 320000 : i32
        %dma_wait3A_215 = tpu.memref_slice %arg4[%dma_wait3A_214] : memref<640000xi32, #tpu.memory_space<hbm>> -> memref<320000xi32, #tpu.memory_space<hbm>>
        %dma_wait3A_216 = tpu.memref_slice %dma_wait3A_215[%add3A_203] : memref<320000xi32, #tpu.memory_space<hbm>> -> memref<128xi32, #tpu.memory_space<hbm>>
        %dma_wait3A_217 = arith.constant 320000 : i32
        %dma_wait3A_218 = tpu.memref_slice %arg4[%dma_wait3A_217] : memref<640000xi32, #tpu.memory_space<hbm>> -> memref<320000xi32, #tpu.memory_space<hbm>>
        %dma_wait3A_219 = tpu.memref_slice %dma_wait3A_218[%add3A_203] : memref<320000xi32, #tpu.memory_space<hbm>> -> memref<128xi32, #tpu.memory_space<hbm>>
        tpu.wait_dma2 semaphore(%arg19 : memref<!tpu.dma_semaphore, #tpu.memory_space<semaphore_mem>>) src(%dma_wait3A_219 : memref<128xi32, #tpu.memory_space<hbm>>) dst(%arg10 : memref<128xi32, #tpu.memory_space<vmem>>)
        %dma_start3A_220 = arith.constant 0 : i32
        %dma_start3A_221 = arith.constant 0 : i32
        %dma_start3A_222 = tpu.memref_slice %arg2[%dma_start3A_220, %dma_start3A_221] : memref<10000x128xf32, #tpu.memory_space<hbm>> -> memref<10000x128xf32, #tpu.memory_space<hbm>>
        tpu.enqueue_indirect_dma source(%dma_start3A_222 : memref<10000x128xf32, #tpu.memory_space<hbm>>) target(%arg13 : memref<128x128xf32, #tpu.memory_space<vmem>>) offsets(%arg7 : memref<128xi32, #tpu.memory_space<vmem>>) semaphore(%arg19 : memref<!tpu.dma_semaphore, #tpu.memory_space<semaphore_mem>>) {add = true}
      } else {
      }
      %dma_wait3A_186 = arith.constant 0 : i32
      %dma_wait3A_187 = arith.constant 0 : i32
      %dma_wait3A_188 = tpu.memref_slice %arg2[%dma_wait3A_186, %dma_wait3A_187] : memref<10000x128xf32, #tpu.memory_space<hbm>> -> memref<10000x128xf32, #tpu.memory_space<hbm>>
      tpu.wait_indirect_dma semaphore(%arg21 : memref<!tpu.dma_semaphore, #tpu.memory_space<semaphore_mem>>) src(%dma_wait3A_188 : memref<10000x128xf32, #tpu.memory_space<hbm>>) dst(%arg15 : memref<128x128xf32, #tpu.memory_space<vmem>>)
      %scan3A_189 = arith.constant 0 : i32
      %scan3A_190 = arith.constant 128 : i32
      %scan3A_191 = arith.addi %scan3A_189, %scan3A_190 : i32
      %scan3A_192 = arith.constant 1 : i32
      scf.for %scan3A_197 = %scan3A_189 to %scan3A_191 step %scan3A_192  : i32 {
        %mul3A_198 = arith.constant 1 : i32
        %mul3A_199 = arith.muli %scan3A_197, %mul3A_198 : i32
        %add3A_200 = arith.constant 0 : i32
        %add3A_201 = arith.addi %add3A_200, %mul3A_199 : i32
        %get3A = arith.index_cast %add3A_201 : i32 to index
        %get3A_202 = arith.constant 0 : index
        %get3A_203 = tpu.vector_load %arg15[%get3A, %get3A_202] {strides = array<i32>} : memref<128x128xf32, #tpu.memory_space<vmem>>, vector<1x16xf32>,
        %get3A_204 = vector.shape_cast %get3A_203 : vector<1x16xf32> to vector<16xf32>
        %max3A = arith.constant 0.000000e+00 : f32
        %max3A_205 = vector.broadcast %max3A : f32 to vector<16xf32>
        %max3A_206 = arith.maximumf %get3A_204, %max3A_205 : vector<16xf32>
        %swap3A = arith.index_cast %add3A_201 : i32 to index
        %swap3A_207 = arith.constant 0 : index
        %swap3A_208 = tpu.vector_load %arg15[%swap3A, %swap3A_207] {strides = array<i32>} : memref<128x128xf32, #tpu.memory_space<vmem>>, vector<1x16xf32>,
        %swap3A_209 = vector.shape_cast %swap3A_208 : vector<1x16xf32> to vector<16xf32>
        %swap3A_210 = vector.shape_cast %max3A_206 : vector<16xf32> to vector<1x16xf32>
        tpu.vector_store %arg15[%swap3A, %swap3A_207], %swap3A_210 {strides = array<i32>} : memref<128x128xf32, #tpu.memory_space<vmem>>, vector<1x16xf32>,
        %get3A_211 = arith.index_cast %add3A_201 : i32 to index
        %get3A_212 = arith.constant 16 : index
        %get3A_213 = tpu.vector_load %arg15[%get3A_211, %get3A_212] {strides = array<i32>} : memref<128x128xf32, #tpu.memory_space<vmem>>, vector<1x16xf32>,
        %get3A_214 = vector.shape_cast %get3A_213 : vector<1x16xf32> to vector<16xf32>
        %max3A_215 = arith.constant 0.000000e+00 : f32
        %max3A_216 = vector.broadcast %max3A_215 : f32 to vector<16xf32>
        %max3A_217 = arith.maximumf %get3A_214, %max3A_216 : vector<16xf32>
        %swap3A_218 = arith.index_cast %add3A_201 : i32 to index
        %swap3A_219 = arith.constant 16 : index
        %swap3A_220 = tpu.vector_load %arg15[%swap3A_218, %swap3A_219] {strides = array<i32>} : memref<128x128xf32, #tpu.memory_space<vmem>>, vector<1x16xf32>,
        %swap3A_221 = vector.shape_cast %swap3A_220 : vector<1x16xf32> to vector<16xf32>
        %swap3A_222 = vector.shape_cast %max3A_217 : vector<16xf32> to vector<1x16xf32>
        tpu.vector_store %arg15[%swap3A_218, %swap3A_219], %swap3A_222 {strides = array<i32>} : memref<128x128xf32, #tpu.memory_space<vmem>>, vector<1x16xf32>,
        %get3A_223 = arith.index_cast %add3A_201 : i32 to index
        %get3A_224 = arith.constant 32 : index
        %get3A_225 = tpu.vector_load %arg15[%get3A_223, %get3A_224] {strides = array<i32>} : memref<128x128xf32, #tpu.memory_space<vmem>>, vector<1x16xf32>,
        %get3A_226 = vector.shape_cast %get3A_225 : vector<1x16xf32> to vector<16xf32>
        %max3A_227 = arith.constant 0.000000e+00 : f32
        %max3A_228 = vector.broadcast %max3A_227 : f32 to vector<16xf32>
        %max3A_229 = arith.maximumf %get3A_226, %max3A_228 : vector<16xf32>
        %swap3A_230 = arith.index_cast %add3A_201 : i32 to index
        %swap3A_231 = arith.constant 32 : index
        %swap3A_232 = tpu.vector_load %arg15[%swap3A_230, %swap3A_231] {strides = array<i32>} : memref<128x128xf32, #tpu.memory_space<vmem>>, vector<1x16xf32>,
        %swap3A_233 = vector.shape_cast %swap3A_232 : vector<1x16xf32> to vector<16xf32>
        %swap3A_234 = vector.shape_cast %max3A_229 : vector<16xf32> to vector<1x16xf32>
        tpu.vector_store %arg15[%swap3A_230, %swap3A_231], %swap3A_234 {strides = array<i32>} : memref<128x128xf32, #tpu.memory_space<vmem>>, vector<1x16xf32>,
        %get3A_235 = arith.index_cast %add3A_201 : i32 to index
        %get3A_236 = arith.constant 48 : index
        %get3A_237 = tpu.vector_load %arg15[%get3A_235, %get3A_236] {strides = array<i32>} : memref<128x128xf32, #tpu.memory_space<vmem>>, vector<1x16xf32>,
        %get3A_238 = vector.shape_cast %get3A_237 : vector<1x16xf32> to vector<16xf32>
        %max3A_239 = arith.constant 0.000000e+00 : f32
        %max3A_240 = vector.broadcast %max3A_239 : f32 to vector<16xf32>
        %max3A_241 = arith.maximumf %get3A_238, %max3A_240 : vector<16xf32>
        %swap3A_242 = arith.index_cast %add3A_201 : i32 to index
        %swap3A_243 = arith.constant 48 : index
        %swap3A_244 = tpu.vector_load %arg15[%swap3A_242, %swap3A_243] {strides = array<i32>} : memref<128x128xf32, #tpu.memory_space<vmem>>, vector<1x16xf32>,
        %swap3A_245 = vector.shape_cast %swap3A_244 : vector<1x16xf32> to vector<16xf32>
        %swap3A_246 = vector.shape_cast %max3A_241 : vector<16xf32> to vector<1x16xf32>
        tpu.vector_store %arg15[%swap3A_242, %swap3A_243], %swap3A_246 {strides = array<i32>} : memref<128x128xf32, #tpu.memory_space<vmem>>, vector<1x16xf32>,
        %get3A_247 = arith.index_cast %add3A_201 : i32 to index
        %get3A_248 = arith.constant 64 : index
        %get3A_249 = tpu.vector_load %arg15[%get3A_247, %get3A_248] {strides = array<i32>} : memref<128x128xf32, #tpu.memory_space<vmem>>, vector<1x16xf32>,
        %get3A_250 = vector.shape_cast %get3A_249 : vector<1x16xf32> to vector<16xf32>
        %max3A_251 = arith.constant 0.000000e+00 : f32
        %max3A_252 = vector.broadcast %max3A_251 : f32 to vector<16xf32>
        %max3A_253 = arith.maximumf %get3A_250, %max3A_252 : vector<16xf32>
        %swap3A_254 = arith.index_cast %add3A_201 : i32 to index
        %swap3A_255 = arith.constant 64 : index
        %swap3A_256 = tpu.vector_load %arg15[%swap3A_254, %swap3A_255] {strides = array<i32>} : memref<128x128xf32, #tpu.memory_space<vmem>>, vector<1x16xf32>,
        %swap3A_257 = vector.shape_cast %swap3A_256 : vector<1x16xf32> to vector<16xf32>
        %swap3A_258 = vector.shape_cast %max3A_253 : vector<16xf32> to vector<1x16xf32>
        tpu.vector_store %arg15[%swap3A_254, %swap3A_255], %swap3A_258 {strides = array<i32>} : memref<128x128xf32, #tpu.memory_space<vmem>>, vector<1x16xf32>,
        %get3A_259 = arith.index_cast %add3A_201 : i32 to index
        %get3A_260 = arith.constant 80 : index
        %get3A_261 = tpu.vector_load %arg15[%get3A_259, %get3A_260] {strides = array<i32>} : memref<128x128xf32, #tpu.memory_space<vmem>>, vector<1x16xf32>,
        %get3A_262 = vector.shape_cast %get3A_261 : vector<1x16xf32> to vector<16xf32>
        %max3A_263 = arith.constant 0.000000e+00 : f32
        %max3A_264 = vector.broadcast %max3A_263 : f32 to vector<16xf32>
        %max3A_265 = arith.maximumf %get3A_262, %max3A_264 : vector<16xf32>
        %swap3A_266 = arith.index_cast %add3A_201 : i32 to index
        %swap3A_267 = arith.constant 80 : index
        %swap3A_268 = tpu.vector_load %arg15[%swap3A_266, %swap3A_267] {strides = array<i32>} : memref<128x128xf32, #tpu.memory_space<vmem>>, vector<1x16xf32>,
        %swap3A_269 = vector.shape_cast %swap3A_268 : vector<1x16xf32> to vector<16xf32>
        %swap3A_270 = vector.shape_cast %max3A_265 : vector<16xf32> to vector<1x16xf32>
        tpu.vector_store %arg15[%swap3A_266, %swap3A_267], %swap3A_270 {strides = array<i32>} : memref<128x128xf32, #tpu.memory_space<vmem>>, vector<1x16xf32>,
        %get3A_271 = arith.index_cast %add3A_201 : i32 to index
        %get3A_272 = arith.constant 96 : index
        %get3A_273 = tpu.vector_load %arg15[%get3A_271, %get3A_272] {strides = array<i32>} : memref<128x128xf32, #tpu.memory_space<vmem>>, vector<1x16xf32>,
        %get3A_274 = vector.shape_cast %get3A_273 : vector<1x16xf32> to vector<16xf32>
        %max3A_275 = arith.constant 0.000000e+00 : f32
        %max3A_276 = vector.broadcast %max3A_275 : f32 to vector<16xf32>
        %max3A_277 = arith.maximumf %get3A_274, %max3A_276 : vector<16xf32>
        %swap3A_278 = arith.index_cast %add3A_201 : i32 to index
        %swap3A_279 = arith.constant 96 : index
        %swap3A_280 = tpu.vector_load %arg15[%swap3A_278, %swap3A_279] {strides = array<i32>} : memref<128x128xf32, #tpu.memory_space<vmem>>, vector<1x16xf32>,
        %swap3A_281 = vector.shape_cast %swap3A_280 : vector<1x16xf32> to vector<16xf32>
        %swap3A_282 = vector.shape_cast %max3A_277 : vector<16xf32> to vector<1x16xf32>
        tpu.vector_store %arg15[%swap3A_278, %swap3A_279], %swap3A_282 {strides = array<i32>} : memref<128x128xf32, #tpu.memory_space<vmem>>, vector<1x16xf32>,
        %get3A_283 = arith.index_cast %add3A_201 : i32 to index
        %get3A_284 = arith.constant 112 : index
        %get3A_285 = tpu.vector_load %arg15[%get3A_283, %get3A_284] {strides = array<i32>} : memref<128x128xf32, #tpu.memory_space<vmem>>, vector<1x16xf32>,
        %get3A_286 = vector.shape_cast %get3A_285 : vector<1x16xf32> to vector<16xf32>
        %max3A_287 = arith.constant 0.000000e+00 : f32
        %max3A_288 = vector.broadcast %max3A_287 : f32 to vector<16xf32>
        %max3A_289 = arith.maximumf %get3A_286, %max3A_288 : vector<16xf32>
        %swap3A_290 = arith.index_cast %add3A_201 : i32 to index
        %swap3A_291 = arith.constant 112 : index
        %swap3A_292 = tpu.vector_load %arg15[%swap3A_290, %swap3A_291] {strides = array<i32>} : memref<128x128xf32, #tpu.memory_space<vmem>>, vector<1x16xf32>,
        %swap3A_293 = vector.shape_cast %swap3A_292 : vector<1x16xf32> to vector<16xf32>
        %swap3A_294 = vector.shape_cast %max3A_289 : vector<16xf32> to vector<1x16xf32>
        tpu.vector_store %arg15[%swap3A_290, %swap3A_291], %swap3A_294 {strides = array<i32>} : memref<128x128xf32, #tpu.memory_space<vmem>>, vector<1x16xf32>,
      }
      %scan3A_193 = arith.constant 128 : i32
      %dma_start3A_194 = arith.constant 0 : i32
      %dma_start3A_195 = arith.constant 0 : i32
      %dma_start3A_196 = tpu.memref_slice %arg18[%dma_start3A_194, %dma_start3A_195] : memref<10000x128xf32, #tpu.memory_space<vmem_shared>> -> memref<10000x128xf32, #tpu.memory_space<vmem_shared>>
      tpu.enqueue_indirect_dma source(%arg15 : memref<128x128xf32, #tpu.memory_space<vmem>>) target(%dma_start3A_196 : memref<10000x128xf32, #tpu.memory_space<vmem_shared>>) offsets(%arg12 : memref<128xi32, #tpu.memory_space<vmem>>) semaphore(%arg21 : memref<!tpu.dma_semaphore, #tpu.memory_space<semaphore_mem>>) {add = true}
    }
    %scan3A_71 = arith.constant 26 : i32
    %dma_wait3A_72 = arith.constant 0 : i32
    %dma_wait3A_73 = arith.constant 0 : i32
    %dma_wait3A_74 = tpu.memref_slice %arg18[%dma_wait3A_72, %dma_wait3A_73] : memref<10000x128xf32, #tpu.memory_space<vmem_shared>> -> memref<10000x128xf32, #tpu.memory_space<vmem_shared>>
    tpu.wait_indirect_dma semaphore(%arg19 : memref<!tpu.dma_semaphore, #tpu.memory_space<semaphore_mem>>) src(%arg13 : memref<128x128xf32, #tpu.memory_space<vmem>>) dst(%dma_wait3A_74 : memref<10000x128xf32, #tpu.memory_space<vmem_shared>>)
    %dma_wait3A_75 = arith.constant 0 : i32
    %dma_wait3A_76 = arith.constant 0 : i32
    %dma_wait3A_77 = tpu.memref_slice %arg18[%dma_wait3A_75, %dma_wait3A_76] : memref<10000x128xf32, #tpu.memory_space<vmem_shared>> -> memref<10000x128xf32, #tpu.memory_space<vmem_shared>>
    tpu.wait_indirect_dma semaphore(%arg20 : memref<!tpu.dma_semaphore, #tpu.memory_space<semaphore_mem>>) src(%arg14 : memref<128x128xf32, #tpu.memory_space<vmem>>) dst(%dma_wait3A_77 : memref<10000x128xf32, #tpu.memory_space<vmem_shared>>)
    %dma_wait3A_78 = arith.constant 0 : i32
    %dma_wait3A_79 = arith.constant 0 : i32
    %dma_wait3A_80 = tpu.memref_slice %arg18[%dma_wait3A_78, %dma_wait3A_79] : memref<10000x128xf32, #tpu.memory_space<vmem_shared>> -> memref<10000x128xf32, #tpu.memory_space<vmem_shared>>
    tpu.wait_indirect_dma semaphore(%arg21 : memref<!tpu.dma_semaphore, #tpu.memory_space<semaphore_mem>>) src(%arg15 : memref<128x128xf32, #tpu.memory_space<vmem>>) dst(%dma_wait3A_80 : memref<10000x128xf32, #tpu.memory_space<vmem_shared>>)
    %mul3A_81 = arith.constant 10000 : i32
    %mul3A_82 = arith.muli %add3A, %mul3A_81 : i32
    %add3A_83 = arith.constant 9984 : i32
    %add3A_84 = arith.addi %mul3A_82, %add3A_83 : i32
    "tpu.region"() ({
      %run_scoped3A = tpu.sem_alloc : memref<!tpu.dma_semaphore, #tpu.memory_space<semaphore_mem>>
      %dma_start3A_112 = arith.constant 0 : i32
      %dma_start3A_113 = tpu.memref_slice %arg4[%dma_start3A_112] : memref<640000xi32, #tpu.memory_space<hbm>> -> memref<320000xi32, #tpu.memory_space<hbm>>
      %dma_start3A_114 = tpu.memref_slice %dma_start3A_113[%add3A_84] : memref<320000xi32, #tpu.memory_space<hbm>> -> memref<16xi32, #tpu.memory_space<hbm>>
      %dma_start3A_115 = arith.constant 0 : i32
      %dma_start3A_116 = tpu.memref_slice %arg4[%dma_start3A_115] : memref<640000xi32, #tpu.memory_space<hbm>> -> memref<320000xi32, #tpu.memory_space<hbm>>
      %dma_start3A_117 = tpu.memref_slice %dma_start3A_116[%add3A_84] : memref<320000xi32, #tpu.memory_space<hbm>> -> memref<16xi32, #tpu.memory_space<hbm>>
      tpu.enqueue_dma source(%dma_start3A_117 : memref<16xi32, #tpu.memory_space<hbm>>) target(%arg16 : memref<16xi32, #tpu.memory_space<vmem>>) target_semaphore(%run_scoped3A : memref<!tpu.dma_semaphore, #tpu.memory_space<semaphore_mem>>)
      %dma_wait3A_118 = arith.constant 0 : i32
      %dma_wait3A_119 = tpu.memref_slice %arg4[%dma_wait3A_118] : memref<640000xi32, #tpu.memory_space<hbm>> -> memref<320000xi32, #tpu.memory_space<hbm>>
      %dma_wait3A_120 = tpu.memref_slice %dma_wait3A_119[%add3A_84] : memref<320000xi32, #tpu.memory_space<hbm>> -> memref<16xi32, #tpu.memory_space<hbm>>
      %dma_wait3A_121 = arith.constant 0 : i32
      %dma_wait3A_122 = tpu.memref_slice %arg4[%dma_wait3A_121] : memref<640000xi32, #tpu.memory_space<hbm>> -> memref<320000xi32, #tpu.memory_space<hbm>>
      %dma_wait3A_123 = tpu.memref_slice %dma_wait3A_122[%add3A_84] : memref<320000xi32, #tpu.memory_space<hbm>> -> memref<16xi32, #tpu.memory_space<hbm>>
      tpu.wait_dma2 semaphore(%run_scoped3A : memref<!tpu.dma_semaphore, #tpu.memory_space<semaphore_mem>>) src(%dma_wait3A_123 : memref<16xi32, #tpu.memory_space<hbm>>) dst(%arg16 : memref<16xi32, #tpu.memory_space<vmem>>)
      tpu.yield
    }) : () -> ()
    "tpu.region"() ({
      %run_scoped3A = tpu.sem_alloc : memref<!tpu.dma_semaphore, #tpu.memory_space<semaphore_mem>>
      %dma_start3A_112 = arith.constant 320000 : i32
      %dma_start3A_113 = tpu.memref_slice %arg4[%dma_start3A_112] : memref<640000xi32, #tpu.memory_space<hbm>> -> memref<320000xi32, #tpu.memory_space<hbm>>
      %dma_start3A_114 = tpu.memref_slice %dma_start3A_113[%add3A_84] : memref<320000xi32, #tpu.memory_space<hbm>> -> memref<16xi32, #tpu.memory_space<hbm>>
      %dma_start3A_115 = arith.constant 320000 : i32
      %dma_start3A_116 = tpu.memref_slice %arg4[%dma_start3A_115] : memref<640000xi32, #tpu.memory_space<hbm>> -> memref<320000xi32, #tpu.memory_space<hbm>>
      %dma_start3A_117 = tpu.memref_slice %dma_start3A_116[%add3A_84] : memref<320000xi32, #tpu.memory_space<hbm>> -> memref<16xi32, #tpu.memory_space<hbm>>
      tpu.enqueue_dma source(%dma_start3A_117 : memref<16xi32, #tpu.memory_space<hbm>>) target(%arg17 : memref<16xi32, #tpu.memory_space<vmem>>) target_semaphore(%run_scoped3A : memref<!tpu.dma_semaphore, #tpu.memory_space<semaphore_mem>>)
      %dma_wait3A_118 = arith.constant 320000 : i32
      %dma_wait3A_119 = tpu.memref_slice %arg4[%dma_wait3A_118] : memref<640000xi32, #tpu.memory_space<hbm>> -> memref<320000xi32, #tpu.memory_space<hbm>>
      %dma_wait3A_120 = tpu.memref_slice %dma_wait3A_119[%add3A_84] : memref<320000xi32, #tpu.memory_space<hbm>> -> memref<16xi32, #tpu.memory_space<hbm>>
      %dma_wait3A_121 = arith.constant 320000 : i32
      %dma_wait3A_122 = tpu.memref_slice %arg4[%dma_wait3A_121] : memref<640000xi32, #tpu.memory_space<hbm>> -> memref<320000xi32, #tpu.memory_space<hbm>>
      %dma_wait3A_123 = tpu.memref_slice %dma_wait3A_122[%add3A_84] : memref<320000xi32, #tpu.memory_space<hbm>> -> memref<16xi32, #tpu.memory_space<hbm>>
      tpu.wait_dma2 semaphore(%run_scoped3A : memref<!tpu.dma_semaphore, #tpu.memory_space<semaphore_mem>>) src(%dma_wait3A_123 : memref<16xi32, #tpu.memory_space<hbm>>) dst(%arg17 : memref<16xi32, #tpu.memory_space<vmem>>)
      tpu.yield
    }) : () -> ()
    "tpu.region"() ({
      %run_scoped3A = tpu.sem_alloc : memref<!tpu.dma_semaphore, #tpu.memory_space<semaphore_mem>>
      %dma_start3A_112 = arith.constant 0 : i32
      %dma_start3A_113 = arith.constant 0 : i32
      %dma_start3A_114 = tpu.memref_slice %arg13[%dma_start3A_112, %dma_start3A_113] : memref<128x128xf32, #tpu.memory_space<vmem>> -> memref<16x128xf32, #tpu.memory_space<vmem>>
      %dma_start3A_115 = arith.constant 0 : i32
      %dma_start3A_116 = tpu.memref_slice %arg3[%add3A_84, %dma_start3A_115] : memref<320000x128xf32, #tpu.memory_space<hbm>> -> memref<16x128xf32, #tpu.memory_space<hbm>>
      %dma_start3A_117 = arith.constant 0 : i32
      %dma_start3A_118 = arith.constant 0 : i32
      %dma_start3A_119 = tpu.memref_slice %arg13[%dma_start3A_117, %dma_start3A_118] : memref<128x128xf32, #tpu.memory_space<vmem>> -> memref<16x128xf32, #tpu.memory_space<vmem>>
      %dma_start3A_120 = arith.constant 0 : i32
      %dma_start3A_121 = tpu.memref_slice %arg3[%add3A_84, %dma_start3A_120] : memref<320000x128xf32, #tpu.memory_space<hbm>> -> memref<16x128xf32, #tpu.memory_space<hbm>>
      tpu.enqueue_dma source(%dma_start3A_121 : memref<16x128xf32, #tpu.memory_space<hbm>>) target(%dma_start3A_119 : memref<16x128xf32, #tpu.memory_space<vmem>>) target_semaphore(%run_scoped3A : memref<!tpu.dma_semaphore, #tpu.memory_space<semaphore_mem>>)
      %dma_wait3A_122 = arith.constant 0 : i32
      %dma_wait3A_123 = arith.constant 0 : i32
      %dma_wait3A_124 = tpu.memref_slice %arg13[%dma_wait3A_122, %dma_wait3A_123] : memref<128x128xf32, #tpu.memory_space<vmem>> -> memref<16x128xf32, #tpu.memory_space<vmem>>
      %dma_wait3A_125 = arith.constant 0 : i32
      %dma_wait3A_126 = tpu.memref_slice %arg3[%add3A_84, %dma_wait3A_125] : memref<320000x128xf32, #tpu.memory_space<hbm>> -> memref<16x128xf32, #tpu.memory_space<hbm>>
      %dma_wait3A_127 = arith.constant 0 : i32
      %dma_wait3A_128 = arith.constant 0 : i32
      %dma_wait3A_129 = tpu.memref_slice %arg13[%dma_wait3A_127, %dma_wait3A_128] : memref<128x128xf32, #tpu.memory_space<vmem>> -> memref<16x128xf32, #tpu.memory_space<vmem>>
      %dma_wait3A_130 = arith.constant 0 : i32
      %dma_wait3A_131 = tpu.memref_slice %arg3[%add3A_84, %dma_wait3A_130] : memref<320000x128xf32, #tpu.memory_space<hbm>> -> memref<16x128xf32, #tpu.memory_space<hbm>>
      tpu.wait_dma2 semaphore(%run_scoped3A : memref<!tpu.dma_semaphore, #tpu.memory_space<semaphore_mem>>) src(%dma_wait3A_131 : memref<16x128xf32, #tpu.memory_space<hbm>>) dst(%dma_wait3A_129 : memref<16x128xf32, #tpu.memory_space<vmem>>)
      tpu.yield
    }) : () -> ()
    %dma_start3A_85 = arith.constant 0 : i32
    %dma_start3A_86 = arith.constant 0 : i32
    %dma_start3A_87 = tpu.memref_slice %arg13[%dma_start3A_85, %dma_start3A_86] : memref<128x128xf32, #tpu.memory_space<vmem>> -> memref<16x128xf32, #tpu.memory_space<vmem>>
    %dma_start3A_88 = arith.constant 0 : i32
    %dma_start3A_89 = arith.constant 0 : i32
    %dma_start3A_90 = tpu.memref_slice %arg2[%dma_start3A_88, %dma_start3A_89] : memref<10000x128xf32, #tpu.memory_space<hbm>> -> memref<10000x128xf32, #tpu.memory_space<hbm>>
    tpu.enqueue_indirect_dma source(%dma_start3A_90 : memref<10000x128xf32, #tpu.memory_space<hbm>>) target(%dma_start3A_87 : memref<16x128xf32, #tpu.memory_space<vmem>>) offsets(%arg16 : memref<16xi32, #tpu.memory_space<vmem>>) semaphore(%arg19 : memref<!tpu.dma_semaphore, #tpu.memory_space<semaphore_mem>>) {add = true}
    %dma_wait3A_91 = arith.constant 0 : i32
    %dma_wait3A_92 = arith.constant 0 : i32
    %dma_wait3A_93 = tpu.memref_slice %arg13[%dma_wait3A_91, %dma_wait3A_92] : memref<128x128xf32, #tpu.memory_space<vmem>> -> memref<16x128xf32, #tpu.memory_space<vmem>>
    %dma_wait3A_94 = arith.constant 0 : i32
    %dma_wait3A_95 = arith.constant 0 : i32
    %dma_wait3A_96 = tpu.memref_slice %arg2[%dma_wait3A_94, %dma_wait3A_95] : memref<10000x128xf32, #tpu.memory_space<hbm>> -> memref<10000x128xf32, #tpu.memory_space<hbm>>
    tpu.wait_indirect_dma semaphore(%arg19 : memref<!tpu.dma_semaphore, #tpu.memory_space<semaphore_mem>>) src(%dma_wait3A_96 : memref<10000x128xf32, #tpu.memory_space<hbm>>) dst(%dma_wait3A_93 : memref<16x128xf32, #tpu.memory_space<vmem>>)
    %scan3A_97 = arith.constant 0 : i32
    %scan3A_98 = arith.constant 16 : i32
    %scan3A_99 = arith.addi %scan3A_97, %scan3A_98 : i32
    %scan3A_100 = arith.constant 1 : i32
    scf.for %scan3A_112 = %scan3A_97 to %scan3A_99 step %scan3A_100  : i32 {
      %mul3A_113 = arith.constant 1 : i32
      %mul3A_114 = arith.muli %scan3A_112, %mul3A_113 : i32
      %add3A_115 = arith.constant 0 : i32
      %add3A_116 = arith.addi %add3A_115, %mul3A_114 : i32
      %get3A = arith.index_cast %add3A_116 : i32 to index
      %get3A_117 = arith.constant 0 : index
      %get3A_118 = tpu.vector_load %arg13[%get3A, %get3A_117] {strides = array<i32>} : memref<128x128xf32, #tpu.memory_space<vmem>>, vector<1x16xf32>,
      %get3A_119 = vector.shape_cast %get3A_118 : vector<1x16xf32> to vector<16xf32>
      %max3A = arith.constant 0.000000e+00 : f32
      %max3A_120 = vector.broadcast %max3A : f32 to vector<16xf32>
      %max3A_121 = arith.maximumf %get3A_119, %max3A_120 : vector<16xf32>
      %swap3A = arith.index_cast %add3A_116 : i32 to index
      %swap3A_122 = arith.constant 0 : index
      %swap3A_123 = tpu.vector_load %arg13[%swap3A, %swap3A_122] {strides = array<i32>} : memref<128x128xf32, #tpu.memory_space<vmem>>, vector<1x16xf32>,
      %swap3A_124 = vector.shape_cast %swap3A_123 : vector<1x16xf32> to vector<16xf32>
      %swap3A_125 = vector.shape_cast %max3A_121 : vector<16xf32> to vector<1x16xf32>
      tpu.vector_store %arg13[%swap3A, %swap3A_122], %swap3A_125 {strides = array<i32>} : memref<128x128xf32, #tpu.memory_space<vmem>>, vector<1x16xf32>,
      %get3A_126 = arith.index_cast %add3A_116 : i32 to index
      %get3A_127 = arith.constant 16 : index
      %get3A_128 = tpu.vector_load %arg13[%get3A_126, %get3A_127] {strides = array<i32>} : memref<128x128xf32, #tpu.memory_space<vmem>>, vector<1x16xf32>,
      %get3A_129 = vector.shape_cast %get3A_128 : vector<1x16xf32> to vector<16xf32>
      %max3A_130 = arith.constant 0.000000e+00 : f32
      %max3A_131 = vector.broadcast %max3A_130 : f32 to vector<16xf32>
      %max3A_132 = arith.maximumf %get3A_129, %max3A_131 : vector<16xf32>
      %swap3A_133 = arith.index_cast %add3A_116 : i32 to index
      %swap3A_134 = arith.constant 16 : index
      %swap3A_135 = tpu.vector_load %arg13[%swap3A_133, %swap3A_134] {strides = array<i32>} : memref<128x128xf32, #tpu.memory_space<vmem>>, vector<1x16xf32>,
      %swap3A_136 = vector.shape_cast %swap3A_135 : vector<1x16xf32> to vector<16xf32>
      %swap3A_137 = vector.shape_cast %max3A_132 : vector<16xf32> to vector<1x16xf32>
      tpu.vector_store %arg13[%swap3A_133, %swap3A_134], %swap3A_137 {strides = array<i32>} : memref<128x128xf32, #tpu.memory_space<vmem>>, vector<1x16xf32>,
      %get3A_138 = arith.index_cast %add3A_116 : i32 to index
      %get3A_139 = arith.constant 32 : index
      %get3A_140 = tpu.vector_load %arg13[%get3A_138, %get3A_139] {strides = array<i32>} : memref<128x128xf32, #tpu.memory_space<vmem>>, vector<1x16xf32>,
      %get3A_141 = vector.shape_cast %get3A_140 : vector<1x16xf32> to vector<16xf32>
      %max3A_142 = arith.constant 0.000000e+00 : f32
      %max3A_143 = vector.broadcast %max3A_142 : f32 to vector<16xf32>
      %max3A_144 = arith.maximumf %get3A_141, %max3A_143 : vector<16xf32>
      %swap3A_145 = arith.index_cast %add3A_116 : i32 to index
      %swap3A_146 = arith.constant 32 : index
      %swap3A_147 = tpu.vector_load %arg13[%swap3A_145, %swap3A_146] {strides = array<i32>} : memref<128x128xf32, #tpu.memory_space<vmem>>, vector<1x16xf32>,
      %swap3A_148 = vector.shape_cast %swap3A_147 : vector<1x16xf32> to vector<16xf32>
      %swap3A_149 = vector.shape_cast %max3A_144 : vector<16xf32> to vector<1x16xf32>
      tpu.vector_store %arg13[%swap3A_145, %swap3A_146], %swap3A_149 {strides = array<i32>} : memref<128x128xf32, #tpu.memory_space<vmem>>, vector<1x16xf32>,
      %get3A_150 = arith.index_cast %add3A_116 : i32 to index
      %get3A_151 = arith.constant 48 : index
      %get3A_152 = tpu.vector_load %arg13[%get3A_150, %get3A_151] {strides = array<i32>} : memref<128x128xf32, #tpu.memory_space<vmem>>, vector<1x16xf32>,
      %get3A_153 = vector.shape_cast %get3A_152 : vector<1x16xf32> to vector<16xf32>
      %max3A_154 = arith.constant 0.000000e+00 : f32
      %max3A_155 = vector.broadcast %max3A_154 : f32 to vector<16xf32>
      %max3A_156 = arith.maximumf %get3A_153, %max3A_155 : vector<16xf32>
      %swap3A_157 = arith.index_cast %add3A_116 : i32 to index
      %swap3A_158 = arith.constant 48 : index
      %swap3A_159 = tpu.vector_load %arg13[%swap3A_157, %swap3A_158] {strides = array<i32>} : memref<128x128xf32, #tpu.memory_space<vmem>>, vector<1x16xf32>,
      %swap3A_160 = vector.shape_cast %swap3A_159 : vector<1x16xf32> to vector<16xf32>
      %swap3A_161 = vector.shape_cast %max3A_156 : vector<16xf32> to vector<1x16xf32>
      tpu.vector_store %arg13[%swap3A_157, %swap3A_158], %swap3A_161 {strides = array<i32>} : memref<128x128xf32, #tpu.memory_space<vmem>>, vector<1x16xf32>,
      %get3A_162 = arith.index_cast %add3A_116 : i32 to index
      %get3A_163 = arith.constant 64 : index
      %get3A_164 = tpu.vector_load %arg13[%get3A_162, %get3A_163] {strides = array<i32>} : memref<128x128xf32, #tpu.memory_space<vmem>>, vector<1x16xf32>,
      %get3A_165 = vector.shape_cast %get3A_164 : vector<1x16xf32> to vector<16xf32>
      %max3A_166 = arith.constant 0.000000e+00 : f32
      %max3A_167 = vector.broadcast %max3A_166 : f32 to vector<16xf32>
      %max3A_168 = arith.maximumf %get3A_165, %max3A_167 : vector<16xf32>
      %swap3A_169 = arith.index_cast %add3A_116 : i32 to index
      %swap3A_170 = arith.constant 64 : index
      %swap3A_171 = tpu.vector_load %arg13[%swap3A_169, %swap3A_170] {strides = array<i32>} : memref<128x128xf32, #tpu.memory_space<vmem>>, vector<1x16xf32>,
      %swap3A_172 = vector.shape_cast %swap3A_171 : vector<1x16xf32> to vector<16xf32>
      %swap3A_173 = vector.shape_cast %max3A_168 : vector<16xf32> to vector<1x16xf32>
      tpu.vector_store %arg13[%swap3A_169, %swap3A_170], %swap3A_173 {strides = array<i32>} : memref<128x128xf32, #tpu.memory_space<vmem>>, vector<1x16xf32>,
      %get3A_174 = arith.index_cast %add3A_116 : i32 to index
      %get3A_175 = arith.constant 80 : index
      %get3A_176 = tpu.vector_load %arg13[%get3A_174, %get3A_175] {strides = array<i32>} : memref<128x128xf32, #tpu.memory_space<vmem>>, vector<1x16xf32>,
      %get3A_177 = vector.shape_cast %get3A_176 : vector<1x16xf32> to vector<16xf32>
      %max3A_178 = arith.constant 0.000000e+00 : f32
      %max3A_179 = vector.broadcast %max3A_178 : f32 to vector<16xf32>
      %max3A_180 = arith.maximumf %get3A_177, %max3A_179 : vector<16xf32>
      %swap3A_181 = arith.index_cast %add3A_116 : i32 to index
      %swap3A_182 = arith.constant 80 : index
      %swap3A_183 = tpu.vector_load %arg13[%swap3A_181, %swap3A_182] {strides = array<i32>} : memref<128x128xf32, #tpu.memory_space<vmem>>, vector<1x16xf32>,
      %swap3A_184 = vector.shape_cast %swap3A_183 : vector<1x16xf32> to vector<16xf32>
      %swap3A_185 = vector.shape_cast %max3A_180 : vector<16xf32> to vector<1x16xf32>
      tpu.vector_store %arg13[%swap3A_181, %swap3A_182], %swap3A_185 {strides = array<i32>} : memref<128x128xf32, #tpu.memory_space<vmem>>, vector<1x16xf32>,
      %get3A_186 = arith.index_cast %add3A_116 : i32 to index
      %get3A_187 = arith.constant 96 : index
      %get3A_188 = tpu.vector_load %arg13[%get3A_186, %get3A_187] {strides = array<i32>} : memref<128x128xf32, #tpu.memory_space<vmem>>, vector<1x16xf32>,
      %get3A_189 = vector.shape_cast %get3A_188 : vector<1x16xf32> to vector<16xf32>
      %max3A_190 = arith.constant 0.000000e+00 : f32
      %max3A_191 = vector.broadcast %max3A_190 : f32 to vector<16xf32>
      %max3A_192 = arith.maximumf %get3A_189, %max3A_191 : vector<16xf32>
      %swap3A_193 = arith.index_cast %add3A_116 : i32 to index
      %swap3A_194 = arith.constant 96 : index
      %swap3A_195 = tpu.vector_load %arg13[%swap3A_193, %swap3A_194] {strides = array<i32>} : memref<128x128xf32, #tpu.memory_space<vmem>>, vector<1x16xf32>,
      %swap3A_196 = vector.shape_cast %swap3A_195 : vector<1x16xf32> to vector<16xf32>
      %swap3A_197 = vector.shape_cast %max3A_192 : vector<16xf32> to vector<1x16xf32>
      tpu.vector_store %arg13[%swap3A_193, %swap3A_194], %swap3A_197 {strides = array<i32>} : memref<128x128xf32, #tpu.memory_space<vmem>>, vector<1x16xf32>,
      %get3A_198 = arith.index_cast %add3A_116 : i32 to index
      %get3A_199 = arith.constant 112 : index
      %get3A_200 = tpu.vector_load %arg13[%get3A_198, %get3A_199] {strides = array<i32>} : memref<128x128xf32, #tpu.memory_space<vmem>>, vector<1x16xf32>,
      %get3A_201 = vector.shape_cast %get3A_200 : vector<1x16xf32> to vector<16xf32>
      %max3A_202 = arith.constant 0.000000e+00 : f32
      %max3A_203 = vector.broadcast %max3A_202 : f32 to vector<16xf32>
      %max3A_204 = arith.maximumf %get3A_201, %max3A_203 : vector<16xf32>
      %swap3A_205 = arith.index_cast %add3A_116 : i32 to index
      %swap3A_206 = arith.constant 112 : index
      %swap3A_207 = tpu.vector_load %arg13[%swap3A_205, %swap3A_206] {strides = array<i32>} : memref<128x128xf32, #tpu.memory_space<vmem>>, vector<1x16xf32>,
      %swap3A_208 = vector.shape_cast %swap3A_207 : vector<1x16xf32> to vector<16xf32>
      %swap3A_209 = vector.shape_cast %max3A_204 : vector<16xf32> to vector<1x16xf32>
      tpu.vector_store %arg13[%swap3A_205, %swap3A_206], %swap3A_209 {strides = array<i32>} : memref<128x128xf32, #tpu.memory_space<vmem>>, vector<1x16xf32>,
    }
    %scan3A_101 = arith.constant 16 : i32
    "tpu.region"() ({
      %run_scoped3A = tpu.sem_alloc : memref<!tpu.dma_semaphore, #tpu.memory_space<semaphore_mem>>
      %dma_start3A_112 = arith.constant 0 : i32
      %dma_start3A_113 = arith.constant 0 : i32
      %dma_start3A_114 = tpu.memref_slice %arg13[%dma_start3A_112, %dma_start3A_113] : memref<128x128xf32, #tpu.memory_space<vmem>> -> memref<16x128xf32, #tpu.memory_space<vmem>>
      %dma_start3A_115 = arith.constant 0 : i32
      %dma_start3A_116 = arith.constant 0 : i32
      %dma_start3A_117 = tpu.memref_slice %arg18[%dma_start3A_115, %dma_start3A_116] : memref<10000x128xf32, #tpu.memory_space<vmem_shared>> -> memref<10000x128xf32, #tpu.memory_space<vmem_shared>>
      tpu.enqueue_indirect_dma source(%dma_start3A_114 : memref<16x128xf32, #tpu.memory_space<vmem>>) target(%dma_start3A_117 : memref<10000x128xf32, #tpu.memory_space<vmem_shared>>) offsets(%arg17 : memref<16xi32, #tpu.memory_space<vmem>>) semaphore(%run_scoped3A : memref<!tpu.dma_semaphore, #tpu.memory_space<semaphore_mem>>) {add = true}
      %dma_wait3A_118 = arith.constant 0 : i32
      %dma_wait3A_119 = arith.constant 0 : i32
      %dma_wait3A_120 = tpu.memref_slice %arg13[%dma_wait3A_118, %dma_wait3A_119] : memref<128x128xf32, #tpu.memory_space<vmem>> -> memref<16x128xf32, #tpu.memory_space<vmem>>
      %dma_wait3A_121 = arith.constant 0 : i32
      %dma_wait3A_122 = arith.constant 0 : i32
      %dma_wait3A_123 = tpu.memref_slice %arg18[%dma_wait3A_121, %dma_wait3A_122] : memref<10000x128xf32, #tpu.memory_space<vmem_shared>> -> memref<10000x128xf32, #tpu.memory_space<vmem_shared>>
      tpu.wait_indirect_dma semaphore(%run_scoped3A : memref<!tpu.dma_semaphore, #tpu.memory_space<semaphore_mem>>) src(%dma_wait3A_120 : memref<16x128xf32, #tpu.memory_space<vmem>>) dst(%dma_wait3A_123 : memref<10000x128xf32, #tpu.memory_space<vmem_shared>>)
      tpu.yield
    }) : () -> ()
    %barrier3A_102 = arith.constant 0 : index
    tpu.barrier barrier_id(%barrier3A_102)
    %mul3A_103 = arith.constant 624 : i32
    %mul3A_104 = arith.muli %arg1, %mul3A_103 : i32
    %mul3A_105 = arith.constant 624 : i32
    %mul3A_106 = arith.muli %arg1, %mul3A_105 : i32
    "tpu.region"() ({
      %run_scoped3A = tpu.sem_alloc : memref<!tpu.dma_semaphore, #tpu.memory_space<semaphore_mem>>
      %dma_start3A_112 = arith.constant 0 : i32
      %dma_start3A_113 = arith.constant 0 : i32
      %dma_start3A_114 = tpu.memref_slice %arg6[%arg0, %dma_start3A_112, %dma_start3A_113] : memref<2x10000x128xf32, #tpu.memory_space<hbm>> -> memref<1x10000x128xf32, #tpu.memory_space<hbm>>
      %dma_start3A_115 = tpu.memref_squeeze %dma_start3A_114 : memref<1x10000x128xf32, #tpu.memory_space<hbm>> -> memref<10000x128xf32, #tpu.memory_space<hbm>>
      %dma_start3A_116 = arith.constant 0 : i32
      %dma_start3A_117 = tpu.memref_slice %dma_start3A_115[%mul3A_106, %dma_start3A_116] : memref<10000x128xf32, #tpu.memory_space<hbm>> -> memref<624x128xf32, #tpu.memory_space<hbm>>
      %dma_start3A_118 = arith.constant 0 : i32
      %dma_start3A_119 = tpu.memref_slice %arg18[%mul3A_104, %dma_start3A_118] : memref<10000x128xf32, #tpu.memory_space<vmem_shared>> -> memref<624x128xf32, #tpu.memory_space<vmem_shared>>
      tpu.enqueue_dma source(%dma_start3A_119 : memref<624x128xf32, #tpu.memory_space<vmem_shared>>) target(%dma_start3A_117 : memref<624x128xf32, #tpu.memory_space<hbm>>) target_semaphore(%run_scoped3A : memref<!tpu.dma_semaphore, #tpu.memory_space<semaphore_mem>>)
      %dma_wait3A_120 = arith.constant 0 : i32
      %dma_wait3A_121 = arith.constant 0 : i32
      %dma_wait3A_122 = tpu.memref_slice %arg6[%arg0, %dma_wait3A_120, %dma_wait3A_121] : memref<2x10000x128xf32, #tpu.memory_space<hbm>> -> memref<1x10000x128xf32, #tpu.memory_space<hbm>>
      %dma_wait3A_123 = tpu.memref_squeeze %dma_wait3A_122 : memref<1x10000x128xf32, #tpu.memory_space<hbm>> -> memref<10000x128xf32, #tpu.memory_space<hbm>>
      %dma_wait3A_124 = arith.constant 0 : i32
      %dma_wait3A_125 = tpu.memref_slice %dma_wait3A_123[%mul3A_106, %dma_wait3A_124] : memref<10000x128xf32, #tpu.memory_space<hbm>> -> memref<624x128xf32, #tpu.memory_space<hbm>>
      %dma_wait3A_126 = arith.constant 0 : i32
      %dma_wait3A_127 = tpu.memref_slice %arg18[%mul3A_104, %dma_wait3A_126] : memref<10000x128xf32, #tpu.memory_space<vmem_shared>> -> memref<624x128xf32, #tpu.memory_space<vmem_shared>>
      tpu.wait_dma2 semaphore(%run_scoped3A : memref<!tpu.dma_semaphore, #tpu.memory_space<semaphore_mem>>) src(%dma_wait3A_127 : memref<624x128xf32, #tpu.memory_space<vmem_shared>>) dst(%dma_wait3A_125 : memref<624x128xf32, #tpu.memory_space<hbm>>)
      tpu.yield
    }) : () -> ()
    %eq3A_107 = arith.constant 0 : i32
    %eq3A_108 = arith.cmpi eq, %arg1, %eq3A_107 : i32
    %convert_element_type3A_109 = arith.extui %eq3A_108 : i1 to i32
    %cond3A_110 = arith.constant 0 : i32
    %cond3A_111 = arith.cmpi ne, %convert_element_type3A_109, %cond3A_110 : i32
    scf.if %cond3A_111 {
      "tpu.region"() ({
        %run_scoped3A = tpu.sem_alloc : memref<!tpu.dma_semaphore, #tpu.memory_space<semaphore_mem>>
        %dma_start3A_112 = arith.constant 0 : i32
        %dma_start3A_113 = arith.constant 0 : i32
        %dma_start3A_114 = tpu.memref_slice %arg6[%arg0, %dma_start3A_112, %dma_start3A_113] : memref<2x10000x128xf32, #tpu.memory_space<hbm>> -> memref<1x10000x128xf32, #tpu.memory_space<hbm>>
        %dma_start3A_115 = tpu.memref_squeeze %dma_start3A_114 : memref<1x10000x128xf32, #tpu.memory_space<hbm>> -> memref<10000x128xf32, #tpu.memory_space<hbm>>
        %dma_start3A_116 = arith.constant 9984 : i32
        %dma_start3A_117 = arith.constant 0 : i32
        %dma_start3A_118 = tpu.memref_slice %dma_start3A_115[%dma_start3A_116, %dma_start3A_117] : memref<10000x128xf32, #tpu.memory_space<hbm>> -> memref<16x128xf32, #tpu.memory_space<hbm>>
        %dma_start3A_119 = arith.constant 9984 : i32
        %dma_start3A_120 = arith.constant 0 : i32
        %dma_start3A_121 = tpu.memref_slice %arg18[%dma_start3A_119, %dma_start3A_120] : memref<10000x128xf32, #tpu.memory_space<vmem_shared>> -> memref<16x128xf32, #tpu.memory_space<vmem_shared>>
        tpu.enqueue_dma source(%dma_start3A_121 : memref<16x128xf32, #tpu.memory_space<vmem_shared>>) target(%dma_start3A_118 : memref<16x128xf32, #tpu.memory_space<hbm>>) target_semaphore(%run_scoped3A : memref<!tpu.dma_semaphore, #tpu.memory_space<semaphore_mem>>)
        %dma_wait3A_122 = arith.constant 0 : i32
        %dma_wait3A_123 = arith.constant 0 : i32
        %dma_wait3A_124 = tpu.memref_slice %arg6[%arg0, %dma_wait3A_122, %dma_wait3A_123] : memref<2x10000x128xf32, #tpu.memory_space<hbm>> -> memref<1x10000x128xf32, #tpu.memory_space<hbm>>
        %dma_wait3A_125 = tpu.memref_squeeze %dma_wait3A_124 : memref<1x10000x128xf32, #tpu.memory_space<hbm>> -> memref<10000x128xf32, #tpu.memory_space<hbm>>
        %dma_wait3A_126 = arith.constant 9984 : i32
        %dma_wait3A_127 = arith.constant 0 : i32
        %dma_wait3A_128 = tpu.memref_slice %dma_wait3A_125[%dma_wait3A_126, %dma_wait3A_127] : memref<10000x128xf32, #tpu.memory_space<hbm>> -> memref<16x128xf32, #tpu.memory_space<hbm>>
        %dma_wait3A_129 = arith.constant 9984 : i32
        %dma_wait3A_130 = arith.constant 0 : i32
        %dma_wait3A_131 = tpu.memref_slice %arg18[%dma_wait3A_129, %dma_wait3A_130] : memref<10000x128xf32, #tpu.memory_space<vmem_shared>> -> memref<16x128xf32, #tpu.memory_space<vmem_shared>>
        tpu.wait_dma2 semaphore(%run_scoped3A : memref<!tpu.dma_semaphore, #tpu.memory_space<semaphore_mem>>) src(%dma_wait3A_131 : memref<16x128xf32, #tpu.memory_space<vmem_shared>>) dst(%dma_wait3A_128 : memref<16x128xf32, #tpu.memory_space<hbm>>)
        tpu.yield
      }) : () -> ()
    } else {
    }
    return
  }
}

module attributes {stable_mosaic.version = 14 : i64} {
  func.func @_edge_mlp_block(%arg0: i32, %arg1: memref<2000x16xf32, #tpu.memory_space<vmem>>, %arg2: memref<16x128xf32, #tpu.memory_space<vmem>>, %arg3: memref<1x128xf32, #tpu.memory_space<vmem>>, %arg4: memref<2000x128xf32, #tpu.memory_space<vmem>>) attributes {dimension_semantics = [#tpu.dimension_semantics<arbitrary>], iteration_bounds = array<i64: 160>, scalar_prefetch = 0 : i64, scratch_operands = 0 : i64, tpu.core_type = #tpu.core_type<tc>, window_params = [{transform_indices = @transform_0, window_bounds = array<i64: 2000, 16>}, {pipeline_mode = #tpu.pipeline_mode<synchronous>, transform_indices = @transform_1, window_bounds = array<i64: 16, 128>}, {pipeline_mode = #tpu.pipeline_mode<synchronous>, transform_indices = @transform_2, window_bounds = array<i64: 1, 128>}, {transform_indices = @transform_3, window_bounds = array<i64: 2000, 128>}]} {
    %get3A = arith.constant 0 : index
    %get3A_0 = arith.constant 0 : index
    %get3A_1 = vector.load %arg1[%get3A, %get3A_0] : memref<2000x16xf32, #tpu.memory_space<vmem>>, vector<2000x16xf32>
    %get3A_2 = arith.constant 0 : index
    %get3A_3 = arith.constant 0 : index
    %get3A_4 = vector.load %arg2[%get3A_2, %get3A_3] : memref<16x128xf32, #tpu.memory_space<vmem>>, vector<16x128xf32>
    %dot_general3A = arith.constant dense<0.000000e+00> : vector<2000x128xf32>
    %dot_general3A_5 = tpu.matmul %get3A_1, %get3A_4, %dot_general3A {dimension_numbers = #tpu.dot_dimension_numbers<[1], [0], [0], [1], [0, 0, 1, 1], [], []>, transpose_lhs_hint = false} : vector<2000x16xf32>, vector<16x128xf32>, vector<2000x128xf32> -> vector<2000x128xf32>
    %get3A_6 = arith.constant 0 : index
    %get3A_7 = arith.constant 0 : index
    %get3A_8 = vector.load %arg3[%get3A_6, %get3A_7] : memref<1x128xf32, #tpu.memory_space<vmem>>, vector<1x128xf32>
    %add3A = vector.broadcast %get3A_8 : vector<1x128xf32> to vector<2000x128xf32>
    %add3A_9 = arith.addf %dot_general3A_5, %add3A : vector<2000x128xf32>
    %swap3A = arith.constant 0 : index
    %swap3A_10 = arith.constant 0 : index
    %swap3A_11 = vector.load %arg4[%swap3A, %swap3A_10] : memref<2000x128xf32, #tpu.memory_space<vmem>>, vector<2000x128xf32>
    tpu.vector_store %arg4[%swap3A, %swap3A_10], %add3A_9 {strides = array<i32>} : memref<2000x128xf32, #tpu.memory_space<vmem>>, vector<2000x128xf32>,
    return
  }
  func.func @transform_0(%arg0: i32) -> (i32, i32) {
    %c0_i32 = arith.constant 0 : i32
    %c0_i32_0 = arith.constant 0 : i32
    return %arg0, %c0_i32 : i32, i32
  }
  func.func @transform_1(%arg0: i32) -> (i32, i32) {
    %c0_i32 = arith.constant 0 : i32
    %c0_i32_0 = arith.constant 0 : i32
    %c0_i32_1 = arith.constant 0 : i32
    return %c0_i32, %c0_i32_0 : i32, i32
  }
  func.func @transform_2(%arg0: i32) -> (i32, i32) {
    %c0_i32 = arith.constant 0 : i32
    %c0_i32_0 = arith.constant 0 : i32
    %c0_i32_1 = arith.constant 0 : i32
    return %c0_i32, %c0_i32_0 : i32, i32
  }
  func.func @transform_3(%arg0: i32) -> (i32, i32) {
    %c0_i32 = arith.constant 0 : i32
    %c0_i32_0 = arith.constant 0 : i32
    return %arg0, %c0_i32 : i32, i32
  }
}

module attributes {stable_mosaic.version = 14 : i64} {
  func.func @_node_block(%arg0: memref<10000x128xf32, #tpu.memory_space<vmem>>, %arg1: memref<2x10000x128xf32, #tpu.memory_space<vmem>>, %arg2: memref<128x128xf32, #tpu.memory_space<vmem>>, %arg3: memref<1x128xf32, #tpu.memory_space<vmem>>, %arg4: memref<128x128xf32, #tpu.memory_space<vmem>>, %arg5: memref<1x128xf32, #tpu.memory_space<vmem>>, %arg6: memref<1x128xf32, #tpu.memory_space<vmem>>, %arg7: memref<1x128xf32, #tpu.memory_space<vmem>>, %arg8: memref<1x128xf32, #tpu.memory_space<vmem>>, %arg9: memref<10000x128xf32, #tpu.memory_space<vmem>>) attributes {dimension_semantics = [], scalar_prefetch = 0 : i64, scratch_operands = 0 : i64, tpu.core_type = #tpu.core_type<tc>} {
    %get3A = arith.constant 0 : index
    %get3A_0 = arith.constant 0 : index
    %get3A_1 = vector.load %arg0[%get3A, %get3A_0] : memref<10000x128xf32, #tpu.memory_space<vmem>>, vector<10000x128xf32>
    %get3A_2 = arith.constant 0 : index
    %get3A_3 = arith.constant 0 : index
    %get3A_4 = arith.constant 0 : index
    %get3A_5 = vector.load %arg1[%get3A_2, %get3A_3, %get3A_4] : memref<2x10000x128xf32, #tpu.memory_space<vmem>>, vector<1x10000x128xf32>
    %get3A_6 = vector.shape_cast %get3A_5 : vector<1x10000x128xf32> to vector<10000x128xf32>
    %add3A = arith.addf %get3A_1, %get3A_6 : vector<10000x128xf32>
    %get3A_7 = arith.constant 1 : index
    %get3A_8 = arith.constant 0 : index
    %get3A_9 = arith.constant 0 : index
    %get3A_10 = vector.load %arg1[%get3A_7, %get3A_8, %get3A_9] : memref<2x10000x128xf32, #tpu.memory_space<vmem>>, vector<1x10000x128xf32>
    %get3A_11 = vector.shape_cast %get3A_10 : vector<1x10000x128xf32> to vector<10000x128xf32>
    %add3A_12 = arith.addf %add3A, %get3A_11 : vector<10000x128xf32>
    %get3A_13 = arith.constant 0 : index
    %get3A_14 = arith.constant 0 : index
    %get3A_15 = vector.load %arg2[%get3A_13, %get3A_14] : memref<128x128xf32, #tpu.memory_space<vmem>>, vector<128x128xf32>
    %dot_general3A = arith.constant dense<0.000000e+00> : vector<10000x128xf32>
    %dot_general3A_16 = tpu.matmul %add3A_12, %get3A_15, %dot_general3A {dimension_numbers = #tpu.dot_dimension_numbers<[1], [0], [0], [1], [0, 0, 1, 1], [], []>, transpose_lhs_hint = false} : vector<10000x128xf32>, vector<128x128xf32>, vector<10000x128xf32> -> vector<10000x128xf32>
    %get3A_17 = arith.constant 0 : index
    %get3A_18 = arith.constant 0 : index
    %get3A_19 = vector.load %arg3[%get3A_17, %get3A_18] : memref<1x128xf32, #tpu.memory_space<vmem>>, vector<1x128xf32>
    %add3A_20 = vector.broadcast %get3A_19 : vector<1x128xf32> to vector<10000x128xf32>
    %add3A_21 = arith.addf %dot_general3A_16, %add3A_20 : vector<10000x128xf32>
    %max3A = arith.constant 0.000000e+00 : f32
    %max3A_22 = vector.broadcast %max3A : f32 to vector<10000x128xf32>
    %max3A_23 = arith.maximumf %add3A_21, %max3A_22 : vector<10000x128xf32>
    %get3A_24 = arith.constant 0 : index
    %get3A_25 = arith.constant 0 : index
    %get3A_26 = vector.load %arg4[%get3A_24, %get3A_25] : memref<128x128xf32, #tpu.memory_space<vmem>>, vector<128x128xf32>
    %dot_general3A_27 = arith.constant dense<0.000000e+00> : vector<10000x128xf32>
    %dot_general3A_28 = tpu.matmul %max3A_23, %get3A_26, %dot_general3A_27 {dimension_numbers = #tpu.dot_dimension_numbers<[1], [0], [0], [1], [0, 0, 1, 1], [], []>, transpose_lhs_hint = false} : vector<10000x128xf32>, vector<128x128xf32>, vector<10000x128xf32> -> vector<10000x128xf32>
    %get3A_29 = arith.constant 0 : index
    %get3A_30 = arith.constant 0 : index
    %get3A_31 = vector.load %arg5[%get3A_29, %get3A_30] : memref<1x128xf32, #tpu.memory_space<vmem>>, vector<1x128xf32>
    %add3A_32 = vector.broadcast %get3A_31 : vector<1x128xf32> to vector<10000x128xf32>
    %add3A_33 = arith.addf %dot_general3A_28, %add3A_32 : vector<10000x128xf32>
    %reduce_sum3A = arith.constant dense<0.000000e+00> : vector<128xf32>
    %reduce_sum3A_34 = vector.multi_reduction <add>, %add3A_33, %reduce_sum3A [0] : vector<10000x128xf32> to vector<128xf32>
    %broadcast_in_dim3A = vector.shape_cast %reduce_sum3A_34 : vector<128xf32> to vector<1x128xf32>
    %div3A = arith.constant 1.000000e+04 : f32
    %div3A_35 = vector.broadcast %div3A : f32 to vector<1x128xf32>
    %div3A_36 = arith.divf %broadcast_in_dim3A, %div3A_35 : vector<1x128xf32>
    %get3A_37 = arith.constant 0 : index
    %get3A_38 = arith.constant 0 : index
    %get3A_39 = vector.load %arg8[%get3A_37, %get3A_38] : memref<1x128xf32, #tpu.memory_space<vmem>>, vector<1x128xf32>
    %mul3A = arith.mulf %get3A_39, %div3A_36 : vector<1x128xf32>
    %sub3A = vector.broadcast %mul3A : vector<1x128xf32> to vector<10000x128xf32>
    %sub3A_40 = arith.subf %add3A_33, %sub3A : vector<10000x128xf32>
    %mul3A_41 = arith.mulf %sub3A_40, %sub3A_40 : vector<10000x128xf32>
    %reduce_sum3A_42 = arith.constant dense<0.000000e+00> : vector<128xf32>
    %reduce_sum3A_43 = vector.multi_reduction <add>, %mul3A_41, %reduce_sum3A_42 [0] : vector<10000x128xf32> to vector<128xf32>
    %broadcast_in_dim3A_44 = vector.shape_cast %reduce_sum3A_43 : vector<128xf32> to vector<1x128xf32>
    %div3A_45 = arith.constant 1.000000e+04 : f32
    %div3A_46 = vector.broadcast %div3A_45 : f32 to vector<1x128xf32>
    %div3A_47 = arith.divf %broadcast_in_dim3A_44, %div3A_46 : vector<1x128xf32>
    %get3A_48 = arith.constant 0 : index
    %get3A_49 = arith.constant 0 : index
    %get3A_50 = vector.load %arg6[%get3A_48, %get3A_49] : memref<1x128xf32, #tpu.memory_space<vmem>>, vector<1x128xf32>
    %mul3A_51 = vector.broadcast %get3A_50 : vector<1x128xf32> to vector<10000x128xf32>
    %mul3A_52 = arith.mulf %mul3A_51, %sub3A_40 : vector<10000x128xf32>
    %add3A_53 = arith.constant 9.99999974E-6 : f32
    %add3A_54 = vector.broadcast %add3A_53 : f32 to vector<1x128xf32>
    %add3A_55 = arith.addf %div3A_47, %add3A_54 : vector<1x128xf32>
    %rsqrt3A = math.rsqrt %add3A_55 : vector<1x128xf32>
    %mul3A_56 = vector.broadcast %rsqrt3A : vector<1x128xf32> to vector<10000x128xf32>
    %mul3A_57 = arith.mulf %mul3A_52, %mul3A_56 : vector<10000x128xf32>
    %get3A_58 = arith.constant 0 : index
    %get3A_59 = arith.constant 0 : index
    %get3A_60 = vector.load %arg7[%get3A_58, %get3A_59] : memref<1x128xf32, #tpu.memory_space<vmem>>, vector<1x128xf32>
    %add3A_61 = vector.broadcast %get3A_60 : vector<1x128xf32> to vector<10000x128xf32>
    %add3A_62 = arith.addf %mul3A_57, %add3A_61 : vector<10000x128xf32>
    %max3A_63 = arith.constant 0.000000e+00 : f32
    %max3A_64 = vector.broadcast %max3A_63 : f32 to vector<10000x128xf32>
    %max3A_65 = arith.maximumf %add3A_62, %max3A_64 : vector<10000x128xf32>
    %add3A_66 = arith.addf %max3A_65, %get3A_1 : vector<10000x128xf32>
    %swap3A = arith.constant 0 : index
    %swap3A_67 = arith.constant 0 : index
    %swap3A_68 = vector.load %arg9[%swap3A, %swap3A_67] : memref<10000x128xf32, #tpu.memory_space<vmem>>, vector<10000x128xf32>
    tpu.vector_store %arg9[%swap3A, %swap3A_67], %add3A_66 {strides = array<i32>} : memref<10000x128xf32, #tpu.memory_space<vmem>>, vector<10000x128xf32>,
    return
  }
}

module attributes {stable_mosaic.version = 14 : i64} {
  func.func @_head_block(%arg0: memref<10000x128xf32, #tpu.memory_space<vmem>>, %arg1: memref<10000x128xf32, #tpu.memory_space<vmem>>, %arg2: memref<10000x128xf32, #tpu.memory_space<vmem>>, %arg3: memref<384x128xf32, #tpu.memory_space<vmem>>, %arg4: memref<1x128xf32, #tpu.memory_space<vmem>>, %arg5: memref<128x8xf32, #tpu.memory_space<vmem>>, %arg6: memref<1x8xf32, #tpu.memory_space<vmem>>, %arg7: memref<10000x3xf32, #tpu.memory_space<vmem>>, %arg8: memref<10000x3xf32, #tpu.memory_space<vmem>>) attributes {dimension_semantics = [], scalar_prefetch = 0 : i64, scratch_operands = 0 : i64, tpu.core_type = #tpu.core_type<tc>} {
    %get3A = arith.constant 0 : index
    %get3A_0 = arith.constant 0 : index
    %get3A_1 = vector.load %arg3[%get3A, %get3A_0] : memref<384x128xf32, #tpu.memory_space<vmem>>, vector<384x128xf32>
    %get3A_2 = arith.constant 0 : index
    %get3A_3 = arith.constant 0 : index
    %get3A_4 = vector.load %arg0[%get3A_2, %get3A_3] : memref<10000x128xf32, #tpu.memory_space<vmem>>, vector<10000x128xf32>
    %slice3A = vector.extract_strided_slice %get3A_1 {offsets = [0, 0], sizes = [128, 128], strides = [1, 1]} : vector<384x128xf32> to vector<128x128xf32>
    %dot_general3A = arith.constant dense<0.000000e+00> : vector<10000x128xf32>
    %dot_general3A_5 = tpu.matmul %get3A_4, %slice3A, %dot_general3A {dimension_numbers = #tpu.dot_dimension_numbers<[1], [0], [0], [1], [0, 0, 1, 1], [], []>, transpose_lhs_hint = false} : vector<10000x128xf32>, vector<128x128xf32>, vector<10000x128xf32> -> vector<10000x128xf32>
    %get3A_6 = arith.constant 0 : index
    %get3A_7 = arith.constant 0 : index
    %get3A_8 = vector.load %arg1[%get3A_6, %get3A_7] : memref<10000x128xf32, #tpu.memory_space<vmem>>, vector<10000x128xf32>
    %slice3A_9 = vector.extract_strided_slice %get3A_1 {offsets = [128, 0], sizes = [128, 128], strides = [1, 1]} : vector<384x128xf32> to vector<128x128xf32>
    %dot_general3A_10 = arith.constant dense<0.000000e+00> : vector<10000x128xf32>
    %dot_general3A_11 = tpu.matmul %get3A_8, %slice3A_9, %dot_general3A_10 {dimension_numbers = #tpu.dot_dimension_numbers<[1], [0], [0], [1], [0, 0, 1, 1], [], []>, transpose_lhs_hint = false} : vector<10000x128xf32>, vector<128x128xf32>, vector<10000x128xf32> -> vector<10000x128xf32>
    %add3A = arith.addf %dot_general3A_5, %dot_general3A_11 : vector<10000x128xf32>
    %get3A_12 = arith.constant 0 : index
    %get3A_13 = arith.constant 0 : index
    %get3A_14 = vector.load %arg2[%get3A_12, %get3A_13] : memref<10000x128xf32, #tpu.memory_space<vmem>>, vector<10000x128xf32>
    %slice3A_15 = vector.extract_strided_slice %get3A_1 {offsets = [256, 0], sizes = [128, 128], strides = [1, 1]} : vector<384x128xf32> to vector<128x128xf32>
    %dot_general3A_16 = arith.constant dense<0.000000e+00> : vector<10000x128xf32>
    %dot_general3A_17 = tpu.matmul %get3A_14, %slice3A_15, %dot_general3A_16 {dimension_numbers = #tpu.dot_dimension_numbers<[1], [0], [0], [1], [0, 0, 1, 1], [], []>, transpose_lhs_hint = false} : vector<10000x128xf32>, vector<128x128xf32>, vector<10000x128xf32> -> vector<10000x128xf32>
    %add3A_18 = arith.addf %add3A, %dot_general3A_17 : vector<10000x128xf32>
    %get3A_19 = arith.constant 0 : index
    %get3A_20 = arith.constant 0 : index
    %get3A_21 = vector.load %arg4[%get3A_19, %get3A_20] : memref<1x128xf32, #tpu.memory_space<vmem>>, vector<1x128xf32>
    %add3A_22 = vector.broadcast %get3A_21 : vector<1x128xf32> to vector<10000x128xf32>
    %add3A_23 = arith.addf %add3A_18, %add3A_22 : vector<10000x128xf32>
    %max3A = arith.constant 0.000000e+00 : f32
    %max3A_24 = vector.broadcast %max3A : f32 to vector<10000x128xf32>
    %max3A_25 = arith.maximumf %add3A_23, %max3A_24 : vector<10000x128xf32>
    %get3A_26 = arith.constant 0 : index
    %get3A_27 = arith.constant 0 : index
    %get3A_28 = vector.load %arg5[%get3A_26, %get3A_27] : memref<128x8xf32, #tpu.memory_space<vmem>>, vector<128x8xf32>
    %dot_general3A_29 = arith.constant dense<0.000000e+00> : vector<10000x8xf32>
    %dot_general3A_30 = tpu.matmul %max3A_25, %get3A_28, %dot_general3A_29 {dimension_numbers = #tpu.dot_dimension_numbers<[1], [0], [0], [1], [0, 0, 1, 1], [], []>, transpose_lhs_hint = false} : vector<10000x128xf32>, vector<128x8xf32>, vector<10000x8xf32> -> vector<10000x8xf32>
    %get3A_31 = arith.constant 0 : index
    %get3A_32 = arith.constant 0 : index
    %get3A_33 = vector.load %arg6[%get3A_31, %get3A_32] : memref<1x8xf32, #tpu.memory_space<vmem>>, vector<1x8xf32>
    %add3A_34 = vector.broadcast %get3A_33 : vector<1x8xf32> to vector<10000x8xf32>
    %add3A_35 = arith.addf %dot_general3A_30, %add3A_34 : vector<10000x8xf32>
    %slice3A_36 = vector.extract_strided_slice %add3A_35 {offsets = [0, 0], sizes = [10000, 3], strides = [1, 1]} : vector<10000x8xf32> to vector<10000x3xf32>
    %swap3A = arith.constant 0 : index
    %swap3A_37 = arith.constant 0 : index
    %swap3A_38 = vector.load %arg7[%swap3A, %swap3A_37] : memref<10000x3xf32, #tpu.memory_space<vmem>>, vector<10000x3xf32>
    tpu.vector_store %arg7[%swap3A, %swap3A_37], %slice3A_36 {strides = array<i32>} : memref<10000x3xf32, #tpu.memory_space<vmem>>, vector<10000x3xf32>,
    %slice3A_39 = vector.extract_strided_slice %add3A_35 {offsets = [0, 3], sizes = [10000, 3], strides = [1, 1]} : vector<10000x8xf32> to vector<10000x3xf32>
    %swap3A_40 = arith.constant 0 : index
    %swap3A_41 = arith.constant 0 : index
    %swap3A_42 = vector.load %arg8[%swap3A_40, %swap3A_41] : memref<10000x3xf32, #tpu.memory_space<vmem>>, vector<10000x3xf32>
    tpu.vector_store %arg8[%swap3A_40, %swap3A_41], %slice3A_39 {strides = array<i32>} : memref<10000x3xf32, #tpu.memory_space<vmem>>, vector<10000x3xf32>,
    return
  }
}

</mosaic_0001>

<sc_bundles>
// kernel: kernel.12.cloned.1.call-start
scs
__scs_entry_jumppad:
0x0: {  	(pc) =	sbr.rel $0x88, $3  }
0x1: {  	(tag) =	ssettag $0x0;
	lr =	simm.s32 $0x1  }
0x2: {  	[smem:$0x3F7F] =	sst lr;
	_ =	strace $0xD0000000  }
0x3: {  	_ = 	snop  }
0x4: {  	_ = 	snop  }
0x5: {  	_ = 	snop  }
0x6: {  	_ = 	snop  }
0x7: {  	_ = 	snop  }
__scs_overlays_trampoline_lowered:
0x8: {  	[smem:$0x3F8E] =	sst s0  }
0x9: {  	[smem:$0x3F8F] =	sst s1  }
0xa: {  	[smem:$0x3F90] =	sst s2  }
0xb: {  	[smem:$0x3F91] =	sst s3  }
0xc: {  	[smem:$0x3F92] =	sst s4  }
0xd: {  	[smem:$0x3F93] =	sst s5  }
0xe: {  	[smem:$0x3F94] =	sst s6  }
0xf: {  	[smem:$0x3F95] =	sst s7  }
0x10: {  	[smem:$0x3F96] =	sst s8  }
0x11: {  	[smem:$0x3F97] =	sst s9;
	s0 =	simm.s32 @!p0 $0x0  }
0x12: {  	s1 =	sld [smem:$0x3F7D];
	s0 =	simm.s32 @p0 $0x1  }
0x13: {  	[smem:$0x3F98] =	sst s0;
	s0 =	simm.s32 @!p1 $0x0  }
0x14: {  	s2 =	sld [smem:$0x3F7C];
	s0 =	simm.s32 @p1 $0x1  }
0x15: {  	[smem:$0x3F99] =	sst s0;
	s0 =	simm.s32 @!p2 $0x0  }
0x16: {  	s3 =	sld [smem:$0x3FDB];
	s0 =	simm.s32 @p2 $0x1  }
0x17: {  	s4 =	simm.s32 $0x1BF5;
	[smem:$0x3F9B] =	sst s0  }
0x18: {  	s0 =	sld [smem:$0x3F7E];
	_ =	swait.ge [sflag:s4], $0x0  }
0x19: {  	s7 =	sld [smem:$0x3F7F]  }
0x1a: {  	s8 =	sadd.s32 $0xFFFFE003, lr  }
0x1b: {  	s9 =	sadd.s32 $0xFFFFFEF7, lr;
	s5 =	simm.s32 $0xFFFFFFFF;
	p2 =	slt.u32 s8, $0xFFFFF086  }
0x1c: {  	p1 =	slt.u32 s9, $0xF7A;
	s5 =	simm.s32 @!p2 $0x0  }
0x1d: {  	s5 =	simm.s32 @p1 $0x1;
	p0 =	seq.s32 s7, s2  }
0x1e: {  	s7 =	smul.u32 @!p0 $0xF7A, s2;
	p2 =	seq.s32 @!p0 s5, $0x0  }
0x1f: {  	s9 =	smul.u32 $0xF7A, s1;
	s8 =	simm.s32 @!p0 $0x1BF5;
	p2 =	por !p2, p0  }
0x20: {  	[sflag:s8] =	ssyncset.s32 @!p0 $0xFFFFF086;
	s6 =	sadd.s32 @!p0 s3, s7;
	s7 =	simm.s32 @!p0 $0x108  }
0x21: {  	s3 =	sadd.s32 s3, s9;
	s6 =	sadd.s32 @!p0 $0x88, s6;
	s7 =	simm.s32 @p2 $0x1082  }
0x22: {  	[simem:s7], [sflag:s8] =	dma.local @!p0 [hbm:s6], $0xF7A  }
0x23: {  	s9 =	sor.u32 $0xD0000000, s2;
	s6 =	simm.s32 $0x108;
	_ =	swait.ge @!p0 [sflag:s8], $0x0  }
0x24: {  	s3 =	sadd.s32 $0x88, s3;
	s6 =	simm.s32 @!p1 $0x1082;
	[sflag:s4] =	ssyncset.s32 $0xFFFFF086  }
0x25: {  	[simem:s6], [sflag:s4] =	dma.local [hbm:s3], $0xF7A  }
0x26: {  	[smem:$0x3F7F] =	sst s1;
	(tag) =	ssettag s2;
	_ =	strace s9  }
0x27: {  	s1 =	sld [smem:$0x3F8F]  }
0x28: {  	s2 =	sld [smem:$0x3F90]  }
0x29: {  	s4 =	sld [smem:$0x3F92]  }
0x2a: {  	p0 =	seq.s32 s5, $0x0;
	s5 =	sld [smem:$0x3F93]  }
0x2b: {  	s6 =	sld [smem:$0x3F94]  }
0x2c: {  	s7 =	sld [smem:$0x3F95]  }
0x2d: {  	s3 =	simm.s32 $0x108;
	s8 =	sld [smem:$0x3F96]  }
0x2e: {  	s3 =	simm.s32 @!p0 $0x1082;
	s9 =	sld [smem:$0x3F97]  }
0x2f: {  	lr =	sadd.s32 s0, s3;
	s0 =	sld [smem:$0x3F8E]  }
0x30: {  	s3 =	sld [smem:$0x3F91]  }
0x31: {  	[smem:$0x3F9A] =	sst s10  }
0x32: {  	s10 =	sld [smem:$0x3F98];
	_ =	sdelay $0x3  }
0x33: {  	p0 =	seq.s32 s10, $0x1;
	s10 =	sld [smem:$0x3F9A];
	_ =	sdelay $0x3  }
0x34: {  	[smem:$0x3F9A] =	sst s10  }
0x35: {  	s10 =	sld [smem:$0x3F99];
	_ =	sdelay $0x3  }
0x36: {  	p1 =	seq.s32 s10, $0x1;
	s10 =	sld [smem:$0x3F9A];
	_ =	sdelay $0x3  }
0x37: {  	[smem:$0x3F9A] =	sst s10  }
0x38: {  	s10 =	sld [smem:$0x3F9B]  }
0x39: {  	_ = 	snop;
	(pc) =	sbr.ind lr, $3  }
0x3a: {  	_ = 	snop  }
0x3b: {  	_ = 	snop  }
0x3c: {  	p2 =	seq.s32 s10, $0x1;
	s10 =	sld [smem:$0x3F9A]  }
0x3d: {  	_ =	shalt  }
0x3e: {  	_ =	shalt  }
0x3f: {  	_ =	shalt  }
0x40: {  	_ =	shalt  }
0x41: {  	_ =	shalt  }
0x42: {  	_ =	shalt  }
0x43: {  	_ =	shalt  }
0x44: {  	_ =	shalt  }
0x45: {  	_ =	shalt  }
0x46: {  	_ =	shalt  }
0x47: {  	_ =	shalt  }
0x48: {  	_ =	shalt  }
0x49: {  	_ =	shalt  }
0x4a: {  	_ =	shalt  }
0x4b: {  	_ =	shalt  }
0x4c: {  	_ =	shalt  }
0x4d: {  	_ =	shalt  }
0x4e: {  	_ =	shalt  }
0x4f: {  	_ =	shalt  }
0x50: {  	_ =	shalt  }
0x51: {  	_ =	shalt  }
0x52: {  	_ =	shalt  }
0x53: {  	_ =	shalt  }
0x54: {  	_ =	shalt  }
0x55: {  	_ =	shalt  }
0x56: {  	_ =	shalt  }
0x57: {  	_ =	shalt  }
0x58: {  	_ =	shalt  }
0x59: {  	_ =	shalt  }
0x5a: {  	_ =	shalt  }
0x5b: {  	_ =	shalt  }
0x5c: {  	_ =	shalt  }
0x5d: {  	_ =	shalt  }
0x5e: {  	_ =	shalt  }
0x5f: {  	_ =	shalt  }
0x60: {  	_ =	shalt  }
0x61: {  	_ =	shalt  }
0x62: {  	_ =	shalt  }
0x63: {  	_ =	shalt  }
0x64: {  	_ =	shalt  }
0x65: {  	_ =	shalt  }
0x66: {  	_ =	shalt  }
0x67: {  	_ =	shalt  }
0x68: {  	_ =	shalt  }
0x69: {  	_ =	shalt  }
0x6a: {  	_ =	shalt  }
0x6b: {  	_ =	shalt  }
0x6c: {  	_ =	shalt  }
0x6d: {  	_ =	shalt  }
0x6e: {  	_ =	shalt  }
0x6f: {  	_ =	shalt  }
0x70: {  	_ =	shalt  }
0x71: {  	_ =	shalt  }
0x72: {  	_ =	shalt  }
0x73: {  	_ =	shalt  }
0x74: {  	_ =	shalt  }
0x75: {  	_ =	shalt  }
0x76: {  	_ =	shalt  }
0x77: {  	_ =	shalt  }
0x78: {  	_ =	shalt  }
0x79: {  	_ =	shalt  }
0x7a: {  	_ =	shalt  }
0x7b: {  	_ =	shalt  }
0x7c: {  	_ =	shalt  }
0x7d: {  	_ =	shalt  }
0x7e: {  	_ =	shalt  }
0x7f: {  	_ =	shalt  }
0x80: {  	_ =	shalt  }
0x81: {  	_ =	shalt  }
0x82: {  	_ =	shalt  }
0x83: {  	_ =	shalt  }
0x84: {  	_ =	shalt  }
0x85: {  	_ =	shalt  }
0x86: {  	_ =	shalt  }
0x87: {  	_ =	shalt  }
.Lfunc_end0:
.L_simem_size_0:
called_computation_lowered:
.L_overlay_start_0:
0x88: {  	s2 =	sld [smem:$0x3FD9]  }
0x89: {  	s3 =	sld [smem:$0x3FFE];
	_ =	sdelay $0x1  }
0x8a: {  	s1 =	srdreg.scid  }
0x8b: {  	s0 =	sand.u32 $0x1, s1  }
0x8c: {  	s17 =	sshll.u32 s0, $0xA;
	s2 =	sadd.s32 s3, s2  }
0x8d: {  	s2 =	sadd.s32 s2, s17  }
0x8e: {  	[smem:$0x3FA6] =	sst s2  }
0x8f: {  	_ = 	snop  }
0x90: {  	s2 =	sld [smem:$0x3FC9];
	(tm) =	ssettm $0x1  }
0x91: {  	s18 =	sld [smem:$0x3FFB];
	_ =	sdelay $0x3  }
0x92: {  	_ =	strace s18  }
0x93: {  	s3 =	sld [smem:$0x3FFC];
	_ =	sdelay $0x3  }
0x94: {  	_ =	strace s3  }
0x95: {  	s3 =	sld [smem:$0x3FFD];
	_ =	sdelay $0x3  }
0x96: {  	_ =	strace s3  }
0x97: {  	_ =	strace $0x8FFFFFFF  }
0x98: {  	s19 =	sld [smem:$0x3FDB];
	_ =	sdelay $0x1  }
0x99: {  	s4 =	simm.s32 $_scs_section_size  }
0x9a: {  	s5 =	simm.s32 $_size__tile_overlayer_lowered;
	s6 =	simm.s32 $_tile_overlayer_lowered  }
0x9b: {  	s22 =	simm.s32 $0x1BFF;
	s21 =	sshll.u32 s6, $0x1;
	s3 =	sadd.s32 s4, s19  }
0x9c: {  	s7 =	simm.s32 $0x0;
	s20 =	sshll.u32 s5, $0x1;
	s5 =	sadd.s32 s21, s3  }
0x9d: {  	[timem:s7], [sflag:s22] =	dma.local [hbm:s5], s20  }
0x9e: {  	_ =	swait.ge [sflag:s22], s20  }
0x9f: {  	s4 =	ssub.s32 $0x0, s20;
	[sflag:s22] =	ssyncset.done $0x0  }
0xa0: {  	[sflag:s22] =	ssyncadd.s32 s4;
	_ =	sdelay $0x1  }
0xa1: {  	s23 =	simm.s32 $0x1B8B  }
0xa2: {  	_ =	swait.ge [sflag:s23], $0x1  }
0xa3: {  	[sflag:s23] =	ssyncset.done $0x0  }
0xa4: {  	s25 =	simm.s32 $0x1B8E;
	s24 =	sld [smem:$0x3FFE];
	[sflag:s23] =	ssyncadd.s32 $0xFFFFFFFF  }
0xa5: {  	s26 =	simm.s32 $execute0_lowered;
	[smem:$0x3FD2] =	sst s25  }
0xa6: {  	s5 =	sshll.u32 s26, $0x1;
	_ =	strace $0x80000046;
	[dreg:$0x1] =	wrdreg $0xFFFFFFFF  }
0xa7: {  	s28 =	simm.s32 $_size_execute0_lowered;
	s3 =	sadd.s32 s3, s5;
	[dreg:$0x0] =	wrdreg $0x0  }
0xa8: {  	s5 =	sshll.u32 s28, $0x1;
	[dreg:$0x2] =	wrdreg s3  }
0xa9: {  	[dreg:$0x3] =	wrdreg s5  }
0xaa: {  	[dreg:$0x4] =	wrdreg $0xC0  }
0xab: {  	_ =	task [dreg:s7], $0x5FFFF  }
0xac: {  	[dreg:$0x1] =	wrdreg $0xFFFFFFFF  }
0xad: {  	[dreg:$0x0] =	wrdreg $0x60  }
0xae: {  	[dreg:$0x2] =	wrdreg s2  }
0xaf: {  	[dreg:$0x3] =	wrdreg s24  }
0xb0: {  	[dreg:$0x4] =	wrdreg $0xC4000  }
0xb1: {  	[dreg:$0x5] =	wrdreg $0x9  }
0xb2: {  	_ =	task.clear_ibuf [dreg:s7], $0x6FFFF;
	_ =	strace $0x90000046  }
0xb3: {  	s29 =	simm.s32 $0x9;
	_ =	strace $0x80000048  }
0xb4: {  	_ =	swait.ge [sflag:s29], $0x1  }
0xb5: {  	[sflag:s29] =	ssyncadd.s32 $0xFFFFFFFF  }
0xb6: {  	_ =	strace $0x90000048  }
0xb7: {  	_ =	sfence  }
0xb8: {  	s30 =	sld [smem:$0x0];
	_ =	sdelay $0x2  }
0xb9: {  	s31 =	sshll.u32 s1, $0xD;
	s1 =	sshrl.u32 s1, $0x2  }
0xba: {  	s3 =	sand.u32 $0x4000, s31;
	s1 =	sadd.s32 s1, s30  }
0xbb: {  	s0 =	sor.u32 s3, s0;
	s1 =	sshll.u32 s1, $0x11  }
0xbc: {  	s0 =	sor.u32 s1, s0  }
0xbd: {  	s0 =	sadd.s32 $0x8F2B, s0  }
0xbe: {  	[sflag:s0] =	ssyncadd.remote.s32 $0x1  }
0xbf: {  	_ =	sfence.sel $0xFFFF  }
0xc0: {  	[dreg:$0x0] =	wrdreg $0xFFFFFFFF;
	(pc) =	sbr.abs _section_cstart, $3  }
0xc1: {  	[dreg:$0x1] =	wrdreg $0xFFFFFFFF  }
0xc2: {  	_ =	task.clear_ibuf [dreg:s7], $0x2FFFF;
	_ =	strace $0x9FFFFFFF  }
0xc3: {  	(tm) =	ssettm $0x7FFFFFFF  }
tec
execute0_lowered:
.L_overlay_start_1:
0x0: {  	(tag) =	ssettag $0x1  }
0x1: {  	s1 =	rddreg [dreg:$0x0]  }
0x2: {  	s0 =	rddreg [dreg:$0x1]  }
0x3: {  	s2 =	rddreg [dreg:$0x2];
	s3 =	simm.s32 $0x0  }
0x4: {  	s4 =	stileid.u32;
	s5 =	srdreg.scid;
	s28 =	simm.s32 $0x4  }
0x5: {  	s29 =	simm.s32 $0x300;
	s30 =	simm.s32 $0x180;
	s31 =	simm.s32 $0x4300  }
0x6: {  	s9 =	smul.u32 $0x2700, s4;
	s7 =	sand.u32 $0x1, s5;
	s5 =	sadd.s32 $0x4FBE00, s0  }
0x7: {  	[smem:$0x7FF] =	sst s3;
	s6 =	sadd.s32 $0x4E8400, s0;
	s10 =	smul.u32 $0x4E000, s4  }
0x8: {  	s15 =	sshll.u32 s4, $0x6;
	s16 =	sadd.s32 $0x138000, s2;
	s17 =	sadd.s32 $0xA04E00, s0  }
0x9: {  	p0 =	sne.s32 s4, $0x0;
	_ =	strace $0x80000047;
	[dreg:$0x7] =	wrdreg s16  }
0xa: {  	s8 =	smul.u32 $0x27100, s7;
	s11 =	ssub.s32 $0x2, s7;
	[dreg:$0x8] =	wrdreg s17  }
0xb: {  	s7 =	sshll.u32 s7, $0x4;
	s16 =	sadd.s32 $0x4F2040, s0;
	[dreg:$0x4] =	wrdreg s9  }
0xc: {  	s9 =	sadd.s32 s9, s0;
	s12 =	sshrl.u32 s11, $0x1;
	s10 =	sshrl.u32 s10, $0x2  }
0xd: {  	s7 =	sor.u32 s4, s7;
	s8 =	sadd.s32 s8, s0;
	s10 =	sadd.s32 s10, s2  }
0xe: {  	s14 =	smul.u32 $0x2710, s7;
	s9 =	sadd.s32 $0x9DDE00, s9;
	[dreg:$0x5] =	wrdreg s10  }
0xf: {  	s11 =	ssub.s32 s11, s12;
	s7 =	smul.u32 $0x27100, s7;
	[dreg:$0x6] =	wrdreg s9  }
0x10: {  	s9 =	sor.u32 $0x1C04, s15;
	s25 =	sadd.s32 $0xA05000, s8;
	s26 =	smax.u32 s11, $0x1  }
0x11: {  	s8 =	simm.s32 $0x8300;
	s10 =	simm.s32 $0x100;
	[dreg:$0x11] =	wrdreg s25  }
0x12: {  	s11 =	simm.s32 $0x280;
	s7 =	sadd.s32 s5, s7;
	[dreg:$0x12] =	wrdreg s26  }
0x13: {  	s18 =	sshrl.u32 s14, $0x3;
	s19 =	sadd.s32 $0x80, s14;
	[dreg:$0x9] =	wrdreg s7  }
0x14: {  	s23 =	sadd.s32 $0x2700, s14;
	[dreg:$0xa] =	wrdreg s18;
	s12 =	sadd.s32 s6, s18  }
0x15: {  	s20 =	sshll.u32 s19, $0x4;
	s7 =	sshrl.u32 s19, $0x3;
	[dreg:$0xb] =	wrdreg s12  }
0x16: {  	s19 =	sadd.s32 $0x100, s14;
	s0 =	sshrl.u32 s23, $0x3;
	[dreg:$0xc] =	wrdreg s7  }
0x17: {  	s24 =	sshll.u32 s23, $0x4;
	s21 =	sadd.s32 s5, s20;
	[dreg:$0xf] =	wrdreg s0  }
0x18: {  	s23 =	simm.s32 $0x0;
	s22 =	sadd.s32 s6, s7;
	[dreg:$0xd] =	wrdreg s21  }
0x19: {  	s20 =	sadd.s32 $0x180, s14;
	s4 =	sadd.s32 s5, s24;
	[dreg:$0xe] =	wrdreg s22  }
0x1a: {  	s0 =	sadd.s32 s6, s0;
	s7 =	simm.s32 $0x200;
	[dreg:$0x10] =	wrdreg s4  }
0x1b: {  	s12 =	simm.s32 $0x2;
	s21 =	sadd.s32 $0x200, s14;
	[dreg:$0x13] =	wrdreg s0  }
0x1c: {  	s0 =	simm.s32 $0x80;
	s4 =	simm.s32 $0x1;
	s14 =	simm.s32 $0x3  }
.LBB2_1:
0x1d: {  	s13 =	rddreg [dreg:$0x5]  }
0x1e: {  	s22 =	rddreg [dreg:$0x6];
	s25 =	sshrl.u32 s13, $0x3  }
0x1f: {  	[spmem:s25], [sflag:s9] =	dma.local [hbm:s22], $0x2700  }
0x20: {  	_ =	swait.ge [sflag:s28], $0x2700  }
0x21: {  	[sflag:s28] =	ssyncset.done $0x0;
	s13 =	rddreg [dreg:$0x7]  }
0x22: {  	[sflag:s28] =	ssyncadd.s32 $0xFFFFD900;
	s26 =	sshrl.u32 @!p0 s13, $0x3;
	s13 =	rddreg [dreg:$0x8]  }
0x23: {  	[spmem:s26], [sflag:s9] =	dma.local @!p0 [hbm:s13], $0x100  }
0x24: {  	s13 =	simm.s32 @!p0 $0x4  }
0x25: {  	_ =	swait.ge @!p0 [sflag:s13], $0x100  }
0x26: {  	[sflag:s13] =	ssyncset.done @!p0 $0x0  }
0x27: {  	[sflag:s13] =	ssyncadd.s32 @!p0 $0xFFFFFF00  }
0x28: {  	[bflag:$0x0] =	sbarrier.arrive $0xFFFF  }
0x29: {  	s24 =	rddreg [dreg:$0x9]  }
0x2a: {  	s15 =	rddreg [dreg:$0xb]  }
0x2b: {  	[tilespmem:s29], [sflag:$0x1] =	stream.linear.gather [hbm4b:s24+s3], $0x4000, $0x38;
	[tilespmem:$0x1FC80] =	vst v63  }
0x2c: {  	s17 =	rddreg [dreg:$0xa]  }
0x2d: {  	[tilespmem:s3], [sflag:$0x1] =	stream.linear.gather [hbm4b:s15+s3], $0x80, $0x38;
	[tilespmem:$0x1FC80] =	vst v63  }
0x2e: {  	s18 =	rddreg [dreg:$0xd];
	s13 =	sadd.s32 s17, s16  }
0x2f: {  	[tilespmem:s30], [sflag:$0x1] =	stream.linear.gather [hbm4b:s13+s3], $0x80, $0x38;
	[tilespmem:$0x1FC80] =	vst v63  }
0x30: {  	s22 =	rddreg [dreg:$0xe]  }
0x31: {  	[tilespmem:s31], [sflag:$0x2] =	stream.linear.gather [hbm4b:s18+s3], $0x4000, $0x38;
	[tilespmem:$0x1FC80] =	vst v63  }
0x32: {  	s24 =	rddreg [dreg:$0xc]  }
0x33: {  	[tilespmem:s0], [sflag:$0x2] =	stream.linear.gather [hbm4b:s22+s3], $0x80, $0x38;
	[tilespmem:$0x1FC80] =	vst v63  }
0x34: {  	s13 =	sadd.s32 s24, s16  }
0x35: {  	[tilespmem:s7], [sflag:$0x2] =	stream.linear.gather [hbm4b:s13+s3], $0x80, $0x38;
	[tilespmem:$0x1FC80] =	vst v63  }
0x36: {  	_ =	swait.ge [sflag:s4], $0x4000  }
0x37: {  	[sflag:s4] =	ssyncset.done $0x0  }
0x38: {  	[sflag:s4] =	ssyncadd.s32 $0xFFFFC000  }
0x39: {  	_ =	swait.ge [sflag:s4], $0x80  }
0x3a: {  	[sflag:s4] =	ssyncset.done $0x0  }
0x3b: {  	[sflag:s4] =	ssyncadd.s32 $0xFFFFFF80  }
0x3c: {  	_ =	swait.ge [sflag:s4], $0x80  }
0x3d: {  	[sflag:s4] =	ssyncset.done $0x0  }
0x3e: {  	s15 =	simm.s32 $0x0;
	[sflag:s4] =	ssyncadd.s32 $0xFFFFFF80  }
0x3f: {  	[tilespmem:s29], [sflag:$0x1] =	stream.indirect.gather.add.f32 [hbm:s1], $0x80, s3, s0, $0xb8;
	[tilespmem:$0x1FC80] =	vst v63  }
.LBB2_2:
0x40: {  	s17 =	smul.u32 $0x180, s15;
	p1 =	seq.s32 s15, $0x0  }
0x41: {  	s13 =	simm.s32 @!p1 $0x3  }
0x42: {  	s18 =	sadd.s32 s17, s19;
	_ =	swait.ge @!p1 [sflag:s13], $0x4000  }
0x43: {  	[sflag:s13] =	ssyncset.done @!p1 $0x0;
	s22 =	sshll.u32 s18, $0x4  }
0x44: {  	[sflag:s13] =	ssyncadd.s32 @!p1 $0xFFFFC000;
	s24 =	sadd.s32 s5, s22;
	s22 =	simm.s32 $0x0  }
0x45: {  	[tilespmem:s8], [sflag:$0x3] =	stream.linear.gather [hbm4b:s24+s22], $0x4000, $0x38;
	[tilespmem:$0x1FC80] =	vst v63  }
0x46: {  	s24 =	sshrl.u32 s18, $0x3  }
0x47: {  	s18 =	sadd.s32 s6, s24  }
0x48: {  	[tilespmem:s10], [sflag:$0x3] =	stream.linear.gather [hbm4b:s18+s22], $0x80, $0x38;
	[tilespmem:$0x1FC80] =	vst v63  }
0x49: {  	s13 =	sadd.s32 s16, s24  }
0x4a: {  	[tilespmem:s11], [sflag:$0x3] =	stream.linear.gather [hbm4b:s13+s22], $0x80, $0x38;
	[tilespmem:$0x1FC80] =	vst v63  }
0x4b: {  	_ =	swait.ge [sflag:s12], $0x4000  }
0x4c: {  	[sflag:s12] =	ssyncset.done $0x0  }
0x4d: {  	[sflag:s12] =	ssyncadd.s32 $0xFFFFC000  }
0x4e: {  	_ =	swait.ge [sflag:s12], $0x80  }
0x4f: {  	[sflag:s12] =	ssyncset.done $0x0  }
0x50: {  	[sflag:s12] =	ssyncadd.s32 $0xFFFFFF80  }
0x51: {  	_ =	swait.ge [sflag:s12], $0x80  }
0x52: {  	[sflag:s12] =	ssyncset.done $0x0  }
0x53: {  	[sflag:s12] =	ssyncadd.s32 $0xFFFFFF80  }
0x54: {  	[tilespmem:s31], [sflag:$0x2] =	stream.indirect.gather.add.f32 [hbm:s1], $0x80, s0, s0, $0xb8;
	[tilespmem:$0x1FC80] =	vst v63  }
0x55: {  	_ =	swait.ge [sflag:s4], $0x4000  }
0x56: {  	[sflag:s4] =	ssyncset.done $0x0  }
0x57: {  	s18 =	simm.s32 $0x0;
	[sflag:s4] =	ssyncadd.s32 $0xFFFFC000  }
0x58: {  	v2 =	vld [tilespmem:s18+$0x300]  }
0x59: {  	v4 =	vld [tilespmem:s18+$0x310]  }
0x5a: {  	v3 =	vld [tilespmem:s18+$0x320]  }
0x5b: {  	v1 =	vld [tilespmem:s18+$0x330]  }
0x5c: {  	v0 =	vld [tilespmem:s18+$0x340]  }
0x5d: {  	v5 =	vmax.f32 v2, $0.0e+00;
	v2 =	vld [tilespmem:s18+$0x350]  }
0x5e: {  	s13 =	simm.s32 $0x200;
	[tilespmem:s18+$0x300] =	vst v5;
	v5 =	vmax.f32 v4, $0.0e+00;
	v4 =	vld [tilespmem:s18+$0x360]  }
.LBB2_3:
0x5f: {  	s22 =	sshra.s32 s13, $0x2;
	p1 =	sne.s32 s13, $0xFE00;
	[tilespmem:s18+$0x310] =	vst v5;
	v3 =	vmax.f32 v3, $0.0e+00;
	v5 =	vld [tilespmem:s18+$0x370]  }
0x60: {  	v6 =	vld [tilespmem:s22+$0x300];
	[tilespmem:s18+$0x320] =	vst v3;
	v1 =	vmax.f32 v1, $0.0e+00  }
0x61: {  	v7 =	vld [tilespmem:s22+$0x310];
	[tilespmem:s18+$0x330] =	vst v1;
	v0 =	vmax.f32 v0, $0.0e+00  }
.Ltmp0:
0x62: {  	v3 =	vld [tilespmem:s22+$0x320];
	[tilespmem:s18+$0x340] =	vst v0;
	v0 =	vmax.f32 v2, $0.0e+00;
	(pc) =	sbr.rel @p1 .LBB2_3-.Ltmp0, $4  }
0x63: {  	v1 =	vld [tilespmem:s22+$0x330];
	[tilespmem:s18+$0x350] =	vst v0;
	v2 =	vmax.f32 v4, $0.0e+00  }
0x64: {  	v0 =	vld [tilespmem:s22+$0x340];
	[tilespmem:s18+$0x360] =	vst v2;
	v4 =	vmax.f32 v5, $0.0e+00  }
0x65: {  	v5 =	vmax.f32 v6, $0.0e+00;
	v2 =	vld [tilespmem:s22+$0x350];
	[tilespmem:s18+$0x370] =	vst v4;
	s18 =	smov.u32 s22  }
0x66: {  	s13 =	sadd.s32 $0x200, s13;
	[tilespmem:s18+$0x300] =	vst v5;
	v5 =	vmax.f32 v7, $0.0e+00;
	v4 =	vld [tilespmem:s18+$0x360]  }
0x67: {  	[tilespmem:s18+$0x310] =	vst v5;
	v3 =	vmax.f32 v3, $0.0e+00;
	v5 =	vld [tilespmem:s18+$0x370]  }
0x68: {  	[tilespmem:s18+$0x320] =	vst v3;
	v1 =	vmax.f32 v1, $0.0e+00  }
0x69: {  	[tilespmem:s18+$0x330] =	vst v1;
	v0 =	vmax.f32 v0, $0.0e+00  }
0x6a: {  	[tilespmem:s18+$0x340] =	vst v0;
	v0 =	vmax.f32 v2, $0.0e+00  }
0x6b: {  	[tilespmem:s18+$0x350] =	vst v0;
	v0 =	vmax.f32 v4, $0.0e+00  }
0x6c: {  	p1 =	seq.s32 s15, $0x19;
	[tilespmem:s18+$0x360] =	vst v0;
	v0 =	vmax.f32 v5, $0.0e+00  }
0x6d: {  	s13 =	simm.s32 @!p1 $0x1;
	[tilespmem:s18+$0x370] =	vst v0  }
0x6e: {  	[spmem:s2] =	stream.indirect.scatter.add.f32 [tilespmem:s29], [sflag:$0x1], $0x80, s30, s0, $0xb8;
	[tilespmem:$0x1FC80] =	vst v63  }
0x6f: {  	_ =	swait.ge @!p1 [sflag:s13], $0x4000  }
0x70: {  	s18 =	sadd.s32 @!p1 s17, s20;
	[sflag:s13] =	ssyncset.done @!p1 $0x0  }
0x71: {  	[sflag:s13] =	ssyncadd.s32 @!p1 $0xFFFFC000;
	s13 =	sshll.u32 @!p1 s18, $0x4  }
0x72: {  	s22 =	simm.s32 @!p1 $0x0;
	s24 =	simm.s32 @!p1 $0x300;
	s13 =	sadd.s32 @!p1 s5, s13  }
0x73: {  	[tilespmem:s24], [sflag:$0x1] =	stream.linear.gather @!p1 [hbm4b:s13+s22], $0x4000, $0x38;
	[tilespmem:$0x1FC80] =	vst v63  }
0x74: {  	s13 =	sshrl.u32 @!p1 s18, $0x3  }
0x75: {  	s18 =	sadd.s32 @!p1 s6, s13  }
0x76: {  	[tilespmem:s22], [sflag:$0x1] =	stream.linear.gather @!p1 [hbm4b:s18+s22], $0x80, $0x38;
	[tilespmem:$0x1FC80] =	vst v63  }
0x77: {  	s13 =	sadd.s32 @!p1 s16, s13;
	s18 =	simm.s32 @!p1 $0x180  }
0x78: {  	[tilespmem:s18], [sflag:$0x1] =	stream.linear.gather @!p1 [hbm4b:s13+s22], $0x80, $0x38;
	[tilespmem:$0x1FC80] =	vst v63  }
0x79: {  	_ =	swait.ge [sflag:s14], $0x4000  }
0x7a: {  	[sflag:s14] =	ssyncset.done $0x0  }
0x7b: {  	[sflag:s14] =	ssyncadd.s32 $0xFFFFC000  }
0x7c: {  	_ =	swait.ge [sflag:s14], $0x80  }
0x7d: {  	[sflag:s14] =	ssyncset.done $0x0  }
0x7e: {  	[sflag:s14] =	ssyncadd.s32 $0xFFFFFF80  }
0x7f: {  	_ =	swait.ge [sflag:s14], $0x80  }
0x80: {  	[sflag:s14] =	ssyncset.done $0x0  }
0x81: {  	[sflag:s14] =	ssyncadd.s32 $0xFFFFFF80  }
0x82: {  	[tilespmem:s8], [sflag:$0x3] =	stream.indirect.gather.add.f32 [hbm:s1], $0x80, s10, s0, $0xb8;
	[tilespmem:$0x1FC80] =	vst v63  }
0x83: {  	_ =	swait.ge [sflag:s12], $0x4000  }
0x84: {  	[sflag:s12] =	ssyncset.done $0x0  }
0x85: {  	s18 =	simm.s32 $0x0;
	[sflag:s12] =	ssyncadd.s32 $0xFFFFC000  }
0x86: {  	v2 =	vld [tilespmem:s18+$0x4300]  }
0x87: {  	v4 =	vld [tilespmem:s18+$0x4310]  }
0x88: {  	v3 =	vld [tilespmem:s18+$0x4320]  }
0x89: {  	v1 =	vld [tilespmem:s18+$0x4330]  }
0x8a: {  	v0 =	vld [tilespmem:s18+$0x4340]  }
0x8b: {  	v5 =	vmax.f32 v2, $0.0e+00;
	v2 =	vld [tilespmem:s18+$0x4350]  }
0x8c: {  	s13 =	simm.s32 $0x200;
	[tilespmem:s18+$0x4300] =	vst v5;
	v5 =	vmax.f32 v4, $0.0e+00;
	v4 =	vld [tilespmem:s18+$0x4360]  }
.LBB2_5:
0x8d: {  	s22 =	sshra.s32 s13, $0x2;
	p2 =	sne.s32 s13, $0xFE00;
	[tilespmem:s18+$0x4310] =	vst v5;
	v3 =	vmax.f32 v3, $0.0e+00;
	v5 =	vld [tilespmem:s18+$0x4370]  }
0x8e: {  	v6 =	vld [tilespmem:s22+$0x4300];
	[tilespmem:s18+$0x4320] =	vst v3;
	v1 =	vmax.f32 v1, $0.0e+00  }
0x8f: {  	v7 =	vld [tilespmem:s22+$0x4310];
	[tilespmem:s18+$0x4330] =	vst v1;
	v0 =	vmax.f32 v0, $0.0e+00  }
.Ltmp1:
0x90: {  	v3 =	vld [tilespmem:s22+$0x4320];
	[tilespmem:s18+$0x4340] =	vst v0;
	v0 =	vmax.f32 v2, $0.0e+00;
	(pc) =	sbr.rel @p2 .LBB2_5-.Ltmp1, $4  }
0x91: {  	v1 =	vld [tilespmem:s22+$0x4330];
	[tilespmem:s18+$0x4350] =	vst v0;
	v2 =	vmax.f32 v4, $0.0e+00  }
0x92: {  	v0 =	vld [tilespmem:s22+$0x4340];
	[tilespmem:s18+$0x4360] =	vst v2;
	v4 =	vmax.f32 v5, $0.0e+00  }
0x93: {  	v5 =	vmax.f32 v6, $0.0e+00;
	v2 =	vld [tilespmem:s22+$0x4350];
	[tilespmem:s18+$0x4370] =	vst v4;
	s18 =	smov.u32 s22  }
0x94: {  	s13 =	sadd.s32 $0x200, s13;
	[tilespmem:s18+$0x4300] =	vst v5;
	v5 =	vmax.f32 v7, $0.0e+00;
	v4 =	vld [tilespmem:s18+$0x4360]  }
0x95: {  	[tilespmem:s18+$0x4310] =	vst v5;
	v3 =	vmax.f32 v3, $0.0e+00;
	v5 =	vld [tilespmem:s18+$0x4370]  }
0x96: {  	[tilespmem:s18+$0x4320] =	vst v3;
	v1 =	vmax.f32 v1, $0.0e+00  }
0x97: {  	[tilespmem:s18+$0x4330] =	vst v1;
	v0 =	vmax.f32 v0, $0.0e+00  }
0x98: {  	[tilespmem:s18+$0x4340] =	vst v0;
	v0 =	vmax.f32 v2, $0.0e+00  }
0x99: {  	[tilespmem:s18+$0x4350] =	vst v0;
	v0 =	vmax.f32 v4, $0.0e+00  }
0x9a: {  	[tilespmem:s18+$0x4360] =	vst v0;
	v0 =	vmax.f32 v5, $0.0e+00  }
0x9b: {  	s13 =	simm.s32 @!p1 $0x2;
	[tilespmem:s18+$0x4370] =	vst v0  }
0x9c: {  	[spmem:s2] =	stream.indirect.scatter.add.f32 [tilespmem:s31], [sflag:$0x2], $0x80, s7, s0, $0xb8;
	[tilespmem:$0x1FC80] =	vst v63  }
0x9d: {  	_ =	swait.ge @!p1 [sflag:s13], $0x4000  }
0x9e: {  	s17 =	sadd.s32 @!p1 s17, s21;
	[sflag:s13] =	ssyncset.done @!p1 $0x0  }
0x9f: {  	[sflag:s13] =	ssyncadd.s32 @!p1 $0xFFFFC000;
	s13 =	sshll.u32 @!p1 s17, $0x4  }
0xa0: {  	s22 =	simm.s32 @!p1 $0x4300;
	s18 =	simm.s32 @!p1 $0x0;
	s13 =	sadd.s32 @!p1 s5, s13  }
0xa1: {  	[tilespmem:s22], [sflag:$0x2] =	stream.linear.gather @!p1 [hbm4b:s13+s18], $0x4000, $0x38;
	[tilespmem:$0x1FC80] =	vst v63  }
0xa2: {  	s13 =	sshrl.u32 @!p1 s17, $0x3  }
0xa3: {  	s22 =	simm.s32 @!p1 $0x80;
	s17 =	sadd.s32 @!p1 s6, s13  }
0xa4: {  	[tilespmem:s22], [sflag:$0x2] =	stream.linear.gather @!p1 [hbm4b:s17+s18], $0x80, $0x38;
	[tilespmem:$0x1FC80] =	vst v63  }
0xa5: {  	s13 =	sadd.s32 @!p1 s16, s13;
	s17 =	simm.s32 @!p1 $0x200  }
0xa6: {  	[tilespmem:s17], [sflag:$0x2] =	stream.linear.gather @!p1 [hbm4b:s13+s18], $0x80, $0x38;
	[tilespmem:$0x1FC80] =	vst v63  }
0xa7: {  	s13 =	simm.s32 @!p1 $0x1  }
0xa8: {  	_ =	swait.ge @!p1 [sflag:s13], $0x4000  }
0xa9: {  	[sflag:s13] =	ssyncset.done @!p1 $0x0  }
0xaa: {  	[sflag:s13] =	ssyncadd.s32 @!p1 $0xFFFFC000  }
0xab: {  	_ =	swait.ge @!p1 [sflag:s13], $0x80  }
0xac: {  	[sflag:s13] =	ssyncset.done @!p1 $0x0  }
0xad: {  	[sflag:s13] =	ssyncadd.s32 @!p1 $0xFFFFFF80  }
0xae: {  	_ =	swait.ge @!p1 [sflag:s13], $0x80  }
0xaf: {  	[sflag:s13] =	ssyncset.done @!p1 $0x0  }
0xb0: {  	[sflag:s13] =	ssyncadd.s32 @!p1 $0xFFFFFF80;
	s13 =	simm.s32 @!p1 $0x300  }
0xb1: {  	[tilespmem:s13], [sflag:$0x1] =	stream.indirect.gather.add.f32 @!p1 [hbm:s1], $0x80, s18, s22, $0xb8;
	[tilespmem:$0x1FC80] =	vst v63  }
0xb2: {  	_ =	swait.ge [sflag:s14], $0x4000  }
0xb3: {  	[sflag:s14] =	ssyncset.done $0x0  }
0xb4: {  	s17 =	simm.s32 $0x0;
	[sflag:s14] =	ssyncadd.s32 $0xFFFFC000  }
0xb5: {  	v2 =	vld [tilespmem:s17+$0x8300]  }
0xb6: {  	v4 =	vld [tilespmem:s17+$0x8310]  }
0xb7: {  	v3 =	vld [tilespmem:s17+$0x8320]  }
0xb8: {  	v1 =	vld [tilespmem:s17+$0x8330]  }
0xb9: {  	v0 =	vld [tilespmem:s17+$0x8340]  }
0xba: {  	v5 =	vmax.f32 v2, $0.0e+00;
	v2 =	vld [tilespmem:s17+$0x8350]  }
0xbb: {  	s13 =	simm.s32 $0x200;
	[tilespmem:s17+$0x8300] =	vst v5;
	v5 =	vmax.f32 v4, $0.0e+00;
	v4 =	vld [tilespmem:s17+$0x8360]  }
.LBB2_7:
0xbc: {  	s18 =	sshra.s32 s13, $0x2;
	p1 =	sne.s32 s13, $0xFE00;
	[tilespmem:s17+$0x8310] =	vst v5;
	v3 =	vmax.f32 v3, $0.0e+00;
	v5 =	vld [tilespmem:s17+$0x8370]  }
0xbd: {  	v6 =	vld [tilespmem:s18+$0x8300];
	[tilespmem:s17+$0x8320] =	vst v3;
	v1 =	vmax.f32 v1, $0.0e+00  }
0xbe: {  	v7 =	vld [tilespmem:s18+$0x8310];
	[tilespmem:s17+$0x8330] =	vst v1;
	v0 =	vmax.f32 v0, $0.0e+00  }
.Ltmp2:
0xbf: {  	v3 =	vld [tilespmem:s18+$0x8320];
	[tilespmem:s17+$0x8340] =	vst v0;
	v0 =	vmax.f32 v2, $0.0e+00;
	(pc) =	sbr.rel @p1 .LBB2_7-.Ltmp2, $4  }
0xc0: {  	v1 =	vld [tilespmem:s18+$0x8330];
	[tilespmem:s17+$0x8350] =	vst v0;
	v2 =	vmax.f32 v4, $0.0e+00  }
0xc1: {  	v0 =	vld [tilespmem:s18+$0x8340];
	[tilespmem:s17+$0x8360] =	vst v2;
	v4 =	vmax.f32 v5, $0.0e+00  }
0xc2: {  	v5 =	vmax.f32 v6, $0.0e+00;
	v2 =	vld [tilespmem:s18+$0x8350];
	[tilespmem:s17+$0x8370] =	vst v4;
	s17 =	smov.u32 s18  }
0xc3: {  	s13 =	sadd.s32 $0x200, s13;
	[tilespmem:s17+$0x8300] =	vst v5;
	v5 =	vmax.f32 v7, $0.0e+00;
	v4 =	vld [tilespmem:s17+$0x8360]  }
0xc4: {  	[tilespmem:s17+$0x8310] =	vst v5;
	v3 =	vmax.f32 v3, $0.0e+00;
	v60 =	vld [tilespmem:s17+$0x8370]  }
0xc5: {  	s15 =	sadd.s32 $0x1, s15;
	[tilespmem:s17+$0x8320] =	vst v3;
	v1 =	vmax.f32 v1, $0.0e+00  }
0xc6: {  	p1 =	sne.s32 s15, $0x1A;
	[tilespmem:s17+$0x8330] =	vst v1;
	v0 =	vmax.f32 v0, $0.0e+00  }
.Ltmp3:
0xc7: {  	[tilespmem:s17+$0x8340] =	vst v0;
	v61 =	vmax.f32 v2, $0.0e+00;
	(pc) =	sbr.rel @p1 .LBB2_2-.Ltmp3, $4  }
0xc8: {  	[tilespmem:s17+$0x8350] =	vst v61;
	v62 =	vmax.f32 v4, $0.0e+00  }
0xc9: {  	[tilespmem:s17+$0x8360] =	vst v62;
	v63 =	vmax.f32 v60, $0.0e+00  }
0xca: {  	[tilespmem:s17+$0x8370] =	vst v63  }
0xcb: {  	[spmem:s2] =	stream.indirect.scatter.add.f32 [tilespmem:s8], [sflag:$0x3], $0x80, s11, s0, $0xb8;
	[tilespmem:$0x1FC80] =	vst v63  }
0xcc: {  	_ =	swait.ge [sflag:s4], $0x4000  }
0xcd: {  	[sflag:s4] =	ssyncset.done $0x0  }
0xce: {  	[sflag:s4] =	ssyncadd.s32 $0xFFFFC000  }
0xcf: {  	_ =	swait.ge [sflag:s12], $0x4000  }
0xd0: {  	[sflag:s12] =	ssyncset.done $0x0  }
0xd1: {  	[sflag:s12] =	ssyncadd.s32 $0xFFFFC000  }
0xd2: {  	_ =	swait.ge [sflag:s14], $0x4000  }
0xd3: {  	s13 =	simm.s32 $0x0;
	[sflag:s14] =	ssyncset.done $0x0  }
0xd4: {  	s17 =	simm.s32 $0xC300;
	s15 =	rddreg [dreg:$0x13];
	[sflag:s14] =	ssyncadd.s32 $0xFFFFC000  }
0xd5: {  	[tilespmem:s17], [sflag:$0x4] =	stream.linear.gather [hbm4b:s15+s13], $0x10, $0x38;
	[tilespmem:$0x1FC80] =	vst v63  }
0xd6: {  	_ =	swait.ge [sflag:s28], $0x10  }
0xd7: {  	[sflag:s28] =	ssyncset.done $0x0;
	s22 =	rddreg [dreg:$0xf]  }
0xd8: {  	s18 =	simm.s32 $0xC380;
	[sflag:s28] =	ssyncadd.s32 $0xFFFFFFF0;
	s15 =	sadd.s32 s22, s16  }
0xd9: {  	[tilespmem:s18], [sflag:$0x4] =	stream.linear.gather [hbm4b:s15+s13], $0x10, $0x38;
	[tilespmem:$0x1FC80] =	vst v63  }
0xda: {  	_ =	swait.ge [sflag:s28], $0x10  }
0xdb: {  	[sflag:s28] =	ssyncset.done $0x0  }
0xdc: {  	s24 =	rddreg [dreg:$0x10];
	[sflag:s28] =	ssyncadd.s32 $0xFFFFFFF0  }
0xdd: {  	[tilespmem:s29], [sflag:$0x4] =	stream.linear.gather [hbm4b:s24+s13], $0x800, $0x38;
	[tilespmem:$0x1FC80] =	vst v63  }
0xde: {  	_ =	swait.ge [sflag:s28], $0x800  }
0xdf: {  	[sflag:s28] =	ssyncset.done $0x0  }
0xe0: {  	s22 =	simm.s32 $0x10;
	[sflag:s28] =	ssyncadd.s32 $0xFFFFF800  }
0xe1: {  	[tilespmem:s29], [sflag:$0x1] =	stream.indirect.gather.add.f32 [hbm:s1], $0x80, s17, s22, $0xb8;
	[tilespmem:$0x1FC80] =	vst v63  }
0xe2: {  	_ =	swait.ge [sflag:s4], $0x800  }
0xe3: {  	[sflag:s4] =	ssyncset.done $0x0  }
0xe4: {  	s15 =	simm.s32 $0x0;
	[sflag:s4] =	ssyncadd.s32 $0xFFFFF800  }
0xe5: {  	v2 =	vld [tilespmem:s15+$0x300]  }
0xe6: {  	v4 =	vld [tilespmem:s15+$0x310]  }
0xe7: {  	v3 =	vld [tilespmem:s15+$0x320]  }
0xe8: {  	v1 =	vld [tilespmem:s15+$0x330]  }
0xe9: {  	v0 =	vld [tilespmem:s15+$0x340]  }
0xea: {  	v5 =	vmax.f32 v2, $0.0e+00;
	v2 =	vld [tilespmem:s15+$0x350]  }
0xeb: {  	s13 =	simm.s32 $0x200;
	[tilespmem:s15+$0x300] =	vst v5;
	v5 =	vmax.f32 v4, $0.0e+00;
	v4 =	vld [tilespmem:s15+$0x360]  }
.LBB2_10:
0xec: {  	s17 =	sshra.s32 s13, $0x2;
	p1 =	sne.s32 s13, $0x1E00;
	[tilespmem:s15+$0x310] =	vst v5;
	v3 =	vmax.f32 v3, $0.0e+00;
	v5 =	vld [tilespmem:s15+$0x370]  }
0xed: {  	v6 =	vld [tilespmem:s17+$0x300];
	[tilespmem:s15+$0x320] =	vst v3;
	v1 =	vmax.f32 v1, $0.0e+00  }
0xee: {  	v7 =	vld [tilespmem:s17+$0x310];
	[tilespmem:s15+$0x330] =	vst v1;
	v0 =	vmax.f32 v0, $0.0e+00  }
.Ltmp4:
0xef: {  	v3 =	vld [tilespmem:s17+$0x320];
	[tilespmem:s15+$0x340] =	vst v0;
	v0 =	vmax.f32 v2, $0.0e+00;
	(pc) =	sbr.rel @p1 .LBB2_10-.Ltmp4, $4  }
0xf0: {  	v1 =	vld [tilespmem:s17+$0x330];
	[tilespmem:s15+$0x350] =	vst v0;
	v2 =	vmax.f32 v4, $0.0e+00  }
0xf1: {  	v0 =	vld [tilespmem:s17+$0x340];
	[tilespmem:s15+$0x360] =	vst v2;
	v4 =	vmax.f32 v5, $0.0e+00  }
0xf2: {  	v5 =	vmax.f32 v6, $0.0e+00;
	v2 =	vld [tilespmem:s17+$0x350];
	[tilespmem:s15+$0x370] =	vst v4;
	s15 =	smov.u32 s17  }
0xf3: {  	s13 =	sadd.s32 $0x200, s13;
	[tilespmem:s15+$0x300] =	vst v5;
	v5 =	vmax.f32 v7, $0.0e+00;
	v4 =	vld [tilespmem:s15+$0x360]  }
0xf4: {  	[tilespmem:s15+$0x310] =	vst v5;
	v3 =	vmax.f32 v3, $0.0e+00;
	v60 =	vld [tilespmem:s15+$0x370]  }
0xf5: {  	[tilespmem:s15+$0x320] =	vst v3;
	v1 =	vmax.f32 v1, $0.0e+00  }
0xf6: {  	[tilespmem:s15+$0x330] =	vst v1;
	v0 =	vmax.f32 v0, $0.0e+00  }
0xf7: {  	[tilespmem:s15+$0x340] =	vst v0;
	v61 =	vmax.f32 v2, $0.0e+00  }
0xf8: {  	[tilespmem:s15+$0x350] =	vst v61;
	v62 =	vmax.f32 v4, $0.0e+00  }
0xf9: {  	[tilespmem:s15+$0x360] =	vst v62;
	v63 =	vmax.f32 v60, $0.0e+00  }
0xfa: {  	[tilespmem:s15+$0x370] =	vst v63  }
0xfb: {  	[spmem:s2] =	stream.indirect.scatter.add.f32 [tilespmem:s29], [sflag:$0x4], $0x80, s18, s22, $0xb8;
	[tilespmem:$0x1FC80] =	vst v63  }
0xfc: {  	_ =	swait.ge [sflag:s28], $0x800  }
0xfd: {  	[sflag:s28] =	ssyncset.done $0x0  }
0xfe: {  	[sflag:s28] =	ssyncadd.s32 $0xFFFFF800  }
0xff: {  	[bflag:$0x0] =	sbarrier.arrive $0xFFFF  }
0x100: {  	s13 =	rddreg [dreg:$0x4]  }
0x101: {  	s15 =	rddreg [dreg:$0x11]  }
0x102: {  	s13 =	sadd.s32 s13, s15  }
0x103: {  	[hbm:s13], [sflag:s9] =	dma.local [spmem:s25], $0x2700  }
0x104: {  	_ =	swait.ge [sflag:s28], $0x2700  }
0x105: {  	[sflag:s28] =	ssyncset.done $0x0  }
0x106: {  	s13 =	sadd.s32 @!p0 $0x27000, s15;
	[sflag:s28] =	ssyncadd.s32 $0xFFFFD900  }
0x107: {  	[hbm:s13], [sflag:s9] =	dma.local @!p0 [spmem:s26], $0x100  }
0x108: {  	s13 =	simm.s32 @!p0 $0x4  }
0x109: {  	_ =	swait.ge @!p0 [sflag:s13], $0x100  }
0x10a: {  	s23 =	sadd.s32 $0x1, s23;
	s26 =	rddreg [dreg:$0x12]  }
0x10b: {  	p1 =	sne.s32 s23, s26  }
.Ltmp5:
0x10c: {  	_ = 	snop;
	(pc) =	sbr.rel @p1 .LBB2_1-.Ltmp5, $3  }
0x10d: {  	_ =	sdelay $0x1  }
0x10e: {  	[sflag:s13] =	ssyncset.done @!p0 $0x0  }
0x10f: {  	[sflag:s13] =	ssyncadd.s32 @!p0 $0xFFFFFF00  }
0x110: {  	_ =	sfence.sel $0x180000  }
0x111: {  	[bflag:$0x0] =	sbarrier.arrive $0xFFFF  }
0x112: {  	_ =	strace $0x90000047  }
0x113: {  	[bflag:$0x2] =	sbarrier.arrive $0xFFFF  }
0x114: {  	s0 =	rddreg [dreg:$0x3]  }
0x115: {  	s0 =	sadd.s32 @!p0 $0x100000, s0  }
0x116: {  	[sflag:s0] =	ssyncadd.tile.s32 @!p0 $0x1;
	_ =	shalt  }
.Lfunc_end2:
_tile_overlayer_lowered:
.L_overlay_start_2:
0x117: {  	(tag) =	ssettag $0x2  }
0x118: {  	s0 =	rddreg [dreg:$0x0];
	s2 =	stileid.u32  }
0x119: {  	s1 =	rddreg [dreg:$0x1];
	p0 =	sne.s32 s2, $0x0  }
0x11a: {  	s3 =	rddreg [dreg:$0x2];
	[bflag:$0x3] =	sbarrier.arrive $0xFFFF;
	s2 =	simm.s32 @!p0 $0x1C04  }
0x11b: {  	[timem:s3], [sflag:s2] =	dma.local @!p0 [hbm:s0], s1  }
0x11c: {  	s0 =	simm.s32 @!p0 $0x4  }
0x11d: {  	_ =	swait.ge @!p0 [sflag:s0], s1  }
0x11e: {  	s1 =	ssub.s32 @!p0 $0x0, s1;
	[sflag:s0] =	ssyncset.done @!p0 $0x0  }
0x11f: {  	[sflag:s0] =	ssyncadd.s32 @!p0 s1  }
0x120: {  	[bflag:$0x3] =	sbarrier.arrive $0xFFFF  }
0x121: {  	_ =	shalt  }

// kernel: kernel.15.cloned.1.call-start
scs
__scs_entry_jumppad:
0x0: {  	(pc) =	sbr.rel $0x88, $3  }
0x1: {  	(tag) =	ssettag $0x0;
	lr =	simm.s32 $0x1  }
0x2: {  	[smem:$0x3F7F] =	sst lr;
	_ =	strace $0xD0000000  }
0x3: {  	_ = 	snop  }
0x4: {  	_ = 	snop  }
0x5: {  	_ = 	snop  }
0x6: {  	_ = 	snop  }
0x7: {  	_ = 	snop  }
__scs_overlays_trampoline_lowered:
0x8: {  	[smem:$0x3F8E] =	sst s0  }
0x9: {  	[smem:$0x3F8F] =	sst s1  }
0xa: {  	[smem:$0x3F90] =	sst s2  }
0xb: {  	[smem:$0x3F91] =	sst s3  }
0xc: {  	[smem:$0x3F92] =	sst s4  }
0xd: {  	[smem:$0x3F93] =	sst s5  }
0xe: {  	[smem:$0x3F94] =	sst s6  }
0xf: {  	[smem:$0x3F95] =	sst s7  }
0x10: {  	[smem:$0x3F96] =	sst s8  }
0x11: {  	[smem:$0x3F97] =	sst s9;
	s0 =	simm.s32 @!p0 $0x0  }
0x12: {  	s1 =	sld [smem:$0x3F7D];
	s0 =	simm.s32 @p0 $0x1  }
0x13: {  	[smem:$0x3F98] =	sst s0;
	s0 =	simm.s32 @!p1 $0x0  }
0x14: {  	s2 =	sld [smem:$0x3F7C];
	s0 =	simm.s32 @p1 $0x1  }
0x15: {  	[smem:$0x3F99] =	sst s0;
	s0 =	simm.s32 @!p2 $0x0  }
0x16: {  	s3 =	sld [smem:$0x3FDB];
	s0 =	simm.s32 @p2 $0x1  }
0x17: {  	s4 =	simm.s32 $0x1BF5;
	[smem:$0x3F9B] =	sst s0  }
0x18: {  	s0 =	sld [smem:$0x3F7E];
	_ =	swait.ge [sflag:s4], $0x0  }
0x19: {  	s7 =	sld [smem:$0x3F7F]  }
0x1a: {  	s8 =	sadd.s32 $0xFFFFE003, lr  }
0x1b: {  	s9 =	sadd.s32 $0xFFFFFEF7, lr;
	s5 =	simm.s32 $0xFFFFFFFF;
	p2 =	slt.u32 s8, $0xFFFFF086  }
0x1c: {  	p1 =	slt.u32 s9, $0xF7A;
	s5 =	simm.s32 @!p2 $0x0  }
0x1d: {  	s5 =	simm.s32 @p1 $0x1;
	p0 =	seq.s32 s7, s2  }
0x1e: {  	s7 =	smul.u32 @!p0 $0xF7A, s2;
	p2 =	seq.s32 @!p0 s5, $0x0  }
0x1f: {  	s9 =	smul.u32 $0xF7A, s1;
	s8 =	simm.s32 @!p0 $0x1BF5;
	p2 =	por !p2, p0  }
0x20: {  	[sflag:s8] =	ssyncset.s32 @!p0 $0xFFFFF086;
	s6 =	sadd.s32 @!p0 s3, s7;
	s7 =	simm.s32 @!p0 $0x108  }
0x21: {  	s3 =	sadd.s32 s3, s9;
	s6 =	sadd.s32 @!p0 $0x88, s6;
	s7 =	simm.s32 @p2 $0x1082  }
0x22: {  	[simem:s7], [sflag:s8] =	dma.local @!p0 [hbm:s6], $0xF7A  }
0x23: {  	s9 =	sor.u32 $0xD0000000, s2;
	s6 =	simm.s32 $0x108;
	_ =	swait.ge @!p0 [sflag:s8], $0x0  }
0x24: {  	s3 =	sadd.s32 $0x88, s3;
	s6 =	simm.s32 @!p1 $0x1082;
	[sflag:s4] =	ssyncset.s32 $0xFFFFF086  }
0x25: {  	[simem:s6], [sflag:s4] =	dma.local [hbm:s3], $0xF7A  }
0x26: {  	[smem:$0x3F7F] =	sst s1;
	(tag) =	ssettag s2;
	_ =	strace s9  }
0x27: {  	s1 =	sld [smem:$0x3F8F]  }
0x28: {  	s2 =	sld [smem:$0x3F90]  }
0x29: {  	s4 =	sld [smem:$0x3F92]  }
0x2a: {  	p0 =	seq.s32 s5, $0x0;
	s5 =	sld [smem:$0x3F93]  }
0x2b: {  	s6 =	sld [smem:$0x3F94]  }
0x2c: {  	s7 =	sld [smem:$0x3F95]  }
0x2d: {  	s3 =	simm.s32 $0x108;
	s8 =	sld [smem:$0x3F96]  }
0x2e: {  	s3 =	simm.s32 @!p0 $0x1082;
	s9 =	sld [smem:$0x3F97]  }
0x2f: {  	lr =	sadd.s32 s0, s3;
	s0 =	sld [smem:$0x3F8E]  }
0x30: {  	s3 =	sld [smem:$0x3F91]  }
0x31: {  	[smem:$0x3F9A] =	sst s10  }
0x32: {  	s10 =	sld [smem:$0x3F98];
	_ =	sdelay $0x3  }
0x33: {  	p0 =	seq.s32 s10, $0x1;
	s10 =	sld [smem:$0x3F9A];
	_ =	sdelay $0x3  }
0x34: {  	[smem:$0x3F9A] =	sst s10  }
0x35: {  	s10 =	sld [smem:$0x3F99];
	_ =	sdelay $0x3  }
0x36: {  	p1 =	seq.s32 s10, $0x1;
	s10 =	sld [smem:$0x3F9A];
	_ =	sdelay $0x3  }
0x37: {  	[smem:$0x3F9A] =	sst s10  }
0x38: {  	s10 =	sld [smem:$0x3F9B]  }
0x39: {  	_ = 	snop;
	(pc) =	sbr.ind lr, $3  }
0x3a: {  	_ = 	snop  }
0x3b: {  	_ = 	snop  }
0x3c: {  	p2 =	seq.s32 s10, $0x1;
	s10 =	sld [smem:$0x3F9A]  }
0x3d: {  	_ =	shalt  }
0x3e: {  	_ =	shalt  }
0x3f: {  	_ =	shalt  }
0x40: {  	_ =	shalt  }
0x41: {  	_ =	shalt  }
0x42: {  	_ =	shalt  }
0x43: {  	_ =	shalt  }
0x44: {  	_ =	shalt  }
0x45: {  	_ =	shalt  }
0x46: {  	_ =	shalt  }
0x47: {  	_ =	shalt  }
0x48: {  	_ =	shalt  }
0x49: {  	_ =	shalt  }
0x4a: {  	_ =	shalt  }
0x4b: {  	_ =	shalt  }
0x4c: {  	_ =	shalt  }
0x4d: {  	_ =	shalt  }
0x4e: {  	_ =	shalt  }
0x4f: {  	_ =	shalt  }
0x50: {  	_ =	shalt  }
0x51: {  	_ =	shalt  }
0x52: {  	_ =	shalt  }
0x53: {  	_ =	shalt  }
0x54: {  	_ =	shalt  }
0x55: {  	_ =	shalt  }
0x56: {  	_ =	shalt  }
0x57: {  	_ =	shalt  }
0x58: {  	_ =	shalt  }
0x59: {  	_ =	shalt  }
0x5a: {  	_ =	shalt  }
0x5b: {  	_ =	shalt  }
0x5c: {  	_ =	shalt  }
0x5d: {  	_ =	shalt  }
0x5e: {  	_ =	shalt  }
0x5f: {  	_ =	shalt  }
0x60: {  	_ =	shalt  }
0x61: {  	_ =	shalt  }
0x62: {  	_ =	shalt  }
0x63: {  	_ =	shalt  }
0x64: {  	_ =	shalt  }
0x65: {  	_ =	shalt  }
0x66: {  	_ =	shalt  }
0x67: {  	_ =	shalt  }
0x68: {  	_ =	shalt  }
0x69: {  	_ =	shalt  }
0x6a: {  	_ =	shalt  }
0x6b: {  	_ =	shalt  }
0x6c: {  	_ =	shalt  }
0x6d: {  	_ =	shalt  }
0x6e: {  	_ =	shalt  }
0x6f: {  	_ =	shalt  }
0x70: {  	_ =	shalt  }
0x71: {  	_ =	shalt  }
0x72: {  	_ =	shalt  }
0x73: {  	_ =	shalt  }
0x74: {  	_ =	shalt  }
0x75: {  	_ =	shalt  }
0x76: {  	_ =	shalt  }
0x77: {  	_ =	shalt  }
0x78: {  	_ =	shalt  }
0x79: {  	_ =	shalt  }
0x7a: {  	_ =	shalt  }
0x7b: {  	_ =	shalt  }
0x7c: {  	_ =	shalt  }
0x7d: {  	_ =	shalt  }
0x7e: {  	_ =	shalt  }
0x7f: {  	_ =	shalt  }
0x80: {  	_ =	shalt  }
0x81: {  	_ =	shalt  }
0x82: {  	_ =	shalt  }
0x83: {  	_ =	shalt  }
0x84: {  	_ =	shalt  }
0x85: {  	_ =	shalt  }
0x86: {  	_ =	shalt  }
0x87: {  	_ =	shalt  }
.Lfunc_end0:
.L_simem_size_0:
called_computation.1_lowered:
.L_overlay_start_0:
0x88: {  	s2 =	sld [smem:$0x3FD9]  }
0x89: {  	s3 =	sld [smem:$0x3FFE];
	_ =	sdelay $0x1  }
0x8a: {  	s1 =	srdreg.scid  }
0x8b: {  	s0 =	sand.u32 $0x1, s1  }
0x8c: {  	s16 =	sshll.u32 s0, $0xA;
	s2 =	sadd.s32 s3, s2  }
0x8d: {  	s2 =	sadd.s32 s2, s16  }
0x8e: {  	[smem:$0x3FA6] =	sst s2  }
0x8f: {  	_ = 	snop  }
0x90: {  	(tm) =	ssettm $0x1  }
0x91: {  	s17 =	sld [smem:$0x3FFB];
	_ =	sdelay $0x3  }
0x92: {  	_ =	strace s17  }
0x93: {  	s2 =	sld [smem:$0x3FFC];
	_ =	sdelay $0x3  }
0x94: {  	_ =	strace s2  }
0x95: {  	s2 =	sld [smem:$0x3FFD];
	_ =	sdelay $0x3  }
0x96: {  	_ =	strace s2  }
0x97: {  	_ =	strace $0x8FFFFFFF  }
0x98: {  	s18 =	sld [smem:$0x3FDB];
	_ =	sdelay $0x1  }
0x99: {  	s19 =	simm.s32 $_scs_section_size  }
0x9a: {  	s4 =	simm.s32 $_size__tile_overlayer_lowered;
	s5 =	simm.s32 $_tile_overlayer_lowered  }
0x9b: {  	s22 =	simm.s32 $0x1BFF;
	s21 =	sshll.u32 s5, $0x1;
	s2 =	sadd.s32 s19, s18  }
0x9c: {  	s6 =	simm.s32 $0x0;
	s20 =	sshll.u32 s4, $0x1;
	s4 =	sadd.s32 s21, s2  }
0x9d: {  	[timem:s6], [sflag:s22] =	dma.local [hbm:s4], s20  }
0x9e: {  	_ =	swait.ge [sflag:s22], s20  }
0x9f: {  	s3 =	ssub.s32 $0x0, s20;
	[sflag:s22] =	ssyncset.done $0x0  }
0xa0: {  	[sflag:s22] =	ssyncadd.s32 s3;
	_ =	sdelay $0x1  }
0xa1: {  	s23 =	simm.s32 $0x1B8B  }
0xa2: {  	_ =	swait.ge [sflag:s23], $0x1  }
0xa3: {  	[sflag:s23] =	ssyncset.done $0x0  }
0xa4: {  	s25 =	simm.s32 $0x1B8E;
	s24 =	sld [smem:$0x3FFE];
	[sflag:s23] =	ssyncadd.s32 $0xFFFFFFFF  }
0xa5: {  	s26 =	simm.s32 $execute0_lowered;
	[smem:$0x3FD2] =	sst s25  }
0xa6: {  	s4 =	sshll.u32 s26, $0x1;
	_ =	strace $0x80000049;
	[dreg:$0x1] =	wrdreg $0xFFFFFFFF  }
0xa7: {  	s28 =	simm.s32 $_size_execute0_lowered;
	s2 =	sadd.s32 s2, s4;
	[dreg:$0x0] =	wrdreg $0x0  }
0xa8: {  	s4 =	sshll.u32 s28, $0x1;
	[dreg:$0x2] =	wrdreg s2  }
0xa9: {  	[dreg:$0x3] =	wrdreg s4  }
0xaa: {  	[dreg:$0x4] =	wrdreg $0xC0  }
0xab: {  	_ =	task [dreg:s6], $0x5FFFF  }
0xac: {  	[dreg:$0x1] =	wrdreg $0xFFFFFFFF  }
0xad: {  	[dreg:$0x0] =	wrdreg $0x60  }
0xae: {  	[dreg:$0x2] =	wrdreg s24  }
0xaf: {  	[dreg:$0x3] =	wrdreg $0xC4000  }
0xb0: {  	[dreg:$0x4] =	wrdreg $0x9  }
0xb1: {  	_ =	task.clear_ibuf [dreg:s6], $0x5FFFF;
	_ =	strace $0x90000049  }
0xb2: {  	s29 =	simm.s32 $0x9;
	_ =	strace $0x8000004B  }
0xb3: {  	_ =	swait.ge [sflag:s29], $0x1  }
0xb4: {  	[sflag:s29] =	ssyncadd.s32 $0xFFFFFFFF  }
0xb5: {  	_ =	strace $0x9000004B  }
0xb6: {  	_ =	sfence  }
0xb7: {  	s30 =	sld [smem:$0x0];
	_ =	sdelay $0x2  }
0xb8: {  	s31 =	sshll.u32 s1, $0xD;
	s1 =	sshrl.u32 s1, $0x2  }
0xb9: {  	s3 =	sand.u32 $0x4000, s31;
	s1 =	sadd.s32 s1, s30  }
0xba: {  	s0 =	sor.u32 s3, s0;
	s1 =	sshll.u32 s1, $0x11  }
0xbb: {  	s0 =	sor.u32 s1, s0  }
0xbc: {  	s0 =	sadd.s32 $0x8F2B, s0  }
0xbd: {  	[sflag:s0] =	ssyncadd.remote.s32 $0x1  }
0xbe: {  	_ =	sfence.sel $0xFFFF  }
0xbf: {  	[dreg:$0x0] =	wrdreg $0xFFFFFFFF;
	(pc) =	sbr.abs _section_cstart, $3  }
0xc0: {  	[dreg:$0x1] =	wrdreg $0xFFFFFFFF  }
0xc1: {  	_ =	task.clear_ibuf [dreg:s6], $0x2FFFF;
	_ =	strace $0x9FFFFFFF  }
0xc2: {  	(tm) =	ssettm $0x7FFFFFFF  }
0xc3: {  	_ =	shalt  }
tec
execute0_lowered:
.L_overlay_start_1:
0x0: {  	(tag) =	ssettag $0x1  }
0x1: {  	s0 =	rddreg [dreg:$0x0]  }
0x2: {  	s1 =	rddreg [dreg:$0x1];
	s2 =	simm.s32 $0x0;
	s3 =	stileid.u32  }
0x3: {  	s4 =	srdreg.scid;
	s28 =	simm.s32 $0x4;
	s29 =	simm.s32 $0x300  }
0x4: {  	s30 =	simm.s32 $0x180;
	s31 =	simm.s32 $0x4300;
	[smem:$0x7FF] =	sst s2  }
0x5: {  	s9 =	smul.u32 $0x2700, s3;
	s7 =	sand.u32 $0x1, s4;
	s5 =	sadd.s32 $0xA53200, s0  }
0x6: {  	s4 =	sadd.s32 $0xA05000, s0;
	s6 =	sadd.s32 $0x4E8400, s0;
	s10 =	smul.u32 $0x4E000, s3  }
0x7: {  	s15 =	sshll.u32 s3, $0x6;
	s16 =	sadd.s32 $0x138000, s1;
	s17 =	sadd.s32 $0xA04E00, s0  }
0x8: {  	p0 =	sne.s32 s3, $0x0;
	_ =	strace $0x8000004A;
	[dreg:$0x6] =	wrdreg s16  }
0x9: {  	s8 =	smul.u32 $0x27100, s7;
	s11 =	ssub.s32 $0x2, s7;
	[dreg:$0x7] =	wrdreg s17  }
0xa: {  	s7 =	sshll.u32 s7, $0x4;
	s16 =	sadd.s32 $0x4F2040, s0;
	[dreg:$0x3] =	wrdreg s9  }
0xb: {  	s9 =	sadd.s32 s9, s0;
	s12 =	sshrl.u32 s11, $0x1;
	s10 =	sshrl.u32 s10, $0x2  }
0xc: {  	s7 =	sor.u32 s3, s7;
	s8 =	sadd.s32 s8, s0;
	s10 =	sadd.s32 s10, s1  }
0xd: {  	s14 =	smul.u32 $0x2710, s7;
	s9 =	sadd.s32 $0x9DDE00, s9;
	[dreg:$0x4] =	wrdreg s10  }
0xe: {  	s11 =	ssub.s32 s11, s12;
	s7 =	smul.u32 $0x27100, s7;
	[dreg:$0x5] =	wrdreg s9  }
0xf: {  	s9 =	sor.u32 $0x1C04, s15;
	s25 =	sadd.s32 $0x4FBE00, s8;
	s26 =	smax.u32 s11, $0x1  }
0x10: {  	s8 =	simm.s32 $0x8300;
	s10 =	simm.s32 $0x100;
	[dreg:$0x10] =	wrdreg s25  }
0x11: {  	s11 =	simm.s32 $0x280;
	s7 =	sadd.s32 s5, s7;
	[dreg:$0x11] =	wrdreg s26  }
0x12: {  	s18 =	sshrl.u32 s14, $0x3;
	s19 =	sadd.s32 $0x80, s14;
	[dreg:$0x8] =	wrdreg s7  }
0x13: {  	s23 =	sadd.s32 $0x2700, s14;
	[dreg:$0x9] =	wrdreg s18;
	s12 =	sadd.s32 s6, s18  }
0x14: {  	s20 =	sshll.u32 s19, $0x4;
	s7 =	sshrl.u32 s19, $0x3;
	[dreg:$0xa] =	wrdreg s12  }
0x15: {  	s19 =	sadd.s32 $0x100, s14;
	s0 =	sshrl.u32 s23, $0x3;
	[dreg:$0xb] =	wrdreg s7  }
0x16: {  	s24 =	sshll.u32 s23, $0x4;
	s21 =	sadd.s32 s5, s20;
	[dreg:$0xe] =	wrdreg s0  }
0x17: {  	s23 =	simm.s32 $0x0;
	s22 =	sadd.s32 s6, s7;
	[dreg:$0xc] =	wrdreg s21  }
0x18: {  	s20 =	sadd.s32 $0x180, s14;
	s3 =	sadd.s32 s5, s24;
	[dreg:$0xd] =	wrdreg s22  }
0x19: {  	s0 =	sadd.s32 s6, s0;
	s7 =	simm.s32 $0x200;
	[dreg:$0xf] =	wrdreg s3  }
0x1a: {  	s12 =	simm.s32 $0x2;
	s21 =	sadd.s32 $0x200, s14;
	[dreg:$0x12] =	wrdreg s0  }
0x1b: {  	s0 =	simm.s32 $0x80;
	s3 =	simm.s32 $0x1;
	s14 =	simm.s32 $0x3  }
.LBB2_1:
0x1c: {  	s13 =	rddreg [dreg:$0x4]  }
0x1d: {  	s22 =	rddreg [dreg:$0x5];
	s25 =	sshrl.u32 s13, $0x3  }
0x1e: {  	[spmem:s25], [sflag:s9] =	dma.local [hbm:s22], $0x2700  }
0x1f: {  	_ =	swait.ge [sflag:s28], $0x2700  }
0x20: {  	[sflag:s28] =	ssyncset.done $0x0;
	s13 =	rddreg [dreg:$0x6]  }
0x21: {  	[sflag:s28] =	ssyncadd.s32 $0xFFFFD900;
	s26 =	sshrl.u32 @!p0 s13, $0x3;
	s13 =	rddreg [dreg:$0x7]  }
0x22: {  	[spmem:s26], [sflag:s9] =	dma.local @!p0 [hbm:s13], $0x100  }
0x23: {  	s13 =	simm.s32 @!p0 $0x4  }
0x24: {  	_ =	swait.ge @!p0 [sflag:s13], $0x100  }
0x25: {  	[sflag:s13] =	ssyncset.done @!p0 $0x0  }
0x26: {  	[sflag:s13] =	ssyncadd.s32 @!p0 $0xFFFFFF00  }
0x27: {  	[bflag:$0x0] =	sbarrier.arrive $0xFFFF  }
0x28: {  	s24 =	rddreg [dreg:$0x8]  }
0x29: {  	s15 =	rddreg [dreg:$0xa]  }
0x2a: {  	[tilespmem:s29], [sflag:$0x1] =	stream.linear.gather [hbm4b:s24+s2], $0x4000, $0x38;
	[tilespmem:$0x1FC80] =	vst v63  }
0x2b: {  	s17 =	rddreg [dreg:$0x9]  }
0x2c: {  	[tilespmem:s2], [sflag:$0x1] =	stream.linear.gather [hbm4b:s15+s2], $0x80, $0x38;
	[tilespmem:$0x1FC80] =	vst v63  }
0x2d: {  	s18 =	rddreg [dreg:$0xc];
	s13 =	sadd.s32 s17, s16  }
0x2e: {  	[tilespmem:s30], [sflag:$0x1] =	stream.linear.gather [hbm4b:s13+s2], $0x80, $0x38;
	[tilespmem:$0x1FC80] =	vst v63  }
0x2f: {  	s22 =	rddreg [dreg:$0xd]  }
0x30: {  	[tilespmem:s31], [sflag:$0x2] =	stream.linear.gather [hbm4b:s18+s2], $0x4000, $0x38;
	[tilespmem:$0x1FC80] =	vst v63  }
0x31: {  	s24 =	rddreg [dreg:$0xb]  }
0x32: {  	[tilespmem:s0], [sflag:$0x2] =	stream.linear.gather [hbm4b:s22+s2], $0x80, $0x38;
	[tilespmem:$0x1FC80] =	vst v63  }
0x33: {  	s13 =	sadd.s32 s24, s16  }
0x34: {  	[tilespmem:s7], [sflag:$0x2] =	stream.linear.gather [hbm4b:s13+s2], $0x80, $0x38;
	[tilespmem:$0x1FC80] =	vst v63  }
0x35: {  	_ =	swait.ge [sflag:s3], $0x4000  }
0x36: {  	[sflag:s3] =	ssyncset.done $0x0  }
0x37: {  	[sflag:s3] =	ssyncadd.s32 $0xFFFFC000  }
0x38: {  	_ =	swait.ge [sflag:s3], $0x80  }
0x39: {  	[sflag:s3] =	ssyncset.done $0x0  }
0x3a: {  	[sflag:s3] =	ssyncadd.s32 $0xFFFFFF80  }
0x3b: {  	_ =	swait.ge [sflag:s3], $0x80  }
0x3c: {  	[sflag:s3] =	ssyncset.done $0x0  }
0x3d: {  	s15 =	simm.s32 $0x0;
	[sflag:s3] =	ssyncadd.s32 $0xFFFFFF80  }
0x3e: {  	[tilespmem:s29], [sflag:$0x1] =	stream.indirect.gather.add.f32 [hbm:s4], $0x80, s2, s0, $0xb8;
	[tilespmem:$0x1FC80] =	vst v63  }
.LBB2_2:
0x3f: {  	s17 =	smul.u32 $0x180, s15;
	p1 =	seq.s32 s15, $0x0  }
0x40: {  	s13 =	simm.s32 @!p1 $0x3  }
0x41: {  	s18 =	sadd.s32 s17, s19;
	_ =	swait.ge @!p1 [sflag:s13], $0x4000  }
0x42: {  	[sflag:s13] =	ssyncset.done @!p1 $0x0;
	s22 =	sshll.u32 s18, $0x4  }
0x43: {  	[sflag:s13] =	ssyncadd.s32 @!p1 $0xFFFFC000;
	s24 =	sadd.s32 s5, s22;
	s22 =	simm.s32 $0x0  }
0x44: {  	[tilespmem:s8], [sflag:$0x3] =	stream.linear.gather [hbm4b:s24+s22], $0x4000, $0x38;
	[tilespmem:$0x1FC80] =	vst v63  }
0x45: {  	s24 =	sshrl.u32 s18, $0x3  }
0x46: {  	s18 =	sadd.s32 s6, s24  }
0x47: {  	[tilespmem:s10], [sflag:$0x3] =	stream.linear.gather [hbm4b:s18+s22], $0x80, $0x38;
	[tilespmem:$0x1FC80] =	vst v63  }
0x48: {  	s13 =	sadd.s32 s16, s24  }
0x49: {  	[tilespmem:s11], [sflag:$0x3] =	stream.linear.gather [hbm4b:s13+s22], $0x80, $0x38;
	[tilespmem:$0x1FC80] =	vst v63  }
0x4a: {  	_ =	swait.ge [sflag:s12], $0x4000  }
0x4b: {  	[sflag:s12] =	ssyncset.done $0x0  }
0x4c: {  	[sflag:s12] =	ssyncadd.s32 $0xFFFFC000  }
0x4d: {  	_ =	swait.ge [sflag:s12], $0x80  }
0x4e: {  	[sflag:s12] =	ssyncset.done $0x0  }
0x4f: {  	[sflag:s12] =	ssyncadd.s32 $0xFFFFFF80  }
0x50: {  	_ =	swait.ge [sflag:s12], $0x80  }
0x51: {  	[sflag:s12] =	ssyncset.done $0x0  }
0x52: {  	[sflag:s12] =	ssyncadd.s32 $0xFFFFFF80  }
0x53: {  	[tilespmem:s31], [sflag:$0x2] =	stream.indirect.gather.add.f32 [hbm:s4], $0x80, s0, s0, $0xb8;
	[tilespmem:$0x1FC80] =	vst v63  }
0x54: {  	_ =	swait.ge [sflag:s3], $0x4000  }
0x55: {  	[sflag:s3] =	ssyncset.done $0x0  }
0x56: {  	s18 =	simm.s32 $0x0;
	[sflag:s3] =	ssyncadd.s32 $0xFFFFC000  }
0x57: {  	v2 =	vld [tilespmem:s18+$0x300]  }
0x58: {  	v4 =	vld [tilespmem:s18+$0x310]  }
0x59: {  	v3 =	vld [tilespmem:s18+$0x320]  }
0x5a: {  	v1 =	vld [tilespmem:s18+$0x330]  }
0x5b: {  	v0 =	vld [tilespmem:s18+$0x340]  }
0x5c: {  	v5 =	vmax.f32 v2, $0.0e+00;
	v2 =	vld [tilespmem:s18+$0x350]  }
0x5d: {  	s13 =	simm.s32 $0x200;
	[tilespmem:s18+$0x300] =	vst v5;
	v5 =	vmax.f32 v4, $0.0e+00;
	v4 =	vld [tilespmem:s18+$0x360]  }
.LBB2_3:
0x5e: {  	s22 =	sshra.s32 s13, $0x2;
	p1 =	sne.s32 s13, $0xFE00;
	[tilespmem:s18+$0x310] =	vst v5;
	v3 =	vmax.f32 v3, $0.0e+00;
	v5 =	vld [tilespmem:s18+$0x370]  }
0x5f: {  	v6 =	vld [tilespmem:s22+$0x300];
	[tilespmem:s18+$0x320] =	vst v3;
	v1 =	vmax.f32 v1, $0.0e+00  }
0x60: {  	v7 =	vld [tilespmem:s22+$0x310];
	[tilespmem:s18+$0x330] =	vst v1;
	v0 =	vmax.f32 v0, $0.0e+00  }
.Ltmp0:
0x61: {  	v3 =	vld [tilespmem:s22+$0x320];
	[tilespmem:s18+$0x340] =	vst v0;
	v0 =	vmax.f32 v2, $0.0e+00;
	(pc) =	sbr.rel @p1 .LBB2_3-.Ltmp0, $4  }
0x62: {  	v1 =	vld [tilespmem:s22+$0x330];
	[tilespmem:s18+$0x350] =	vst v0;
	v2 =	vmax.f32 v4, $0.0e+00  }
0x63: {  	v0 =	vld [tilespmem:s22+$0x340];
	[tilespmem:s18+$0x360] =	vst v2;
	v4 =	vmax.f32 v5, $0.0e+00  }
0x64: {  	v5 =	vmax.f32 v6, $0.0e+00;
	v2 =	vld [tilespmem:s22+$0x350];
	[tilespmem:s18+$0x370] =	vst v4;
	s18 =	smov.u32 s22  }
0x65: {  	s13 =	sadd.s32 $0x200, s13;
	[tilespmem:s18+$0x300] =	vst v5;
	v5 =	vmax.f32 v7, $0.0e+00;
	v4 =	vld [tilespmem:s18+$0x360]  }
0x66: {  	[tilespmem:s18+$0x310] =	vst v5;
	v3 =	vmax.f32 v3, $0.0e+00;
	v5 =	vld [tilespmem:s18+$0x370]  }
0x67: {  	[tilespmem:s18+$0x320] =	vst v3;
	v1 =	vmax.f32 v1, $0.0e+00  }
0x68: {  	[tilespmem:s18+$0x330] =	vst v1;
	v0 =	vmax.f32 v0, $0.0e+00  }
0x69: {  	[tilespmem:s18+$0x340] =	vst v0;
	v0 =	vmax.f32 v2, $0.0e+00  }
0x6a: {  	[tilespmem:s18+$0x350] =	vst v0;
	v0 =	vmax.f32 v4, $0.0e+00  }
0x6b: {  	p1 =	seq.s32 s15, $0x19;
	[tilespmem:s18+$0x360] =	vst v0;
	v0 =	vmax.f32 v5, $0.0e+00  }
0x6c: {  	s13 =	simm.s32 @!p1 $0x1;
	[tilespmem:s18+$0x370] =	vst v0  }
0x6d: {  	[spmem:s1] =	stream.indirect.scatter.add.f32 [tilespmem:s29], [sflag:$0x1], $0x80, s30, s0, $0xb8;
	[tilespmem:$0x1FC80] =	vst v63  }
0x6e: {  	_ =	swait.ge @!p1 [sflag:s13], $0x4000  }
0x6f: {  	s18 =	sadd.s32 @!p1 s17, s20;
	[sflag:s13] =	ssyncset.done @!p1 $0x0  }
0x70: {  	[sflag:s13] =	ssyncadd.s32 @!p1 $0xFFFFC000;
	s13 =	sshll.u32 @!p1 s18, $0x4  }
0x71: {  	s22 =	simm.s32 @!p1 $0x0;
	s24 =	simm.s32 @!p1 $0x300;
	s13 =	sadd.s32 @!p1 s5, s13  }
0x72: {  	[tilespmem:s24], [sflag:$0x1] =	stream.linear.gather @!p1 [hbm4b:s13+s22], $0x4000, $0x38;
	[tilespmem:$0x1FC80] =	vst v63  }
0x73: {  	s13 =	sshrl.u32 @!p1 s18, $0x3  }
0x74: {  	s18 =	sadd.s32 @!p1 s6, s13  }
0x75: {  	[tilespmem:s22], [sflag:$0x1] =	stream.linear.gather @!p1 [hbm4b:s18+s22], $0x80, $0x38;
	[tilespmem:$0x1FC80] =	vst v63  }
0x76: {  	s13 =	sadd.s32 @!p1 s16, s13;
	s18 =	simm.s32 @!p1 $0x180  }
0x77: {  	[tilespmem:s18], [sflag:$0x1] =	stream.linear.gather @!p1 [hbm4b:s13+s22], $0x80, $0x38;
	[tilespmem:$0x1FC80] =	vst v63  }
0x78: {  	_ =	swait.ge [sflag:s14], $0x4000  }
0x79: {  	[sflag:s14] =	ssyncset.done $0x0  }
0x7a: {  	[sflag:s14] =	ssyncadd.s32 $0xFFFFC000  }
0x7b: {  	_ =	swait.ge [sflag:s14], $0x80  }
0x7c: {  	[sflag:s14] =	ssyncset.done $0x0  }
0x7d: {  	[sflag:s14] =	ssyncadd.s32 $0xFFFFFF80  }
0x7e: {  	_ =	swait.ge [sflag:s14], $0x80  }
0x7f: {  	[sflag:s14] =	ssyncset.done $0x0  }
0x80: {  	[sflag:s14] =	ssyncadd.s32 $0xFFFFFF80  }
0x81: {  	[tilespmem:s8], [sflag:$0x3] =	stream.indirect.gather.add.f32 [hbm:s4], $0x80, s10, s0, $0xb8;
	[tilespmem:$0x1FC80] =	vst v63  }
0x82: {  	_ =	swait.ge [sflag:s12], $0x4000  }
0x83: {  	[sflag:s12] =	ssyncset.done $0x0  }
0x84: {  	s18 =	simm.s32 $0x0;
	[sflag:s12] =	ssyncadd.s32 $0xFFFFC000  }
0x85: {  	v2 =	vld [tilespmem:s18+$0x4300]  }
0x86: {  	v4 =	vld [tilespmem:s18+$0x4310]  }
0x87: {  	v3 =	vld [tilespmem:s18+$0x4320]  }
0x88: {  	v1 =	vld [tilespmem:s18+$0x4330]  }
0x89: {  	v0 =	vld [tilespmem:s18+$0x4340]  }
0x8a: {  	v5 =	vmax.f32 v2, $0.0e+00;
	v2 =	vld [tilespmem:s18+$0x4350]  }
0x8b: {  	s13 =	simm.s32 $0x200;
	[tilespmem:s18+$0x4300] =	vst v5;
	v5 =	vmax.f32 v4, $0.0e+00;
	v4 =	vld [tilespmem:s18+$0x4360]  }
.LBB2_5:
0x8c: {  	s22 =	sshra.s32 s13, $0x2;
	p2 =	sne.s32 s13, $0xFE00;
	[tilespmem:s18+$0x4310] =	vst v5;
	v3 =	vmax.f32 v3, $0.0e+00;
	v5 =	vld [tilespmem:s18+$0x4370]  }
0x8d: {  	v6 =	vld [tilespmem:s22+$0x4300];
	[tilespmem:s18+$0x4320] =	vst v3;
	v1 =	vmax.f32 v1, $0.0e+00  }
0x8e: {  	v7 =	vld [tilespmem:s22+$0x4310];
	[tilespmem:s18+$0x4330] =	vst v1;
	v0 =	vmax.f32 v0, $0.0e+00  }
.Ltmp1:
0x8f: {  	v3 =	vld [tilespmem:s22+$0x4320];
	[tilespmem:s18+$0x4340] =	vst v0;
	v0 =	vmax.f32 v2, $0.0e+00;
	(pc) =	sbr.rel @p2 .LBB2_5-.Ltmp1, $4  }
0x90: {  	v1 =	vld [tilespmem:s22+$0x4330];
	[tilespmem:s18+$0x4350] =	vst v0;
	v2 =	vmax.f32 v4, $0.0e+00  }
0x91: {  	v0 =	vld [tilespmem:s22+$0x4340];
	[tilespmem:s18+$0x4360] =	vst v2;
	v4 =	vmax.f32 v5, $0.0e+00  }
0x92: {  	v5 =	vmax.f32 v6, $0.0e+00;
	v2 =	vld [tilespmem:s22+$0x4350];
	[tilespmem:s18+$0x4370] =	vst v4;
	s18 =	smov.u32 s22  }
0x93: {  	s13 =	sadd.s32 $0x200, s13;
	[tilespmem:s18+$0x4300] =	vst v5;
	v5 =	vmax.f32 v7, $0.0e+00;
	v4 =	vld [tilespmem:s18+$0x4360]  }
0x94: {  	[tilespmem:s18+$0x4310] =	vst v5;
	v3 =	vmax.f32 v3, $0.0e+00;
	v5 =	vld [tilespmem:s18+$0x4370]  }
0x95: {  	[tilespmem:s18+$0x4320] =	vst v3;
	v1 =	vmax.f32 v1, $0.0e+00  }
0x96: {  	[tilespmem:s18+$0x4330] =	vst v1;
	v0 =	vmax.f32 v0, $0.0e+00  }
0x97: {  	[tilespmem:s18+$0x4340] =	vst v0;
	v0 =	vmax.f32 v2, $0.0e+00  }
0x98: {  	[tilespmem:s18+$0x4350] =	vst v0;
	v0 =	vmax.f32 v4, $0.0e+00  }
0x99: {  	[tilespmem:s18+$0x4360] =	vst v0;
	v0 =	vmax.f32 v5, $0.0e+00  }
0x9a: {  	s13 =	simm.s32 @!p1 $0x2;
	[tilespmem:s18+$0x4370] =	vst v0  }
0x9b: {  	[spmem:s1] =	stream.indirect.scatter.add.f32 [tilespmem:s31], [sflag:$0x2], $0x80, s7, s0, $0xb8;
	[tilespmem:$0x1FC80] =	vst v63  }
0x9c: {  	_ =	swait.ge @!p1 [sflag:s13], $0x4000  }
0x9d: {  	s17 =	sadd.s32 @!p1 s17, s21;
	[sflag:s13] =	ssyncset.done @!p1 $0x0  }
0x9e: {  	[sflag:s13] =	ssyncadd.s32 @!p1 $0xFFFFC000;
	s13 =	sshll.u32 @!p1 s17, $0x4  }
0x9f: {  	s22 =	simm.s32 @!p1 $0x4300;
	s18 =	simm.s32 @!p1 $0x0;
	s13 =	sadd.s32 @!p1 s5, s13  }
0xa0: {  	[tilespmem:s22], [sflag:$0x2] =	stream.linear.gather @!p1 [hbm4b:s13+s18], $0x4000, $0x38;
	[tilespmem:$0x1FC80] =	vst v63  }
0xa1: {  	s13 =	sshrl.u32 @!p1 s17, $0x3  }
0xa2: {  	s22 =	simm.s32 @!p1 $0x80;
	s17 =	sadd.s32 @!p1 s6, s13  }
0xa3: {  	[tilespmem:s22], [sflag:$0x2] =	stream.linear.gather @!p1 [hbm4b:s17+s18], $0x80, $0x38;
	[tilespmem:$0x1FC80] =	vst v63  }
0xa4: {  	s13 =	sadd.s32 @!p1 s16, s13;
	s17 =	simm.s32 @!p1 $0x200  }
0xa5: {  	[tilespmem:s17], [sflag:$0x2] =	stream.linear.gather @!p1 [hbm4b:s13+s18], $0x80, $0x38;
	[tilespmem:$0x1FC80] =	vst v63  }
0xa6: {  	s13 =	simm.s32 @!p1 $0x1  }
0xa7: {  	_ =	swait.ge @!p1 [sflag:s13], $0x4000  }
0xa8: {  	[sflag:s13] =	ssyncset.done @!p1 $0x0  }
0xa9: {  	[sflag:s13] =	ssyncadd.s32 @!p1 $0xFFFFC000  }
0xaa: {  	_ =	swait.ge @!p1 [sflag:s13], $0x80  }
0xab: {  	[sflag:s13] =	ssyncset.done @!p1 $0x0  }
0xac: {  	[sflag:s13] =	ssyncadd.s32 @!p1 $0xFFFFFF80  }
0xad: {  	_ =	swait.ge @!p1 [sflag:s13], $0x80  }
0xae: {  	[sflag:s13] =	ssyncset.done @!p1 $0x0  }
0xaf: {  	[sflag:s13] =	ssyncadd.s32 @!p1 $0xFFFFFF80;
	s13 =	simm.s32 @!p1 $0x300  }
0xb0: {  	[tilespmem:s13], [sflag:$0x1] =	stream.indirect.gather.add.f32 @!p1 [hbm:s4], $0x80, s18, s22, $0xb8;
	[tilespmem:$0x1FC80] =	vst v63  }
0xb1: {  	_ =	swait.ge [sflag:s14], $0x4000  }
0xb2: {  	[sflag:s14] =	ssyncset.done $0x0  }
0xb3: {  	s17 =	simm.s32 $0x0;
	[sflag:s14] =	ssyncadd.s32 $0xFFFFC000  }
0xb4: {  	v2 =	vld [tilespmem:s17+$0x8300]  }
0xb5: {  	v4 =	vld [tilespmem:s17+$0x8310]  }
0xb6: {  	v3 =	vld [tilespmem:s17+$0x8320]  }
0xb7: {  	v1 =	vld [tilespmem:s17+$0x8330]  }
0xb8: {  	v0 =	vld [tilespmem:s17+$0x8340]  }
0xb9: {  	v5 =	vmax.f32 v2, $0.0e+00;
	v2 =	vld [tilespmem:s17+$0x8350]  }
0xba: {  	s13 =	simm.s32 $0x200;
	[tilespmem:s17+$0x8300] =	vst v5;
	v5 =	vmax.f32 v4, $0.0e+00;
	v4 =	vld [tilespmem:s17+$0x8360]  }
.LBB2_7:
0xbb: {  	s18 =	sshra.s32 s13, $0x2;
	p1 =	sne.s32 s13, $0xFE00;
	[tilespmem:s17+$0x8310] =	vst v5;
	v3 =	vmax.f32 v3, $0.0e+00;
	v5 =	vld [tilespmem:s17+$0x8370]  }
0xbc: {  	v6 =	vld [tilespmem:s18+$0x8300];
	[tilespmem:s17+$0x8320] =	vst v3;
	v1 =	vmax.f32 v1, $0.0e+00  }
0xbd: {  	v7 =	vld [tilespmem:s18+$0x8310];
	[tilespmem:s17+$0x8330] =	vst v1;
	v0 =	vmax.f32 v0, $0.0e+00  }
.Ltmp2:
0xbe: {  	v3 =	vld [tilespmem:s18+$0x8320];
	[tilespmem:s17+$0x8340] =	vst v0;
	v0 =	vmax.f32 v2, $0.0e+00;
	(pc) =	sbr.rel @p1 .LBB2_7-.Ltmp2, $4  }
0xbf: {  	v1 =	vld [tilespmem:s18+$0x8330];
	[tilespmem:s17+$0x8350] =	vst v0;
	v2 =	vmax.f32 v4, $0.0e+00  }
0xc0: {  	v0 =	vld [tilespmem:s18+$0x8340];
	[tilespmem:s17+$0x8360] =	vst v2;
	v4 =	vmax.f32 v5, $0.0e+00  }
0xc1: {  	v5 =	vmax.f32 v6, $0.0e+00;
	v2 =	vld [tilespmem:s18+$0x8350];
	[tilespmem:s17+$0x8370] =	vst v4;
	s17 =	smov.u32 s18  }
0xc2: {  	s13 =	sadd.s32 $0x200, s13;
	[tilespmem:s17+$0x8300] =	vst v5;
	v5 =	vmax.f32 v7, $0.0e+00;
	v4 =	vld [tilespmem:s17+$0x8360]  }
0xc3: {  	[tilespmem:s17+$0x8310] =	vst v5;
	v3 =	vmax.f32 v3, $0.0e+00;
	v60 =	vld [tilespmem:s17+$0x8370]  }
0xc4: {  	s15 =	sadd.s32 $0x1, s15;
	[tilespmem:s17+$0x8320] =	vst v3;
	v1 =	vmax.f32 v1, $0.0e+00  }
0xc5: {  	p1 =	sne.s32 s15, $0x1A;
	[tilespmem:s17+$0x8330] =	vst v1;
	v0 =	vmax.f32 v0, $0.0e+00  }
.Ltmp3:
0xc6: {  	[tilespmem:s17+$0x8340] =	vst v0;
	v61 =	vmax.f32 v2, $0.0e+00;
	(pc) =	sbr.rel @p1 .LBB2_2-.Ltmp3, $4  }
0xc7: {  	[tilespmem:s17+$0x8350] =	vst v61;
	v62 =	vmax.f32 v4, $0.0e+00  }
0xc8: {  	[tilespmem:s17+$0x8360] =	vst v62;
	v63 =	vmax.f32 v60, $0.0e+00  }
0xc9: {  	[tilespmem:s17+$0x8370] =	vst v63  }
0xca: {  	[spmem:s1] =	stream.indirect.scatter.add.f32 [tilespmem:s8], [sflag:$0x3], $0x80, s11, s0, $0xb8;
	[tilespmem:$0x1FC80] =	vst v63  }
0xcb: {  	_ =	swait.ge [sflag:s3], $0x4000  }
0xcc: {  	[sflag:s3] =	ssyncset.done $0x0  }
0xcd: {  	[sflag:s3] =	ssyncadd.s32 $0xFFFFC000  }
0xce: {  	_ =	swait.ge [sflag:s12], $0x4000  }
0xcf: {  	[sflag:s12] =	ssyncset.done $0x0  }
0xd0: {  	[sflag:s12] =	ssyncadd.s32 $0xFFFFC000  }
0xd1: {  	_ =	swait.ge [sflag:s14], $0x4000  }
0xd2: {  	s13 =	simm.s32 $0x0;
	[sflag:s14] =	ssyncset.done $0x0  }
0xd3: {  	s17 =	simm.s32 $0xC300;
	s15 =	rddreg [dreg:$0x12];
	[sflag:s14] =	ssyncadd.s32 $0xFFFFC000  }
0xd4: {  	[tilespmem:s17], [sflag:$0x4] =	stream.linear.gather [hbm4b:s15+s13], $0x10, $0x38;
	[tilespmem:$0x1FC80] =	vst v63  }
0xd5: {  	_ =	swait.ge [sflag:s28], $0x10  }
0xd6: {  	[sflag:s28] =	ssyncset.done $0x0;
	s22 =	rddreg [dreg:$0xe]  }
0xd7: {  	s18 =	simm.s32 $0xC380;
	[sflag:s28] =	ssyncadd.s32 $0xFFFFFFF0;
	s15 =	sadd.s32 s22, s16  }
0xd8: {  	[tilespmem:s18], [sflag:$0x4] =	stream.linear.gather [hbm4b:s15+s13], $0x10, $0x38;
	[tilespmem:$0x1FC80] =	vst v63  }
0xd9: {  	_ =	swait.ge [sflag:s28], $0x10  }
0xda: {  	[sflag:s28] =	ssyncset.done $0x0  }
0xdb: {  	s24 =	rddreg [dreg:$0xf];
	[sflag:s28] =	ssyncadd.s32 $0xFFFFFFF0  }
0xdc: {  	[tilespmem:s29], [sflag:$0x4] =	stream.linear.gather [hbm4b:s24+s13], $0x800, $0x38;
	[tilespmem:$0x1FC80] =	vst v63  }
0xdd: {  	_ =	swait.ge [sflag:s28], $0x800  }
0xde: {  	[sflag:s28] =	ssyncset.done $0x0  }
0xdf: {  	s22 =	simm.s32 $0x10;
	[sflag:s28] =	ssyncadd.s32 $0xFFFFF800  }
0xe0: {  	[tilespmem:s29], [sflag:$0x1] =	stream.indirect.gather.add.f32 [hbm:s4], $0x80, s17, s22, $0xb8;
	[tilespmem:$0x1FC80] =	vst v63  }
0xe1: {  	_ =	swait.ge [sflag:s3], $0x800  }
0xe2: {  	[sflag:s3] =	ssyncset.done $0x0  }
0xe3: {  	s15 =	simm.s32 $0x0;
	[sflag:s3] =	ssyncadd.s32 $0xFFFFF800  }
0xe4: {  	v2 =	vld [tilespmem:s15+$0x300]  }
0xe5: {  	v4 =	vld [tilespmem:s15+$0x310]  }
0xe6: {  	v3 =	vld [tilespmem:s15+$0x320]  }
0xe7: {  	v1 =	vld [tilespmem:s15+$0x330]  }
0xe8: {  	v0 =	vld [tilespmem:s15+$0x340]  }
0xe9: {  	v5 =	vmax.f32 v2, $0.0e+00;
	v2 =	vld [tilespmem:s15+$0x350]  }
0xea: {  	s13 =	simm.s32 $0x200;
	[tilespmem:s15+$0x300] =	vst v5;
	v5 =	vmax.f32 v4, $0.0e+00;
	v4 =	vld [tilespmem:s15+$0x360]  }
.LBB2_10:
0xeb: {  	s17 =	sshra.s32 s13, $0x2;
	p1 =	sne.s32 s13, $0x1E00;
	[tilespmem:s15+$0x310] =	vst v5;
	v3 =	vmax.f32 v3, $0.0e+00;
	v5 =	vld [tilespmem:s15+$0x370]  }
0xec: {  	v6 =	vld [tilespmem:s17+$0x300];
	[tilespmem:s15+$0x320] =	vst v3;
	v1 =	vmax.f32 v1, $0.0e+00  }
0xed: {  	v7 =	vld [tilespmem:s17+$0x310];
	[tilespmem:s15+$0x330] =	vst v1;
	v0 =	vmax.f32 v0, $0.0e+00  }
.Ltmp4:
0xee: {  	v3 =	vld [tilespmem:s17+$0x320];
	[tilespmem:s15+$0x340] =	vst v0;
	v0 =	vmax.f32 v2, $0.0e+00;
	(pc) =	sbr.rel @p1 .LBB2_10-.Ltmp4, $4  }
0xef: {  	v1 =	vld [tilespmem:s17+$0x330];
	[tilespmem:s15+$0x350] =	vst v0;
	v2 =	vmax.f32 v4, $0.0e+00  }
0xf0: {  	v0 =	vld [tilespmem:s17+$0x340];
	[tilespmem:s15+$0x360] =	vst v2;
	v4 =	vmax.f32 v5, $0.0e+00  }
0xf1: {  	v5 =	vmax.f32 v6, $0.0e+00;
	v2 =	vld [tilespmem:s17+$0x350];
	[tilespmem:s15+$0x370] =	vst v4;
	s15 =	smov.u32 s17  }
0xf2: {  	s13 =	sadd.s32 $0x200, s13;
	[tilespmem:s15+$0x300] =	vst v5;
	v5 =	vmax.f32 v7, $0.0e+00;
	v4 =	vld [tilespmem:s15+$0x360]  }
0xf3: {  	[tilespmem:s15+$0x310] =	vst v5;
	v3 =	vmax.f32 v3, $0.0e+00;
	v60 =	vld [tilespmem:s15+$0x370]  }
0xf4: {  	[tilespmem:s15+$0x320] =	vst v3;
	v1 =	vmax.f32 v1, $0.0e+00  }
0xf5: {  	[tilespmem:s15+$0x330] =	vst v1;
	v0 =	vmax.f32 v0, $0.0e+00  }
0xf6: {  	[tilespmem:s15+$0x340] =	vst v0;
	v61 =	vmax.f32 v2, $0.0e+00  }
0xf7: {  	[tilespmem:s15+$0x350] =	vst v61;
	v62 =	vmax.f32 v4, $0.0e+00  }
0xf8: {  	[tilespmem:s15+$0x360] =	vst v62;
	v63 =	vmax.f32 v60, $0.0e+00  }
0xf9: {  	[tilespmem:s15+$0x370] =	vst v63  }
0xfa: {  	[spmem:s1] =	stream.indirect.scatter.add.f32 [tilespmem:s29], [sflag:$0x4], $0x80, s18, s22, $0xb8;
	[tilespmem:$0x1FC80] =	vst v63  }
0xfb: {  	_ =	swait.ge [sflag:s28], $0x800  }
0xfc: {  	[sflag:s28] =	ssyncset.done $0x0  }
0xfd: {  	[sflag:s28] =	ssyncadd.s32 $0xFFFFF800  }
0xfe: {  	[bflag:$0x0] =	sbarrier.arrive $0xFFFF  }
0xff: {  	s13 =	rddreg [dreg:$0x3]  }
0x100: {  	s15 =	rddreg [dreg:$0x10]  }
0x101: {  	s13 =	sadd.s32 s13, s15  }
0x102: {  	[hbm:s13], [sflag:s9] =	dma.local [spmem:s25], $0x2700  }
0x103: {  	_ =	swait.ge [sflag:s28], $0x2700  }
0x104: {  	[sflag:s28] =	ssyncset.done $0x0  }
0x105: {  	s13 =	sadd.s32 @!p0 $0x27000, s15;
	[sflag:s28] =	ssyncadd.s32 $0xFFFFD900  }
0x106: {  	[hbm:s13], [sflag:s9] =	dma.local @!p0 [spmem:s26], $0x100  }
0x107: {  	s13 =	simm.s32 @!p0 $0x4  }
0x108: {  	_ =	swait.ge @!p0 [sflag:s13], $0x100  }
0x109: {  	s23 =	sadd.s32 $0x1, s23;
	s26 =	rddreg [dreg:$0x11]  }
0x10a: {  	p1 =	sne.s32 s23, s26  }
.Ltmp5:
0x10b: {  	_ = 	snop;
	(pc) =	sbr.rel @p1 .LBB2_1-.Ltmp5, $3  }
0x10c: {  	_ =	sdelay $0x1  }
0x10d: {  	[sflag:s13] =	ssyncset.done @!p0 $0x0  }
0x10e: {  	[sflag:s13] =	ssyncadd.s32 @!p0 $0xFFFFFF00  }
0x10f: {  	_ =	sfence.sel $0x180000  }
0x110: {  	[bflag:$0x0] =	sbarrier.arrive $0xFFFF  }
0x111: {  	_ =	strace $0x9000004A  }
0x112: {  	[bflag:$0x2] =	sbarrier.arrive $0xFFFF  }
0x113: {  	s0 =	rddreg [dreg:$0x2]  }
0x114: {  	s0 =	sadd.s32 @!p0 $0x100000, s0  }
0x115: {  	[sflag:s0] =	ssyncadd.tile.s32 @!p0 $0x1;
	_ =	shalt  }
.Lfunc_end2:
_tile_overlayer_lowered:
.L_overlay_start_2:
0x116: {  	(tag) =	ssettag $0x2  }
0x117: {  	s0 =	rddreg [dreg:$0x0];
	s2 =	stileid.u32  }
0x118: {  	s1 =	rddreg [dreg:$0x1];
	p0 =	sne.s32 s2, $0x0  }
0x119: {  	s3 =	rddreg [dreg:$0x2];
	[bflag:$0x3] =	sbarrier.arrive $0xFFFF;
	s2 =	simm.s32 @!p0 $0x1C04  }
0x11a: {  	[timem:s3], [sflag:s2] =	dma.local @!p0 [hbm:s0], s1  }
0x11b: {  	s0 =	simm.s32 @!p0 $0x4  }
0x11c: {  	_ =	swait.ge @!p0 [sflag:s0], s1  }
0x11d: {  	s1 =	ssub.s32 @!p0 $0x0, s1;
	[sflag:s0] =	ssyncset.done @!p0 $0x0  }
0x11e: {  	[sflag:s0] =	ssyncadd.s32 @!p0 s1  }
0x11f: {  	[bflag:$0x3] =	sbarrier.arrive $0xFFFF  }
0x120: {  	_ =	shalt  }

// kernel: kernel.18.cloned.1.call-start
scs
__scs_entry_jumppad:
0x0: {  	(pc) =	sbr.rel $0x88, $3  }
0x1: {  	(tag) =	ssettag $0x0;
	lr =	simm.s32 $0x1  }
0x2: {  	[smem:$0x3F7F] =	sst lr;
	_ =	strace $0xD0000000  }
0x3: {  	_ = 	snop  }
0x4: {  	_ = 	snop  }
0x5: {  	_ = 	snop  }
0x6: {  	_ = 	snop  }
0x7: {  	_ = 	snop  }
__scs_overlays_trampoline_lowered:
0x8: {  	[smem:$0x3F8E] =	sst s0  }
0x9: {  	[smem:$0x3F8F] =	sst s1  }
0xa: {  	[smem:$0x3F90] =	sst s2  }
0xb: {  	[smem:$0x3F91] =	sst s3  }
0xc: {  	[smem:$0x3F92] =	sst s4  }
0xd: {  	[smem:$0x3F93] =	sst s5  }
0xe: {  	[smem:$0x3F94] =	sst s6  }
0xf: {  	[smem:$0x3F95] =	sst s7  }
0x10: {  	[smem:$0x3F96] =	sst s8  }
0x11: {  	[smem:$0x3F97] =	sst s9;
	s0 =	simm.s32 @!p0 $0x0  }
0x12: {  	s1 =	sld [smem:$0x3F7D];
	s0 =	simm.s32 @p0 $0x1  }
0x13: {  	[smem:$0x3F98] =	sst s0;
	s0 =	simm.s32 @!p1 $0x0  }
0x14: {  	s2 =	sld [smem:$0x3F7C];
	s0 =	simm.s32 @p1 $0x1  }
0x15: {  	[smem:$0x3F99] =	sst s0;
	s0 =	simm.s32 @!p2 $0x0  }
0x16: {  	s3 =	sld [smem:$0x3FDB];
	s0 =	simm.s32 @p2 $0x1  }
0x17: {  	s4 =	simm.s32 $0x1BF5;
	[smem:$0x3F9B] =	sst s0  }
0x18: {  	s0 =	sld [smem:$0x3F7E];
	_ =	swait.ge [sflag:s4], $0x0  }
0x19: {  	s7 =	sld [smem:$0x3F7F]  }
0x1a: {  	s8 =	sadd.s32 $0xFFFFE003, lr  }
0x1b: {  	s9 =	sadd.s32 $0xFFFFFEF7, lr;
	s5 =	simm.s32 $0xFFFFFFFF;
	p2 =	slt.u32 s8, $0xFFFFF086  }
0x1c: {  	p1 =	slt.u32 s9, $0xF7A;
	s5 =	simm.s32 @!p2 $0x0  }
0x1d: {  	s5 =	simm.s32 @p1 $0x1;
	p0 =	seq.s32 s7, s2  }
0x1e: {  	s7 =	smul.u32 @!p0 $0xF7A, s2;
	p2 =	seq.s32 @!p0 s5, $0x0  }
0x1f: {  	s9 =	smul.u32 $0xF7A, s1;
	s8 =	simm.s32 @!p0 $0x1BF5;
	p2 =	por !p2, p0  }
0x20: {  	[sflag:s8] =	ssyncset.s32 @!p0 $0xFFFFF086;
	s6 =	sadd.s32 @!p0 s3, s7;
	s7 =	simm.s32 @!p0 $0x108  }
0x21: {  	s3 =	sadd.s32 s3, s9;
	s6 =	sadd.s32 @!p0 $0x88, s6;
	s7 =	simm.s32 @p2 $0x1082  }
0x22: {  	[simem:s7], [sflag:s8] =	dma.local @!p0 [hbm:s6], $0xF7A  }
0x23: {  	s9 =	sor.u32 $0xD0000000, s2;
	s6 =	simm.s32 $0x108;
	_ =	swait.ge @!p0 [sflag:s8], $0x0  }
0x24: {  	s3 =	sadd.s32 $0x88, s3;
	s6 =	simm.s32 @!p1 $0x1082;
	[sflag:s4] =	ssyncset.s32 $0xFFFFF086  }
0x25: {  	[simem:s6], [sflag:s4] =	dma.local [hbm:s3], $0xF7A  }
0x26: {  	[smem:$0x3F7F] =	sst s1;
	(tag) =	ssettag s2;
	_ =	strace s9  }
0x27: {  	s1 =	sld [smem:$0x3F8F]  }
0x28: {  	s2 =	sld [smem:$0x3F90]  }
0x29: {  	s4 =	sld [smem:$0x3F92]  }
0x2a: {  	p0 =	seq.s32 s5, $0x0;
	s5 =	sld [smem:$0x3F93]  }
0x2b: {  	s6 =	sld [smem:$0x3F94]  }
0x2c: {  	s7 =	sld [smem:$0x3F95]  }
0x2d: {  	s3 =	simm.s32 $0x108;
	s8 =	sld [smem:$0x3F96]  }
0x2e: {  	s3 =	simm.s32 @!p0 $0x1082;
	s9 =	sld [smem:$0x3F97]  }
0x2f: {  	lr =	sadd.s32 s0, s3;
	s0 =	sld [smem:$0x3F8E]  }
0x30: {  	s3 =	sld [smem:$0x3F91]  }
0x31: {  	[smem:$0x3F9A] =	sst s10  }
0x32: {  	s10 =	sld [smem:$0x3F98];
	_ =	sdelay $0x3  }
0x33: {  	p0 =	seq.s32 s10, $0x1;
	s10 =	sld [smem:$0x3F9A];
	_ =	sdelay $0x3  }
0x34: {  	[smem:$0x3F9A] =	sst s10  }
0x35: {  	s10 =	sld [smem:$0x3F99];
	_ =	sdelay $0x3  }
0x36: {  	p1 =	seq.s32 s10, $0x1;
	s10 =	sld [smem:$0x3F9A];
	_ =	sdelay $0x3  }
0x37: {  	[smem:$0x3F9A] =	sst s10  }
0x38: {  	s10 =	sld [smem:$0x3F9B]  }
0x39: {  	_ = 	snop;
	(pc) =	sbr.ind lr, $3  }
0x3a: {  	_ = 	snop  }
0x3b: {  	_ = 	snop  }
0x3c: {  	p2 =	seq.s32 s10, $0x1;
	s10 =	sld [smem:$0x3F9A]  }
0x3d: {  	_ =	shalt  }
0x3e: {  	_ =	shalt  }
0x3f: {  	_ =	shalt  }
0x40: {  	_ =	shalt  }
0x41: {  	_ =	shalt  }
0x42: {  	_ =	shalt  }
0x43: {  	_ =	shalt  }
0x44: {  	_ =	shalt  }
0x45: {  	_ =	shalt  }
0x46: {  	_ =	shalt  }
0x47: {  	_ =	shalt  }
0x48: {  	_ =	shalt  }
0x49: {  	_ =	shalt  }
0x4a: {  	_ =	shalt  }
0x4b: {  	_ =	shalt  }
0x4c: {  	_ =	shalt  }
0x4d: {  	_ =	shalt  }
0x4e: {  	_ =	shalt  }
0x4f: {  	_ =	shalt  }
0x50: {  	_ =	shalt  }
0x51: {  	_ =	shalt  }
0x52: {  	_ =	shalt  }
0x53: {  	_ =	shalt  }
0x54: {  	_ =	shalt  }
0x55: {  	_ =	shalt  }
0x56: {  	_ =	shalt  }
0x57: {  	_ =	shalt  }
0x58: {  	_ =	shalt  }
0x59: {  	_ =	shalt  }
0x5a: {  	_ =	shalt  }
0x5b: {  	_ =	shalt  }
0x5c: {  	_ =	shalt  }
0x5d: {  	_ =	shalt  }
0x5e: {  	_ =	shalt  }
0x5f: {  	_ =	shalt  }
0x60: {  	_ =	shalt  }
0x61: {  	_ =	shalt  }
0x62: {  	_ =	shalt  }
0x63: {  	_ =	shalt  }
0x64: {  	_ =	shalt  }
0x65: {  	_ =	shalt  }
0x66: {  	_ =	shalt  }
0x67: {  	_ =	shalt  }
0x68: {  	_ =	shalt  }
0x69: {  	_ =	shalt  }
0x6a: {  	_ =	shalt  }
0x6b: {  	_ =	shalt  }
0x6c: {  	_ =	shalt  }
0x6d: {  	_ =	shalt  }
0x6e: {  	_ =	shalt  }
0x6f: {  	_ =	shalt  }
0x70: {  	_ =	shalt  }
0x71: {  	_ =	shalt  }
0x72: {  	_ =	shalt  }
0x73: {  	_ =	shalt  }
0x74: {  	_ =	shalt  }
0x75: {  	_ =	shalt  }
0x76: {  	_ =	shalt  }
0x77: {  	_ =	shalt  }
0x78: {  	_ =	shalt  }
0x79: {  	_ =	shalt  }
0x7a: {  	_ =	shalt  }
0x7b: {  	_ =	shalt  }
0x7c: {  	_ =	shalt  }
0x7d: {  	_ =	shalt  }
0x7e: {  	_ =	shalt  }
0x7f: {  	_ =	shalt  }
0x80: {  	_ =	shalt  }
0x81: {  	_ =	shalt  }
0x82: {  	_ =	shalt  }
0x83: {  	_ =	shalt  }
0x84: {  	_ =	shalt  }
0x85: {  	_ =	shalt  }
0x86: {  	_ =	shalt  }
0x87: {  	_ =	shalt  }
.Lfunc_end0:
.L_simem_size_0:
called_computation.2_lowered:
.L_overlay_start_0:
0x88: {  	s2 =	sld [smem:$0x3FD9]  }
0x89: {  	s3 =	sld [smem:$0x3FFE];
	_ =	sdelay $0x1  }
0x8a: {  	s1 =	srdreg.scid  }
0x8b: {  	s0 =	sand.u32 $0x1, s1  }
0x8c: {  	s16 =	sshll.u32 s0, $0xA;
	s2 =	sadd.s32 s3, s2  }
0x8d: {  	s2 =	sadd.s32 s2, s16  }
0x8e: {  	[smem:$0x3FA6] =	sst s2  }
0x8f: {  	_ = 	snop  }
0x90: {  	(tm) =	ssettm $0x1  }
0x91: {  	s17 =	sld [smem:$0x3FFB];
	_ =	sdelay $0x3  }
0x92: {  	_ =	strace s17  }
0x93: {  	s2 =	sld [smem:$0x3FFC];
	_ =	sdelay $0x3  }
0x94: {  	_ =	strace s2  }
0x95: {  	s2 =	sld [smem:$0x3FFD];
	_ =	sdelay $0x3  }
0x96: {  	_ =	strace s2  }
0x97: {  	_ =	strace $0x8FFFFFFF  }
0x98: {  	s18 =	sld [smem:$0x3FDB];
	_ =	sdelay $0x1  }
0x99: {  	s19 =	simm.s32 $_scs_section_size  }
0x9a: {  	s4 =	simm.s32 $_size__tile_overlayer_lowered;
	s5 =	simm.s32 $_tile_overlayer_lowered  }
0x9b: {  	s22 =	simm.s32 $0x1BFF;
	s21 =	sshll.u32 s5, $0x1;
	s2 =	sadd.s32 s19, s18  }
0x9c: {  	s6 =	simm.s32 $0x0;
	s20 =	sshll.u32 s4, $0x1;
	s4 =	sadd.s32 s21, s2  }
0x9d: {  	[timem:s6], [sflag:s22] =	dma.local [hbm:s4], s20  }
0x9e: {  	_ =	swait.ge [sflag:s22], s20  }
0x9f: {  	s3 =	ssub.s32 $0x0, s20;
	[sflag:s22] =	ssyncset.done $0x0  }
0xa0: {  	[sflag:s22] =	ssyncadd.s32 s3;
	_ =	sdelay $0x1  }
0xa1: {  	s23 =	simm.s32 $0x1B8B  }
0xa2: {  	_ =	swait.ge [sflag:s23], $0x1  }
0xa3: {  	[sflag:s23] =	ssyncset.done $0x0  }
0xa4: {  	s25 =	simm.s32 $0x1B8E;
	s24 =	sld [smem:$0x3FFE];
	[sflag:s23] =	ssyncadd.s32 $0xFFFFFFFF  }
0xa5: {  	s26 =	simm.s32 $execute0_lowered;
	[smem:$0x3FD2] =	sst s25  }
0xa6: {  	s4 =	sshll.u32 s26, $0x1;
	_ =	strace $0x8000004C;
	[dreg:$0x1] =	wrdreg $0xFFFFFFFF  }
0xa7: {  	s28 =	simm.s32 $_size_execute0_lowered;
	s2 =	sadd.s32 s2, s4;
	[dreg:$0x0] =	wrdreg $0x0  }
0xa8: {  	s4 =	sshll.u32 s28, $0x1;
	[dreg:$0x2] =	wrdreg s2  }
0xa9: {  	[dreg:$0x3] =	wrdreg s4  }
0xaa: {  	[dreg:$0x4] =	wrdreg $0xC0  }
0xab: {  	_ =	task [dreg:s6], $0x5FFFF  }
0xac: {  	[dreg:$0x1] =	wrdreg $0xFFFFFFFF  }
0xad: {  	[dreg:$0x0] =	wrdreg $0x60  }
0xae: {  	[dreg:$0x2] =	wrdreg s24  }
0xaf: {  	[dreg:$0x3] =	wrdreg $0xC4000  }
0xb0: {  	[dreg:$0x4] =	wrdreg $0x9  }
0xb1: {  	_ =	task.clear_ibuf [dreg:s6], $0x5FFFF;
	_ =	strace $0x9000004C  }
0xb2: {  	s29 =	simm.s32 $0x9;
	_ =	strace $0x8000004E  }
0xb3: {  	_ =	swait.ge [sflag:s29], $0x1  }
0xb4: {  	[sflag:s29] =	ssyncadd.s32 $0xFFFFFFFF  }
0xb5: {  	_ =	strace $0x9000004E  }
0xb6: {  	_ =	sfence  }
0xb7: {  	s30 =	sld [smem:$0x0];
	_ =	sdelay $0x2  }
0xb8: {  	s31 =	sshll.u32 s1, $0xD;
	s1 =	sshrl.u32 s1, $0x2  }
0xb9: {  	s3 =	sand.u32 $0x4000, s31;
	s1 =	sadd.s32 s1, s30  }
0xba: {  	s0 =	sor.u32 s3, s0;
	s1 =	sshll.u32 s1, $0x11  }
0xbb: {  	s0 =	sor.u32 s1, s0  }
0xbc: {  	s0 =	sadd.s32 $0x8F2B, s0  }
0xbd: {  	[sflag:s0] =	ssyncadd.remote.s32 $0x1  }
0xbe: {  	_ =	sfence.sel $0xFFFF  }
0xbf: {  	[dreg:$0x0] =	wrdreg $0xFFFFFFFF;
	(pc) =	sbr.abs _section_cstart, $3  }
0xc0: {  	[dreg:$0x1] =	wrdreg $0xFFFFFFFF  }
0xc1: {  	_ =	task.clear_ibuf [dreg:s6], $0x2FFFF;
	_ =	strace $0x9FFFFFFF  }
0xc2: {  	(tm) =	ssettm $0x7FFFFFFF  }
0xc3: {  	_ =	shalt  }
tec
execute0_lowered:
.L_overlay_start_1:
0x0: {  	(tag) =	ssettag $0x1  }
0x1: {  	s0 =	rddreg [dreg:$0x0]  }
0x2: {  	s1 =	rddreg [dreg:$0x1];
	s2 =	simm.s32 $0x0;
	s3 =	stileid.u32  }
0x3: {  	s4 =	srdreg.scid;
	s28 =	simm.s32 $0x4;
	s29 =	simm.s32 $0x300  }
0x4: {  	s30 =	simm.s32 $0x180;
	s31 =	simm.s32 $0x4300;
	[smem:$0x7FF] =	sst s2  }
0x5: {  	s9 =	smul.u32 $0x2700, s3;
	s7 =	sand.u32 $0x1, s4;
	s5 =	sadd.s32 $0xF35200, s0  }
0x6: {  	s4 =	sadd.s32 $0x6400, s0;
	s6 =	sadd.s32 $0x4E8400, s0;
	s10 =	smul.u32 $0x4E000, s3  }
0x7: {  	s15 =	sshll.u32 s3, $0x6;
	s16 =	sadd.s32 $0x138000, s1;
	s17 =	sadd.s32 $0xA04E00, s0  }
0x8: {  	p0 =	sne.s32 s3, $0x0;
	_ =	strace $0x8000004D;
	[dreg:$0x6] =	wrdreg s16  }
0x9: {  	s8 =	smul.u32 $0x27100, s7;
	s11 =	ssub.s32 $0x2, s7;
	[dreg:$0x7] =	wrdreg s17  }
0xa: {  	s7 =	sshll.u32 s7, $0x4;
	s16 =	sadd.s32 $0x4F2040, s0;
	[dreg:$0x3] =	wrdreg s9  }
0xb: {  	s9 =	sadd.s32 s9, s0;
	s12 =	sshrl.u32 s11, $0x1;
	s10 =	sshrl.u32 s10, $0x2  }
0xc: {  	s7 =	sor.u32 s3, s7;
	s8 =	sadd.s32 s8, s0;
	s10 =	sadd.s32 s10, s1  }
0xd: {  	s14 =	smul.u32 $0x2710, s7;
	s9 =	sadd.s32 $0x9DDE00, s9;
	[dreg:$0x4] =	wrdreg s10  }
0xe: {  	s11 =	ssub.s32 s11, s12;
	s7 =	smul.u32 $0x27100, s7;
	[dreg:$0x5] =	wrdreg s9  }
0xf: {  	s9 =	sor.u32 $0x1C04, s15;
	s25 =	sadd.s32 $0x2D600, s8;
	s26 =	smax.u32 s11, $0x1  }
0x10: {  	s8 =	simm.s32 $0x8300;
	s10 =	simm.s32 $0x100;
	[dreg:$0x10] =	wrdreg s25  }
0x11: {  	s11 =	simm.s32 $0x280;
	s7 =	sadd.s32 s5, s7;
	[dreg:$0x11] =	wrdreg s26  }
0x12: {  	s18 =	sshrl.u32 s14, $0x3;
	s19 =	sadd.s32 $0x80, s14;
	[dreg:$0x8] =	wrdreg s7  }
0x13: {  	s23 =	sadd.s32 $0x2700, s14;
	[dreg:$0x9] =	wrdreg s18;
	s12 =	sadd.s32 s6, s18  }
0x14: {  	s20 =	sshll.u32 s19, $0x4;
	s7 =	sshrl.u32 s19, $0x3;
	[dreg:$0xa] =	wrdreg s12  }
0x15: {  	s19 =	sadd.s32 $0x100, s14;
	s0 =	sshrl.u32 s23, $0x3;
	[dreg:$0xb] =	wrdreg s7  }
0x16: {  	s24 =	sshll.u32 s23, $0x4;
	s21 =	sadd.s32 s5, s20;
	[dreg:$0xe] =	wrdreg s0  }
0x17: {  	s23 =	simm.s32 $0x0;
	s22 =	sadd.s32 s6, s7;
	[dreg:$0xc] =	wrdreg s21  }
0x18: {  	s20 =	sadd.s32 $0x180, s14;
	s3 =	sadd.s32 s5, s24;
	[dreg:$0xd] =	wrdreg s22  }
0x19: {  	s0 =	sadd.s32 s6, s0;
	s7 =	simm.s32 $0x200;
	[dreg:$0xf] =	wrdreg s3  }
0x1a: {  	s12 =	simm.s32 $0x2;
	s21 =	sadd.s32 $0x200, s14;
	[dreg:$0x12] =	wrdreg s0  }
0x1b: {  	s0 =	simm.s32 $0x80;
	s3 =	simm.s32 $0x1;
	s14 =	simm.s32 $0x3  }
.LBB2_1:
0x1c: {  	s13 =	rddreg [dreg:$0x4]  }
0x1d: {  	s22 =	rddreg [dreg:$0x5];
	s25 =	sshrl.u32 s13, $0x3  }
0x1e: {  	[spmem:s25], [sflag:s9] =	dma.local [hbm:s22], $0x2700  }
0x1f: {  	_ =	swait.ge [sflag:s28], $0x2700  }
0x20: {  	[sflag:s28] =	ssyncset.done $0x0;
	s13 =	rddreg [dreg:$0x6]  }
0x21: {  	[sflag:s28] =	ssyncadd.s32 $0xFFFFD900;
	s26 =	sshrl.u32 @!p0 s13, $0x3;
	s13 =	rddreg [dreg:$0x7]  }
0x22: {  	[spmem:s26], [sflag:s9] =	dma.local @!p0 [hbm:s13], $0x100  }
0x23: {  	s13 =	simm.s32 @!p0 $0x4  }
0x24: {  	_ =	swait.ge @!p0 [sflag:s13], $0x100  }
0x25: {  	[sflag:s13] =	ssyncset.done @!p0 $0x0  }
0x26: {  	[sflag:s13] =	ssyncadd.s32 @!p0 $0xFFFFFF00  }
0x27: {  	[bflag:$0x0] =	sbarrier.arrive $0xFFFF  }
0x28: {  	s24 =	rddreg [dreg:$0x8]  }
0x29: {  	s15 =	rddreg [dreg:$0xa]  }
0x2a: {  	[tilespmem:s29], [sflag:$0x1] =	stream.linear.gather [hbm4b:s24+s2], $0x4000, $0x38;
	[tilespmem:$0x1FC80] =	vst v63  }
0x2b: {  	s17 =	rddreg [dreg:$0x9]  }
0x2c: {  	[tilespmem:s2], [sflag:$0x1] =	stream.linear.gather [hbm4b:s15+s2], $0x80, $0x38;
	[tilespmem:$0x1FC80] =	vst v63  }
0x2d: {  	s18 =	rddreg [dreg:$0xc];
	s13 =	sadd.s32 s17, s16  }
0x2e: {  	[tilespmem:s30], [sflag:$0x1] =	stream.linear.gather [hbm4b:s13+s2], $0x80, $0x38;
	[tilespmem:$0x1FC80] =	vst v63  }
0x2f: {  	s22 =	rddreg [dreg:$0xd]  }
0x30: {  	[tilespmem:s31], [sflag:$0x2] =	stream.linear.gather [hbm4b:s18+s2], $0x4000, $0x38;
	[tilespmem:$0x1FC80] =	vst v63  }
0x31: {  	s24 =	rddreg [dreg:$0xb]  }
0x32: {  	[tilespmem:s0], [sflag:$0x2] =	stream.linear.gather [hbm4b:s22+s2], $0x80, $0x38;
	[tilespmem:$0x1FC80] =	vst v63  }
0x33: {  	s13 =	sadd.s32 s24, s16  }
0x34: {  	[tilespmem:s7], [sflag:$0x2] =	stream.linear.gather [hbm4b:s13+s2], $0x80, $0x38;
	[tilespmem:$0x1FC80] =	vst v63  }
0x35: {  	_ =	swait.ge [sflag:s3], $0x4000  }
0x36: {  	[sflag:s3] =	ssyncset.done $0x0  }
0x37: {  	[sflag:s3] =	ssyncadd.s32 $0xFFFFC000  }
0x38: {  	_ =	swait.ge [sflag:s3], $0x80  }
0x39: {  	[sflag:s3] =	ssyncset.done $0x0  }
0x3a: {  	[sflag:s3] =	ssyncadd.s32 $0xFFFFFF80  }
0x3b: {  	_ =	swait.ge [sflag:s3], $0x80  }
0x3c: {  	[sflag:s3] =	ssyncset.done $0x0  }
0x3d: {  	s15 =	simm.s32 $0x0;
	[sflag:s3] =	ssyncadd.s32 $0xFFFFFF80  }
0x3e: {  	[tilespmem:s29], [sflag:$0x1] =	stream.indirect.gather.add.f32 [hbm:s4], $0x80, s2, s0, $0xb8;
	[tilespmem:$0x1FC80] =	vst v63  }
.LBB2_2:
0x3f: {  	s17 =	smul.u32 $0x180, s15;
	p1 =	seq.s32 s15, $0x0  }
0x40: {  	s13 =	simm.s32 @!p1 $0x3  }
0x41: {  	s18 =	sadd.s32 s17, s19;
	_ =	swait.ge @!p1 [sflag:s13], $0x4000  }
0x42: {  	[sflag:s13] =	ssyncset.done @!p1 $0x0;
	s22 =	sshll.u32 s18, $0x4  }
0x43: {  	[sflag:s13] =	ssyncadd.s32 @!p1 $0xFFFFC000;
	s24 =	sadd.s32 s5, s22;
	s22 =	simm.s32 $0x0  }
0x44: {  	[tilespmem:s8], [sflag:$0x3] =	stream.linear.gather [hbm4b:s24+s22], $0x4000, $0x38;
	[tilespmem:$0x1FC80] =	vst v63  }
0x45: {  	s24 =	sshrl.u32 s18, $0x3  }
0x46: {  	s18 =	sadd.s32 s6, s24  }
0x47: {  	[tilespmem:s10], [sflag:$0x3] =	stream.linear.gather [hbm4b:s18+s22], $0x80, $0x38;
	[tilespmem:$0x1FC80] =	vst v63  }
0x48: {  	s13 =	sadd.s32 s16, s24  }
0x49: {  	[tilespmem:s11], [sflag:$0x3] =	stream.linear.gather [hbm4b:s13+s22], $0x80, $0x38;
	[tilespmem:$0x1FC80] =	vst v63  }
0x4a: {  	_ =	swait.ge [sflag:s12], $0x4000  }
0x4b: {  	[sflag:s12] =	ssyncset.done $0x0  }
0x4c: {  	[sflag:s12] =	ssyncadd.s32 $0xFFFFC000  }
0x4d: {  	_ =	swait.ge [sflag:s12], $0x80  }
0x4e: {  	[sflag:s12] =	ssyncset.done $0x0  }
0x4f: {  	[sflag:s12] =	ssyncadd.s32 $0xFFFFFF80  }
0x50: {  	_ =	swait.ge [sflag:s12], $0x80  }
0x51: {  	[sflag:s12] =	ssyncset.done $0x0  }
0x52: {  	[sflag:s12] =	ssyncadd.s32 $0xFFFFFF80  }
0x53: {  	[tilespmem:s31], [sflag:$0x2] =	stream.indirect.gather.add.f32 [hbm:s4], $0x80, s0, s0, $0xb8;
	[tilespmem:$0x1FC80] =	vst v63  }
0x54: {  	_ =	swait.ge [sflag:s3], $0x4000  }
0x55: {  	[sflag:s3] =	ssyncset.done $0x0  }
0x56: {  	s18 =	simm.s32 $0x0;
	[sflag:s3] =	ssyncadd.s32 $0xFFFFC000  }
0x57: {  	v2 =	vld [tilespmem:s18+$0x300]  }
0x58: {  	v4 =	vld [tilespmem:s18+$0x310]  }
0x59: {  	v3 =	vld [tilespmem:s18+$0x320]  }
0x5a: {  	v1 =	vld [tilespmem:s18+$0x330]  }
0x5b: {  	v0 =	vld [tilespmem:s18+$0x340]  }
0x5c: {  	v5 =	vmax.f32 v2, $0.0e+00;
	v2 =	vld [tilespmem:s18+$0x350]  }
0x5d: {  	s13 =	simm.s32 $0x200;
	[tilespmem:s18+$0x300] =	vst v5;
	v5 =	vmax.f32 v4, $0.0e+00;
	v4 =	vld [tilespmem:s18+$0x360]  }
.LBB2_3:
0x5e: {  	s22 =	sshra.s32 s13, $0x2;
	p1 =	sne.s32 s13, $0xFE00;
	[tilespmem:s18+$0x310] =	vst v5;
	v3 =	vmax.f32 v3, $0.0e+00;
	v5 =	vld [tilespmem:s18+$0x370]  }
0x5f: {  	v6 =	vld [tilespmem:s22+$0x300];
	[tilespmem:s18+$0x320] =	vst v3;
	v1 =	vmax.f32 v1, $0.0e+00  }
0x60: {  	v7 =	vld [tilespmem:s22+$0x310];
	[tilespmem:s18+$0x330] =	vst v1;
	v0 =	vmax.f32 v0, $0.0e+00  }
.Ltmp0:
0x61: {  	v3 =	vld [tilespmem:s22+$0x320];
	[tilespmem:s18+$0x340] =	vst v0;
	v0 =	vmax.f32 v2, $0.0e+00;
	(pc) =	sbr.rel @p1 .LBB2_3-.Ltmp0, $4  }
0x62: {  	v1 =	vld [tilespmem:s22+$0x330];
	[tilespmem:s18+$0x350] =	vst v0;
	v2 =	vmax.f32 v4, $0.0e+00  }
0x63: {  	v0 =	vld [tilespmem:s22+$0x340];
	[tilespmem:s18+$0x360] =	vst v2;
	v4 =	vmax.f32 v5, $0.0e+00  }
0x64: {  	v5 =	vmax.f32 v6, $0.0e+00;
	v2 =	vld [tilespmem:s22+$0x350];
	[tilespmem:s18+$0x370] =	vst v4;
	s18 =	smov.u32 s22  }
0x65: {  	s13 =	sadd.s32 $0x200, s13;
	[tilespmem:s18+$0x300] =	vst v5;
	v5 =	vmax.f32 v7, $0.0e+00;
	v4 =	vld [tilespmem:s18+$0x360]  }
0x66: {  	[tilespmem:s18+$0x310] =	vst v5;
	v3 =	vmax.f32 v3, $0.0e+00;
	v5 =	vld [tilespmem:s18+$0x370]  }
0x67: {  	[tilespmem:s18+$0x320] =	vst v3;
	v1 =	vmax.f32 v1, $0.0e+00  }
0x68: {  	[tilespmem:s18+$0x330] =	vst v1;
	v0 =	vmax.f32 v0, $0.0e+00  }
0x69: {  	[tilespmem:s18+$0x340] =	vst v0;
	v0 =	vmax.f32 v2, $0.0e+00  }
0x6a: {  	[tilespmem:s18+$0x350] =	vst v0;
	v0 =	vmax.f32 v4, $0.0e+00  }
0x6b: {  	p1 =	seq.s32 s15, $0x19;
	[tilespmem:s18+$0x360] =	vst v0;
	v0 =	vmax.f32 v5, $0.0e+00  }
0x6c: {  	s13 =	simm.s32 @!p1 $0x1;
	[tilespmem:s18+$0x370] =	vst v0  }
0x6d: {  	[spmem:s1] =	stream.indirect.scatter.add.f32 [tilespmem:s29], [sflag:$0x1], $0x80, s30, s0, $0xb8;
	[tilespmem:$0x1FC80] =	vst v63  }
0x6e: {  	_ =	swait.ge @!p1 [sflag:s13], $0x4000  }
0x6f: {  	s18 =	sadd.s32 @!p1 s17, s20;
	[sflag:s13] =	ssyncset.done @!p1 $0x0  }
0x70: {  	[sflag:s13] =	ssyncadd.s32 @!p1 $0xFFFFC000;
	s13 =	sshll.u32 @!p1 s18, $0x4  }
0x71: {  	s22 =	simm.s32 @!p1 $0x0;
	s24 =	simm.s32 @!p1 $0x300;
	s13 =	sadd.s32 @!p1 s5, s13  }
0x72: {  	[tilespmem:s24], [sflag:$0x1] =	stream.linear.gather @!p1 [hbm4b:s13+s22], $0x4000, $0x38;
	[tilespmem:$0x1FC80] =	vst v63  }
0x73: {  	s13 =	sshrl.u32 @!p1 s18, $0x3  }
0x74: {  	s18 =	sadd.s32 @!p1 s6, s13  }
0x75: {  	[tilespmem:s22], [sflag:$0x1] =	stream.linear.gather @!p1 [hbm4b:s18+s22], $0x80, $0x38;
	[tilespmem:$0x1FC80] =	vst v63  }
0x76: {  	s13 =	sadd.s32 @!p1 s16, s13;
	s18 =	simm.s32 @!p1 $0x180  }
0x77: {  	[tilespmem:s18], [sflag:$0x1] =	stream.linear.gather @!p1 [hbm4b:s13+s22], $0x80, $0x38;
	[tilespmem:$0x1FC80] =	vst v63  }
0x78: {  	_ =	swait.ge [sflag:s14], $0x4000  }
0x79: {  	[sflag:s14] =	ssyncset.done $0x0  }
0x7a: {  	[sflag:s14] =	ssyncadd.s32 $0xFFFFC000  }
0x7b: {  	_ =	swait.ge [sflag:s14], $0x80  }
0x7c: {  	[sflag:s14] =	ssyncset.done $0x0  }
0x7d: {  	[sflag:s14] =	ssyncadd.s32 $0xFFFFFF80  }
0x7e: {  	_ =	swait.ge [sflag:s14], $0x80  }
0x7f: {  	[sflag:s14] =	ssyncset.done $0x0  }
0x80: {  	[sflag:s14] =	ssyncadd.s32 $0xFFFFFF80  }
0x81: {  	[tilespmem:s8], [sflag:$0x3] =	stream.indirect.gather.add.f32 [hbm:s4], $0x80, s10, s0, $0xb8;
	[tilespmem:$0x1FC80] =	vst v63  }
0x82: {  	_ =	swait.ge [sflag:s12], $0x4000  }
0x83: {  	[sflag:s12] =	ssyncset.done $0x0  }
0x84: {  	s18 =	simm.s32 $0x0;
	[sflag:s12] =	ssyncadd.s32 $0xFFFFC000  }
0x85: {  	v2 =	vld [tilespmem:s18+$0x4300]  }
0x86: {  	v4 =	vld [tilespmem:s18+$0x4310]  }
0x87: {  	v3 =	vld [tilespmem:s18+$0x4320]  }
0x88: {  	v1 =	vld [tilespmem:s18+$0x4330]  }
0x89: {  	v0 =	vld [tilespmem:s18+$0x4340]  }
0x8a: {  	v5 =	vmax.f32 v2, $0.0e+00;
	v2 =	vld [tilespmem:s18+$0x4350]  }
0x8b: {  	s13 =	simm.s32 $0x200;
	[tilespmem:s18+$0x4300] =	vst v5;
	v5 =	vmax.f32 v4, $0.0e+00;
	v4 =	vld [tilespmem:s18+$0x4360]  }
.LBB2_5:
0x8c: {  	s22 =	sshra.s32 s13, $0x2;
	p2 =	sne.s32 s13, $0xFE00;
	[tilespmem:s18+$0x4310] =	vst v5;
	v3 =	vmax.f32 v3, $0.0e+00;
	v5 =	vld [tilespmem:s18+$0x4370]  }
0x8d: {  	v6 =	vld [tilespmem:s22+$0x4300];
	[tilespmem:s18+$0x4320] =	vst v3;
	v1 =	vmax.f32 v1, $0.0e+00  }
0x8e: {  	v7 =	vld [tilespmem:s22+$0x4310];
	[tilespmem:s18+$0x4330] =	vst v1;
	v0 =	vmax.f32 v0, $0.0e+00  }
.Ltmp1:
0x8f: {  	v3 =	vld [tilespmem:s22+$0x4320];
	[tilespmem:s18+$0x4340] =	vst v0;
	v0 =	vmax.f32 v2, $0.0e+00;
	(pc) =	sbr.rel @p2 .LBB2_5-.Ltmp1, $4  }
0x90: {  	v1 =	vld [tilespmem:s22+$0x4330];
	[tilespmem:s18+$0x4350] =	vst v0;
	v2 =	vmax.f32 v4, $0.0e+00  }
0x91: {  	v0 =	vld [tilespmem:s22+$0x4340];
	[tilespmem:s18+$0x4360] =	vst v2;
	v4 =	vmax.f32 v5, $0.0e+00  }
0x92: {  	v5 =	vmax.f32 v6, $0.0e+00;
	v2 =	vld [tilespmem:s22+$0x4350];
	[tilespmem:s18+$0x4370] =	vst v4;
	s18 =	smov.u32 s22  }
0x93: {  	s13 =	sadd.s32 $0x200, s13;
	[tilespmem:s18+$0x4300] =	vst v5;
	v5 =	vmax.f32 v7, $0.0e+00;
	v4 =	vld [tilespmem:s18+$0x4360]  }
0x94: {  	[tilespmem:s18+$0x4310] =	vst v5;
	v3 =	vmax.f32 v3, $0.0e+00;
	v5 =	vld [tilespmem:s18+$0x4370]  }
0x95: {  	[tilespmem:s18+$0x4320] =	vst v3;
	v1 =	vmax.f32 v1, $0.0e+00  }
0x96: {  	[tilespmem:s18+$0x4330] =	vst v1;
	v0 =	vmax.f32 v0, $0.0e+00  }
0x97: {  	[tilespmem:s18+$0x4340] =	vst v0;
	v0 =	vmax.f32 v2, $0.0e+00  }
0x98: {  	[tilespmem:s18+$0x4350] =	vst v0;
	v0 =	vmax.f32 v4, $0.0e+00  }
0x99: {  	[tilespmem:s18+$0x4360] =	vst v0;
	v0 =	vmax.f32 v5, $0.0e+00  }
0x9a: {  	s13 =	simm.s32 @!p1 $0x2;
	[tilespmem:s18+$0x4370] =	vst v0  }
0x9b: {  	[spmem:s1] =	stream.indirect.scatter.add.f32 [tilespmem:s31], [sflag:$0x2], $0x80, s7, s0, $0xb8;
	[tilespmem:$0x1FC80] =	vst v63  }
0x9c: {  	_ =	swait.ge @!p1 [sflag:s13], $0x4000  }
0x9d: {  	s17 =	sadd.s32 @!p1 s17, s21;
	[sflag:s13] =	ssyncset.done @!p1 $0x0  }
0x9e: {  	[sflag:s13] =	ssyncadd.s32 @!p1 $0xFFFFC000;
	s13 =	sshll.u32 @!p1 s17, $0x4  }
0x9f: {  	s22 =	simm.s32 @!p1 $0x4300;
	s18 =	simm.s32 @!p1 $0x0;
	s13 =	sadd.s32 @!p1 s5, s13  }
0xa0: {  	[tilespmem:s22], [sflag:$0x2] =	stream.linear.gather @!p1 [hbm4b:s13+s18], $0x4000, $0x38;
	[tilespmem:$0x1FC80] =	vst v63  }
0xa1: {  	s13 =	sshrl.u32 @!p1 s17, $0x3  }
0xa2: {  	s22 =	simm.s32 @!p1 $0x80;
	s17 =	sadd.s32 @!p1 s6, s13  }
0xa3: {  	[tilespmem:s22], [sflag:$0x2] =	stream.linear.gather @!p1 [hbm4b:s17+s18], $0x80, $0x38;
	[tilespmem:$0x1FC80] =	vst v63  }
0xa4: {  	s13 =	sadd.s32 @!p1 s16, s13;
	s17 =	simm.s32 @!p1 $0x200  }
0xa5: {  	[tilespmem:s17], [sflag:$0x2] =	stream.linear.gather @!p1 [hbm4b:s13+s18], $0x80, $0x38;
	[tilespmem:$0x1FC80] =	vst v63  }
0xa6: {  	s13 =	simm.s32 @!p1 $0x1  }
0xa7: {  	_ =	swait.ge @!p1 [sflag:s13], $0x4000  }
0xa8: {  	[sflag:s13] =	ssyncset.done @!p1 $0x0  }
0xa9: {  	[sflag:s13] =	ssyncadd.s32 @!p1 $0xFFFFC000  }
0xaa: {  	_ =	swait.ge @!p1 [sflag:s13], $0x80  }
0xab: {  	[sflag:s13] =	ssyncset.done @!p1 $0x0  }
0xac: {  	[sflag:s13] =	ssyncadd.s32 @!p1 $0xFFFFFF80  }
0xad: {  	_ =	swait.ge @!p1 [sflag:s13], $0x80  }
0xae: {  	[sflag:s13] =	ssyncset.done @!p1 $0x0  }
0xaf: {  	[sflag:s13] =	ssyncadd.s32 @!p1 $0xFFFFFF80;
	s13 =	simm.s32 @!p1 $0x300  }
0xb0: {  	[tilespmem:s13], [sflag:$0x1] =	stream.indirect.gather.add.f32 @!p1 [hbm:s4], $0x80, s18, s22, $0xb8;
	[tilespmem:$0x1FC80] =	vst v63  }
0xb1: {  	_ =	swait.ge [sflag:s14], $0x4000  }
0xb2: {  	[sflag:s14] =	ssyncset.done $0x0  }
0xb3: {  	s17 =	simm.s32 $0x0;
	[sflag:s14] =	ssyncadd.s32 $0xFFFFC000  }
0xb4: {  	v2 =	vld [tilespmem:s17+$0x8300]  }
0xb5: {  	v4 =	vld [tilespmem:s17+$0x8310]  }
0xb6: {  	v3 =	vld [tilespmem:s17+$0x8320]  }
0xb7: {  	v1 =	vld [tilespmem:s17+$0x8330]  }
0xb8: {  	v0 =	vld [tilespmem:s17+$0x8340]  }
0xb9: {  	v5 =	vmax.f32 v2, $0.0e+00;
	v2 =	vld [tilespmem:s17+$0x8350]  }
0xba: {  	s13 =	simm.s32 $0x200;
	[tilespmem:s17+$0x8300] =	vst v5;
	v5 =	vmax.f32 v4, $0.0e+00;
	v4 =	vld [tilespmem:s17+$0x8360]  }
.LBB2_7:
0xbb: {  	s18 =	sshra.s32 s13, $0x2;
	p1 =	sne.s32 s13, $0xFE00;
	[tilespmem:s17+$0x8310] =	vst v5;
	v3 =	vmax.f32 v3, $0.0e+00;
	v5 =	vld [tilespmem:s17+$0x8370]  }
0xbc: {  	v6 =	vld [tilespmem:s18+$0x8300];
	[tilespmem:s17+$0x8320] =	vst v3;
	v1 =	vmax.f32 v1, $0.0e+00  }
0xbd: {  	v7 =	vld [tilespmem:s18+$0x8310];
	[tilespmem:s17+$0x8330] =	vst v1;
	v0 =	vmax.f32 v0, $0.0e+00  }
.Ltmp2:
0xbe: {  	v3 =	vld [tilespmem:s18+$0x8320];
	[tilespmem:s17+$0x8340] =	vst v0;
	v0 =	vmax.f32 v2, $0.0e+00;
	(pc) =	sbr.rel @p1 .LBB2_7-.Ltmp2, $4  }
0xbf: {  	v1 =	vld [tilespmem:s18+$0x8330];
	[tilespmem:s17+$0x8350] =	vst v0;
	v2 =	vmax.f32 v4, $0.0e+00  }
0xc0: {  	v0 =	vld [tilespmem:s18+$0x8340];
	[tilespmem:s17+$0x8360] =	vst v2;
	v4 =	vmax.f32 v5, $0.0e+00  }
0xc1: {  	v5 =	vmax.f32 v6, $0.0e+00;
	v2 =	vld [tilespmem:s18+$0x8350];
	[tilespmem:s17+$0x8370] =	vst v4;
	s17 =	smov.u32 s18  }
0xc2: {  	s13 =	sadd.s32 $0x200, s13;
	[tilespmem:s17+$0x8300] =	vst v5;
	v5 =	vmax.f32 v7, $0.0e+00;
	v4 =	vld [tilespmem:s17+$0x8360]  }
0xc3: {  	[tilespmem:s17+$0x8310] =	vst v5;
	v3 =	vmax.f32 v3, $0.0e+00;
	v60 =	vld [tilespmem:s17+$0x8370]  }
0xc4: {  	s15 =	sadd.s32 $0x1, s15;
	[tilespmem:s17+$0x8320] =	vst v3;
	v1 =	vmax.f32 v1, $0.0e+00  }
0xc5: {  	p1 =	sne.s32 s15, $0x1A;
	[tilespmem:s17+$0x8330] =	vst v1;
	v0 =	vmax.f32 v0, $0.0e+00  }
.Ltmp3:
0xc6: {  	[tilespmem:s17+$0x8340] =	vst v0;
	v61 =	vmax.f32 v2, $0.0e+00;
	(pc) =	sbr.rel @p1 .LBB2_2-.Ltmp3, $4  }
0xc7: {  	[tilespmem:s17+$0x8350] =	vst v61;
	v62 =	vmax.f32 v4, $0.0e+00  }
0xc8: {  	[tilespmem:s17+$0x8360] =	vst v62;
	v63 =	vmax.f32 v60, $0.0e+00  }
0xc9: {  	[tilespmem:s17+$0x8370] =	vst v63  }
0xca: {  	[spmem:s1] =	stream.indirect.scatter.add.f32 [tilespmem:s8], [sflag:$0x3], $0x80, s11, s0, $0xb8;
	[tilespmem:$0x1FC80] =	vst v63  }
0xcb: {  	_ =	swait.ge [sflag:s3], $0x4000  }
0xcc: {  	[sflag:s3] =	ssyncset.done $0x0  }
0xcd: {  	[sflag:s3] =	ssyncadd.s32 $0xFFFFC000  }
0xce: {  	_ =	swait.ge [sflag:s12], $0x4000  }
0xcf: {  	[sflag:s12] =	ssyncset.done $0x0  }
0xd0: {  	[sflag:s12] =	ssyncadd.s32 $0xFFFFC000  }
0xd1: {  	_ =	swait.ge [sflag:s14], $0x4000  }
0xd2: {  	s13 =	simm.s32 $0x0;
	[sflag:s14] =	ssyncset.done $0x0  }
0xd3: {  	s17 =	simm.s32 $0xC300;
	s15 =	rddreg [dreg:$0x12];
	[sflag:s14] =	ssyncadd.s32 $0xFFFFC000  }
0xd4: {  	[tilespmem:s17], [sflag:$0x4] =	stream.linear.gather [hbm4b:s15+s13], $0x10, $0x38;
	[tilespmem:$0x1FC80] =	vst v63  }
0xd5: {  	_ =	swait.ge [sflag:s28], $0x10  }
0xd6: {  	[sflag:s28] =	ssyncset.done $0x0;
	s22 =	rddreg [dreg:$0xe]  }
0xd7: {  	s18 =	simm.s32 $0xC380;
	[sflag:s28] =	ssyncadd.s32 $0xFFFFFFF0;
	s15 =	sadd.s32 s22, s16  }
0xd8: {  	[tilespmem:s18], [sflag:$0x4] =	stream.linear.gather [hbm4b:s15+s13], $0x10, $0x38;
	[tilespmem:$0x1FC80] =	vst v63  }
0xd9: {  	_ =	swait.ge [sflag:s28], $0x10  }
0xda: {  	[sflag:s28] =	ssyncset.done $0x0  }
0xdb: {  	s24 =	rddreg [dreg:$0xf];
	[sflag:s28] =	ssyncadd.s32 $0xFFFFFFF0  }
0xdc: {  	[tilespmem:s29], [sflag:$0x4] =	stream.linear.gather [hbm4b:s24+s13], $0x800, $0x38;
	[tilespmem:$0x1FC80] =	vst v63  }
0xdd: {  	_ =	swait.ge [sflag:s28], $0x800  }
0xde: {  	[sflag:s28] =	ssyncset.done $0x0  }
0xdf: {  	s22 =	simm.s32 $0x10;
	[sflag:s28] =	ssyncadd.s32 $0xFFFFF800  }
0xe0: {  	[tilespmem:s29], [sflag:$0x1] =	stream.indirect.gather.add.f32 [hbm:s4], $0x80, s17, s22, $0xb8;
	[tilespmem:$0x1FC80] =	vst v63  }
0xe1: {  	_ =	swait.ge [sflag:s3], $0x800  }
0xe2: {  	[sflag:s3] =	ssyncset.done $0x0  }
0xe3: {  	s15 =	simm.s32 $0x0;
	[sflag:s3] =	ssyncadd.s32 $0xFFFFF800  }
0xe4: {  	v2 =	vld [tilespmem:s15+$0x300]  }
0xe5: {  	v4 =	vld [tilespmem:s15+$0x310]  }
0xe6: {  	v3 =	vld [tilespmem:s15+$0x320]  }
0xe7: {  	v1 =	vld [tilespmem:s15+$0x330]  }
0xe8: {  	v0 =	vld [tilespmem:s15+$0x340]  }
0xe9: {  	v5 =	vmax.f32 v2, $0.0e+00;
	v2 =	vld [tilespmem:s15+$0x350]  }
0xea: {  	s13 =	simm.s32 $0x200;
	[tilespmem:s15+$0x300] =	vst v5;
	v5 =	vmax.f32 v4, $0.0e+00;
	v4 =	vld [tilespmem:s15+$0x360]  }
.LBB2_10:
0xeb: {  	s17 =	sshra.s32 s13, $0x2;
	p1 =	sne.s32 s13, $0x1E00;
	[tilespmem:s15+$0x310] =	vst v5;
	v3 =	vmax.f32 v3, $0.0e+00;
	v5 =	vld [tilespmem:s15+$0x370]  }
0xec: {  	v6 =	vld [tilespmem:s17+$0x300];
	[tilespmem:s15+$0x320] =	vst v3;
	v1 =	vmax.f32 v1, $0.0e+00  }
0xed: {  	v7 =	vld [tilespmem:s17+$0x310];
	[tilespmem:s15+$0x330] =	vst v1;
	v0 =	vmax.f32 v0, $0.0e+00  }
.Ltmp4:
0xee: {  	v3 =	vld [tilespmem:s17+$0x320];
	[tilespmem:s15+$0x340] =	vst v0;
	v0 =	vmax.f32 v2, $0.0e+00;
	(pc) =	sbr.rel @p1 .LBB2_10-.Ltmp4, $4  }
0xef: {  	v1 =	vld [tilespmem:s17+$0x330];
	[tilespmem:s15+$0x350] =	vst v0;
	v2 =	vmax.f32 v4, $0.0e+00  }
0xf0: {  	v0 =	vld [tilespmem:s17+$0x340];
	[tilespmem:s15+$0x360] =	vst v2;
	v4 =	vmax.f32 v5, $0.0e+00  }
0xf1: {  	v5 =	vmax.f32 v6, $0.0e+00;
	v2 =	vld [tilespmem:s17+$0x350];
	[tilespmem:s15+$0x370] =	vst v4;
	s15 =	smov.u32 s17  }
0xf2: {  	s13 =	sadd.s32 $0x200, s13;
	[tilespmem:s15+$0x300] =	vst v5;
	v5 =	vmax.f32 v7, $0.0e+00;
	v4 =	vld [tilespmem:s15+$0x360]  }
0xf3: {  	[tilespmem:s15+$0x310] =	vst v5;
	v3 =	vmax.f32 v3, $0.0e+00;
	v60 =	vld [tilespmem:s15+$0x370]  }
0xf4: {  	[tilespmem:s15+$0x320] =	vst v3;
	v1 =	vmax.f32 v1, $0.0e+00  }
0xf5: {  	[tilespmem:s15+$0x330] =	vst v1;
	v0 =	vmax.f32 v0, $0.0e+00  }
0xf6: {  	[tilespmem:s15+$0x340] =	vst v0;
	v61 =	vmax.f32 v2, $0.0e+00  }
0xf7: {  	[tilespmem:s15+$0x350] =	vst v61;
	v62 =	vmax.f32 v4, $0.0e+00  }
0xf8: {  	[tilespmem:s15+$0x360] =	vst v62;
	v63 =	vmax.f32 v60, $0.0e+00  }
0xf9: {  	[tilespmem:s15+$0x370] =	vst v63  }
0xfa: {  	[spmem:s1] =	stream.indirect.scatter.add.f32 [tilespmem:s29], [sflag:$0x4], $0x80, s18, s22, $0xb8;
	[tilespmem:$0x1FC80] =	vst v63  }
0xfb: {  	_ =	swait.ge [sflag:s28], $0x800  }
0xfc: {  	[sflag:s28] =	ssyncset.done $0x0  }
0xfd: {  	[sflag:s28] =	ssyncadd.s32 $0xFFFFF800  }
0xfe: {  	[bflag:$0x0] =	sbarrier.arrive $0xFFFF  }
0xff: {  	s13 =	rddreg [dreg:$0x3]  }
0x100: {  	s15 =	rddreg [dreg:$0x10]  }
0x101: {  	s13 =	sadd.s32 s13, s15  }
0x102: {  	[hbm:s13], [sflag:s9] =	dma.local [spmem:s25], $0x2700  }
0x103: {  	_ =	swait.ge [sflag:s28], $0x2700  }
0x104: {  	[sflag:s28] =	ssyncset.done $0x0  }
0x105: {  	s13 =	sadd.s32 @!p0 $0x27000, s15;
	[sflag:s28] =	ssyncadd.s32 $0xFFFFD900  }
0x106: {  	[hbm:s13], [sflag:s9] =	dma.local @!p0 [spmem:s26], $0x100  }
0x107: {  	s13 =	simm.s32 @!p0 $0x4  }
0x108: {  	_ =	swait.ge @!p0 [sflag:s13], $0x100  }
0x109: {  	s23 =	sadd.s32 $0x1, s23;
	s26 =	rddreg [dreg:$0x11]  }
0x10a: {  	p1 =	sne.s32 s23, s26  }
.Ltmp5:
0x10b: {  	_ = 	snop;
	(pc) =	sbr.rel @p1 .LBB2_1-.Ltmp5, $3  }
0x10c: {  	_ =	sdelay $0x1  }
0x10d: {  	[sflag:s13] =	ssyncset.done @!p0 $0x0  }
0x10e: {  	[sflag:s13] =	ssyncadd.s32 @!p0 $0xFFFFFF00  }
0x10f: {  	_ =	sfence.sel $0x180000  }
0x110: {  	[bflag:$0x0] =	sbarrier.arrive $0xFFFF  }
0x111: {  	_ =	strace $0x9000004D  }
0x112: {  	[bflag:$0x2] =	sbarrier.arrive $0xFFFF  }
0x113: {  	s0 =	rddreg [dreg:$0x2]  }
0x114: {  	s0 =	sadd.s32 @!p0 $0x100000, s0  }
0x115: {  	[sflag:s0] =	ssyncadd.tile.s32 @!p0 $0x1;
	_ =	shalt  }
.Lfunc_end2:
_tile_overlayer_lowered:
.L_overlay_start_2:
0x116: {  	(tag) =	ssettag $0x2  }
0x117: {  	s0 =	rddreg [dreg:$0x0];
	s2 =	stileid.u32  }
0x118: {  	s1 =	rddreg [dreg:$0x1];
	p0 =	sne.s32 s2, $0x0  }
0x119: {  	s3 =	rddreg [dreg:$0x2];
	[bflag:$0x3] =	sbarrier.arrive $0xFFFF;
	s2 =	simm.s32 @!p0 $0x1C04  }
0x11a: {  	[timem:s3], [sflag:s2] =	dma.local @!p0 [hbm:s0], s1  }
0x11b: {  	s0 =	simm.s32 @!p0 $0x4  }
0x11c: {  	_ =	swait.ge @!p0 [sflag:s0], s1  }
0x11d: {  	s1 =	ssub.s32 @!p0 $0x0, s1;
	[sflag:s0] =	ssyncset.done @!p0 $0x0  }
0x11e: {  	[sflag:s0] =	ssyncadd.s32 @!p0 s1  }
0x11f: {  	[bflag:$0x3] =	sbarrier.arrive $0xFFFF  }
0x120: {  	_ =	shalt  }

</sc_bundles>
